<compile_context>
chip_gen: v7x
topology: tpu7x:2x2x1
jax: 0.10.2.dev20260603
libtpu: 0.0.44.dev20260713+nightly
codegen_flags: <defaults>
</compile_context>

<pallas_src>
import functools

import jax
import jax.numpy as jnp
from jax import lax
from jax.experimental import pallas as pl
from jax.experimental.pallas import tpu as pltpu
from jax.experimental.pallas import tpu_sc as plsc

N = 10000
E = 320000
D = 128
G = 64
LS = 64
H = 128
C = 10
L = 3

_NC = 2
_NS = 16
_NW = _NC * _NS
_EC = 125
_EPW = E // _NW
_NECH = _EPW // _EC
_PCH = 40
_KC = 80
_NRCH = N // _KC
_RJ = -(-_NRCH // _NW)
_RJS = -(-_NRCH // _NS)

_RB = 1000
_NB = N // _RB


def _lrelu(x):
    return jnp.where(x >= 0, x, 0.01 * x)


def _sc_mesh():
    return plsc.VectorSubcoreMesh(core_axis_name="c", subcore_axis_name="s")


def _y0_body(deg_hbm, w_hbm, out_hbm, idx_v, rows_v, sem):
    c = lax.axis_index("c")
    s = lax.axis_index("s")
    wid = c * _NS + s
    for j in range(_RJ):
        ch = wid + j * _NW

        @pl.when(ch < _NRCH)
        def _():
            base = ch * _KC
            pltpu.sync_copy(deg_hbm.at[pl.ds(base, _KC)], idx_v)
            pltpu.async_copy(w_hbm.at[idx_v], rows_v, sem).wait()
            pltpu.sync_copy(rows_v, out_hbm.at[pl.ds(base, _KC)])


def _sc_y0(node_deg, w0):
    k = functools.partial(
        pl.kernel,
        out_type=jax.ShapeDtypeStruct((N, D), jnp.float32),
        mesh=_sc_mesh(),
        scratch_types=[
            pltpu.VMEM((_KC,), jnp.int32),
            pltpu.VMEM((_KC, D), jnp.float32),
            pltpu.SemaphoreType.DMA,
        ],
    )(_y0_body)
    return k(node_deg, w0)


def _msgpass_body(y_hbm, srcr_hbm, dstr_hbm, zero_hbm, out_hbm,
                  src2_v, dst2_v, buf0, buf1, acc_sh, gsem, ssem):
    c = lax.axis_index("c")
    s = lax.axis_index("s")
    wid = c * _NS + s

    for j in range(_RJS):
        ch = s + j * _NS

        @pl.when(ch < _NRCH)
        def _():
            base = ch * _KC
            pltpu.sync_copy(zero_hbm.at[pl.ds(base, _KC)],
                            acc_sh.at[pl.ds(base, _KC)])
    plsc.subcore_barrier()

    def gather(i, buf):
        pltpu.async_copy(y_hbm.at[src2_v.at[i]], buf, gsem)

    def drain_g(i, buf):
        pltpu.make_async_copy(y_hbm.at[src2_v.at[i]], buf, gsem).wait()

    def scat(i, buf):
        pltpu.async_copy(buf, acc_sh.at[dst2_v.at[i]], ssem, add=True)

    def drain_s(i, buf):
        pltpu.make_async_copy(buf, acc_sh.at[dst2_v.at[i]], ssem).wait()

    for p in range(_NECH // _PCH):
        pltpu.sync_copy(
            srcr_hbm.at[pl.ds(wid * _NECH + p * _PCH, _PCH)], src2_v)
        pltpu.sync_copy(
            dstr_hbm.at[pl.ds(wid * _NECH + p * _PCH, _PCH)], dst2_v)

        gather(0, buf0)

        def body(i, carry):
            c0 = 2 * i

            @pl.when(i > 0)
            def _():
                drain_s(c0 - 1, buf1)
            gather(c0 + 1, buf1)
            drain_g(c0, buf0)
            scat(c0, buf0)

            drain_s(c0, buf0)

            @pl.when(c0 + 2 < _PCH)
            def _():
                gather(c0 + 2, buf0)
            drain_g(c0 + 1, buf1)
            scat(c0 + 1, buf1)
            return carry

        lax.fori_loop(0, _PCH // 2, body, 0)
        drain_s(_PCH - 1, buf1)
    plsc.subcore_barrier()

    for j in range(_RJS):
        ch = s + j * _NS

        @pl.when(ch < _NRCH)
        def _():
            base = ch * _KC
            pltpu.sync_copy(acc_sh.at[pl.ds(base, _KC)],
                            out_hbm.at[c, pl.ds(base, _KC)])


def _sc_msgpass(y, src_r, dst_r, zeros):
    k = functools.partial(
        pl.kernel,
        out_type=jax.ShapeDtypeStruct((_NC, N, D), jnp.float32),
        mesh=_sc_mesh(),
        scratch_types=[
            pltpu.VMEM((_PCH, _EC), jnp.int32),
            pltpu.VMEM((_PCH, _EC), jnp.int32),
            pltpu.VMEM((_EC, D), jnp.float32),
            pltpu.VMEM((_EC, D), jnp.float32),
            pltpu.VMEM_SHARED((N, D), jnp.float32),
            pltpu.SemaphoreType.DMA,
            pltpu.SemaphoreType.DMA,
        ],
    )(_msgpass_body)
    return k(y, src_r, dst_r, zeros)


def _fused_body(has_w, y_ref, s_ref, e_ref, b_ref, g_ref, bt_ref, *rest):
    if has_w:
        w_ref, o_ref, h_ref, cs_ref, css_ref = rest
    else:
        o_ref, h_ref, cs_ref, css_ref = rest
    p = pl.program_id(0)
    i = pl.program_id(1)

    @pl.when(p == 0)
    def _():
        h = e_ref[...] * y_ref[...] + s_ref[0] + s_ref[1] + b_ref[...]
        h_ref[pl.ds(i * _RB, _RB), :] = h
        cs = jnp.sum(h, axis=0, keepdims=True)
        css = jnp.sum(h * h, axis=0, keepdims=True)

        @pl.when(i == 0)
        def _():
            cs_ref[...] = cs
            css_ref[...] = css

        @pl.when(i > 0)
        def _():
            cs_ref[...] += cs
            css_ref[...] += css

    @pl.when(p == 1)
    def _():
        mean = cs_ref[...] * (1.0 / N)
        var = jnp.maximum(css_ref[...] * (1.0 / N) - mean * mean, 0.0)
        inv = lax.rsqrt(var + 1e-5)
        xb = (h_ref[pl.ds(i * _RB, _RB), :] - mean) * (inv * g_ref[...]) \
            + bt_ref[...]
        xb = _lrelu(xb)
        if has_w:
            o_ref[...] = jnp.dot(xb, w_ref[...],
                                 preferred_element_type=jnp.float32)
        else:
            o_ref[...] = xb


def _tc_layer(y, s2, epsp1, b, gamma, beta, w_next=None):
    vec_spec = pl.BlockSpec((1, D), lambda p, i: (0, 0))
    in_specs = [pl.BlockSpec((_RB, D), lambda p, i: (i, 0)),
                pl.BlockSpec((_NC, _RB, D), lambda p, i: (0, i * (1 - p), 0)),
                vec_spec, vec_spec, vec_spec, vec_spec]
    args = [y, s2, epsp1, b, gamma, beta]
    if w_next is not None:
        in_specs.append(pl.BlockSpec((D, D), lambda p, i: (0, 0)))
        args.append(w_next)
    return pl.pallas_call(
        functools.partial(_fused_body, w_next is not None),
        grid=(2, _NB),
        in_specs=in_specs,
        out_specs=pl.BlockSpec((_RB, D), lambda p, i: (i, 0)),
        out_shape=jax.ShapeDtypeStruct((N, D), jnp.float32),
        scratch_shapes=[
            pltpu.VMEM((N, D), jnp.float32),
            pltpu.VMEM((1, D), jnp.float32),
            pltpu.VMEM((1, D), jnp.float32),
        ],
    )(*args)


def _pool_head_body(x_ref, b3_ref, ls_ref, lw_ref, lb_ref, w1_ref, b1_ref,
                    w2_ref, b2_ref, out_ref, pool_ref):
    i = pl.program_id(0)
    bvec = b3_ref[...].reshape(1, _RB)
    onehot_t = (lax.broadcasted_iota(jnp.int32, (G, _RB), 0)
                == bvec).astype(jnp.float32)
    contrib = jnp.dot(onehot_t, x_ref[...], preferred_element_type=jnp.float32)

    @pl.when(i == 0)
    def _():
        pool_ref[...] = contrib

    @pl.when(i > 0)
    def _():
        pool_ref[...] += contrib

    @pl.when(i == _NB - 1)
    def _():
        pooled = pool_ref[...]
        ls_h = jnp.dot(ls_ref[...], lw_ref[...],
                       preferred_element_type=jnp.float32) + lb_ref[...]
        w1 = w1_ref[...]
        o1 = (jnp.dot(pooled, w1[:D, :], preferred_element_type=jnp.float32)
              + jnp.dot(ls_h, w1[D:, :], preferred_element_type=jnp.float32)
              + b1_ref[...])
        o1 = _lrelu(o1)
        out_ref[...] = jnp.dot(o1, w2_ref[...],
                               preferred_element_type=jnp.float32) + b2_ref[...]


def _tc_pool_head(x3, batch3, ls, linh_W, linh_b, cls_W1, cls_b1, cls_W2,
                  cls_b2):
    def full(shape):
        return pl.BlockSpec(shape, lambda i: tuple(0 for _ in shape))

    return pl.pallas_call(
        _pool_head_body,
        grid=(_NB,),
        in_specs=[
            pl.BlockSpec((_RB, D), lambda i: (i, 0)),
            pl.BlockSpec((1, 1, _RB), lambda i: (i, 0, 0)),
            full((G, LS)), full((LS, H)), full((1, H)), full((2 * D, H)),
            full((1, H)), full((H, C)), full((1, C)),
        ],
        out_specs=pl.BlockSpec((G, C), lambda i: (0, 0)),
        out_shape=jax.ShapeDtypeStruct((G, C), jnp.float32),
        scratch_shapes=[pltpu.VMEM((G, D), jnp.float32)],
    )(x3, batch3, ls, linh_W, linh_b.reshape(1, H), cls_W1,
      cls_b1.reshape(1, H), cls_W2, cls_b2.reshape(1, C))


def kernel(node_deg, edge_index, batch, ls, conv_W, conv_b, eps, bn_gamma,
           bn_beta, linh_W, linh_b, cls_W1, cls_b1, cls_W2, cls_b2):
    src_r = edge_index[0].reshape(E // _EC, _EC)
    dst_r = edge_index[1].reshape(E // _EC, _EC)
    zeros = jnp.zeros((N, D), jnp.float32)

    y = _sc_y0(node_deg.astype(jnp.int32), conv_W[0])
    for l in range(L):
        s2 = _sc_msgpass(y, src_r, dst_r, zeros)
        epsp1 = jnp.full((1, D), 1.0, jnp.float32) + eps[l]
        w_next = conv_W[l + 1] if l + 1 < L else None
        y = _tc_layer(y, s2, epsp1, conv_b[l].reshape(1, D),
                      bn_gamma[l].reshape(1, D), bn_beta[l].reshape(1, D),
                      w_next)

    batch3 = batch.astype(jnp.int32).reshape(_NB, 1, _RB)
    return _tc_pool_head(y, batch3, ls, linh_W, linh_b, cls_W1, cls_b1,
                         cls_W2, cls_b2)

# --- scband reference (transcript-rebuilt; emitter-appended) ---
"""Pipeline reference for scband-gin-mpml-3624952397849 (READ-ONLY COPY).

The authoritative reference and input builder live on the scoring server;
editing this copy changes nothing except your own understanding.
"""

import jax, jax.numpy as jnp
import numpy as np

N = 10000
E = 320000
D = 128          # gin_dimension == one-hot degree dim (max_node_deg+1)
G = 64           # num graphs in batch
LS = 64          # ls_dim
H = 128          # cls_hidden_dimension
C = 10           # num_classes
L = 3            # gin_number


def leaky_relu(x):
    return jnp.where(x >= 0, x, 0.01 * x)


def setup_inputs(seed: int = 0) -> dict:
    key = jax.random.key(seed)
    ks = jax.random.split(key, 16)
    node_deg = jax.random.randint(ks[0], (N,), 0, 128)
    edge_index = jax.random.randint(ks[1], (2, E), 0, N)
    batch = jnp.sort(jax.random.randint(ks[2], (N,), 0, G))
    ls = jax.random.normal(ks[3], (G, LS), dtype=jnp.float32)
    # GINConv mlp ('lin') params per layer, stacked
    conv_W = jax.random.normal(ks[4], (L, D, D), dtype=jnp.float32) * 0.05
    conv_b = jnp.zeros((L, D), dtype=jnp.float32)
    eps = jnp.zeros((L,), dtype=jnp.float32)  # train_eps init 0
    bn_gamma = jnp.ones((L, D), dtype=jnp.float32)
    bn_beta = jnp.zeros((L, D), dtype=jnp.float32)
    linh_W = jax.random.normal(ks[5], (LS, H), dtype=jnp.float32) * 0.05
    linh_b = jnp.zeros((H,), dtype=jnp.float32)
    cls_W1 = jax.random.normal(ks[6], (2 * D, H), dtype=jnp.float32) * 0.05
    cls_b1 = jnp.zeros((H,), dtype=jnp.float32)
    cls_W2 = jax.random.normal(ks[7], (H, C), dtype=jnp.float32) * 0.05
    cls_b2 = jnp.zeros((C,), dtype=jnp.float32)
    return {
        "node_deg": node_deg, "edge_index": edge_index, "batch": batch, "ls": ls,
        "conv_W": conv_W, "conv_b": conv_b, "eps": eps,
        "bn_gamma": bn_gamma, "bn_beta": bn_beta,
        "linh_W": linh_W, "linh_b": linh_b,
        "cls_W1": cls_W1, "cls_b1": cls_b1, "cls_W2": cls_W2, "cls_b2": cls_b2,
    }


def reference(node_deg, edge_index, batch, ls, conv_W, conv_b, eps,
              bn_gamma, bn_beta, linh_W, linh_b, cls_W1, cls_b1, cls_W2, cls_b2):
    # OneHotEmbedding of node degree (embedding gather on an identity table)
    eye = jnp.eye(D, dtype=jnp.float32)
    x = jnp.take(eye, node_deg, axis=0)  # [N, D]
    src = edge_index[0]
    dst = edge_index[1]
    for l in range(L):
        # GINConv: (1+eps)*x + sum_{j in N(i)} x_j  (scatter-add gather/scatter)
        msgs = jnp.take(x, src, axis=0)                       # gather [E, D]
        agg = jnp.zeros_like(x).at[dst].add(msgs)             # scatter-add
        h = (1.0 + eps[l]) * x + agg
        h = h @ conv_W[l] + conv_b[l]
        # BatchNorm1d (training-mode batch statistics, eps=1e-5)
        mean = jnp.mean(h, axis=0)
        var = jnp.var(h, axis=0)
        h = (h - mean) / jnp.sqrt(var + 1e-5) * bn_gamma[l] + bn_beta[l]
        x = leaky_relu(h)
    # global_add_pool over graphs
    pooled = jax.ops.segment_sum(x, batch, num_segments=G)    # [G, D]
    ls_h = ls @ linh_W + linh_b                               # [G, H]
    out = jnp.concatenate([pooled, ls_h], axis=-1)            # [G, 2D]
    out = leaky_relu(out @ cls_W1 + cls_b1)
    out = out @ cls_W2 + cls_b2                               # [G, C]
    return out

if __name__ == "__main__":
    import jax
    _d = setup_inputs()
    print(jax.jit(kernel)(*tuple(_d.values())))

</pallas_src>

<mosaic_0001>
#map = affine_map<(d0, d1) -> (0, 0)>
#map1 = affine_map<(d0, d1) -> (0, 0, 0)>
module attributes {stable_mosaic.version = 14 : i64} {
  func.func @_msgpass_body(%arg0: i32, %arg1: i32, %arg2: memref<10000x128xf32, #tpu.memory_space<hbm>>, %arg3: memref<2560x125xi32, #tpu.memory_space<hbm>>, %arg4: memref<2560x125xi32, #tpu.memory_space<hbm>>, %arg5: memref<10000x128xf32, #tpu.memory_space<hbm>>, %arg6: memref<2x10000x128xf32, #tpu.memory_space<hbm>>, %arg7: memref<40x125xi32, #tpu.memory_space<vmem>>, %arg8: memref<40x125xi32, #tpu.memory_space<vmem>>, %arg9: memref<125x128xf32, #tpu.memory_space<vmem>>, %arg10: memref<125x128xf32, #tpu.memory_space<vmem>>, %arg11: memref<10000x128xf32, #tpu.memory_space<vmem_shared>>, %arg12: memref<!tpu.dma_semaphore, #tpu.memory_space<semaphore_mem>>, %arg13: memref<!tpu.dma_semaphore, #tpu.memory_space<semaphore_mem>>) attributes {dimension_semantics = [#tpu.dimension_semantics<core_parallel>, #tpu.dimension_semantics<subcore_parallel>], iteration_bounds = array<i64: 2, 16>, scalar_prefetch = 0 : i64, scratch_operands = 7 : i64, tpu.core_type = #tpu.core_type<sc_vector_subcore>, window_params = [{transform_indices = #map}, {transform_indices = #map}, {transform_indices = #map}, {transform_indices = #map}, {transform_indices = #map1}]} {
    %mul3A = arith.constant 16 : i32
    %mul3A_0 = arith.muli %arg0, %mul3A : i32
    %add3A = arith.addi %mul3A_0, %arg1 : i32
    %add3A_1 = arith.constant 0 : i32
    %add3A_2 = arith.addi %arg1, %add3A_1 : i32
    %lt3A = arith.constant 125 : i32
    %lt3A_3 = arith.cmpi slt, %add3A_2, %lt3A : i32
    %convert_element_type3A = arith.extui %lt3A_3 : i1 to i32
    %cond3A = arith.constant 0 : i32
    %cond3A_4 = arith.cmpi ne, %convert_element_type3A, %cond3A : i32
    scf.if %cond3A_4 {
      %mul3A_164 = arith.constant 80 : i32
      %mul3A_165 = arith.muli %add3A_2, %mul3A_164 : i32
      "tpu.region"() ({
        %run_scoped3A = tpu.sem_alloc : memref<!tpu.dma_semaphore, #tpu.memory_space<semaphore_mem>>
        %dma_start3A_166 = arith.constant 0 : i32
        %dma_start3A_167 = tpu.memref_slice %arg11[%mul3A_165, %dma_start3A_166] : memref<10000x128xf32, #tpu.memory_space<vmem_shared>> -> memref<80x128xf32, #tpu.memory_space<vmem_shared>>
        %dma_start3A_168 = arith.constant 0 : i32
        %dma_start3A_169 = tpu.memref_slice %arg5[%mul3A_165, %dma_start3A_168] : memref<10000x128xf32, #tpu.memory_space<hbm>> -> memref<80x128xf32, #tpu.memory_space<hbm>>
        tpu.enqueue_dma source(%dma_start3A_169 : memref<80x128xf32, #tpu.memory_space<hbm>>) target(%dma_start3A_167 : memref<80x128xf32, #tpu.memory_space<vmem_shared>>) target_semaphore(%run_scoped3A : memref<!tpu.dma_semaphore, #tpu.memory_space<semaphore_mem>>)
        %dma_wait3A_170 = arith.constant 0 : i32
        %dma_wait3A_171 = tpu.memref_slice %arg11[%mul3A_165, %dma_wait3A_170] : memref<10000x128xf32, #tpu.memory_space<vmem_shared>> -> memref<80x128xf32, #tpu.memory_space<vmem_shared>>
        %dma_wait3A_172 = arith.constant 0 : i32
        %dma_wait3A_173 = tpu.memref_slice %arg5[%mul3A_165, %dma_wait3A_172] : memref<10000x128xf32, #tpu.memory_space<hbm>> -> memref<80x128xf32, #tpu.memory_space<hbm>>
        tpu.wait_dma2 semaphore(%run_scoped3A : memref<!tpu.dma_semaphore, #tpu.memory_space<semaphore_mem>>) src(%dma_wait3A_173 : memref<80x128xf32, #tpu.memory_space<hbm>>) dst(%dma_wait3A_171 : memref<80x128xf32, #tpu.memory_space<vmem_shared>>)
        tpu.yield
      }) : () -> ()
    } else {
    }
    %add3A_5 = arith.constant 16 : i32
    %add3A_6 = arith.addi %arg1, %add3A_5 : i32
    %lt3A_7 = arith.constant 125 : i32
    %lt3A_8 = arith.cmpi slt, %add3A_6, %lt3A_7 : i32
    %convert_element_type3A_9 = arith.extui %lt3A_8 : i1 to i32
    %cond3A_10 = arith.constant 0 : i32
    %cond3A_11 = arith.cmpi ne, %convert_element_type3A_9, %cond3A_10 : i32
    scf.if %cond3A_11 {
      %mul3A_164 = arith.constant 80 : i32
      %mul3A_165 = arith.muli %add3A_6, %mul3A_164 : i32
      "tpu.region"() ({
        %run_scoped3A = tpu.sem_alloc : memref<!tpu.dma_semaphore, #tpu.memory_space<semaphore_mem>>
        %dma_start3A_166 = arith.constant 0 : i32
        %dma_start3A_167 = tpu.memref_slice %arg11[%mul3A_165, %dma_start3A_166] : memref<10000x128xf32, #tpu.memory_space<vmem_shared>> -> memref<80x128xf32, #tpu.memory_space<vmem_shared>>
        %dma_start3A_168 = arith.constant 0 : i32
        %dma_start3A_169 = tpu.memref_slice %arg5[%mul3A_165, %dma_start3A_168] : memref<10000x128xf32, #tpu.memory_space<hbm>> -> memref<80x128xf32, #tpu.memory_space<hbm>>
        tpu.enqueue_dma source(%dma_start3A_169 : memref<80x128xf32, #tpu.memory_space<hbm>>) target(%dma_start3A_167 : memref<80x128xf32, #tpu.memory_space<vmem_shared>>) target_semaphore(%run_scoped3A : memref<!tpu.dma_semaphore, #tpu.memory_space<semaphore_mem>>)
        %dma_wait3A_170 = arith.constant 0 : i32
        %dma_wait3A_171 = tpu.memref_slice %arg11[%mul3A_165, %dma_wait3A_170] : memref<10000x128xf32, #tpu.memory_space<vmem_shared>> -> memref<80x128xf32, #tpu.memory_space<vmem_shared>>
        %dma_wait3A_172 = arith.constant 0 : i32
        %dma_wait3A_173 = tpu.memref_slice %arg5[%mul3A_165, %dma_wait3A_172] : memref<10000x128xf32, #tpu.memory_space<hbm>> -> memref<80x128xf32, #tpu.memory_space<hbm>>
        tpu.wait_dma2 semaphore(%run_scoped3A : memref<!tpu.dma_semaphore, #tpu.memory_space<semaphore_mem>>) src(%dma_wait3A_173 : memref<80x128xf32, #tpu.memory_space<hbm>>) dst(%dma_wait3A_171 : memref<80x128xf32, #tpu.memory_space<vmem_shared>>)
        tpu.yield
      }) : () -> ()
    } else {
    }
    %add3A_12 = arith.constant 32 : i32
    %add3A_13 = arith.addi %arg1, %add3A_12 : i32
    %lt3A_14 = arith.constant 125 : i32
    %lt3A_15 = arith.cmpi slt, %add3A_13, %lt3A_14 : i32
    %convert_element_type3A_16 = arith.extui %lt3A_15 : i1 to i32
    %cond3A_17 = arith.constant 0 : i32
    %cond3A_18 = arith.cmpi ne, %convert_element_type3A_16, %cond3A_17 : i32
    scf.if %cond3A_18 {
      %mul3A_164 = arith.constant 80 : i32
      %mul3A_165 = arith.muli %add3A_13, %mul3A_164 : i32
      "tpu.region"() ({
        %run_scoped3A = tpu.sem_alloc : memref<!tpu.dma_semaphore, #tpu.memory_space<semaphore_mem>>
        %dma_start3A_166 = arith.constant 0 : i32
        %dma_start3A_167 = tpu.memref_slice %arg11[%mul3A_165, %dma_start3A_166] : memref<10000x128xf32, #tpu.memory_space<vmem_shared>> -> memref<80x128xf32, #tpu.memory_space<vmem_shared>>
        %dma_start3A_168 = arith.constant 0 : i32
        %dma_start3A_169 = tpu.memref_slice %arg5[%mul3A_165, %dma_start3A_168] : memref<10000x128xf32, #tpu.memory_space<hbm>> -> memref<80x128xf32, #tpu.memory_space<hbm>>
        tpu.enqueue_dma source(%dma_start3A_169 : memref<80x128xf32, #tpu.memory_space<hbm>>) target(%dma_start3A_167 : memref<80x128xf32, #tpu.memory_space<vmem_shared>>) target_semaphore(%run_scoped3A : memref<!tpu.dma_semaphore, #tpu.memory_space<semaphore_mem>>)
        %dma_wait3A_170 = arith.constant 0 : i32
        %dma_wait3A_171 = tpu.memref_slice %arg11[%mul3A_165, %dma_wait3A_170] : memref<10000x128xf32, #tpu.memory_space<vmem_shared>> -> memref<80x128xf32, #tpu.memory_space<vmem_shared>>
        %dma_wait3A_172 = arith.constant 0 : i32
        %dma_wait3A_173 = tpu.memref_slice %arg5[%mul3A_165, %dma_wait3A_172] : memref<10000x128xf32, #tpu.memory_space<hbm>> -> memref<80x128xf32, #tpu.memory_space<hbm>>
        tpu.wait_dma2 semaphore(%run_scoped3A : memref<!tpu.dma_semaphore, #tpu.memory_space<semaphore_mem>>) src(%dma_wait3A_173 : memref<80x128xf32, #tpu.memory_space<hbm>>) dst(%dma_wait3A_171 : memref<80x128xf32, #tpu.memory_space<vmem_shared>>)
        tpu.yield
      }) : () -> ()
    } else {
    }
    %add3A_19 = arith.constant 48 : i32
    %add3A_20 = arith.addi %arg1, %add3A_19 : i32
    %lt3A_21 = arith.constant 125 : i32
    %lt3A_22 = arith.cmpi slt, %add3A_20, %lt3A_21 : i32
    %convert_element_type3A_23 = arith.extui %lt3A_22 : i1 to i32
    %cond3A_24 = arith.constant 0 : i32
    %cond3A_25 = arith.cmpi ne, %convert_element_type3A_23, %cond3A_24 : i32
    scf.if %cond3A_25 {
      %mul3A_164 = arith.constant 80 : i32
      %mul3A_165 = arith.muli %add3A_20, %mul3A_164 : i32
      "tpu.region"() ({
        %run_scoped3A = tpu.sem_alloc : memref<!tpu.dma_semaphore, #tpu.memory_space<semaphore_mem>>
        %dma_start3A_166 = arith.constant 0 : i32
        %dma_start3A_167 = tpu.memref_slice %arg11[%mul3A_165, %dma_start3A_166] : memref<10000x128xf32, #tpu.memory_space<vmem_shared>> -> memref<80x128xf32, #tpu.memory_space<vmem_shared>>
        %dma_start3A_168 = arith.constant 0 : i32
        %dma_start3A_169 = tpu.memref_slice %arg5[%mul3A_165, %dma_start3A_168] : memref<10000x128xf32, #tpu.memory_space<hbm>> -> memref<80x128xf32, #tpu.memory_space<hbm>>
        tpu.enqueue_dma source(%dma_start3A_169 : memref<80x128xf32, #tpu.memory_space<hbm>>) target(%dma_start3A_167 : memref<80x128xf32, #tpu.memory_space<vmem_shared>>) target_semaphore(%run_scoped3A : memref<!tpu.dma_semaphore, #tpu.memory_space<semaphore_mem>>)
        %dma_wait3A_170 = arith.constant 0 : i32
        %dma_wait3A_171 = tpu.memref_slice %arg11[%mul3A_165, %dma_wait3A_170] : memref<10000x128xf32, #tpu.memory_space<vmem_shared>> -> memref<80x128xf32, #tpu.memory_space<vmem_shared>>
        %dma_wait3A_172 = arith.constant 0 : i32
        %dma_wait3A_173 = tpu.memref_slice %arg5[%mul3A_165, %dma_wait3A_172] : memref<10000x128xf32, #tpu.memory_space<hbm>> -> memref<80x128xf32, #tpu.memory_space<hbm>>
        tpu.wait_dma2 semaphore(%run_scoped3A : memref<!tpu.dma_semaphore, #tpu.memory_space<semaphore_mem>>) src(%dma_wait3A_173 : memref<80x128xf32, #tpu.memory_space<hbm>>) dst(%dma_wait3A_171 : memref<80x128xf32, #tpu.memory_space<vmem_shared>>)
        tpu.yield
      }) : () -> ()
    } else {
    }
    %add3A_26 = arith.constant 64 : i32
    %add3A_27 = arith.addi %arg1, %add3A_26 : i32
    %lt3A_28 = arith.constant 125 : i32
    %lt3A_29 = arith.cmpi slt, %add3A_27, %lt3A_28 : i32
    %convert_element_type3A_30 = arith.extui %lt3A_29 : i1 to i32
    %cond3A_31 = arith.constant 0 : i32
    %cond3A_32 = arith.cmpi ne, %convert_element_type3A_30, %cond3A_31 : i32
    scf.if %cond3A_32 {
      %mul3A_164 = arith.constant 80 : i32
      %mul3A_165 = arith.muli %add3A_27, %mul3A_164 : i32
      "tpu.region"() ({
        %run_scoped3A = tpu.sem_alloc : memref<!tpu.dma_semaphore, #tpu.memory_space<semaphore_mem>>
        %dma_start3A_166 = arith.constant 0 : i32
        %dma_start3A_167 = tpu.memref_slice %arg11[%mul3A_165, %dma_start3A_166] : memref<10000x128xf32, #tpu.memory_space<vmem_shared>> -> memref<80x128xf32, #tpu.memory_space<vmem_shared>>
        %dma_start3A_168 = arith.constant 0 : i32
        %dma_start3A_169 = tpu.memref_slice %arg5[%mul3A_165, %dma_start3A_168] : memref<10000x128xf32, #tpu.memory_space<hbm>> -> memref<80x128xf32, #tpu.memory_space<hbm>>
        tpu.enqueue_dma source(%dma_start3A_169 : memref<80x128xf32, #tpu.memory_space<hbm>>) target(%dma_start3A_167 : memref<80x128xf32, #tpu.memory_space<vmem_shared>>) target_semaphore(%run_scoped3A : memref<!tpu.dma_semaphore, #tpu.memory_space<semaphore_mem>>)
        %dma_wait3A_170 = arith.constant 0 : i32
        %dma_wait3A_171 = tpu.memref_slice %arg11[%mul3A_165, %dma_wait3A_170] : memref<10000x128xf32, #tpu.memory_space<vmem_shared>> -> memref<80x128xf32, #tpu.memory_space<vmem_shared>>
        %dma_wait3A_172 = arith.constant 0 : i32
        %dma_wait3A_173 = tpu.memref_slice %arg5[%mul3A_165, %dma_wait3A_172] : memref<10000x128xf32, #tpu.memory_space<hbm>> -> memref<80x128xf32, #tpu.memory_space<hbm>>
        tpu.wait_dma2 semaphore(%run_scoped3A : memref<!tpu.dma_semaphore, #tpu.memory_space<semaphore_mem>>) src(%dma_wait3A_173 : memref<80x128xf32, #tpu.memory_space<hbm>>) dst(%dma_wait3A_171 : memref<80x128xf32, #tpu.memory_space<vmem_shared>>)
        tpu.yield
      }) : () -> ()
    } else {
    }
    %add3A_33 = arith.constant 80 : i32
    %add3A_34 = arith.addi %arg1, %add3A_33 : i32
    %lt3A_35 = arith.constant 125 : i32
    %lt3A_36 = arith.cmpi slt, %add3A_34, %lt3A_35 : i32
    %convert_element_type3A_37 = arith.extui %lt3A_36 : i1 to i32
    %cond3A_38 = arith.constant 0 : i32
    %cond3A_39 = arith.cmpi ne, %convert_element_type3A_37, %cond3A_38 : i32
    scf.if %cond3A_39 {
      %mul3A_164 = arith.constant 80 : i32
      %mul3A_165 = arith.muli %add3A_34, %mul3A_164 : i32
      "tpu.region"() ({
        %run_scoped3A = tpu.sem_alloc : memref<!tpu.dma_semaphore, #tpu.memory_space<semaphore_mem>>
        %dma_start3A_166 = arith.constant 0 : i32
        %dma_start3A_167 = tpu.memref_slice %arg11[%mul3A_165, %dma_start3A_166] : memref<10000x128xf32, #tpu.memory_space<vmem_shared>> -> memref<80x128xf32, #tpu.memory_space<vmem_shared>>
        %dma_start3A_168 = arith.constant 0 : i32
        %dma_start3A_169 = tpu.memref_slice %arg5[%mul3A_165, %dma_start3A_168] : memref<10000x128xf32, #tpu.memory_space<hbm>> -> memref<80x128xf32, #tpu.memory_space<hbm>>
        tpu.enqueue_dma source(%dma_start3A_169 : memref<80x128xf32, #tpu.memory_space<hbm>>) target(%dma_start3A_167 : memref<80x128xf32, #tpu.memory_space<vmem_shared>>) target_semaphore(%run_scoped3A : memref<!tpu.dma_semaphore, #tpu.memory_space<semaphore_mem>>)
        %dma_wait3A_170 = arith.constant 0 : i32
        %dma_wait3A_171 = tpu.memref_slice %arg11[%mul3A_165, %dma_wait3A_170] : memref<10000x128xf32, #tpu.memory_space<vmem_shared>> -> memref<80x128xf32, #tpu.memory_space<vmem_shared>>
        %dma_wait3A_172 = arith.constant 0 : i32
        %dma_wait3A_173 = tpu.memref_slice %arg5[%mul3A_165, %dma_wait3A_172] : memref<10000x128xf32, #tpu.memory_space<hbm>> -> memref<80x128xf32, #tpu.memory_space<hbm>>
        tpu.wait_dma2 semaphore(%run_scoped3A : memref<!tpu.dma_semaphore, #tpu.memory_space<semaphore_mem>>) src(%dma_wait3A_173 : memref<80x128xf32, #tpu.memory_space<hbm>>) dst(%dma_wait3A_171 : memref<80x128xf32, #tpu.memory_space<vmem_shared>>)
        tpu.yield
      }) : () -> ()
    } else {
    }
    %add3A_40 = arith.constant 96 : i32
    %add3A_41 = arith.addi %arg1, %add3A_40 : i32
    %lt3A_42 = arith.constant 125 : i32
    %lt3A_43 = arith.cmpi slt, %add3A_41, %lt3A_42 : i32
    %convert_element_type3A_44 = arith.extui %lt3A_43 : i1 to i32
    %cond3A_45 = arith.constant 0 : i32
    %cond3A_46 = arith.cmpi ne, %convert_element_type3A_44, %cond3A_45 : i32
    scf.if %cond3A_46 {
      %mul3A_164 = arith.constant 80 : i32
      %mul3A_165 = arith.muli %add3A_41, %mul3A_164 : i32
      "tpu.region"() ({
        %run_scoped3A = tpu.sem_alloc : memref<!tpu.dma_semaphore, #tpu.memory_space<semaphore_mem>>
        %dma_start3A_166 = arith.constant 0 : i32
        %dma_start3A_167 = tpu.memref_slice %arg11[%mul3A_165, %dma_start3A_166] : memref<10000x128xf32, #tpu.memory_space<vmem_shared>> -> memref<80x128xf32, #tpu.memory_space<vmem_shared>>
        %dma_start3A_168 = arith.constant 0 : i32
        %dma_start3A_169 = tpu.memref_slice %arg5[%mul3A_165, %dma_start3A_168] : memref<10000x128xf32, #tpu.memory_space<hbm>> -> memref<80x128xf32, #tpu.memory_space<hbm>>
        tpu.enqueue_dma source(%dma_start3A_169 : memref<80x128xf32, #tpu.memory_space<hbm>>) target(%dma_start3A_167 : memref<80x128xf32, #tpu.memory_space<vmem_shared>>) target_semaphore(%run_scoped3A : memref<!tpu.dma_semaphore, #tpu.memory_space<semaphore_mem>>)
        %dma_wait3A_170 = arith.constant 0 : i32
        %dma_wait3A_171 = tpu.memref_slice %arg11[%mul3A_165, %dma_wait3A_170] : memref<10000x128xf32, #tpu.memory_space<vmem_shared>> -> memref<80x128xf32, #tpu.memory_space<vmem_shared>>
        %dma_wait3A_172 = arith.constant 0 : i32
        %dma_wait3A_173 = tpu.memref_slice %arg5[%mul3A_165, %dma_wait3A_172] : memref<10000x128xf32, #tpu.memory_space<hbm>> -> memref<80x128xf32, #tpu.memory_space<hbm>>
        tpu.wait_dma2 semaphore(%run_scoped3A : memref<!tpu.dma_semaphore, #tpu.memory_space<semaphore_mem>>) src(%dma_wait3A_173 : memref<80x128xf32, #tpu.memory_space<hbm>>) dst(%dma_wait3A_171 : memref<80x128xf32, #tpu.memory_space<vmem_shared>>)
        tpu.yield
      }) : () -> ()
    } else {
    }
    %add3A_47 = arith.constant 112 : i32
    %add3A_48 = arith.addi %arg1, %add3A_47 : i32
    %lt3A_49 = arith.constant 125 : i32
    %lt3A_50 = arith.cmpi slt, %add3A_48, %lt3A_49 : i32
    %convert_element_type3A_51 = arith.extui %lt3A_50 : i1 to i32
    %cond3A_52 = arith.constant 0 : i32
    %cond3A_53 = arith.cmpi ne, %convert_element_type3A_51, %cond3A_52 : i32
    scf.if %cond3A_53 {
      %mul3A_164 = arith.constant 80 : i32
      %mul3A_165 = arith.muli %add3A_48, %mul3A_164 : i32
      "tpu.region"() ({
        %run_scoped3A = tpu.sem_alloc : memref<!tpu.dma_semaphore, #tpu.memory_space<semaphore_mem>>
        %dma_start3A_166 = arith.constant 0 : i32
        %dma_start3A_167 = tpu.memref_slice %arg11[%mul3A_165, %dma_start3A_166] : memref<10000x128xf32, #tpu.memory_space<vmem_shared>> -> memref<80x128xf32, #tpu.memory_space<vmem_shared>>
        %dma_start3A_168 = arith.constant 0 : i32
        %dma_start3A_169 = tpu.memref_slice %arg5[%mul3A_165, %dma_start3A_168] : memref<10000x128xf32, #tpu.memory_space<hbm>> -> memref<80x128xf32, #tpu.memory_space<hbm>>
        tpu.enqueue_dma source(%dma_start3A_169 : memref<80x128xf32, #tpu.memory_space<hbm>>) target(%dma_start3A_167 : memref<80x128xf32, #tpu.memory_space<vmem_shared>>) target_semaphore(%run_scoped3A : memref<!tpu.dma_semaphore, #tpu.memory_space<semaphore_mem>>)
        %dma_wait3A_170 = arith.constant 0 : i32
        %dma_wait3A_171 = tpu.memref_slice %arg11[%mul3A_165, %dma_wait3A_170] : memref<10000x128xf32, #tpu.memory_space<vmem_shared>> -> memref<80x128xf32, #tpu.memory_space<vmem_shared>>
        %dma_wait3A_172 = arith.constant 0 : i32
        %dma_wait3A_173 = tpu.memref_slice %arg5[%mul3A_165, %dma_wait3A_172] : memref<10000x128xf32, #tpu.memory_space<hbm>> -> memref<80x128xf32, #tpu.memory_space<hbm>>
        tpu.wait_dma2 semaphore(%run_scoped3A : memref<!tpu.dma_semaphore, #tpu.memory_space<semaphore_mem>>) src(%dma_wait3A_173 : memref<80x128xf32, #tpu.memory_space<hbm>>) dst(%dma_wait3A_171 : memref<80x128xf32, #tpu.memory_space<vmem_shared>>)
        tpu.yield
      }) : () -> ()
    } else {
    }
    %barrier3A = arith.constant 0 : index
    tpu.barrier barrier_id(%barrier3A)
    %mul3A_54 = arith.constant 80 : i32
    %mul3A_55 = arith.muli %add3A, %mul3A_54 : i32
    %add3A_56 = arith.constant 0 : i32
    %add3A_57 = arith.addi %mul3A_55, %add3A_56 : i32
    "tpu.region"() ({
      %run_scoped3A = tpu.sem_alloc : memref<!tpu.dma_semaphore, #tpu.memory_space<semaphore_mem>>
      %dma_start3A_164 = arith.constant 0 : i32
      %dma_start3A_165 = tpu.memref_slice %arg3[%add3A_57, %dma_start3A_164] : memref<2560x125xi32, #tpu.memory_space<hbm>> -> memref<40x125xi32, #tpu.memory_space<hbm>>
      %dma_start3A_166 = arith.constant 0 : i32
      %dma_start3A_167 = tpu.memref_slice %arg3[%add3A_57, %dma_start3A_166] : memref<2560x125xi32, #tpu.memory_space<hbm>> -> memref<40x125xi32, #tpu.memory_space<hbm>>
      tpu.enqueue_dma source(%dma_start3A_167 : memref<40x125xi32, #tpu.memory_space<hbm>>) target(%arg7 : memref<40x125xi32, #tpu.memory_space<vmem>>) target_semaphore(%run_scoped3A : memref<!tpu.dma_semaphore, #tpu.memory_space<semaphore_mem>>)
      %dma_wait3A_168 = arith.constant 0 : i32
      %dma_wait3A_169 = tpu.memref_slice %arg3[%add3A_57, %dma_wait3A_168] : memref<2560x125xi32, #tpu.memory_space<hbm>> -> memref<40x125xi32, #tpu.memory_space<hbm>>
      %dma_wait3A_170 = arith.constant 0 : i32
      %dma_wait3A_171 = tpu.memref_slice %arg3[%add3A_57, %dma_wait3A_170] : memref<2560x125xi32, #tpu.memory_space<hbm>> -> memref<40x125xi32, #tpu.memory_space<hbm>>
      tpu.wait_dma2 semaphore(%run_scoped3A : memref<!tpu.dma_semaphore, #tpu.memory_space<semaphore_mem>>) src(%dma_wait3A_171 : memref<40x125xi32, #tpu.memory_space<hbm>>) dst(%arg7 : memref<40x125xi32, #tpu.memory_space<vmem>>)
      tpu.yield
    }) : () -> ()
    %mul3A_58 = arith.constant 80 : i32
    %mul3A_59 = arith.muli %add3A, %mul3A_58 : i32
    %add3A_60 = arith.constant 0 : i32
    %add3A_61 = arith.addi %mul3A_59, %add3A_60 : i32
    "tpu.region"() ({
      %run_scoped3A = tpu.sem_alloc : memref<!tpu.dma_semaphore, #tpu.memory_space<semaphore_mem>>
      %dma_start3A_164 = arith.constant 0 : i32
      %dma_start3A_165 = tpu.memref_slice %arg4[%add3A_61, %dma_start3A_164] : memref<2560x125xi32, #tpu.memory_space<hbm>> -> memref<40x125xi32, #tpu.memory_space<hbm>>
      %dma_start3A_166 = arith.constant 0 : i32
      %dma_start3A_167 = tpu.memref_slice %arg4[%add3A_61, %dma_start3A_166] : memref<2560x125xi32, #tpu.memory_space<hbm>> -> memref<40x125xi32, #tpu.memory_space<hbm>>
      tpu.enqueue_dma source(%dma_start3A_167 : memref<40x125xi32, #tpu.memory_space<hbm>>) target(%arg8 : memref<40x125xi32, #tpu.memory_space<vmem>>) target_semaphore(%run_scoped3A : memref<!tpu.dma_semaphore, #tpu.memory_space<semaphore_mem>>)
      %dma_wait3A_168 = arith.constant 0 : i32
      %dma_wait3A_169 = tpu.memref_slice %arg4[%add3A_61, %dma_wait3A_168] : memref<2560x125xi32, #tpu.memory_space<hbm>> -> memref<40x125xi32, #tpu.memory_space<hbm>>
      %dma_wait3A_170 = arith.constant 0 : i32
      %dma_wait3A_171 = tpu.memref_slice %arg4[%add3A_61, %dma_wait3A_170] : memref<2560x125xi32, #tpu.memory_space<hbm>> -> memref<40x125xi32, #tpu.memory_space<hbm>>
      tpu.wait_dma2 semaphore(%run_scoped3A : memref<!tpu.dma_semaphore, #tpu.memory_space<semaphore_mem>>) src(%dma_wait3A_171 : memref<40x125xi32, #tpu.memory_space<hbm>>) dst(%arg8 : memref<40x125xi32, #tpu.memory_space<vmem>>)
      tpu.yield
    }) : () -> ()
    %dma_start3A = arith.constant 0 : i32
    %dma_start3A_62 = arith.constant 0 : i32
    %dma_start3A_63 = tpu.memref_slice %arg7[%dma_start3A, %dma_start3A_62] : memref<40x125xi32, #tpu.memory_space<vmem>> -> memref<1x125xi32, #tpu.memory_space<vmem>>
    %dma_start3A_64 = tpu.memref_squeeze %dma_start3A_63 : memref<1x125xi32, #tpu.memory_space<vmem>> -> memref<125xi32, #tpu.memory_space<vmem>>
    %dma_start3A_65 = arith.constant 0 : i32
    %dma_start3A_66 = arith.constant 0 : i32
    %dma_start3A_67 = tpu.memref_slice %arg2[%dma_start3A_65, %dma_start3A_66] : memref<10000x128xf32, #tpu.memory_space<hbm>> -> memref<10000x128xf32, #tpu.memory_space<hbm>>
    tpu.enqueue_indirect_dma source(%dma_start3A_67 : memref<10000x128xf32, #tpu.memory_space<hbm>>) target(%arg9 : memref<125x128xf32, #tpu.memory_space<vmem>>) offsets(%dma_start3A_64 : memref<125xi32, #tpu.memory_space<vmem>>) semaphore(%arg12 : memref<!tpu.dma_semaphore, #tpu.memory_space<semaphore_mem>>)
    %scan3A = arith.constant 0 : i32
    %scan3A_68 = arith.constant 0 : i32
    %scan3A_69 = arith.constant 20 : i32
    %scan3A_70 = arith.addi %scan3A_68, %scan3A_69 : i32
    %scan3A_71 = arith.constant 1 : i32
    scf.for %scan3A_164 = %scan3A_68 to %scan3A_70 step %scan3A_71  : i32 {
      %mul3A_165 = arith.constant 2 : i32
      %mul3A_166 = arith.muli %mul3A_165, %scan3A_164 : i32
      %gt3A = arith.constant 0 : i32
      %gt3A_167 = arith.cmpi sgt, %scan3A_164, %gt3A : i32
      %convert_element_type3A_168 = arith.extui %gt3A_167 : i1 to i32
      %cond3A_169 = arith.constant 0 : i32
      %cond3A_170 = arith.cmpi ne, %convert_element_type3A_168, %cond3A_169 : i32
      scf.if %cond3A_170 {
        %sub3A = arith.constant 1 : i32
        %sub3A_220 = arith.subi %mul3A_166, %sub3A : i32
        %dma_wait3A_221 = arith.constant 0 : i32
        %dma_wait3A_222 = tpu.memref_slice %arg8[%sub3A_220, %dma_wait3A_221] : memref<40x125xi32, #tpu.memory_space<vmem>> -> memref<1x125xi32, #tpu.memory_space<vmem>>
        %dma_wait3A_223 = tpu.memref_squeeze %dma_wait3A_222 : memref<1x125xi32, #tpu.memory_space<vmem>> -> memref<125xi32, #tpu.memory_space<vmem>>
        %dma_wait3A_224 = arith.constant 0 : i32
        %dma_wait3A_225 = arith.constant 0 : i32
        %dma_wait3A_226 = tpu.memref_slice %arg11[%dma_wait3A_224, %dma_wait3A_225] : memref<10000x128xf32, #tpu.memory_space<vmem_shared>> -> memref<10000x128xf32, #tpu.memory_space<vmem_shared>>
        tpu.wait_indirect_dma semaphore(%arg13 : memref<!tpu.dma_semaphore, #tpu.memory_space<semaphore_mem>>) src(%arg10 : memref<125x128xf32, #tpu.memory_space<vmem>>) dst(%dma_wait3A_226 : memref<10000x128xf32, #tpu.memory_space<vmem_shared>>)
      } else {
      }
      %add3A_171 = arith.constant 1 : i32
      %add3A_172 = arith.addi %mul3A_166, %add3A_171 : i32
      %dma_start3A_173 = arith.constant 0 : i32
      %dma_start3A_174 = tpu.memref_slice %arg7[%add3A_172, %dma_start3A_173] : memref<40x125xi32, #tpu.memory_space<vmem>> -> memref<1x125xi32, #tpu.memory_space<vmem>>
      %dma_start3A_175 = tpu.memref_squeeze %dma_start3A_174 : memref<1x125xi32, #tpu.memory_space<vmem>> -> memref<125xi32, #tpu.memory_space<vmem>>
      %dma_start3A_176 = arith.constant 0 : i32
      %dma_start3A_177 = arith.constant 0 : i32
      %dma_start3A_178 = tpu.memref_slice %arg2[%dma_start3A_176, %dma_start3A_177] : memref<10000x128xf32, #tpu.memory_space<hbm>> -> memref<10000x128xf32, #tpu.memory_space<hbm>>
      tpu.enqueue_indirect_dma source(%dma_start3A_178 : memref<10000x128xf32, #tpu.memory_space<hbm>>) target(%arg10 : memref<125x128xf32, #tpu.memory_space<vmem>>) offsets(%dma_start3A_175 : memref<125xi32, #tpu.memory_space<vmem>>) semaphore(%arg12 : memref<!tpu.dma_semaphore, #tpu.memory_space<semaphore_mem>>)
      %dma_wait3A_179 = arith.constant 0 : i32
      %dma_wait3A_180 = tpu.memref_slice %arg7[%mul3A_166, %dma_wait3A_179] : memref<40x125xi32, #tpu.memory_space<vmem>> -> memref<1x125xi32, #tpu.memory_space<vmem>>
      %dma_wait3A_181 = tpu.memref_squeeze %dma_wait3A_180 : memref<1x125xi32, #tpu.memory_space<vmem>> -> memref<125xi32, #tpu.memory_space<vmem>>
      %dma_wait3A_182 = arith.constant 0 : i32
      %dma_wait3A_183 = arith.constant 0 : i32
      %dma_wait3A_184 = tpu.memref_slice %arg2[%dma_wait3A_182, %dma_wait3A_183] : memref<10000x128xf32, #tpu.memory_space<hbm>> -> memref<10000x128xf32, #tpu.memory_space<hbm>>
      tpu.wait_indirect_dma semaphore(%arg12 : memref<!tpu.dma_semaphore, #tpu.memory_space<semaphore_mem>>) src(%dma_wait3A_184 : memref<10000x128xf32, #tpu.memory_space<hbm>>) dst(%arg9 : memref<125x128xf32, #tpu.memory_space<vmem>>)
      %dma_start3A_185 = arith.constant 0 : i32
      %dma_start3A_186 = tpu.memref_slice %arg8[%mul3A_166, %dma_start3A_185] : memref<40x125xi32, #tpu.memory_space<vmem>> -> memref<1x125xi32, #tpu.memory_space<vmem>>
      %dma_start3A_187 = tpu.memref_squeeze %dma_start3A_186 : memref<1x125xi32, #tpu.memory_space<vmem>> -> memref<125xi32, #tpu.memory_space<vmem>>
      %dma_start3A_188 = arith.constant 0 : i32
      %dma_start3A_189 = arith.constant 0 : i32
      %dma_start3A_190 = tpu.memref_slice %arg11[%dma_start3A_188, %dma_start3A_189] : memref<10000x128xf32, #tpu.memory_space<vmem_shared>> -> memref<10000x128xf32, #tpu.memory_space<vmem_shared>>
      tpu.enqueue_indirect_dma source(%arg9 : memref<125x128xf32, #tpu.memory_space<vmem>>) target(%dma_start3A_190 : memref<10000x128xf32, #tpu.memory_space<vmem_shared>>) offsets(%dma_start3A_187 : memref<125xi32, #tpu.memory_space<vmem>>) semaphore(%arg13 : memref<!tpu.dma_semaphore, #tpu.memory_space<semaphore_mem>>) {add = true}
      %dma_wait3A_191 = arith.constant 0 : i32
      %dma_wait3A_192 = tpu.memref_slice %arg8[%mul3A_166, %dma_wait3A_191] : memref<40x125xi32, #tpu.memory_space<vmem>> -> memref<1x125xi32, #tpu.memory_space<vmem>>
      %dma_wait3A_193 = tpu.memref_squeeze %dma_wait3A_192 : memref<1x125xi32, #tpu.memory_space<vmem>> -> memref<125xi32, #tpu.memory_space<vmem>>
      %dma_wait3A_194 = arith.constant 0 : i32
      %dma_wait3A_195 = arith.constant 0 : i32
      %dma_wait3A_196 = tpu.memref_slice %arg11[%dma_wait3A_194, %dma_wait3A_195] : memref<10000x128xf32, #tpu.memory_space<vmem_shared>> -> memref<10000x128xf32, #tpu.memory_space<vmem_shared>>
      tpu.wait_indirect_dma semaphore(%arg13 : memref<!tpu.dma_semaphore, #tpu.memory_space<semaphore_mem>>) src(%arg9 : memref<125x128xf32, #tpu.memory_space<vmem>>) dst(%dma_wait3A_196 : memref<10000x128xf32, #tpu.memory_space<vmem_shared>>)
      %add3A_197 = arith.constant 2 : i32
      %add3A_198 = arith.addi %mul3A_166, %add3A_197 : i32
      %lt3A_199 = arith.constant 40 : i32
      %lt3A_200 = arith.cmpi slt, %add3A_198, %lt3A_199 : i32
      %convert_element_type3A_201 = arith.extui %lt3A_200 : i1 to i32
      %cond3A_202 = arith.constant 0 : i32
      %cond3A_203 = arith.cmpi ne, %convert_element_type3A_201, %cond3A_202 : i32
      scf.if %cond3A_203 {
        %add3A_220 = arith.constant 2 : i32
        %add3A_221 = arith.addi %mul3A_166, %add3A_220 : i32
        %dma_start3A_222 = arith.constant 0 : i32
        %dma_start3A_223 = tpu.memref_slice %arg7[%add3A_221, %dma_start3A_222] : memref<40x125xi32, #tpu.memory_space<vmem>> -> memref<1x125xi32, #tpu.memory_space<vmem>>
        %dma_start3A_224 = tpu.memref_squeeze %dma_start3A_223 : memref<1x125xi32, #tpu.memory_space<vmem>> -> memref<125xi32, #tpu.memory_space<vmem>>
        %dma_start3A_225 = arith.constant 0 : i32
        %dma_start3A_226 = arith.constant 0 : i32
        %dma_start3A_227 = tpu.memref_slice %arg2[%dma_start3A_225, %dma_start3A_226] : memref<10000x128xf32, #tpu.memory_space<hbm>> -> memref<10000x128xf32, #tpu.memory_space<hbm>>
        tpu.enqueue_indirect_dma source(%dma_start3A_227 : memref<10000x128xf32, #tpu.memory_space<hbm>>) target(%arg9 : memref<125x128xf32, #tpu.memory_space<vmem>>) offsets(%dma_start3A_224 : memref<125xi32, #tpu.memory_space<vmem>>) semaphore(%arg12 : memref<!tpu.dma_semaphore, #tpu.memory_space<semaphore_mem>>)
      } else {
      }
      %add3A_204 = arith.constant 1 : i32
      %add3A_205 = arith.addi %mul3A_166, %add3A_204 : i32
      %dma_wait3A_206 = arith.constant 0 : i32
      %dma_wait3A_207 = tpu.memref_slice %arg7[%add3A_205, %dma_wait3A_206] : memref<40x125xi32, #tpu.memory_space<vmem>> -> memref<1x125xi32, #tpu.memory_space<vmem>>
      %dma_wait3A_208 = tpu.memref_squeeze %dma_wait3A_207 : memref<1x125xi32, #tpu.memory_space<vmem>> -> memref<125xi32, #tpu.memory_space<vmem>>
      %dma_wait3A_209 = arith.constant 0 : i32
      %dma_wait3A_210 = arith.constant 0 : i32
      %dma_wait3A_211 = tpu.memref_slice %arg2[%dma_wait3A_209, %dma_wait3A_210] : memref<10000x128xf32, #tpu.memory_space<hbm>> -> memref<10000x128xf32, #tpu.memory_space<hbm>>
      tpu.wait_indirect_dma semaphore(%arg12 : memref<!tpu.dma_semaphore, #tpu.memory_space<semaphore_mem>>) src(%dma_wait3A_211 : memref<10000x128xf32, #tpu.memory_space<hbm>>) dst(%arg10 : memref<125x128xf32, #tpu.memory_space<vmem>>)
      %add3A_212 = arith.constant 1 : i32
      %add3A_213 = arith.addi %mul3A_166, %add3A_212 : i32
      %dma_start3A_214 = arith.constant 0 : i32
      %dma_start3A_215 = tpu.memref_slice %arg8[%add3A_213, %dma_start3A_214] : memref<40x125xi32, #tpu.memory_space<vmem>> -> memref<1x125xi32, #tpu.memory_space<vmem>>
      %dma_start3A_216 = tpu.memref_squeeze %dma_start3A_215 : memref<1x125xi32, #tpu.memory_space<vmem>> -> memref<125xi32, #tpu.memory_space<vmem>>
      %dma_start3A_217 = arith.constant 0 : i32
      %dma_start3A_218 = arith.constant 0 : i32
      %dma_start3A_219 = tpu.memref_slice %arg11[%dma_start3A_217, %dma_start3A_218] : memref<10000x128xf32, #tpu.memory_space<vmem_shared>> -> memref<10000x128xf32, #tpu.memory_space<vmem_shared>>
      tpu.enqueue_indirect_dma source(%arg10 : memref<125x128xf32, #tpu.memory_space<vmem>>) target(%dma_start3A_219 : memref<10000x128xf32, #tpu.memory_space<vmem_shared>>) offsets(%dma_start3A_216 : memref<125xi32, #tpu.memory_space<vmem>>) semaphore(%arg13 : memref<!tpu.dma_semaphore, #tpu.memory_space<semaphore_mem>>) {add = true}
    }
    %scan3A_72 = arith.constant 20 : i32
    %dma_wait3A = arith.constant 39 : i32
    %dma_wait3A_73 = arith.constant 0 : i32
    %dma_wait3A_74 = tpu.memref_slice %arg8[%dma_wait3A, %dma_wait3A_73] : memref<40x125xi32, #tpu.memory_space<vmem>> -> memref<1x125xi32, #tpu.memory_space<vmem>>
    %dma_wait3A_75 = tpu.memref_squeeze %dma_wait3A_74 : memref<1x125xi32, #tpu.memory_space<vmem>> -> memref<125xi32, #tpu.memory_space<vmem>>
    %dma_wait3A_76 = arith.constant 0 : i32
    %dma_wait3A_77 = arith.constant 0 : i32
    %dma_wait3A_78 = tpu.memref_slice %arg11[%dma_wait3A_76, %dma_wait3A_77] : memref<10000x128xf32, #tpu.memory_space<vmem_shared>> -> memref<10000x128xf32, #tpu.memory_space<vmem_shared>>
    tpu.wait_indirect_dma semaphore(%arg13 : memref<!tpu.dma_semaphore, #tpu.memory_space<semaphore_mem>>) src(%arg10 : memref<125x128xf32, #tpu.memory_space<vmem>>) dst(%dma_wait3A_78 : memref<10000x128xf32, #tpu.memory_space<vmem_shared>>)
    %mul3A_79 = arith.constant 80 : i32
    %mul3A_80 = arith.muli %add3A, %mul3A_79 : i32
    %add3A_81 = arith.constant 40 : i32
    %add3A_82 = arith.addi %mul3A_80, %add3A_81 : i32
    "tpu.region"() ({
      %run_scoped3A = tpu.sem_alloc : memref<!tpu.dma_semaphore, #tpu.memory_space<semaphore_mem>>
      %dma_start3A_164 = arith.constant 0 : i32
      %dma_start3A_165 = tpu.memref_slice %arg3[%add3A_82, %dma_start3A_164] : memref<2560x125xi32, #tpu.memory_space<hbm>> -> memref<40x125xi32, #tpu.memory_space<hbm>>
      %dma_start3A_166 = arith.constant 0 : i32
      %dma_start3A_167 = tpu.memref_slice %arg3[%add3A_82, %dma_start3A_166] : memref<2560x125xi32, #tpu.memory_space<hbm>> -> memref<40x125xi32, #tpu.memory_space<hbm>>
      tpu.enqueue_dma source(%dma_start3A_167 : memref<40x125xi32, #tpu.memory_space<hbm>>) target(%arg7 : memref<40x125xi32, #tpu.memory_space<vmem>>) target_semaphore(%run_scoped3A : memref<!tpu.dma_semaphore, #tpu.memory_space<semaphore_mem>>)
      %dma_wait3A_168 = arith.constant 0 : i32
      %dma_wait3A_169 = tpu.memref_slice %arg3[%add3A_82, %dma_wait3A_168] : memref<2560x125xi32, #tpu.memory_space<hbm>> -> memref<40x125xi32, #tpu.memory_space<hbm>>
      %dma_wait3A_170 = arith.constant 0 : i32
      %dma_wait3A_171 = tpu.memref_slice %arg3[%add3A_82, %dma_wait3A_170] : memref<2560x125xi32, #tpu.memory_space<hbm>> -> memref<40x125xi32, #tpu.memory_space<hbm>>
      tpu.wait_dma2 semaphore(%run_scoped3A : memref<!tpu.dma_semaphore, #tpu.memory_space<semaphore_mem>>) src(%dma_wait3A_171 : memref<40x125xi32, #tpu.memory_space<hbm>>) dst(%arg7 : memref<40x125xi32, #tpu.memory_space<vmem>>)
      tpu.yield
    }) : () -> ()
    %mul3A_83 = arith.constant 80 : i32
    %mul3A_84 = arith.muli %add3A, %mul3A_83 : i32
    %add3A_85 = arith.constant 40 : i32
    %add3A_86 = arith.addi %mul3A_84, %add3A_85 : i32
    "tpu.region"() ({
      %run_scoped3A = tpu.sem_alloc : memref<!tpu.dma_semaphore, #tpu.memory_space<semaphore_mem>>
      %dma_start3A_164 = arith.constant 0 : i32
      %dma_start3A_165 = tpu.memref_slice %arg4[%add3A_86, %dma_start3A_164] : memref<2560x125xi32, #tpu.memory_space<hbm>> -> memref<40x125xi32, #tpu.memory_space<hbm>>
      %dma_start3A_166 = arith.constant 0 : i32
      %dma_start3A_167 = tpu.memref_slice %arg4[%add3A_86, %dma_start3A_166] : memref<2560x125xi32, #tpu.memory_space<hbm>> -> memref<40x125xi32, #tpu.memory_space<hbm>>
      tpu.enqueue_dma source(%dma_start3A_167 : memref<40x125xi32, #tpu.memory_space<hbm>>) target(%arg8 : memref<40x125xi32, #tpu.memory_space<vmem>>) target_semaphore(%run_scoped3A : memref<!tpu.dma_semaphore, #tpu.memory_space<semaphore_mem>>)
      %dma_wait3A_168 = arith.constant 0 : i32
      %dma_wait3A_169 = tpu.memref_slice %arg4[%add3A_86, %dma_wait3A_168] : memref<2560x125xi32, #tpu.memory_space<hbm>> -> memref<40x125xi32, #tpu.memory_space<hbm>>
      %dma_wait3A_170 = arith.constant 0 : i32
      %dma_wait3A_171 = tpu.memref_slice %arg4[%add3A_86, %dma_wait3A_170] : memref<2560x125xi32, #tpu.memory_space<hbm>> -> memref<40x125xi32, #tpu.memory_space<hbm>>
      tpu.wait_dma2 semaphore(%run_scoped3A : memref<!tpu.dma_semaphore, #tpu.memory_space<semaphore_mem>>) src(%dma_wait3A_171 : memref<40x125xi32, #tpu.memory_space<hbm>>) dst(%arg8 : memref<40x125xi32, #tpu.memory_space<vmem>>)
      tpu.yield
    }) : () -> ()
    %dma_start3A_87 = arith.constant 0 : i32
    %dma_start3A_88 = arith.constant 0 : i32
    %dma_start3A_89 = tpu.memref_slice %arg7[%dma_start3A_87, %dma_start3A_88] : memref<40x125xi32, #tpu.memory_space<vmem>> -> memref<1x125xi32, #tpu.memory_space<vmem>>
    %dma_start3A_90 = tpu.memref_squeeze %dma_start3A_89 : memref<1x125xi32, #tpu.memory_space<vmem>> -> memref<125xi32, #tpu.memory_space<vmem>>
    %dma_start3A_91 = arith.constant 0 : i32
    %dma_start3A_92 = arith.constant 0 : i32
    %dma_start3A_93 = tpu.memref_slice %arg2[%dma_start3A_91, %dma_start3A_92] : memref<10000x128xf32, #tpu.memory_space<hbm>> -> memref<10000x128xf32, #tpu.memory_space<hbm>>
    tpu.enqueue_indirect_dma source(%dma_start3A_93 : memref<10000x128xf32, #tpu.memory_space<hbm>>) target(%arg9 : memref<125x128xf32, #tpu.memory_space<vmem>>) offsets(%dma_start3A_90 : memref<125xi32, #tpu.memory_space<vmem>>) semaphore(%arg12 : memref<!tpu.dma_semaphore, #tpu.memory_space<semaphore_mem>>)
    %scan3A_94 = arith.constant 0 : i32
    %scan3A_95 = arith.constant 0 : i32
    %scan3A_96 = arith.constant 20 : i32
    %scan3A_97 = arith.addi %scan3A_95, %scan3A_96 : i32
    %scan3A_98 = arith.constant 1 : i32
    scf.for %scan3A_164 = %scan3A_95 to %scan3A_97 step %scan3A_98  : i32 {
      %mul3A_165 = arith.constant 2 : i32
      %mul3A_166 = arith.muli %mul3A_165, %scan3A_164 : i32
      %gt3A = arith.constant 0 : i32
      %gt3A_167 = arith.cmpi sgt, %scan3A_164, %gt3A : i32
      %convert_element_type3A_168 = arith.extui %gt3A_167 : i1 to i32
      %cond3A_169 = arith.constant 0 : i32
      %cond3A_170 = arith.cmpi ne, %convert_element_type3A_168, %cond3A_169 : i32
      scf.if %cond3A_170 {
        %sub3A = arith.constant 1 : i32
        %sub3A_220 = arith.subi %mul3A_166, %sub3A : i32
        %dma_wait3A_221 = arith.constant 0 : i32
        %dma_wait3A_222 = tpu.memref_slice %arg8[%sub3A_220, %dma_wait3A_221] : memref<40x125xi32, #tpu.memory_space<vmem>> -> memref<1x125xi32, #tpu.memory_space<vmem>>
        %dma_wait3A_223 = tpu.memref_squeeze %dma_wait3A_222 : memref<1x125xi32, #tpu.memory_space<vmem>> -> memref<125xi32, #tpu.memory_space<vmem>>
        %dma_wait3A_224 = arith.constant 0 : i32
        %dma_wait3A_225 = arith.constant 0 : i32
        %dma_wait3A_226 = tpu.memref_slice %arg11[%dma_wait3A_224, %dma_wait3A_225] : memref<10000x128xf32, #tpu.memory_space<vmem_shared>> -> memref<10000x128xf32, #tpu.memory_space<vmem_shared>>
        tpu.wait_indirect_dma semaphore(%arg13 : memref<!tpu.dma_semaphore, #tpu.memory_space<semaphore_mem>>) src(%arg10 : memref<125x128xf32, #tpu.memory_space<vmem>>) dst(%dma_wait3A_226 : memref<10000x128xf32, #tpu.memory_space<vmem_shared>>)
      } else {
      }
      %add3A_171 = arith.constant 1 : i32
      %add3A_172 = arith.addi %mul3A_166, %add3A_171 : i32
      %dma_start3A_173 = arith.constant 0 : i32
      %dma_start3A_174 = tpu.memref_slice %arg7[%add3A_172, %dma_start3A_173] : memref<40x125xi32, #tpu.memory_space<vmem>> -> memref<1x125xi32, #tpu.memory_space<vmem>>
      %dma_start3A_175 = tpu.memref_squeeze %dma_start3A_174 : memref<1x125xi32, #tpu.memory_space<vmem>> -> memref<125xi32, #tpu.memory_space<vmem>>
      %dma_start3A_176 = arith.constant 0 : i32
      %dma_start3A_177 = arith.constant 0 : i32
      %dma_start3A_178 = tpu.memref_slice %arg2[%dma_start3A_176, %dma_start3A_177] : memref<10000x128xf32, #tpu.memory_space<hbm>> -> memref<10000x128xf32, #tpu.memory_space<hbm>>
      tpu.enqueue_indirect_dma source(%dma_start3A_178 : memref<10000x128xf32, #tpu.memory_space<hbm>>) target(%arg10 : memref<125x128xf32, #tpu.memory_space<vmem>>) offsets(%dma_start3A_175 : memref<125xi32, #tpu.memory_space<vmem>>) semaphore(%arg12 : memref<!tpu.dma_semaphore, #tpu.memory_space<semaphore_mem>>)
      %dma_wait3A_179 = arith.constant 0 : i32
      %dma_wait3A_180 = tpu.memref_slice %arg7[%mul3A_166, %dma_wait3A_179] : memref<40x125xi32, #tpu.memory_space<vmem>> -> memref<1x125xi32, #tpu.memory_space<vmem>>
      %dma_wait3A_181 = tpu.memref_squeeze %dma_wait3A_180 : memref<1x125xi32, #tpu.memory_space<vmem>> -> memref<125xi32, #tpu.memory_space<vmem>>
      %dma_wait3A_182 = arith.constant 0 : i32
      %dma_wait3A_183 = arith.constant 0 : i32
      %dma_wait3A_184 = tpu.memref_slice %arg2[%dma_wait3A_182, %dma_wait3A_183] : memref<10000x128xf32, #tpu.memory_space<hbm>> -> memref<10000x128xf32, #tpu.memory_space<hbm>>
      tpu.wait_indirect_dma semaphore(%arg12 : memref<!tpu.dma_semaphore, #tpu.memory_space<semaphore_mem>>) src(%dma_wait3A_184 : memref<10000x128xf32, #tpu.memory_space<hbm>>) dst(%arg9 : memref<125x128xf32, #tpu.memory_space<vmem>>)
      %dma_start3A_185 = arith.constant 0 : i32
      %dma_start3A_186 = tpu.memref_slice %arg8[%mul3A_166, %dma_start3A_185] : memref<40x125xi32, #tpu.memory_space<vmem>> -> memref<1x125xi32, #tpu.memory_space<vmem>>
      %dma_start3A_187 = tpu.memref_squeeze %dma_start3A_186 : memref<1x125xi32, #tpu.memory_space<vmem>> -> memref<125xi32, #tpu.memory_space<vmem>>
      %dma_start3A_188 = arith.constant 0 : i32
      %dma_start3A_189 = arith.constant 0 : i32
      %dma_start3A_190 = tpu.memref_slice %arg11[%dma_start3A_188, %dma_start3A_189] : memref<10000x128xf32, #tpu.memory_space<vmem_shared>> -> memref<10000x128xf32, #tpu.memory_space<vmem_shared>>
      tpu.enqueue_indirect_dma source(%arg9 : memref<125x128xf32, #tpu.memory_space<vmem>>) target(%dma_start3A_190 : memref<10000x128xf32, #tpu.memory_space<vmem_shared>>) offsets(%dma_start3A_187 : memref<125xi32, #tpu.memory_space<vmem>>) semaphore(%arg13 : memref<!tpu.dma_semaphore, #tpu.memory_space<semaphore_mem>>) {add = true}
      %dma_wait3A_191 = arith.constant 0 : i32
      %dma_wait3A_192 = tpu.memref_slice %arg8[%mul3A_166, %dma_wait3A_191] : memref<40x125xi32, #tpu.memory_space<vmem>> -> memref<1x125xi32, #tpu.memory_space<vmem>>
      %dma_wait3A_193 = tpu.memref_squeeze %dma_wait3A_192 : memref<1x125xi32, #tpu.memory_space<vmem>> -> memref<125xi32, #tpu.memory_space<vmem>>
      %dma_wait3A_194 = arith.constant 0 : i32
      %dma_wait3A_195 = arith.constant 0 : i32
      %dma_wait3A_196 = tpu.memref_slice %arg11[%dma_wait3A_194, %dma_wait3A_195] : memref<10000x128xf32, #tpu.memory_space<vmem_shared>> -> memref<10000x128xf32, #tpu.memory_space<vmem_shared>>
      tpu.wait_indirect_dma semaphore(%arg13 : memref<!tpu.dma_semaphore, #tpu.memory_space<semaphore_mem>>) src(%arg9 : memref<125x128xf32, #tpu.memory_space<vmem>>) dst(%dma_wait3A_196 : memref<10000x128xf32, #tpu.memory_space<vmem_shared>>)
      %add3A_197 = arith.constant 2 : i32
      %add3A_198 = arith.addi %mul3A_166, %add3A_197 : i32
      %lt3A_199 = arith.constant 40 : i32
      %lt3A_200 = arith.cmpi slt, %add3A_198, %lt3A_199 : i32
      %convert_element_type3A_201 = arith.extui %lt3A_200 : i1 to i32
      %cond3A_202 = arith.constant 0 : i32
      %cond3A_203 = arith.cmpi ne, %convert_element_type3A_201, %cond3A_202 : i32
      scf.if %cond3A_203 {
        %add3A_220 = arith.constant 2 : i32
        %add3A_221 = arith.addi %mul3A_166, %add3A_220 : i32
        %dma_start3A_222 = arith.constant 0 : i32
        %dma_start3A_223 = tpu.memref_slice %arg7[%add3A_221, %dma_start3A_222] : memref<40x125xi32, #tpu.memory_space<vmem>> -> memref<1x125xi32, #tpu.memory_space<vmem>>
        %dma_start3A_224 = tpu.memref_squeeze %dma_start3A_223 : memref<1x125xi32, #tpu.memory_space<vmem>> -> memref<125xi32, #tpu.memory_space<vmem>>
        %dma_start3A_225 = arith.constant 0 : i32
        %dma_start3A_226 = arith.constant 0 : i32
        %dma_start3A_227 = tpu.memref_slice %arg2[%dma_start3A_225, %dma_start3A_226] : memref<10000x128xf32, #tpu.memory_space<hbm>> -> memref<10000x128xf32, #tpu.memory_space<hbm>>
        tpu.enqueue_indirect_dma source(%dma_start3A_227 : memref<10000x128xf32, #tpu.memory_space<hbm>>) target(%arg9 : memref<125x128xf32, #tpu.memory_space<vmem>>) offsets(%dma_start3A_224 : memref<125xi32, #tpu.memory_space<vmem>>) semaphore(%arg12 : memref<!tpu.dma_semaphore, #tpu.memory_space<semaphore_mem>>)
      } else {
      }
      %add3A_204 = arith.constant 1 : i32
      %add3A_205 = arith.addi %mul3A_166, %add3A_204 : i32
      %dma_wait3A_206 = arith.constant 0 : i32
      %dma_wait3A_207 = tpu.memref_slice %arg7[%add3A_205, %dma_wait3A_206] : memref<40x125xi32, #tpu.memory_space<vmem>> -> memref<1x125xi32, #tpu.memory_space<vmem>>
      %dma_wait3A_208 = tpu.memref_squeeze %dma_wait3A_207 : memref<1x125xi32, #tpu.memory_space<vmem>> -> memref<125xi32, #tpu.memory_space<vmem>>
      %dma_wait3A_209 = arith.constant 0 : i32
      %dma_wait3A_210 = arith.constant 0 : i32
      %dma_wait3A_211 = tpu.memref_slice %arg2[%dma_wait3A_209, %dma_wait3A_210] : memref<10000x128xf32, #tpu.memory_space<hbm>> -> memref<10000x128xf32, #tpu.memory_space<hbm>>
      tpu.wait_indirect_dma semaphore(%arg12 : memref<!tpu.dma_semaphore, #tpu.memory_space<semaphore_mem>>) src(%dma_wait3A_211 : memref<10000x128xf32, #tpu.memory_space<hbm>>) dst(%arg10 : memref<125x128xf32, #tpu.memory_space<vmem>>)
      %add3A_212 = arith.constant 1 : i32
      %add3A_213 = arith.addi %mul3A_166, %add3A_212 : i32
      %dma_start3A_214 = arith.constant 0 : i32
      %dma_start3A_215 = tpu.memref_slice %arg8[%add3A_213, %dma_start3A_214] : memref<40x125xi32, #tpu.memory_space<vmem>> -> memref<1x125xi32, #tpu.memory_space<vmem>>
      %dma_start3A_216 = tpu.memref_squeeze %dma_start3A_215 : memref<1x125xi32, #tpu.memory_space<vmem>> -> memref<125xi32, #tpu.memory_space<vmem>>
      %dma_start3A_217 = arith.constant 0 : i32
      %dma_start3A_218 = arith.constant 0 : i32
      %dma_start3A_219 = tpu.memref_slice %arg11[%dma_start3A_217, %dma_start3A_218] : memref<10000x128xf32, #tpu.memory_space<vmem_shared>> -> memref<10000x128xf32, #tpu.memory_space<vmem_shared>>
      tpu.enqueue_indirect_dma source(%arg10 : memref<125x128xf32, #tpu.memory_space<vmem>>) target(%dma_start3A_219 : memref<10000x128xf32, #tpu.memory_space<vmem_shared>>) offsets(%dma_start3A_216 : memref<125xi32, #tpu.memory_space<vmem>>) semaphore(%arg13 : memref<!tpu.dma_semaphore, #tpu.memory_space<semaphore_mem>>) {add = true}
    }
    %scan3A_99 = arith.constant 20 : i32
    %dma_wait3A_100 = arith.constant 39 : i32
    %dma_wait3A_101 = arith.constant 0 : i32
    %dma_wait3A_102 = tpu.memref_slice %arg8[%dma_wait3A_100, %dma_wait3A_101] : memref<40x125xi32, #tpu.memory_space<vmem>> -> memref<1x125xi32, #tpu.memory_space<vmem>>
    %dma_wait3A_103 = tpu.memref_squeeze %dma_wait3A_102 : memref<1x125xi32, #tpu.memory_space<vmem>> -> memref<125xi32, #tpu.memory_space<vmem>>
    %dma_wait3A_104 = arith.constant 0 : i32
    %dma_wait3A_105 = arith.constant 0 : i32
    %dma_wait3A_106 = tpu.memref_slice %arg11[%dma_wait3A_104, %dma_wait3A_105] : memref<10000x128xf32, #tpu.memory_space<vmem_shared>> -> memref<10000x128xf32, #tpu.memory_space<vmem_shared>>
    tpu.wait_indirect_dma semaphore(%arg13 : memref<!tpu.dma_semaphore, #tpu.memory_space<semaphore_mem>>) src(%arg10 : memref<125x128xf32, #tpu.memory_space<vmem>>) dst(%dma_wait3A_106 : memref<10000x128xf32, #tpu.memory_space<vmem_shared>>)
    %barrier3A_107 = arith.constant 0 : index
    tpu.barrier barrier_id(%barrier3A_107)
    %add3A_108 = arith.constant 0 : i32
    %add3A_109 = arith.addi %arg1, %add3A_108 : i32
    %lt3A_110 = arith.constant 125 : i32
    %lt3A_111 = arith.cmpi slt, %add3A_109, %lt3A_110 : i32
    %convert_element_type3A_112 = arith.extui %lt3A_111 : i1 to i32
    %cond3A_113 = arith.constant 0 : i32
    %cond3A_114 = arith.cmpi ne, %convert_element_type3A_112, %cond3A_113 : i32
    scf.if %cond3A_114 {
      %mul3A_164 = arith.constant 80 : i32
      %mul3A_165 = arith.muli %add3A_109, %mul3A_164 : i32
      "tpu.region"() ({
        %run_scoped3A = tpu.sem_alloc : memref<!tpu.dma_semaphore, #tpu.memory_space<semaphore_mem>>
        %dma_start3A_166 = arith.constant 0 : i32
        %dma_start3A_167 = tpu.memref_slice %arg6[%arg0, %mul3A_165, %dma_start3A_166] : memref<2x10000x128xf32, #tpu.memory_space<hbm>> -> memref<1x80x128xf32, #tpu.memory_space<hbm>>
        %dma_start3A_168 = tpu.memref_squeeze %dma_start3A_167 : memref<1x80x128xf32, #tpu.memory_space<hbm>> -> memref<80x128xf32, #tpu.memory_space<hbm>>
        %dma_start3A_169 = arith.constant 0 : i32
        %dma_start3A_170 = tpu.memref_slice %arg11[%mul3A_165, %dma_start3A_169] : memref<10000x128xf32, #tpu.memory_space<vmem_shared>> -> memref<80x128xf32, #tpu.memory_space<vmem_shared>>
        tpu.enqueue_dma source(%dma_start3A_170 : memref<80x128xf32, #tpu.memory_space<vmem_shared>>) target(%dma_start3A_168 : memref<80x128xf32, #tpu.memory_space<hbm>>) target_semaphore(%run_scoped3A : memref<!tpu.dma_semaphore, #tpu.memory_space<semaphore_mem>>)
        %dma_wait3A_171 = arith.constant 0 : i32
        %dma_wait3A_172 = tpu.memref_slice %arg6[%arg0, %mul3A_165, %dma_wait3A_171] : memref<2x10000x128xf32, #tpu.memory_space<hbm>> -> memref<1x80x128xf32, #tpu.memory_space<hbm>>
        %dma_wait3A_173 = tpu.memref_squeeze %dma_wait3A_172 : memref<1x80x128xf32, #tpu.memory_space<hbm>> -> memref<80x128xf32, #tpu.memory_space<hbm>>
        %dma_wait3A_174 = arith.constant 0 : i32
        %dma_wait3A_175 = tpu.memref_slice %arg11[%mul3A_165, %dma_wait3A_174] : memref<10000x128xf32, #tpu.memory_space<vmem_shared>> -> memref<80x128xf32, #tpu.memory_space<vmem_shared>>
        tpu.wait_dma2 semaphore(%run_scoped3A : memref<!tpu.dma_semaphore, #tpu.memory_space<semaphore_mem>>) src(%dma_wait3A_175 : memref<80x128xf32, #tpu.memory_space<vmem_shared>>) dst(%dma_wait3A_173 : memref<80x128xf32, #tpu.memory_space<hbm>>)
        tpu.yield
      }) : () -> ()
    } else {
    }
    %add3A_115 = arith.constant 16 : i32
    %add3A_116 = arith.addi %arg1, %add3A_115 : i32
    %lt3A_117 = arith.constant 125 : i32
    %lt3A_118 = arith.cmpi slt, %add3A_116, %lt3A_117 : i32
    %convert_element_type3A_119 = arith.extui %lt3A_118 : i1 to i32
    %cond3A_120 = arith.constant 0 : i32
    %cond3A_121 = arith.cmpi ne, %convert_element_type3A_119, %cond3A_120 : i32
    scf.if %cond3A_121 {
      %mul3A_164 = arith.constant 80 : i32
      %mul3A_165 = arith.muli %add3A_116, %mul3A_164 : i32
      "tpu.region"() ({
        %run_scoped3A = tpu.sem_alloc : memref<!tpu.dma_semaphore, #tpu.memory_space<semaphore_mem>>
        %dma_start3A_166 = arith.constant 0 : i32
        %dma_start3A_167 = tpu.memref_slice %arg6[%arg0, %mul3A_165, %dma_start3A_166] : memref<2x10000x128xf32, #tpu.memory_space<hbm>> -> memref<1x80x128xf32, #tpu.memory_space<hbm>>
        %dma_start3A_168 = tpu.memref_squeeze %dma_start3A_167 : memref<1x80x128xf32, #tpu.memory_space<hbm>> -> memref<80x128xf32, #tpu.memory_space<hbm>>
        %dma_start3A_169 = arith.constant 0 : i32
        %dma_start3A_170 = tpu.memref_slice %arg11[%mul3A_165, %dma_start3A_169] : memref<10000x128xf32, #tpu.memory_space<vmem_shared>> -> memref<80x128xf32, #tpu.memory_space<vmem_shared>>
        tpu.enqueue_dma source(%dma_start3A_170 : memref<80x128xf32, #tpu.memory_space<vmem_shared>>) target(%dma_start3A_168 : memref<80x128xf32, #tpu.memory_space<hbm>>) target_semaphore(%run_scoped3A : memref<!tpu.dma_semaphore, #tpu.memory_space<semaphore_mem>>)
        %dma_wait3A_171 = arith.constant 0 : i32
        %dma_wait3A_172 = tpu.memref_slice %arg6[%arg0, %mul3A_165, %dma_wait3A_171] : memref<2x10000x128xf32, #tpu.memory_space<hbm>> -> memref<1x80x128xf32, #tpu.memory_space<hbm>>
        %dma_wait3A_173 = tpu.memref_squeeze %dma_wait3A_172 : memref<1x80x128xf32, #tpu.memory_space<hbm>> -> memref<80x128xf32, #tpu.memory_space<hbm>>
        %dma_wait3A_174 = arith.constant 0 : i32
        %dma_wait3A_175 = tpu.memref_slice %arg11[%mul3A_165, %dma_wait3A_174] : memref<10000x128xf32, #tpu.memory_space<vmem_shared>> -> memref<80x128xf32, #tpu.memory_space<vmem_shared>>
        tpu.wait_dma2 semaphore(%run_scoped3A : memref<!tpu.dma_semaphore, #tpu.memory_space<semaphore_mem>>) src(%dma_wait3A_175 : memref<80x128xf32, #tpu.memory_space<vmem_shared>>) dst(%dma_wait3A_173 : memref<80x128xf32, #tpu.memory_space<hbm>>)
        tpu.yield
      }) : () -> ()
    } else {
    }
    %add3A_122 = arith.constant 32 : i32
    %add3A_123 = arith.addi %arg1, %add3A_122 : i32
    %lt3A_124 = arith.constant 125 : i32
    %lt3A_125 = arith.cmpi slt, %add3A_123, %lt3A_124 : i32
    %convert_element_type3A_126 = arith.extui %lt3A_125 : i1 to i32
    %cond3A_127 = arith.constant 0 : i32
    %cond3A_128 = arith.cmpi ne, %convert_element_type3A_126, %cond3A_127 : i32
    scf.if %cond3A_128 {
      %mul3A_164 = arith.constant 80 : i32
      %mul3A_165 = arith.muli %add3A_123, %mul3A_164 : i32
      "tpu.region"() ({
        %run_scoped3A = tpu.sem_alloc : memref<!tpu.dma_semaphore, #tpu.memory_space<semaphore_mem>>
        %dma_start3A_166 = arith.constant 0 : i32
        %dma_start3A_167 = tpu.memref_slice %arg6[%arg0, %mul3A_165, %dma_start3A_166] : memref<2x10000x128xf32, #tpu.memory_space<hbm>> -> memref<1x80x128xf32, #tpu.memory_space<hbm>>
        %dma_start3A_168 = tpu.memref_squeeze %dma_start3A_167 : memref<1x80x128xf32, #tpu.memory_space<hbm>> -> memref<80x128xf32, #tpu.memory_space<hbm>>
        %dma_start3A_169 = arith.constant 0 : i32
        %dma_start3A_170 = tpu.memref_slice %arg11[%mul3A_165, %dma_start3A_169] : memref<10000x128xf32, #tpu.memory_space<vmem_shared>> -> memref<80x128xf32, #tpu.memory_space<vmem_shared>>
        tpu.enqueue_dma source(%dma_start3A_170 : memref<80x128xf32, #tpu.memory_space<vmem_shared>>) target(%dma_start3A_168 : memref<80x128xf32, #tpu.memory_space<hbm>>) target_semaphore(%run_scoped3A : memref<!tpu.dma_semaphore, #tpu.memory_space<semaphore_mem>>)
        %dma_wait3A_171 = arith.constant 0 : i32
        %dma_wait3A_172 = tpu.memref_slice %arg6[%arg0, %mul3A_165, %dma_wait3A_171] : memref<2x10000x128xf32, #tpu.memory_space<hbm>> -> memref<1x80x128xf32, #tpu.memory_space<hbm>>
        %dma_wait3A_173 = tpu.memref_squeeze %dma_wait3A_172 : memref<1x80x128xf32, #tpu.memory_space<hbm>> -> memref<80x128xf32, #tpu.memory_space<hbm>>
        %dma_wait3A_174 = arith.constant 0 : i32
        %dma_wait3A_175 = tpu.memref_slice %arg11[%mul3A_165, %dma_wait3A_174] : memref<10000x128xf32, #tpu.memory_space<vmem_shared>> -> memref<80x128xf32, #tpu.memory_space<vmem_shared>>
        tpu.wait_dma2 semaphore(%run_scoped3A : memref<!tpu.dma_semaphore, #tpu.memory_space<semaphore_mem>>) src(%dma_wait3A_175 : memref<80x128xf32, #tpu.memory_space<vmem_shared>>) dst(%dma_wait3A_173 : memref<80x128xf32, #tpu.memory_space<hbm>>)
        tpu.yield
      }) : () -> ()
    } else {
    }
    %add3A_129 = arith.constant 48 : i32
    %add3A_130 = arith.addi %arg1, %add3A_129 : i32
    %lt3A_131 = arith.constant 125 : i32
    %lt3A_132 = arith.cmpi slt, %add3A_130, %lt3A_131 : i32
    %convert_element_type3A_133 = arith.extui %lt3A_132 : i1 to i32
    %cond3A_134 = arith.constant 0 : i32
    %cond3A_135 = arith.cmpi ne, %convert_element_type3A_133, %cond3A_134 : i32
    scf.if %cond3A_135 {
      %mul3A_164 = arith.constant 80 : i32
      %mul3A_165 = arith.muli %add3A_130, %mul3A_164 : i32
      "tpu.region"() ({
        %run_scoped3A = tpu.sem_alloc : memref<!tpu.dma_semaphore, #tpu.memory_space<semaphore_mem>>
        %dma_start3A_166 = arith.constant 0 : i32
        %dma_start3A_167 = tpu.memref_slice %arg6[%arg0, %mul3A_165, %dma_start3A_166] : memref<2x10000x128xf32, #tpu.memory_space<hbm>> -> memref<1x80x128xf32, #tpu.memory_space<hbm>>
        %dma_start3A_168 = tpu.memref_squeeze %dma_start3A_167 : memref<1x80x128xf32, #tpu.memory_space<hbm>> -> memref<80x128xf32, #tpu.memory_space<hbm>>
        %dma_start3A_169 = arith.constant 0 : i32
        %dma_start3A_170 = tpu.memref_slice %arg11[%mul3A_165, %dma_start3A_169] : memref<10000x128xf32, #tpu.memory_space<vmem_shared>> -> memref<80x128xf32, #tpu.memory_space<vmem_shared>>
        tpu.enqueue_dma source(%dma_start3A_170 : memref<80x128xf32, #tpu.memory_space<vmem_shared>>) target(%dma_start3A_168 : memref<80x128xf32, #tpu.memory_space<hbm>>) target_semaphore(%run_scoped3A : memref<!tpu.dma_semaphore, #tpu.memory_space<semaphore_mem>>)
        %dma_wait3A_171 = arith.constant 0 : i32
        %dma_wait3A_172 = tpu.memref_slice %arg6[%arg0, %mul3A_165, %dma_wait3A_171] : memref<2x10000x128xf32, #tpu.memory_space<hbm>> -> memref<1x80x128xf32, #tpu.memory_space<hbm>>
        %dma_wait3A_173 = tpu.memref_squeeze %dma_wait3A_172 : memref<1x80x128xf32, #tpu.memory_space<hbm>> -> memref<80x128xf32, #tpu.memory_space<hbm>>
        %dma_wait3A_174 = arith.constant 0 : i32
        %dma_wait3A_175 = tpu.memref_slice %arg11[%mul3A_165, %dma_wait3A_174] : memref<10000x128xf32, #tpu.memory_space<vmem_shared>> -> memref<80x128xf32, #tpu.memory_space<vmem_shared>>
        tpu.wait_dma2 semaphore(%run_scoped3A : memref<!tpu.dma_semaphore, #tpu.memory_space<semaphore_mem>>) src(%dma_wait3A_175 : memref<80x128xf32, #tpu.memory_space<vmem_shared>>) dst(%dma_wait3A_173 : memref<80x128xf32, #tpu.memory_space<hbm>>)
        tpu.yield
      }) : () -> ()
    } else {
    }
    %add3A_136 = arith.constant 64 : i32
    %add3A_137 = arith.addi %arg1, %add3A_136 : i32
    %lt3A_138 = arith.constant 125 : i32
    %lt3A_139 = arith.cmpi slt, %add3A_137, %lt3A_138 : i32
    %convert_element_type3A_140 = arith.extui %lt3A_139 : i1 to i32
    %cond3A_141 = arith.constant 0 : i32
    %cond3A_142 = arith.cmpi ne, %convert_element_type3A_140, %cond3A_141 : i32
    scf.if %cond3A_142 {
      %mul3A_164 = arith.constant 80 : i32
      %mul3A_165 = arith.muli %add3A_137, %mul3A_164 : i32
      "tpu.region"() ({
        %run_scoped3A = tpu.sem_alloc : memref<!tpu.dma_semaphore, #tpu.memory_space<semaphore_mem>>
        %dma_start3A_166 = arith.constant 0 : i32
        %dma_start3A_167 = tpu.memref_slice %arg6[%arg0, %mul3A_165, %dma_start3A_166] : memref<2x10000x128xf32, #tpu.memory_space<hbm>> -> memref<1x80x128xf32, #tpu.memory_space<hbm>>
        %dma_start3A_168 = tpu.memref_squeeze %dma_start3A_167 : memref<1x80x128xf32, #tpu.memory_space<hbm>> -> memref<80x128xf32, #tpu.memory_space<hbm>>
        %dma_start3A_169 = arith.constant 0 : i32
        %dma_start3A_170 = tpu.memref_slice %arg11[%mul3A_165, %dma_start3A_169] : memref<10000x128xf32, #tpu.memory_space<vmem_shared>> -> memref<80x128xf32, #tpu.memory_space<vmem_shared>>
        tpu.enqueue_dma source(%dma_start3A_170 : memref<80x128xf32, #tpu.memory_space<vmem_shared>>) target(%dma_start3A_168 : memref<80x128xf32, #tpu.memory_space<hbm>>) target_semaphore(%run_scoped3A : memref<!tpu.dma_semaphore, #tpu.memory_space<semaphore_mem>>)
        %dma_wait3A_171 = arith.constant 0 : i32
        %dma_wait3A_172 = tpu.memref_slice %arg6[%arg0, %mul3A_165, %dma_wait3A_171] : memref<2x10000x128xf32, #tpu.memory_space<hbm>> -> memref<1x80x128xf32, #tpu.memory_space<hbm>>
        %dma_wait3A_173 = tpu.memref_squeeze %dma_wait3A_172 : memref<1x80x128xf32, #tpu.memory_space<hbm>> -> memref<80x128xf32, #tpu.memory_space<hbm>>
        %dma_wait3A_174 = arith.constant 0 : i32
        %dma_wait3A_175 = tpu.memref_slice %arg11[%mul3A_165, %dma_wait3A_174] : memref<10000x128xf32, #tpu.memory_space<vmem_shared>> -> memref<80x128xf32, #tpu.memory_space<vmem_shared>>
        tpu.wait_dma2 semaphore(%run_scoped3A : memref<!tpu.dma_semaphore, #tpu.memory_space<semaphore_mem>>) src(%dma_wait3A_175 : memref<80x128xf32, #tpu.memory_space<vmem_shared>>) dst(%dma_wait3A_173 : memref<80x128xf32, #tpu.memory_space<hbm>>)
        tpu.yield
      }) : () -> ()
    } else {
    }
    %add3A_143 = arith.constant 80 : i32
    %add3A_144 = arith.addi %arg1, %add3A_143 : i32
    %lt3A_145 = arith.constant 125 : i32
    %lt3A_146 = arith.cmpi slt, %add3A_144, %lt3A_145 : i32
    %convert_element_type3A_147 = arith.extui %lt3A_146 : i1 to i32
    %cond3A_148 = arith.constant 0 : i32
    %cond3A_149 = arith.cmpi ne, %convert_element_type3A_147, %cond3A_148 : i32
    scf.if %cond3A_149 {
      %mul3A_164 = arith.constant 80 : i32
      %mul3A_165 = arith.muli %add3A_144, %mul3A_164 : i32
      "tpu.region"() ({
        %run_scoped3A = tpu.sem_alloc : memref<!tpu.dma_semaphore, #tpu.memory_space<semaphore_mem>>
        %dma_start3A_166 = arith.constant 0 : i32
        %dma_start3A_167 = tpu.memref_slice %arg6[%arg0, %mul3A_165, %dma_start3A_166] : memref<2x10000x128xf32, #tpu.memory_space<hbm>> -> memref<1x80x128xf32, #tpu.memory_space<hbm>>
        %dma_start3A_168 = tpu.memref_squeeze %dma_start3A_167 : memref<1x80x128xf32, #tpu.memory_space<hbm>> -> memref<80x128xf32, #tpu.memory_space<hbm>>
        %dma_start3A_169 = arith.constant 0 : i32
        %dma_start3A_170 = tpu.memref_slice %arg11[%mul3A_165, %dma_start3A_169] : memref<10000x128xf32, #tpu.memory_space<vmem_shared>> -> memref<80x128xf32, #tpu.memory_space<vmem_shared>>
        tpu.enqueue_dma source(%dma_start3A_170 : memref<80x128xf32, #tpu.memory_space<vmem_shared>>) target(%dma_start3A_168 : memref<80x128xf32, #tpu.memory_space<hbm>>) target_semaphore(%run_scoped3A : memref<!tpu.dma_semaphore, #tpu.memory_space<semaphore_mem>>)
        %dma_wait3A_171 = arith.constant 0 : i32
        %dma_wait3A_172 = tpu.memref_slice %arg6[%arg0, %mul3A_165, %dma_wait3A_171] : memref<2x10000x128xf32, #tpu.memory_space<hbm>> -> memref<1x80x128xf32, #tpu.memory_space<hbm>>
        %dma_wait3A_173 = tpu.memref_squeeze %dma_wait3A_172 : memref<1x80x128xf32, #tpu.memory_space<hbm>> -> memref<80x128xf32, #tpu.memory_space<hbm>>
        %dma_wait3A_174 = arith.constant 0 : i32
        %dma_wait3A_175 = tpu.memref_slice %arg11[%mul3A_165, %dma_wait3A_174] : memref<10000x128xf32, #tpu.memory_space<vmem_shared>> -> memref<80x128xf32, #tpu.memory_space<vmem_shared>>
        tpu.wait_dma2 semaphore(%run_scoped3A : memref<!tpu.dma_semaphore, #tpu.memory_space<semaphore_mem>>) src(%dma_wait3A_175 : memref<80x128xf32, #tpu.memory_space<vmem_shared>>) dst(%dma_wait3A_173 : memref<80x128xf32, #tpu.memory_space<hbm>>)
        tpu.yield
      }) : () -> ()
    } else {
    }
    %add3A_150 = arith.constant 96 : i32
    %add3A_151 = arith.addi %arg1, %add3A_150 : i32
    %lt3A_152 = arith.constant 125 : i32
    %lt3A_153 = arith.cmpi slt, %add3A_151, %lt3A_152 : i32
    %convert_element_type3A_154 = arith.extui %lt3A_153 : i1 to i32
    %cond3A_155 = arith.constant 0 : i32
    %cond3A_156 = arith.cmpi ne, %convert_element_type3A_154, %cond3A_155 : i32
    scf.if %cond3A_156 {
      %mul3A_164 = arith.constant 80 : i32
      %mul3A_165 = arith.muli %add3A_151, %mul3A_164 : i32
      "tpu.region"() ({
        %run_scoped3A = tpu.sem_alloc : memref<!tpu.dma_semaphore, #tpu.memory_space<semaphore_mem>>
        %dma_start3A_166 = arith.constant 0 : i32
        %dma_start3A_167 = tpu.memref_slice %arg6[%arg0, %mul3A_165, %dma_start3A_166] : memref<2x10000x128xf32, #tpu.memory_space<hbm>> -> memref<1x80x128xf32, #tpu.memory_space<hbm>>
        %dma_start3A_168 = tpu.memref_squeeze %dma_start3A_167 : memref<1x80x128xf32, #tpu.memory_space<hbm>> -> memref<80x128xf32, #tpu.memory_space<hbm>>
        %dma_start3A_169 = arith.constant 0 : i32
        %dma_start3A_170 = tpu.memref_slice %arg11[%mul3A_165, %dma_start3A_169] : memref<10000x128xf32, #tpu.memory_space<vmem_shared>> -> memref<80x128xf32, #tpu.memory_space<vmem_shared>>
        tpu.enqueue_dma source(%dma_start3A_170 : memref<80x128xf32, #tpu.memory_space<vmem_shared>>) target(%dma_start3A_168 : memref<80x128xf32, #tpu.memory_space<hbm>>) target_semaphore(%run_scoped3A : memref<!tpu.dma_semaphore, #tpu.memory_space<semaphore_mem>>)
        %dma_wait3A_171 = arith.constant 0 : i32
        %dma_wait3A_172 = tpu.memref_slice %arg6[%arg0, %mul3A_165, %dma_wait3A_171] : memref<2x10000x128xf32, #tpu.memory_space<hbm>> -> memref<1x80x128xf32, #tpu.memory_space<hbm>>
        %dma_wait3A_173 = tpu.memref_squeeze %dma_wait3A_172 : memref<1x80x128xf32, #tpu.memory_space<hbm>> -> memref<80x128xf32, #tpu.memory_space<hbm>>
        %dma_wait3A_174 = arith.constant 0 : i32
        %dma_wait3A_175 = tpu.memref_slice %arg11[%mul3A_165, %dma_wait3A_174] : memref<10000x128xf32, #tpu.memory_space<vmem_shared>> -> memref<80x128xf32, #tpu.memory_space<vmem_shared>>
        tpu.wait_dma2 semaphore(%run_scoped3A : memref<!tpu.dma_semaphore, #tpu.memory_space<semaphore_mem>>) src(%dma_wait3A_175 : memref<80x128xf32, #tpu.memory_space<vmem_shared>>) dst(%dma_wait3A_173 : memref<80x128xf32, #tpu.memory_space<hbm>>)
        tpu.yield
      }) : () -> ()
    } else {
    }
    %add3A_157 = arith.constant 112 : i32
    %add3A_158 = arith.addi %arg1, %add3A_157 : i32
    %lt3A_159 = arith.constant 125 : i32
    %lt3A_160 = arith.cmpi slt, %add3A_158, %lt3A_159 : i32
    %convert_element_type3A_161 = arith.extui %lt3A_160 : i1 to i32
    %cond3A_162 = arith.constant 0 : i32
    %cond3A_163 = arith.cmpi ne, %convert_element_type3A_161, %cond3A_162 : i32
    scf.if %cond3A_163 {
      %mul3A_164 = arith.constant 80 : i32
      %mul3A_165 = arith.muli %add3A_158, %mul3A_164 : i32
      "tpu.region"() ({
        %run_scoped3A = tpu.sem_alloc : memref<!tpu.dma_semaphore, #tpu.memory_space<semaphore_mem>>
        %dma_start3A_166 = arith.constant 0 : i32
        %dma_start3A_167 = tpu.memref_slice %arg6[%arg0, %mul3A_165, %dma_start3A_166] : memref<2x10000x128xf32, #tpu.memory_space<hbm>> -> memref<1x80x128xf32, #tpu.memory_space<hbm>>
        %dma_start3A_168 = tpu.memref_squeeze %dma_start3A_167 : memref<1x80x128xf32, #tpu.memory_space<hbm>> -> memref<80x128xf32, #tpu.memory_space<hbm>>
        %dma_start3A_169 = arith.constant 0 : i32
        %dma_start3A_170 = tpu.memref_slice %arg11[%mul3A_165, %dma_start3A_169] : memref<10000x128xf32, #tpu.memory_space<vmem_shared>> -> memref<80x128xf32, #tpu.memory_space<vmem_shared>>
        tpu.enqueue_dma source(%dma_start3A_170 : memref<80x128xf32, #tpu.memory_space<vmem_shared>>) target(%dma_start3A_168 : memref<80x128xf32, #tpu.memory_space<hbm>>) target_semaphore(%run_scoped3A : memref<!tpu.dma_semaphore, #tpu.memory_space<semaphore_mem>>)
        %dma_wait3A_171 = arith.constant 0 : i32
        %dma_wait3A_172 = tpu.memref_slice %arg6[%arg0, %mul3A_165, %dma_wait3A_171] : memref<2x10000x128xf32, #tpu.memory_space<hbm>> -> memref<1x80x128xf32, #tpu.memory_space<hbm>>
        %dma_wait3A_173 = tpu.memref_squeeze %dma_wait3A_172 : memref<1x80x128xf32, #tpu.memory_space<hbm>> -> memref<80x128xf32, #tpu.memory_space<hbm>>
        %dma_wait3A_174 = arith.constant 0 : i32
        %dma_wait3A_175 = tpu.memref_slice %arg11[%mul3A_165, %dma_wait3A_174] : memref<10000x128xf32, #tpu.memory_space<vmem_shared>> -> memref<80x128xf32, #tpu.memory_space<vmem_shared>>
        tpu.wait_dma2 semaphore(%run_scoped3A : memref<!tpu.dma_semaphore, #tpu.memory_space<semaphore_mem>>) src(%dma_wait3A_175 : memref<80x128xf32, #tpu.memory_space<vmem_shared>>) dst(%dma_wait3A_173 : memref<80x128xf32, #tpu.memory_space<hbm>>)
        tpu.yield
      }) : () -> ()
    } else {
    }
    return
  }
}

#map = affine_map<(d0, d1) -> (0)>
#map1 = affine_map<(d0, d1) -> (0, 0)>
module attributes {stable_mosaic.version = 14 : i64} {
  func.func @_y0_body(%arg0: i32, %arg1: i32, %arg2: memref<10000xi32, #tpu.memory_space<hbm>>, %arg3: memref<128x128xf32, #tpu.memory_space<hbm>>, %arg4: memref<10000x128xf32, #tpu.memory_space<hbm>>, %arg5: memref<80xi32, #tpu.memory_space<vmem>>, %arg6: memref<80x128xf32, #tpu.memory_space<vmem>>, %arg7: memref<!tpu.dma_semaphore, #tpu.memory_space<semaphore_mem>>) attributes {dimension_semantics = [#tpu.dimension_semantics<core_parallel>, #tpu.dimension_semantics<subcore_parallel>], iteration_bounds = array<i64: 2, 16>, scalar_prefetch = 0 : i64, scratch_operands = 3 : i64, tpu.core_type = #tpu.core_type<sc_vector_subcore>, window_params = [{transform_indices = #map}, {transform_indices = #map1}, {transform_indices = #map1}]} {
    %mul3A = arith.constant 16 : i32
    %mul3A_0 = arith.muli %arg0, %mul3A : i32
    %add3A = arith.addi %mul3A_0, %arg1 : i32
    %add3A_1 = arith.constant 0 : i32
    %add3A_2 = arith.addi %add3A, %add3A_1 : i32
    %lt3A = arith.constant 125 : i32
    %lt3A_3 = arith.cmpi slt, %add3A_2, %lt3A : i32
    %convert_element_type3A = arith.extui %lt3A_3 : i1 to i32
    %cond3A = arith.constant 0 : i32
    %cond3A_4 = arith.cmpi ne, %convert_element_type3A, %cond3A : i32
    scf.if %cond3A_4 {
      %mul3A_26 = arith.constant 80 : i32
      %mul3A_27 = arith.muli %add3A_2, %mul3A_26 : i32
      "tpu.region"() ({
        %run_scoped3A = tpu.sem_alloc : memref<!tpu.dma_semaphore, #tpu.memory_space<semaphore_mem>>
        %dma_start3A_32 = tpu.memref_slice %arg2[%mul3A_27] : memref<10000xi32, #tpu.memory_space<hbm>> -> memref<80xi32, #tpu.memory_space<hbm>>
        %dma_start3A_33 = tpu.memref_slice %arg2[%mul3A_27] : memref<10000xi32, #tpu.memory_space<hbm>> -> memref<80xi32, #tpu.memory_space<hbm>>
        tpu.enqueue_dma source(%dma_start3A_33 : memref<80xi32, #tpu.memory_space<hbm>>) target(%arg5 : memref<80xi32, #tpu.memory_space<vmem>>) target_semaphore(%run_scoped3A : memref<!tpu.dma_semaphore, #tpu.memory_space<semaphore_mem>>)
        %dma_wait3A_34 = tpu.memref_slice %arg2[%mul3A_27] : memref<10000xi32, #tpu.memory_space<hbm>> -> memref<80xi32, #tpu.memory_space<hbm>>
        %dma_wait3A_35 = tpu.memref_slice %arg2[%mul3A_27] : memref<10000xi32, #tpu.memory_space<hbm>> -> memref<80xi32, #tpu.memory_space<hbm>>
        tpu.wait_dma2 semaphore(%run_scoped3A : memref<!tpu.dma_semaphore, #tpu.memory_space<semaphore_mem>>) src(%dma_wait3A_35 : memref<80xi32, #tpu.memory_space<hbm>>) dst(%arg5 : memref<80xi32, #tpu.memory_space<vmem>>)
        tpu.yield
      }) : () -> ()
      %dma_start3A = arith.constant 0 : i32
      %dma_start3A_28 = arith.constant 0 : i32
      %dma_start3A_29 = tpu.memref_slice %arg3[%dma_start3A, %dma_start3A_28] : memref<128x128xf32, #tpu.memory_space<hbm>> -> memref<128x128xf32, #tpu.memory_space<hbm>>
      tpu.enqueue_indirect_dma source(%dma_start3A_29 : memref<128x128xf32, #tpu.memory_space<hbm>>) target(%arg6 : memref<80x128xf32, #tpu.memory_space<vmem>>) offsets(%arg5 : memref<80xi32, #tpu.memory_space<vmem>>) semaphore(%arg7 : memref<!tpu.dma_semaphore, #tpu.memory_space<semaphore_mem>>)
      %dma_wait3A = arith.constant 0 : i32
      %dma_wait3A_30 = arith.constant 0 : i32
      %dma_wait3A_31 = tpu.memref_slice %arg3[%dma_wait3A, %dma_wait3A_30] : memref<128x128xf32, #tpu.memory_space<hbm>> -> memref<128x128xf32, #tpu.memory_space<hbm>>
      tpu.wait_indirect_dma semaphore(%arg7 : memref<!tpu.dma_semaphore, #tpu.memory_space<semaphore_mem>>) src(%dma_wait3A_31 : memref<128x128xf32, #tpu.memory_space<hbm>>) dst(%arg6 : memref<80x128xf32, #tpu.memory_space<vmem>>)
      "tpu.region"() ({
        %run_scoped3A = tpu.sem_alloc : memref<!tpu.dma_semaphore, #tpu.memory_space<semaphore_mem>>
        %dma_start3A_32 = arith.constant 0 : i32
        %dma_start3A_33 = tpu.memref_slice %arg4[%mul3A_27, %dma_start3A_32] : memref<10000x128xf32, #tpu.memory_space<hbm>> -> memref<80x128xf32, #tpu.memory_space<hbm>>
        %dma_start3A_34 = arith.constant 0 : i32
        %dma_start3A_35 = tpu.memref_slice %arg4[%mul3A_27, %dma_start3A_34] : memref<10000x128xf32, #tpu.memory_space<hbm>> -> memref<80x128xf32, #tpu.memory_space<hbm>>
        tpu.enqueue_dma source(%arg6 : memref<80x128xf32, #tpu.memory_space<vmem>>) target(%dma_start3A_35 : memref<80x128xf32, #tpu.memory_space<hbm>>) target_semaphore(%run_scoped3A : memref<!tpu.dma_semaphore, #tpu.memory_space<semaphore_mem>>)
        %dma_wait3A_36 = arith.constant 0 : i32
        %dma_wait3A_37 = tpu.memref_slice %arg4[%mul3A_27, %dma_wait3A_36] : memref<10000x128xf32, #tpu.memory_space<hbm>> -> memref<80x128xf32, #tpu.memory_space<hbm>>
        %dma_wait3A_38 = arith.constant 0 : i32
        %dma_wait3A_39 = tpu.memref_slice %arg4[%mul3A_27, %dma_wait3A_38] : memref<10000x128xf32, #tpu.memory_space<hbm>> -> memref<80x128xf32, #tpu.memory_space<hbm>>
        tpu.wait_dma2 semaphore(%run_scoped3A : memref<!tpu.dma_semaphore, #tpu.memory_space<semaphore_mem>>) src(%arg6 : memref<80x128xf32, #tpu.memory_space<vmem>>) dst(%dma_wait3A_39 : memref<80x128xf32, #tpu.memory_space<hbm>>)
        tpu.yield
      }) : () -> ()
    } else {
    }
    %add3A_5 = arith.constant 32 : i32
    %add3A_6 = arith.addi %add3A, %add3A_5 : i32
    %lt3A_7 = arith.constant 125 : i32
    %lt3A_8 = arith.cmpi slt, %add3A_6, %lt3A_7 : i32
    %convert_element_type3A_9 = arith.extui %lt3A_8 : i1 to i32
    %cond3A_10 = arith.constant 0 : i32
    %cond3A_11 = arith.cmpi ne, %convert_element_type3A_9, %cond3A_10 : i32
    scf.if %cond3A_11 {
      %mul3A_26 = arith.constant 80 : i32
      %mul3A_27 = arith.muli %add3A_6, %mul3A_26 : i32
      "tpu.region"() ({
        %run_scoped3A = tpu.sem_alloc : memref<!tpu.dma_semaphore, #tpu.memory_space<semaphore_mem>>
        %dma_start3A_32 = tpu.memref_slice %arg2[%mul3A_27] : memref<10000xi32, #tpu.memory_space<hbm>> -> memref<80xi32, #tpu.memory_space<hbm>>
        %dma_start3A_33 = tpu.memref_slice %arg2[%mul3A_27] : memref<10000xi32, #tpu.memory_space<hbm>> -> memref<80xi32, #tpu.memory_space<hbm>>
        tpu.enqueue_dma source(%dma_start3A_33 : memref<80xi32, #tpu.memory_space<hbm>>) target(%arg5 : memref<80xi32, #tpu.memory_space<vmem>>) target_semaphore(%run_scoped3A : memref<!tpu.dma_semaphore, #tpu.memory_space<semaphore_mem>>)
        %dma_wait3A_34 = tpu.memref_slice %arg2[%mul3A_27] : memref<10000xi32, #tpu.memory_space<hbm>> -> memref<80xi32, #tpu.memory_space<hbm>>
        %dma_wait3A_35 = tpu.memref_slice %arg2[%mul3A_27] : memref<10000xi32, #tpu.memory_space<hbm>> -> memref<80xi32, #tpu.memory_space<hbm>>
        tpu.wait_dma2 semaphore(%run_scoped3A : memref<!tpu.dma_semaphore, #tpu.memory_space<semaphore_mem>>) src(%dma_wait3A_35 : memref<80xi32, #tpu.memory_space<hbm>>) dst(%arg5 : memref<80xi32, #tpu.memory_space<vmem>>)
        tpu.yield
      }) : () -> ()
      %dma_start3A = arith.constant 0 : i32
      %dma_start3A_28 = arith.constant 0 : i32
      %dma_start3A_29 = tpu.memref_slice %arg3[%dma_start3A, %dma_start3A_28] : memref<128x128xf32, #tpu.memory_space<hbm>> -> memref<128x128xf32, #tpu.memory_space<hbm>>
      tpu.enqueue_indirect_dma source(%dma_start3A_29 : memref<128x128xf32, #tpu.memory_space<hbm>>) target(%arg6 : memref<80x128xf32, #tpu.memory_space<vmem>>) offsets(%arg5 : memref<80xi32, #tpu.memory_space<vmem>>) semaphore(%arg7 : memref<!tpu.dma_semaphore, #tpu.memory_space<semaphore_mem>>)
      %dma_wait3A = arith.constant 0 : i32
      %dma_wait3A_30 = arith.constant 0 : i32
      %dma_wait3A_31 = tpu.memref_slice %arg3[%dma_wait3A, %dma_wait3A_30] : memref<128x128xf32, #tpu.memory_space<hbm>> -> memref<128x128xf32, #tpu.memory_space<hbm>>
      tpu.wait_indirect_dma semaphore(%arg7 : memref<!tpu.dma_semaphore, #tpu.memory_space<semaphore_mem>>) src(%dma_wait3A_31 : memref<128x128xf32, #tpu.memory_space<hbm>>) dst(%arg6 : memref<80x128xf32, #tpu.memory_space<vmem>>)
      "tpu.region"() ({
        %run_scoped3A = tpu.sem_alloc : memref<!tpu.dma_semaphore, #tpu.memory_space<semaphore_mem>>
        %dma_start3A_32 = arith.constant 0 : i32
        %dma_start3A_33 = tpu.memref_slice %arg4[%mul3A_27, %dma_start3A_32] : memref<10000x128xf32, #tpu.memory_space<hbm>> -> memref<80x128xf32, #tpu.memory_space<hbm>>
        %dma_start3A_34 = arith.constant 0 : i32
        %dma_start3A_35 = tpu.memref_slice %arg4[%mul3A_27, %dma_start3A_34] : memref<10000x128xf32, #tpu.memory_space<hbm>> -> memref<80x128xf32, #tpu.memory_space<hbm>>
        tpu.enqueue_dma source(%arg6 : memref<80x128xf32, #tpu.memory_space<vmem>>) target(%dma_start3A_35 : memref<80x128xf32, #tpu.memory_space<hbm>>) target_semaphore(%run_scoped3A : memref<!tpu.dma_semaphore, #tpu.memory_space<semaphore_mem>>)
        %dma_wait3A_36 = arith.constant 0 : i32
        %dma_wait3A_37 = tpu.memref_slice %arg4[%mul3A_27, %dma_wait3A_36] : memref<10000x128xf32, #tpu.memory_space<hbm>> -> memref<80x128xf32, #tpu.memory_space<hbm>>
        %dma_wait3A_38 = arith.constant 0 : i32
        %dma_wait3A_39 = tpu.memref_slice %arg4[%mul3A_27, %dma_wait3A_38] : memref<10000x128xf32, #tpu.memory_space<hbm>> -> memref<80x128xf32, #tpu.memory_space<hbm>>
        tpu.wait_dma2 semaphore(%run_scoped3A : memref<!tpu.dma_semaphore, #tpu.memory_space<semaphore_mem>>) src(%arg6 : memref<80x128xf32, #tpu.memory_space<vmem>>) dst(%dma_wait3A_39 : memref<80x128xf32, #tpu.memory_space<hbm>>)
        tpu.yield
      }) : () -> ()
    } else {
    }
    %add3A_12 = arith.constant 64 : i32
    %add3A_13 = arith.addi %add3A, %add3A_12 : i32
    %lt3A_14 = arith.constant 125 : i32
    %lt3A_15 = arith.cmpi slt, %add3A_13, %lt3A_14 : i32
    %convert_element_type3A_16 = arith.extui %lt3A_15 : i1 to i32
    %cond3A_17 = arith.constant 0 : i32
    %cond3A_18 = arith.cmpi ne, %convert_element_type3A_16, %cond3A_17 : i32
    scf.if %cond3A_18 {
      %mul3A_26 = arith.constant 80 : i32
      %mul3A_27 = arith.muli %add3A_13, %mul3A_26 : i32
      "tpu.region"() ({
        %run_scoped3A = tpu.sem_alloc : memref<!tpu.dma_semaphore, #tpu.memory_space<semaphore_mem>>
        %dma_start3A_32 = tpu.memref_slice %arg2[%mul3A_27] : memref<10000xi32, #tpu.memory_space<hbm>> -> memref<80xi32, #tpu.memory_space<hbm>>
        %dma_start3A_33 = tpu.memref_slice %arg2[%mul3A_27] : memref<10000xi32, #tpu.memory_space<hbm>> -> memref<80xi32, #tpu.memory_space<hbm>>
        tpu.enqueue_dma source(%dma_start3A_33 : memref<80xi32, #tpu.memory_space<hbm>>) target(%arg5 : memref<80xi32, #tpu.memory_space<vmem>>) target_semaphore(%run_scoped3A : memref<!tpu.dma_semaphore, #tpu.memory_space<semaphore_mem>>)
        %dma_wait3A_34 = tpu.memref_slice %arg2[%mul3A_27] : memref<10000xi32, #tpu.memory_space<hbm>> -> memref<80xi32, #tpu.memory_space<hbm>>
        %dma_wait3A_35 = tpu.memref_slice %arg2[%mul3A_27] : memref<10000xi32, #tpu.memory_space<hbm>> -> memref<80xi32, #tpu.memory_space<hbm>>
        tpu.wait_dma2 semaphore(%run_scoped3A : memref<!tpu.dma_semaphore, #tpu.memory_space<semaphore_mem>>) src(%dma_wait3A_35 : memref<80xi32, #tpu.memory_space<hbm>>) dst(%arg5 : memref<80xi32, #tpu.memory_space<vmem>>)
        tpu.yield
      }) : () -> ()
      %dma_start3A = arith.constant 0 : i32
      %dma_start3A_28 = arith.constant 0 : i32
      %dma_start3A_29 = tpu.memref_slice %arg3[%dma_start3A, %dma_start3A_28] : memref<128x128xf32, #tpu.memory_space<hbm>> -> memref<128x128xf32, #tpu.memory_space<hbm>>
      tpu.enqueue_indirect_dma source(%dma_start3A_29 : memref<128x128xf32, #tpu.memory_space<hbm>>) target(%arg6 : memref<80x128xf32, #tpu.memory_space<vmem>>) offsets(%arg5 : memref<80xi32, #tpu.memory_space<vmem>>) semaphore(%arg7 : memref<!tpu.dma_semaphore, #tpu.memory_space<semaphore_mem>>)
      %dma_wait3A = arith.constant 0 : i32
      %dma_wait3A_30 = arith.constant 0 : i32
      %dma_wait3A_31 = tpu.memref_slice %arg3[%dma_wait3A, %dma_wait3A_30] : memref<128x128xf32, #tpu.memory_space<hbm>> -> memref<128x128xf32, #tpu.memory_space<hbm>>
      tpu.wait_indirect_dma semaphore(%arg7 : memref<!tpu.dma_semaphore, #tpu.memory_space<semaphore_mem>>) src(%dma_wait3A_31 : memref<128x128xf32, #tpu.memory_space<hbm>>) dst(%arg6 : memref<80x128xf32, #tpu.memory_space<vmem>>)
      "tpu.region"() ({
        %run_scoped3A = tpu.sem_alloc : memref<!tpu.dma_semaphore, #tpu.memory_space<semaphore_mem>>
        %dma_start3A_32 = arith.constant 0 : i32
        %dma_start3A_33 = tpu.memref_slice %arg4[%mul3A_27, %dma_start3A_32] : memref<10000x128xf32, #tpu.memory_space<hbm>> -> memref<80x128xf32, #tpu.memory_space<hbm>>
        %dma_start3A_34 = arith.constant 0 : i32
        %dma_start3A_35 = tpu.memref_slice %arg4[%mul3A_27, %dma_start3A_34] : memref<10000x128xf32, #tpu.memory_space<hbm>> -> memref<80x128xf32, #tpu.memory_space<hbm>>
        tpu.enqueue_dma source(%arg6 : memref<80x128xf32, #tpu.memory_space<vmem>>) target(%dma_start3A_35 : memref<80x128xf32, #tpu.memory_space<hbm>>) target_semaphore(%run_scoped3A : memref<!tpu.dma_semaphore, #tpu.memory_space<semaphore_mem>>)
        %dma_wait3A_36 = arith.constant 0 : i32
        %dma_wait3A_37 = tpu.memref_slice %arg4[%mul3A_27, %dma_wait3A_36] : memref<10000x128xf32, #tpu.memory_space<hbm>> -> memref<80x128xf32, #tpu.memory_space<hbm>>
        %dma_wait3A_38 = arith.constant 0 : i32
        %dma_wait3A_39 = tpu.memref_slice %arg4[%mul3A_27, %dma_wait3A_38] : memref<10000x128xf32, #tpu.memory_space<hbm>> -> memref<80x128xf32, #tpu.memory_space<hbm>>
        tpu.wait_dma2 semaphore(%run_scoped3A : memref<!tpu.dma_semaphore, #tpu.memory_space<semaphore_mem>>) src(%arg6 : memref<80x128xf32, #tpu.memory_space<vmem>>) dst(%dma_wait3A_39 : memref<80x128xf32, #tpu.memory_space<hbm>>)
        tpu.yield
      }) : () -> ()
    } else {
    }
    %add3A_19 = arith.constant 96 : i32
    %add3A_20 = arith.addi %add3A, %add3A_19 : i32
    %lt3A_21 = arith.constant 125 : i32
    %lt3A_22 = arith.cmpi slt, %add3A_20, %lt3A_21 : i32
    %convert_element_type3A_23 = arith.extui %lt3A_22 : i1 to i32
    %cond3A_24 = arith.constant 0 : i32
    %cond3A_25 = arith.cmpi ne, %convert_element_type3A_23, %cond3A_24 : i32
    scf.if %cond3A_25 {
      %mul3A_26 = arith.constant 80 : i32
      %mul3A_27 = arith.muli %add3A_20, %mul3A_26 : i32
      "tpu.region"() ({
        %run_scoped3A = tpu.sem_alloc : memref<!tpu.dma_semaphore, #tpu.memory_space<semaphore_mem>>
        %dma_start3A_32 = tpu.memref_slice %arg2[%mul3A_27] : memref<10000xi32, #tpu.memory_space<hbm>> -> memref<80xi32, #tpu.memory_space<hbm>>
        %dma_start3A_33 = tpu.memref_slice %arg2[%mul3A_27] : memref<10000xi32, #tpu.memory_space<hbm>> -> memref<80xi32, #tpu.memory_space<hbm>>
        tpu.enqueue_dma source(%dma_start3A_33 : memref<80xi32, #tpu.memory_space<hbm>>) target(%arg5 : memref<80xi32, #tpu.memory_space<vmem>>) target_semaphore(%run_scoped3A : memref<!tpu.dma_semaphore, #tpu.memory_space<semaphore_mem>>)
        %dma_wait3A_34 = tpu.memref_slice %arg2[%mul3A_27] : memref<10000xi32, #tpu.memory_space<hbm>> -> memref<80xi32, #tpu.memory_space<hbm>>
        %dma_wait3A_35 = tpu.memref_slice %arg2[%mul3A_27] : memref<10000xi32, #tpu.memory_space<hbm>> -> memref<80xi32, #tpu.memory_space<hbm>>
        tpu.wait_dma2 semaphore(%run_scoped3A : memref<!tpu.dma_semaphore, #tpu.memory_space<semaphore_mem>>) src(%dma_wait3A_35 : memref<80xi32, #tpu.memory_space<hbm>>) dst(%arg5 : memref<80xi32, #tpu.memory_space<vmem>>)
        tpu.yield
      }) : () -> ()
      %dma_start3A = arith.constant 0 : i32
      %dma_start3A_28 = arith.constant 0 : i32
      %dma_start3A_29 = tpu.memref_slice %arg3[%dma_start3A, %dma_start3A_28] : memref<128x128xf32, #tpu.memory_space<hbm>> -> memref<128x128xf32, #tpu.memory_space<hbm>>
      tpu.enqueue_indirect_dma source(%dma_start3A_29 : memref<128x128xf32, #tpu.memory_space<hbm>>) target(%arg6 : memref<80x128xf32, #tpu.memory_space<vmem>>) offsets(%arg5 : memref<80xi32, #tpu.memory_space<vmem>>) semaphore(%arg7 : memref<!tpu.dma_semaphore, #tpu.memory_space<semaphore_mem>>)
      %dma_wait3A = arith.constant 0 : i32
      %dma_wait3A_30 = arith.constant 0 : i32
      %dma_wait3A_31 = tpu.memref_slice %arg3[%dma_wait3A, %dma_wait3A_30] : memref<128x128xf32, #tpu.memory_space<hbm>> -> memref<128x128xf32, #tpu.memory_space<hbm>>
      tpu.wait_indirect_dma semaphore(%arg7 : memref<!tpu.dma_semaphore, #tpu.memory_space<semaphore_mem>>) src(%dma_wait3A_31 : memref<128x128xf32, #tpu.memory_space<hbm>>) dst(%arg6 : memref<80x128xf32, #tpu.memory_space<vmem>>)
      "tpu.region"() ({
        %run_scoped3A = tpu.sem_alloc : memref<!tpu.dma_semaphore, #tpu.memory_space<semaphore_mem>>
        %dma_start3A_32 = arith.constant 0 : i32
        %dma_start3A_33 = tpu.memref_slice %arg4[%mul3A_27, %dma_start3A_32] : memref<10000x128xf32, #tpu.memory_space<hbm>> -> memref<80x128xf32, #tpu.memory_space<hbm>>
        %dma_start3A_34 = arith.constant 0 : i32
        %dma_start3A_35 = tpu.memref_slice %arg4[%mul3A_27, %dma_start3A_34] : memref<10000x128xf32, #tpu.memory_space<hbm>> -> memref<80x128xf32, #tpu.memory_space<hbm>>
        tpu.enqueue_dma source(%arg6 : memref<80x128xf32, #tpu.memory_space<vmem>>) target(%dma_start3A_35 : memref<80x128xf32, #tpu.memory_space<hbm>>) target_semaphore(%run_scoped3A : memref<!tpu.dma_semaphore, #tpu.memory_space<semaphore_mem>>)
        %dma_wait3A_36 = arith.constant 0 : i32
        %dma_wait3A_37 = tpu.memref_slice %arg4[%mul3A_27, %dma_wait3A_36] : memref<10000x128xf32, #tpu.memory_space<hbm>> -> memref<80x128xf32, #tpu.memory_space<hbm>>
        %dma_wait3A_38 = arith.constant 0 : i32
        %dma_wait3A_39 = tpu.memref_slice %arg4[%mul3A_27, %dma_wait3A_38] : memref<10000x128xf32, #tpu.memory_space<hbm>> -> memref<80x128xf32, #tpu.memory_space<hbm>>
        tpu.wait_dma2 semaphore(%run_scoped3A : memref<!tpu.dma_semaphore, #tpu.memory_space<semaphore_mem>>) src(%arg6 : memref<80x128xf32, #tpu.memory_space<vmem>>) dst(%dma_wait3A_39 : memref<80x128xf32, #tpu.memory_space<hbm>>)
        tpu.yield
      }) : () -> ()
    } else {
    }
    return
  }
}

#map = affine_map<(d0, d1) -> (0, 0)>
#map1 = affine_map<(d0, d1) -> (0, 0, 0)>
module attributes {stable_mosaic.version = 14 : i64} {
  func.func @_msgpass_body(%arg0: i32, %arg1: i32, %arg2: memref<10000x128xf32, #tpu.memory_space<hbm>>, %arg3: memref<2560x125xi32, #tpu.memory_space<hbm>>, %arg4: memref<2560x125xi32, #tpu.memory_space<hbm>>, %arg5: memref<10000x128xf32, #tpu.memory_space<hbm>>, %arg6: memref<2x10000x128xf32, #tpu.memory_space<hbm>>, %arg7: memref<40x125xi32, #tpu.memory_space<vmem>>, %arg8: memref<40x125xi32, #tpu.memory_space<vmem>>, %arg9: memref<125x128xf32, #tpu.memory_space<vmem>>, %arg10: memref<125x128xf32, #tpu.memory_space<vmem>>, %arg11: memref<10000x128xf32, #tpu.memory_space<vmem_shared>>, %arg12: memref<!tpu.dma_semaphore, #tpu.memory_space<semaphore_mem>>, %arg13: memref<!tpu.dma_semaphore, #tpu.memory_space<semaphore_mem>>) attributes {dimension_semantics = [#tpu.dimension_semantics<core_parallel>, #tpu.dimension_semantics<subcore_parallel>], iteration_bounds = array<i64: 2, 16>, scalar_prefetch = 0 : i64, scratch_operands = 7 : i64, tpu.core_type = #tpu.core_type<sc_vector_subcore>, window_params = [{transform_indices = #map}, {transform_indices = #map}, {transform_indices = #map}, {transform_indices = #map}, {transform_indices = #map1}]} {
    %mul3A = arith.constant 16 : i32
    %mul3A_0 = arith.muli %arg0, %mul3A : i32
    %add3A = arith.addi %mul3A_0, %arg1 : i32
    %add3A_1 = arith.constant 0 : i32
    %add3A_2 = arith.addi %arg1, %add3A_1 : i32
    %lt3A = arith.constant 125 : i32
    %lt3A_3 = arith.cmpi slt, %add3A_2, %lt3A : i32
    %convert_element_type3A = arith.extui %lt3A_3 : i1 to i32
    %cond3A = arith.constant 0 : i32
    %cond3A_4 = arith.cmpi ne, %convert_element_type3A, %cond3A : i32
    scf.if %cond3A_4 {
      %mul3A_164 = arith.constant 80 : i32
      %mul3A_165 = arith.muli %add3A_2, %mul3A_164 : i32
      "tpu.region"() ({
        %run_scoped3A = tpu.sem_alloc : memref<!tpu.dma_semaphore, #tpu.memory_space<semaphore_mem>>
        %dma_start3A_166 = arith.constant 0 : i32
        %dma_start3A_167 = tpu.memref_slice %arg11[%mul3A_165, %dma_start3A_166] : memref<10000x128xf32, #tpu.memory_space<vmem_shared>> -> memref<80x128xf32, #tpu.memory_space<vmem_shared>>
        %dma_start3A_168 = arith.constant 0 : i32
        %dma_start3A_169 = tpu.memref_slice %arg5[%mul3A_165, %dma_start3A_168] : memref<10000x128xf32, #tpu.memory_space<hbm>> -> memref<80x128xf32, #tpu.memory_space<hbm>>
        tpu.enqueue_dma source(%dma_start3A_169 : memref<80x128xf32, #tpu.memory_space<hbm>>) target(%dma_start3A_167 : memref<80x128xf32, #tpu.memory_space<vmem_shared>>) target_semaphore(%run_scoped3A : memref<!tpu.dma_semaphore, #tpu.memory_space<semaphore_mem>>)
        %dma_wait3A_170 = arith.constant 0 : i32
        %dma_wait3A_171 = tpu.memref_slice %arg11[%mul3A_165, %dma_wait3A_170] : memref<10000x128xf32, #tpu.memory_space<vmem_shared>> -> memref<80x128xf32, #tpu.memory_space<vmem_shared>>
        %dma_wait3A_172 = arith.constant 0 : i32
        %dma_wait3A_173 = tpu.memref_slice %arg5[%mul3A_165, %dma_wait3A_172] : memref<10000x128xf32, #tpu.memory_space<hbm>> -> memref<80x128xf32, #tpu.memory_space<hbm>>
        tpu.wait_dma2 semaphore(%run_scoped3A : memref<!tpu.dma_semaphore, #tpu.memory_space<semaphore_mem>>) src(%dma_wait3A_173 : memref<80x128xf32, #tpu.memory_space<hbm>>) dst(%dma_wait3A_171 : memref<80x128xf32, #tpu.memory_space<vmem_shared>>)
        tpu.yield
      }) : () -> ()
    } else {
    }
    %add3A_5 = arith.constant 16 : i32
    %add3A_6 = arith.addi %arg1, %add3A_5 : i32
    %lt3A_7 = arith.constant 125 : i32
    %lt3A_8 = arith.cmpi slt, %add3A_6, %lt3A_7 : i32
    %convert_element_type3A_9 = arith.extui %lt3A_8 : i1 to i32
    %cond3A_10 = arith.constant 0 : i32
    %cond3A_11 = arith.cmpi ne, %convert_element_type3A_9, %cond3A_10 : i32
    scf.if %cond3A_11 {
      %mul3A_164 = arith.constant 80 : i32
      %mul3A_165 = arith.muli %add3A_6, %mul3A_164 : i32
      "tpu.region"() ({
        %run_scoped3A = tpu.sem_alloc : memref<!tpu.dma_semaphore, #tpu.memory_space<semaphore_mem>>
        %dma_start3A_166 = arith.constant 0 : i32
        %dma_start3A_167 = tpu.memref_slice %arg11[%mul3A_165, %dma_start3A_166] : memref<10000x128xf32, #tpu.memory_space<vmem_shared>> -> memref<80x128xf32, #tpu.memory_space<vmem_shared>>
        %dma_start3A_168 = arith.constant 0 : i32
        %dma_start3A_169 = tpu.memref_slice %arg5[%mul3A_165, %dma_start3A_168] : memref<10000x128xf32, #tpu.memory_space<hbm>> -> memref<80x128xf32, #tpu.memory_space<hbm>>
        tpu.enqueue_dma source(%dma_start3A_169 : memref<80x128xf32, #tpu.memory_space<hbm>>) target(%dma_start3A_167 : memref<80x128xf32, #tpu.memory_space<vmem_shared>>) target_semaphore(%run_scoped3A : memref<!tpu.dma_semaphore, #tpu.memory_space<semaphore_mem>>)
        %dma_wait3A_170 = arith.constant 0 : i32
        %dma_wait3A_171 = tpu.memref_slice %arg11[%mul3A_165, %dma_wait3A_170] : memref<10000x128xf32, #tpu.memory_space<vmem_shared>> -> memref<80x128xf32, #tpu.memory_space<vmem_shared>>
        %dma_wait3A_172 = arith.constant 0 : i32
        %dma_wait3A_173 = tpu.memref_slice %arg5[%mul3A_165, %dma_wait3A_172] : memref<10000x128xf32, #tpu.memory_space<hbm>> -> memref<80x128xf32, #tpu.memory_space<hbm>>
        tpu.wait_dma2 semaphore(%run_scoped3A : memref<!tpu.dma_semaphore, #tpu.memory_space<semaphore_mem>>) src(%dma_wait3A_173 : memref<80x128xf32, #tpu.memory_space<hbm>>) dst(%dma_wait3A_171 : memref<80x128xf32, #tpu.memory_space<vmem_shared>>)
        tpu.yield
      }) : () -> ()
    } else {
    }
    %add3A_12 = arith.constant 32 : i32
    %add3A_13 = arith.addi %arg1, %add3A_12 : i32
    %lt3A_14 = arith.constant 125 : i32
    %lt3A_15 = arith.cmpi slt, %add3A_13, %lt3A_14 : i32
    %convert_element_type3A_16 = arith.extui %lt3A_15 : i1 to i32
    %cond3A_17 = arith.constant 0 : i32
    %cond3A_18 = arith.cmpi ne, %convert_element_type3A_16, %cond3A_17 : i32
    scf.if %cond3A_18 {
      %mul3A_164 = arith.constant 80 : i32
      %mul3A_165 = arith.muli %add3A_13, %mul3A_164 : i32
      "tpu.region"() ({
        %run_scoped3A = tpu.sem_alloc : memref<!tpu.dma_semaphore, #tpu.memory_space<semaphore_mem>>
        %dma_start3A_166 = arith.constant 0 : i32
        %dma_start3A_167 = tpu.memref_slice %arg11[%mul3A_165, %dma_start3A_166] : memref<10000x128xf32, #tpu.memory_space<vmem_shared>> -> memref<80x128xf32, #tpu.memory_space<vmem_shared>>
        %dma_start3A_168 = arith.constant 0 : i32
        %dma_start3A_169 = tpu.memref_slice %arg5[%mul3A_165, %dma_start3A_168] : memref<10000x128xf32, #tpu.memory_space<hbm>> -> memref<80x128xf32, #tpu.memory_space<hbm>>
        tpu.enqueue_dma source(%dma_start3A_169 : memref<80x128xf32, #tpu.memory_space<hbm>>) target(%dma_start3A_167 : memref<80x128xf32, #tpu.memory_space<vmem_shared>>) target_semaphore(%run_scoped3A : memref<!tpu.dma_semaphore, #tpu.memory_space<semaphore_mem>>)
        %dma_wait3A_170 = arith.constant 0 : i32
        %dma_wait3A_171 = tpu.memref_slice %arg11[%mul3A_165, %dma_wait3A_170] : memref<10000x128xf32, #tpu.memory_space<vmem_shared>> -> memref<80x128xf32, #tpu.memory_space<vmem_shared>>
        %dma_wait3A_172 = arith.constant 0 : i32
        %dma_wait3A_173 = tpu.memref_slice %arg5[%mul3A_165, %dma_wait3A_172] : memref<10000x128xf32, #tpu.memory_space<hbm>> -> memref<80x128xf32, #tpu.memory_space<hbm>>
        tpu.wait_dma2 semaphore(%run_scoped3A : memref<!tpu.dma_semaphore, #tpu.memory_space<semaphore_mem>>) src(%dma_wait3A_173 : memref<80x128xf32, #tpu.memory_space<hbm>>) dst(%dma_wait3A_171 : memref<80x128xf32, #tpu.memory_space<vmem_shared>>)
        tpu.yield
      }) : () -> ()
    } else {
    }
    %add3A_19 = arith.constant 48 : i32
    %add3A_20 = arith.addi %arg1, %add3A_19 : i32
    %lt3A_21 = arith.constant 125 : i32
    %lt3A_22 = arith.cmpi slt, %add3A_20, %lt3A_21 : i32
    %convert_element_type3A_23 = arith.extui %lt3A_22 : i1 to i32
    %cond3A_24 = arith.constant 0 : i32
    %cond3A_25 = arith.cmpi ne, %convert_element_type3A_23, %cond3A_24 : i32
    scf.if %cond3A_25 {
      %mul3A_164 = arith.constant 80 : i32
      %mul3A_165 = arith.muli %add3A_20, %mul3A_164 : i32
      "tpu.region"() ({
        %run_scoped3A = tpu.sem_alloc : memref<!tpu.dma_semaphore, #tpu.memory_space<semaphore_mem>>
        %dma_start3A_166 = arith.constant 0 : i32
        %dma_start3A_167 = tpu.memref_slice %arg11[%mul3A_165, %dma_start3A_166] : memref<10000x128xf32, #tpu.memory_space<vmem_shared>> -> memref<80x128xf32, #tpu.memory_space<vmem_shared>>
        %dma_start3A_168 = arith.constant 0 : i32
        %dma_start3A_169 = tpu.memref_slice %arg5[%mul3A_165, %dma_start3A_168] : memref<10000x128xf32, #tpu.memory_space<hbm>> -> memref<80x128xf32, #tpu.memory_space<hbm>>
        tpu.enqueue_dma source(%dma_start3A_169 : memref<80x128xf32, #tpu.memory_space<hbm>>) target(%dma_start3A_167 : memref<80x128xf32, #tpu.memory_space<vmem_shared>>) target_semaphore(%run_scoped3A : memref<!tpu.dma_semaphore, #tpu.memory_space<semaphore_mem>>)
        %dma_wait3A_170 = arith.constant 0 : i32
        %dma_wait3A_171 = tpu.memref_slice %arg11[%mul3A_165, %dma_wait3A_170] : memref<10000x128xf32, #tpu.memory_space<vmem_shared>> -> memref<80x128xf32, #tpu.memory_space<vmem_shared>>
        %dma_wait3A_172 = arith.constant 0 : i32
        %dma_wait3A_173 = tpu.memref_slice %arg5[%mul3A_165, %dma_wait3A_172] : memref<10000x128xf32, #tpu.memory_space<hbm>> -> memref<80x128xf32, #tpu.memory_space<hbm>>
        tpu.wait_dma2 semaphore(%run_scoped3A : memref<!tpu.dma_semaphore, #tpu.memory_space<semaphore_mem>>) src(%dma_wait3A_173 : memref<80x128xf32, #tpu.memory_space<hbm>>) dst(%dma_wait3A_171 : memref<80x128xf32, #tpu.memory_space<vmem_shared>>)
        tpu.yield
      }) : () -> ()
    } else {
    }
    %add3A_26 = arith.constant 64 : i32
    %add3A_27 = arith.addi %arg1, %add3A_26 : i32
    %lt3A_28 = arith.constant 125 : i32
    %lt3A_29 = arith.cmpi slt, %add3A_27, %lt3A_28 : i32
    %convert_element_type3A_30 = arith.extui %lt3A_29 : i1 to i32
    %cond3A_31 = arith.constant 0 : i32
    %cond3A_32 = arith.cmpi ne, %convert_element_type3A_30, %cond3A_31 : i32
    scf.if %cond3A_32 {
      %mul3A_164 = arith.constant 80 : i32
      %mul3A_165 = arith.muli %add3A_27, %mul3A_164 : i32
      "tpu.region"() ({
        %run_scoped3A = tpu.sem_alloc : memref<!tpu.dma_semaphore, #tpu.memory_space<semaphore_mem>>
        %dma_start3A_166 = arith.constant 0 : i32
        %dma_start3A_167 = tpu.memref_slice %arg11[%mul3A_165, %dma_start3A_166] : memref<10000x128xf32, #tpu.memory_space<vmem_shared>> -> memref<80x128xf32, #tpu.memory_space<vmem_shared>>
        %dma_start3A_168 = arith.constant 0 : i32
        %dma_start3A_169 = tpu.memref_slice %arg5[%mul3A_165, %dma_start3A_168] : memref<10000x128xf32, #tpu.memory_space<hbm>> -> memref<80x128xf32, #tpu.memory_space<hbm>>
        tpu.enqueue_dma source(%dma_start3A_169 : memref<80x128xf32, #tpu.memory_space<hbm>>) target(%dma_start3A_167 : memref<80x128xf32, #tpu.memory_space<vmem_shared>>) target_semaphore(%run_scoped3A : memref<!tpu.dma_semaphore, #tpu.memory_space<semaphore_mem>>)
        %dma_wait3A_170 = arith.constant 0 : i32
        %dma_wait3A_171 = tpu.memref_slice %arg11[%mul3A_165, %dma_wait3A_170] : memref<10000x128xf32, #tpu.memory_space<vmem_shared>> -> memref<80x128xf32, #tpu.memory_space<vmem_shared>>
        %dma_wait3A_172 = arith.constant 0 : i32
        %dma_wait3A_173 = tpu.memref_slice %arg5[%mul3A_165, %dma_wait3A_172] : memref<10000x128xf32, #tpu.memory_space<hbm>> -> memref<80x128xf32, #tpu.memory_space<hbm>>
        tpu.wait_dma2 semaphore(%run_scoped3A : memref<!tpu.dma_semaphore, #tpu.memory_space<semaphore_mem>>) src(%dma_wait3A_173 : memref<80x128xf32, #tpu.memory_space<hbm>>) dst(%dma_wait3A_171 : memref<80x128xf32, #tpu.memory_space<vmem_shared>>)
        tpu.yield
      }) : () -> ()
    } else {
    }
    %add3A_33 = arith.constant 80 : i32
    %add3A_34 = arith.addi %arg1, %add3A_33 : i32
    %lt3A_35 = arith.constant 125 : i32
    %lt3A_36 = arith.cmpi slt, %add3A_34, %lt3A_35 : i32
    %convert_element_type3A_37 = arith.extui %lt3A_36 : i1 to i32
    %cond3A_38 = arith.constant 0 : i32
    %cond3A_39 = arith.cmpi ne, %convert_element_type3A_37, %cond3A_38 : i32
    scf.if %cond3A_39 {
      %mul3A_164 = arith.constant 80 : i32
      %mul3A_165 = arith.muli %add3A_34, %mul3A_164 : i32
      "tpu.region"() ({
        %run_scoped3A = tpu.sem_alloc : memref<!tpu.dma_semaphore, #tpu.memory_space<semaphore_mem>>
        %dma_start3A_166 = arith.constant 0 : i32
        %dma_start3A_167 = tpu.memref_slice %arg11[%mul3A_165, %dma_start3A_166] : memref<10000x128xf32, #tpu.memory_space<vmem_shared>> -> memref<80x128xf32, #tpu.memory_space<vmem_shared>>
        %dma_start3A_168 = arith.constant 0 : i32
        %dma_start3A_169 = tpu.memref_slice %arg5[%mul3A_165, %dma_start3A_168] : memref<10000x128xf32, #tpu.memory_space<hbm>> -> memref<80x128xf32, #tpu.memory_space<hbm>>
        tpu.enqueue_dma source(%dma_start3A_169 : memref<80x128xf32, #tpu.memory_space<hbm>>) target(%dma_start3A_167 : memref<80x128xf32, #tpu.memory_space<vmem_shared>>) target_semaphore(%run_scoped3A : memref<!tpu.dma_semaphore, #tpu.memory_space<semaphore_mem>>)
        %dma_wait3A_170 = arith.constant 0 : i32
        %dma_wait3A_171 = tpu.memref_slice %arg11[%mul3A_165, %dma_wait3A_170] : memref<10000x128xf32, #tpu.memory_space<vmem_shared>> -> memref<80x128xf32, #tpu.memory_space<vmem_shared>>
        %dma_wait3A_172 = arith.constant 0 : i32
        %dma_wait3A_173 = tpu.memref_slice %arg5[%mul3A_165, %dma_wait3A_172] : memref<10000x128xf32, #tpu.memory_space<hbm>> -> memref<80x128xf32, #tpu.memory_space<hbm>>
        tpu.wait_dma2 semaphore(%run_scoped3A : memref<!tpu.dma_semaphore, #tpu.memory_space<semaphore_mem>>) src(%dma_wait3A_173 : memref<80x128xf32, #tpu.memory_space<hbm>>) dst(%dma_wait3A_171 : memref<80x128xf32, #tpu.memory_space<vmem_shared>>)
        tpu.yield
      }) : () -> ()
    } else {
    }
    %add3A_40 = arith.constant 96 : i32
    %add3A_41 = arith.addi %arg1, %add3A_40 : i32
    %lt3A_42 = arith.constant 125 : i32
    %lt3A_43 = arith.cmpi slt, %add3A_41, %lt3A_42 : i32
    %convert_element_type3A_44 = arith.extui %lt3A_43 : i1 to i32
    %cond3A_45 = arith.constant 0 : i32
    %cond3A_46 = arith.cmpi ne, %convert_element_type3A_44, %cond3A_45 : i32
    scf.if %cond3A_46 {
      %mul3A_164 = arith.constant 80 : i32
      %mul3A_165 = arith.muli %add3A_41, %mul3A_164 : i32
      "tpu.region"() ({
        %run_scoped3A = tpu.sem_alloc : memref<!tpu.dma_semaphore, #tpu.memory_space<semaphore_mem>>
        %dma_start3A_166 = arith.constant 0 : i32
        %dma_start3A_167 = tpu.memref_slice %arg11[%mul3A_165, %dma_start3A_166] : memref<10000x128xf32, #tpu.memory_space<vmem_shared>> -> memref<80x128xf32, #tpu.memory_space<vmem_shared>>
        %dma_start3A_168 = arith.constant 0 : i32
        %dma_start3A_169 = tpu.memref_slice %arg5[%mul3A_165, %dma_start3A_168] : memref<10000x128xf32, #tpu.memory_space<hbm>> -> memref<80x128xf32, #tpu.memory_space<hbm>>
        tpu.enqueue_dma source(%dma_start3A_169 : memref<80x128xf32, #tpu.memory_space<hbm>>) target(%dma_start3A_167 : memref<80x128xf32, #tpu.memory_space<vmem_shared>>) target_semaphore(%run_scoped3A : memref<!tpu.dma_semaphore, #tpu.memory_space<semaphore_mem>>)
        %dma_wait3A_170 = arith.constant 0 : i32
        %dma_wait3A_171 = tpu.memref_slice %arg11[%mul3A_165, %dma_wait3A_170] : memref<10000x128xf32, #tpu.memory_space<vmem_shared>> -> memref<80x128xf32, #tpu.memory_space<vmem_shared>>
        %dma_wait3A_172 = arith.constant 0 : i32
        %dma_wait3A_173 = tpu.memref_slice %arg5[%mul3A_165, %dma_wait3A_172] : memref<10000x128xf32, #tpu.memory_space<hbm>> -> memref<80x128xf32, #tpu.memory_space<hbm>>
        tpu.wait_dma2 semaphore(%run_scoped3A : memref<!tpu.dma_semaphore, #tpu.memory_space<semaphore_mem>>) src(%dma_wait3A_173 : memref<80x128xf32, #tpu.memory_space<hbm>>) dst(%dma_wait3A_171 : memref<80x128xf32, #tpu.memory_space<vmem_shared>>)
        tpu.yield
      }) : () -> ()
    } else {
    }
    %add3A_47 = arith.constant 112 : i32
    %add3A_48 = arith.addi %arg1, %add3A_47 : i32
    %lt3A_49 = arith.constant 125 : i32
    %lt3A_50 = arith.cmpi slt, %add3A_48, %lt3A_49 : i32
    %convert_element_type3A_51 = arith.extui %lt3A_50 : i1 to i32
    %cond3A_52 = arith.constant 0 : i32
    %cond3A_53 = arith.cmpi ne, %convert_element_type3A_51, %cond3A_52 : i32
    scf.if %cond3A_53 {
      %mul3A_164 = arith.constant 80 : i32
      %mul3A_165 = arith.muli %add3A_48, %mul3A_164 : i32
      "tpu.region"() ({
        %run_scoped3A = tpu.sem_alloc : memref<!tpu.dma_semaphore, #tpu.memory_space<semaphore_mem>>
        %dma_start3A_166 = arith.constant 0 : i32
        %dma_start3A_167 = tpu.memref_slice %arg11[%mul3A_165, %dma_start3A_166] : memref<10000x128xf32, #tpu.memory_space<vmem_shared>> -> memref<80x128xf32, #tpu.memory_space<vmem_shared>>
        %dma_start3A_168 = arith.constant 0 : i32
        %dma_start3A_169 = tpu.memref_slice %arg5[%mul3A_165, %dma_start3A_168] : memref<10000x128xf32, #tpu.memory_space<hbm>> -> memref<80x128xf32, #tpu.memory_space<hbm>>
        tpu.enqueue_dma source(%dma_start3A_169 : memref<80x128xf32, #tpu.memory_space<hbm>>) target(%dma_start3A_167 : memref<80x128xf32, #tpu.memory_space<vmem_shared>>) target_semaphore(%run_scoped3A : memref<!tpu.dma_semaphore, #tpu.memory_space<semaphore_mem>>)
        %dma_wait3A_170 = arith.constant 0 : i32
        %dma_wait3A_171 = tpu.memref_slice %arg11[%mul3A_165, %dma_wait3A_170] : memref<10000x128xf32, #tpu.memory_space<vmem_shared>> -> memref<80x128xf32, #tpu.memory_space<vmem_shared>>
        %dma_wait3A_172 = arith.constant 0 : i32
        %dma_wait3A_173 = tpu.memref_slice %arg5[%mul3A_165, %dma_wait3A_172] : memref<10000x128xf32, #tpu.memory_space<hbm>> -> memref<80x128xf32, #tpu.memory_space<hbm>>
        tpu.wait_dma2 semaphore(%run_scoped3A : memref<!tpu.dma_semaphore, #tpu.memory_space<semaphore_mem>>) src(%dma_wait3A_173 : memref<80x128xf32, #tpu.memory_space<hbm>>) dst(%dma_wait3A_171 : memref<80x128xf32, #tpu.memory_space<vmem_shared>>)
        tpu.yield
      }) : () -> ()
    } else {
    }
    %barrier3A = arith.constant 0 : index
    tpu.barrier barrier_id(%barrier3A)
    %mul3A_54 = arith.constant 80 : i32
    %mul3A_55 = arith.muli %add3A, %mul3A_54 : i32
    %add3A_56 = arith.constant 0 : i32
    %add3A_57 = arith.addi %mul3A_55, %add3A_56 : i32
    "tpu.region"() ({
      %run_scoped3A = tpu.sem_alloc : memref<!tpu.dma_semaphore, #tpu.memory_space<semaphore_mem>>
      %dma_start3A_164 = arith.constant 0 : i32
      %dma_start3A_165 = tpu.memref_slice %arg3[%add3A_57, %dma_start3A_164] : memref<2560x125xi32, #tpu.memory_space<hbm>> -> memref<40x125xi32, #tpu.memory_space<hbm>>
      %dma_start3A_166 = arith.constant 0 : i32
      %dma_start3A_167 = tpu.memref_slice %arg3[%add3A_57, %dma_start3A_166] : memref<2560x125xi32, #tpu.memory_space<hbm>> -> memref<40x125xi32, #tpu.memory_space<hbm>>
      tpu.enqueue_dma source(%dma_start3A_167 : memref<40x125xi32, #tpu.memory_space<hbm>>) target(%arg7 : memref<40x125xi32, #tpu.memory_space<vmem>>) target_semaphore(%run_scoped3A : memref<!tpu.dma_semaphore, #tpu.memory_space<semaphore_mem>>)
      %dma_wait3A_168 = arith.constant 0 : i32
      %dma_wait3A_169 = tpu.memref_slice %arg3[%add3A_57, %dma_wait3A_168] : memref<2560x125xi32, #tpu.memory_space<hbm>> -> memref<40x125xi32, #tpu.memory_space<hbm>>
      %dma_wait3A_170 = arith.constant 0 : i32
      %dma_wait3A_171 = tpu.memref_slice %arg3[%add3A_57, %dma_wait3A_170] : memref<2560x125xi32, #tpu.memory_space<hbm>> -> memref<40x125xi32, #tpu.memory_space<hbm>>
      tpu.wait_dma2 semaphore(%run_scoped3A : memref<!tpu.dma_semaphore, #tpu.memory_space<semaphore_mem>>) src(%dma_wait3A_171 : memref<40x125xi32, #tpu.memory_space<hbm>>) dst(%arg7 : memref<40x125xi32, #tpu.memory_space<vmem>>)
      tpu.yield
    }) : () -> ()
    %mul3A_58 = arith.constant 80 : i32
    %mul3A_59 = arith.muli %add3A, %mul3A_58 : i32
    %add3A_60 = arith.constant 0 : i32
    %add3A_61 = arith.addi %mul3A_59, %add3A_60 : i32
    "tpu.region"() ({
      %run_scoped3A = tpu.sem_alloc : memref<!tpu.dma_semaphore, #tpu.memory_space<semaphore_mem>>
      %dma_start3A_164 = arith.constant 0 : i32
      %dma_start3A_165 = tpu.memref_slice %arg4[%add3A_61, %dma_start3A_164] : memref<2560x125xi32, #tpu.memory_space<hbm>> -> memref<40x125xi32, #tpu.memory_space<hbm>>
      %dma_start3A_166 = arith.constant 0 : i32
      %dma_start3A_167 = tpu.memref_slice %arg4[%add3A_61, %dma_start3A_166] : memref<2560x125xi32, #tpu.memory_space<hbm>> -> memref<40x125xi32, #tpu.memory_space<hbm>>
      tpu.enqueue_dma source(%dma_start3A_167 : memref<40x125xi32, #tpu.memory_space<hbm>>) target(%arg8 : memref<40x125xi32, #tpu.memory_space<vmem>>) target_semaphore(%run_scoped3A : memref<!tpu.dma_semaphore, #tpu.memory_space<semaphore_mem>>)
      %dma_wait3A_168 = arith.constant 0 : i32
      %dma_wait3A_169 = tpu.memref_slice %arg4[%add3A_61, %dma_wait3A_168] : memref<2560x125xi32, #tpu.memory_space<hbm>> -> memref<40x125xi32, #tpu.memory_space<hbm>>
      %dma_wait3A_170 = arith.constant 0 : i32
      %dma_wait3A_171 = tpu.memref_slice %arg4[%add3A_61, %dma_wait3A_170] : memref<2560x125xi32, #tpu.memory_space<hbm>> -> memref<40x125xi32, #tpu.memory_space<hbm>>
      tpu.wait_dma2 semaphore(%run_scoped3A : memref<!tpu.dma_semaphore, #tpu.memory_space<semaphore_mem>>) src(%dma_wait3A_171 : memref<40x125xi32, #tpu.memory_space<hbm>>) dst(%arg8 : memref<40x125xi32, #tpu.memory_space<vmem>>)
      tpu.yield
    }) : () -> ()
    %dma_start3A = arith.constant 0 : i32
    %dma_start3A_62 = arith.constant 0 : i32
    %dma_start3A_63 = tpu.memref_slice %arg7[%dma_start3A, %dma_start3A_62] : memref<40x125xi32, #tpu.memory_space<vmem>> -> memref<1x125xi32, #tpu.memory_space<vmem>>
    %dma_start3A_64 = tpu.memref_squeeze %dma_start3A_63 : memref<1x125xi32, #tpu.memory_space<vmem>> -> memref<125xi32, #tpu.memory_space<vmem>>
    %dma_start3A_65 = arith.constant 0 : i32
    %dma_start3A_66 = arith.constant 0 : i32
    %dma_start3A_67 = tpu.memref_slice %arg2[%dma_start3A_65, %dma_start3A_66] : memref<10000x128xf32, #tpu.memory_space<hbm>> -> memref<10000x128xf32, #tpu.memory_space<hbm>>
    tpu.enqueue_indirect_dma source(%dma_start3A_67 : memref<10000x128xf32, #tpu.memory_space<hbm>>) target(%arg9 : memref<125x128xf32, #tpu.memory_space<vmem>>) offsets(%dma_start3A_64 : memref<125xi32, #tpu.memory_space<vmem>>) semaphore(%arg12 : memref<!tpu.dma_semaphore, #tpu.memory_space<semaphore_mem>>)
    %scan3A = arith.constant 0 : i32
    %scan3A_68 = arith.constant 0 : i32
    %scan3A_69 = arith.constant 20 : i32
    %scan3A_70 = arith.addi %scan3A_68, %scan3A_69 : i32
    %scan3A_71 = arith.constant 1 : i32
    scf.for %scan3A_164 = %scan3A_68 to %scan3A_70 step %scan3A_71  : i32 {
      %mul3A_165 = arith.constant 2 : i32
      %mul3A_166 = arith.muli %mul3A_165, %scan3A_164 : i32
      %gt3A = arith.constant 0 : i32
      %gt3A_167 = arith.cmpi sgt, %scan3A_164, %gt3A : i32
      %convert_element_type3A_168 = arith.extui %gt3A_167 : i1 to i32
      %cond3A_169 = arith.constant 0 : i32
      %cond3A_170 = arith.cmpi ne, %convert_element_type3A_168, %cond3A_169 : i32
      scf.if %cond3A_170 {
        %sub3A = arith.constant 1 : i32
        %sub3A_220 = arith.subi %mul3A_166, %sub3A : i32
        %dma_wait3A_221 = arith.constant 0 : i32
        %dma_wait3A_222 = tpu.memref_slice %arg8[%sub3A_220, %dma_wait3A_221] : memref<40x125xi32, #tpu.memory_space<vmem>> -> memref<1x125xi32, #tpu.memory_space<vmem>>
        %dma_wait3A_223 = tpu.memref_squeeze %dma_wait3A_222 : memref<1x125xi32, #tpu.memory_space<vmem>> -> memref<125xi32, #tpu.memory_space<vmem>>
        %dma_wait3A_224 = arith.constant 0 : i32
        %dma_wait3A_225 = arith.constant 0 : i32
        %dma_wait3A_226 = tpu.memref_slice %arg11[%dma_wait3A_224, %dma_wait3A_225] : memref<10000x128xf32, #tpu.memory_space<vmem_shared>> -> memref<10000x128xf32, #tpu.memory_space<vmem_shared>>
        tpu.wait_indirect_dma semaphore(%arg13 : memref<!tpu.dma_semaphore, #tpu.memory_space<semaphore_mem>>) src(%arg10 : memref<125x128xf32, #tpu.memory_space<vmem>>) dst(%dma_wait3A_226 : memref<10000x128xf32, #tpu.memory_space<vmem_shared>>)
      } else {
      }
      %add3A_171 = arith.constant 1 : i32
      %add3A_172 = arith.addi %mul3A_166, %add3A_171 : i32
      %dma_start3A_173 = arith.constant 0 : i32
      %dma_start3A_174 = tpu.memref_slice %arg7[%add3A_172, %dma_start3A_173] : memref<40x125xi32, #tpu.memory_space<vmem>> -> memref<1x125xi32, #tpu.memory_space<vmem>>
      %dma_start3A_175 = tpu.memref_squeeze %dma_start3A_174 : memref<1x125xi32, #tpu.memory_space<vmem>> -> memref<125xi32, #tpu.memory_space<vmem>>
      %dma_start3A_176 = arith.constant 0 : i32
      %dma_start3A_177 = arith.constant 0 : i32
      %dma_start3A_178 = tpu.memref_slice %arg2[%dma_start3A_176, %dma_start3A_177] : memref<10000x128xf32, #tpu.memory_space<hbm>> -> memref<10000x128xf32, #tpu.memory_space<hbm>>
      tpu.enqueue_indirect_dma source(%dma_start3A_178 : memref<10000x128xf32, #tpu.memory_space<hbm>>) target(%arg10 : memref<125x128xf32, #tpu.memory_space<vmem>>) offsets(%dma_start3A_175 : memref<125xi32, #tpu.memory_space<vmem>>) semaphore(%arg12 : memref<!tpu.dma_semaphore, #tpu.memory_space<semaphore_mem>>)
      %dma_wait3A_179 = arith.constant 0 : i32
      %dma_wait3A_180 = tpu.memref_slice %arg7[%mul3A_166, %dma_wait3A_179] : memref<40x125xi32, #tpu.memory_space<vmem>> -> memref<1x125xi32, #tpu.memory_space<vmem>>
      %dma_wait3A_181 = tpu.memref_squeeze %dma_wait3A_180 : memref<1x125xi32, #tpu.memory_space<vmem>> -> memref<125xi32, #tpu.memory_space<vmem>>
      %dma_wait3A_182 = arith.constant 0 : i32
      %dma_wait3A_183 = arith.constant 0 : i32
      %dma_wait3A_184 = tpu.memref_slice %arg2[%dma_wait3A_182, %dma_wait3A_183] : memref<10000x128xf32, #tpu.memory_space<hbm>> -> memref<10000x128xf32, #tpu.memory_space<hbm>>
      tpu.wait_indirect_dma semaphore(%arg12 : memref<!tpu.dma_semaphore, #tpu.memory_space<semaphore_mem>>) src(%dma_wait3A_184 : memref<10000x128xf32, #tpu.memory_space<hbm>>) dst(%arg9 : memref<125x128xf32, #tpu.memory_space<vmem>>)
      %dma_start3A_185 = arith.constant 0 : i32
      %dma_start3A_186 = tpu.memref_slice %arg8[%mul3A_166, %dma_start3A_185] : memref<40x125xi32, #tpu.memory_space<vmem>> -> memref<1x125xi32, #tpu.memory_space<vmem>>
      %dma_start3A_187 = tpu.memref_squeeze %dma_start3A_186 : memref<1x125xi32, #tpu.memory_space<vmem>> -> memref<125xi32, #tpu.memory_space<vmem>>
      %dma_start3A_188 = arith.constant 0 : i32
      %dma_start3A_189 = arith.constant 0 : i32
      %dma_start3A_190 = tpu.memref_slice %arg11[%dma_start3A_188, %dma_start3A_189] : memref<10000x128xf32, #tpu.memory_space<vmem_shared>> -> memref<10000x128xf32, #tpu.memory_space<vmem_shared>>
      tpu.enqueue_indirect_dma source(%arg9 : memref<125x128xf32, #tpu.memory_space<vmem>>) target(%dma_start3A_190 : memref<10000x128xf32, #tpu.memory_space<vmem_shared>>) offsets(%dma_start3A_187 : memref<125xi32, #tpu.memory_space<vmem>>) semaphore(%arg13 : memref<!tpu.dma_semaphore, #tpu.memory_space<semaphore_mem>>) {add = true}
      %dma_wait3A_191 = arith.constant 0 : i32
      %dma_wait3A_192 = tpu.memref_slice %arg8[%mul3A_166, %dma_wait3A_191] : memref<40x125xi32, #tpu.memory_space<vmem>> -> memref<1x125xi32, #tpu.memory_space<vmem>>
      %dma_wait3A_193 = tpu.memref_squeeze %dma_wait3A_192 : memref<1x125xi32, #tpu.memory_space<vmem>> -> memref<125xi32, #tpu.memory_space<vmem>>
      %dma_wait3A_194 = arith.constant 0 : i32
      %dma_wait3A_195 = arith.constant 0 : i32
      %dma_wait3A_196 = tpu.memref_slice %arg11[%dma_wait3A_194, %dma_wait3A_195] : memref<10000x128xf32, #tpu.memory_space<vmem_shared>> -> memref<10000x128xf32, #tpu.memory_space<vmem_shared>>
      tpu.wait_indirect_dma semaphore(%arg13 : memref<!tpu.dma_semaphore, #tpu.memory_space<semaphore_mem>>) src(%arg9 : memref<125x128xf32, #tpu.memory_space<vmem>>) dst(%dma_wait3A_196 : memref<10000x128xf32, #tpu.memory_space<vmem_shared>>)
      %add3A_197 = arith.constant 2 : i32
      %add3A_198 = arith.addi %mul3A_166, %add3A_197 : i32
      %lt3A_199 = arith.constant 40 : i32
      %lt3A_200 = arith.cmpi slt, %add3A_198, %lt3A_199 : i32
      %convert_element_type3A_201 = arith.extui %lt3A_200 : i1 to i32
      %cond3A_202 = arith.constant 0 : i32
      %cond3A_203 = arith.cmpi ne, %convert_element_type3A_201, %cond3A_202 : i32
      scf.if %cond3A_203 {
        %add3A_220 = arith.constant 2 : i32
        %add3A_221 = arith.addi %mul3A_166, %add3A_220 : i32
        %dma_start3A_222 = arith.constant 0 : i32
        %dma_start3A_223 = tpu.memref_slice %arg7[%add3A_221, %dma_start3A_222] : memref<40x125xi32, #tpu.memory_space<vmem>> -> memref<1x125xi32, #tpu.memory_space<vmem>>
        %dma_start3A_224 = tpu.memref_squeeze %dma_start3A_223 : memref<1x125xi32, #tpu.memory_space<vmem>> -> memref<125xi32, #tpu.memory_space<vmem>>
        %dma_start3A_225 = arith.constant 0 : i32
        %dma_start3A_226 = arith.constant 0 : i32
        %dma_start3A_227 = tpu.memref_slice %arg2[%dma_start3A_225, %dma_start3A_226] : memref<10000x128xf32, #tpu.memory_space<hbm>> -> memref<10000x128xf32, #tpu.memory_space<hbm>>
        tpu.enqueue_indirect_dma source(%dma_start3A_227 : memref<10000x128xf32, #tpu.memory_space<hbm>>) target(%arg9 : memref<125x128xf32, #tpu.memory_space<vmem>>) offsets(%dma_start3A_224 : memref<125xi32, #tpu.memory_space<vmem>>) semaphore(%arg12 : memref<!tpu.dma_semaphore, #tpu.memory_space<semaphore_mem>>)
      } else {
      }
      %add3A_204 = arith.constant 1 : i32
      %add3A_205 = arith.addi %mul3A_166, %add3A_204 : i32
      %dma_wait3A_206 = arith.constant 0 : i32
      %dma_wait3A_207 = tpu.memref_slice %arg7[%add3A_205, %dma_wait3A_206] : memref<40x125xi32, #tpu.memory_space<vmem>> -> memref<1x125xi32, #tpu.memory_space<vmem>>
      %dma_wait3A_208 = tpu.memref_squeeze %dma_wait3A_207 : memref<1x125xi32, #tpu.memory_space<vmem>> -> memref<125xi32, #tpu.memory_space<vmem>>
      %dma_wait3A_209 = arith.constant 0 : i32
      %dma_wait3A_210 = arith.constant 0 : i32
      %dma_wait3A_211 = tpu.memref_slice %arg2[%dma_wait3A_209, %dma_wait3A_210] : memref<10000x128xf32, #tpu.memory_space<hbm>> -> memref<10000x128xf32, #tpu.memory_space<hbm>>
      tpu.wait_indirect_dma semaphore(%arg12 : memref<!tpu.dma_semaphore, #tpu.memory_space<semaphore_mem>>) src(%dma_wait3A_211 : memref<10000x128xf32, #tpu.memory_space<hbm>>) dst(%arg10 : memref<125x128xf32, #tpu.memory_space<vmem>>)
      %add3A_212 = arith.constant 1 : i32
      %add3A_213 = arith.addi %mul3A_166, %add3A_212 : i32
      %dma_start3A_214 = arith.constant 0 : i32
      %dma_start3A_215 = tpu.memref_slice %arg8[%add3A_213, %dma_start3A_214] : memref<40x125xi32, #tpu.memory_space<vmem>> -> memref<1x125xi32, #tpu.memory_space<vmem>>
      %dma_start3A_216 = tpu.memref_squeeze %dma_start3A_215 : memref<1x125xi32, #tpu.memory_space<vmem>> -> memref<125xi32, #tpu.memory_space<vmem>>
      %dma_start3A_217 = arith.constant 0 : i32
      %dma_start3A_218 = arith.constant 0 : i32
      %dma_start3A_219 = tpu.memref_slice %arg11[%dma_start3A_217, %dma_start3A_218] : memref<10000x128xf32, #tpu.memory_space<vmem_shared>> -> memref<10000x128xf32, #tpu.memory_space<vmem_shared>>
      tpu.enqueue_indirect_dma source(%arg10 : memref<125x128xf32, #tpu.memory_space<vmem>>) target(%dma_start3A_219 : memref<10000x128xf32, #tpu.memory_space<vmem_shared>>) offsets(%dma_start3A_216 : memref<125xi32, #tpu.memory_space<vmem>>) semaphore(%arg13 : memref<!tpu.dma_semaphore, #tpu.memory_space<semaphore_mem>>) {add = true}
    }
    %scan3A_72 = arith.constant 20 : i32
    %dma_wait3A = arith.constant 39 : i32
    %dma_wait3A_73 = arith.constant 0 : i32
    %dma_wait3A_74 = tpu.memref_slice %arg8[%dma_wait3A, %dma_wait3A_73] : memref<40x125xi32, #tpu.memory_space<vmem>> -> memref<1x125xi32, #tpu.memory_space<vmem>>
    %dma_wait3A_75 = tpu.memref_squeeze %dma_wait3A_74 : memref<1x125xi32, #tpu.memory_space<vmem>> -> memref<125xi32, #tpu.memory_space<vmem>>
    %dma_wait3A_76 = arith.constant 0 : i32
    %dma_wait3A_77 = arith.constant 0 : i32
    %dma_wait3A_78 = tpu.memref_slice %arg11[%dma_wait3A_76, %dma_wait3A_77] : memref<10000x128xf32, #tpu.memory_space<vmem_shared>> -> memref<10000x128xf32, #tpu.memory_space<vmem_shared>>
    tpu.wait_indirect_dma semaphore(%arg13 : memref<!tpu.dma_semaphore, #tpu.memory_space<semaphore_mem>>) src(%arg10 : memref<125x128xf32, #tpu.memory_space<vmem>>) dst(%dma_wait3A_78 : memref<10000x128xf32, #tpu.memory_space<vmem_shared>>)
    %mul3A_79 = arith.constant 80 : i32
    %mul3A_80 = arith.muli %add3A, %mul3A_79 : i32
    %add3A_81 = arith.constant 40 : i32
    %add3A_82 = arith.addi %mul3A_80, %add3A_81 : i32
    "tpu.region"() ({
      %run_scoped3A = tpu.sem_alloc : memref<!tpu.dma_semaphore, #tpu.memory_space<semaphore_mem>>
      %dma_start3A_164 = arith.constant 0 : i32
      %dma_start3A_165 = tpu.memref_slice %arg3[%add3A_82, %dma_start3A_164] : memref<2560x125xi32, #tpu.memory_space<hbm>> -> memref<40x125xi32, #tpu.memory_space<hbm>>
      %dma_start3A_166 = arith.constant 0 : i32
      %dma_start3A_167 = tpu.memref_slice %arg3[%add3A_82, %dma_start3A_166] : memref<2560x125xi32, #tpu.memory_space<hbm>> -> memref<40x125xi32, #tpu.memory_space<hbm>>
      tpu.enqueue_dma source(%dma_start3A_167 : memref<40x125xi32, #tpu.memory_space<hbm>>) target(%arg7 : memref<40x125xi32, #tpu.memory_space<vmem>>) target_semaphore(%run_scoped3A : memref<!tpu.dma_semaphore, #tpu.memory_space<semaphore_mem>>)
      %dma_wait3A_168 = arith.constant 0 : i32
      %dma_wait3A_169 = tpu.memref_slice %arg3[%add3A_82, %dma_wait3A_168] : memref<2560x125xi32, #tpu.memory_space<hbm>> -> memref<40x125xi32, #tpu.memory_space<hbm>>
      %dma_wait3A_170 = arith.constant 0 : i32
      %dma_wait3A_171 = tpu.memref_slice %arg3[%add3A_82, %dma_wait3A_170] : memref<2560x125xi32, #tpu.memory_space<hbm>> -> memref<40x125xi32, #tpu.memory_space<hbm>>
      tpu.wait_dma2 semaphore(%run_scoped3A : memref<!tpu.dma_semaphore, #tpu.memory_space<semaphore_mem>>) src(%dma_wait3A_171 : memref<40x125xi32, #tpu.memory_space<hbm>>) dst(%arg7 : memref<40x125xi32, #tpu.memory_space<vmem>>)
      tpu.yield
    }) : () -> ()
    %mul3A_83 = arith.constant 80 : i32
    %mul3A_84 = arith.muli %add3A, %mul3A_83 : i32
    %add3A_85 = arith.constant 40 : i32
    %add3A_86 = arith.addi %mul3A_84, %add3A_85 : i32
    "tpu.region"() ({
      %run_scoped3A = tpu.sem_alloc : memref<!tpu.dma_semaphore, #tpu.memory_space<semaphore_mem>>
      %dma_start3A_164 = arith.constant 0 : i32
      %dma_start3A_165 = tpu.memref_slice %arg4[%add3A_86, %dma_start3A_164] : memref<2560x125xi32, #tpu.memory_space<hbm>> -> memref<40x125xi32, #tpu.memory_space<hbm>>
      %dma_start3A_166 = arith.constant 0 : i32
      %dma_start3A_167 = tpu.memref_slice %arg4[%add3A_86, %dma_start3A_166] : memref<2560x125xi32, #tpu.memory_space<hbm>> -> memref<40x125xi32, #tpu.memory_space<hbm>>
      tpu.enqueue_dma source(%dma_start3A_167 : memref<40x125xi32, #tpu.memory_space<hbm>>) target(%arg8 : memref<40x125xi32, #tpu.memory_space<vmem>>) target_semaphore(%run_scoped3A : memref<!tpu.dma_semaphore, #tpu.memory_space<semaphore_mem>>)
      %dma_wait3A_168 = arith.constant 0 : i32
      %dma_wait3A_169 = tpu.memref_slice %arg4[%add3A_86, %dma_wait3A_168] : memref<2560x125xi32, #tpu.memory_space<hbm>> -> memref<40x125xi32, #tpu.memory_space<hbm>>
      %dma_wait3A_170 = arith.constant 0 : i32
      %dma_wait3A_171 = tpu.memref_slice %arg4[%add3A_86, %dma_wait3A_170] : memref<2560x125xi32, #tpu.memory_space<hbm>> -> memref<40x125xi32, #tpu.memory_space<hbm>>
      tpu.wait_dma2 semaphore(%run_scoped3A : memref<!tpu.dma_semaphore, #tpu.memory_space<semaphore_mem>>) src(%dma_wait3A_171 : memref<40x125xi32, #tpu.memory_space<hbm>>) dst(%arg8 : memref<40x125xi32, #tpu.memory_space<vmem>>)
      tpu.yield
    }) : () -> ()
    %dma_start3A_87 = arith.constant 0 : i32
    %dma_start3A_88 = arith.constant 0 : i32
    %dma_start3A_89 = tpu.memref_slice %arg7[%dma_start3A_87, %dma_start3A_88] : memref<40x125xi32, #tpu.memory_space<vmem>> -> memref<1x125xi32, #tpu.memory_space<vmem>>
    %dma_start3A_90 = tpu.memref_squeeze %dma_start3A_89 : memref<1x125xi32, #tpu.memory_space<vmem>> -> memref<125xi32, #tpu.memory_space<vmem>>
    %dma_start3A_91 = arith.constant 0 : i32
    %dma_start3A_92 = arith.constant 0 : i32
    %dma_start3A_93 = tpu.memref_slice %arg2[%dma_start3A_91, %dma_start3A_92] : memref<10000x128xf32, #tpu.memory_space<hbm>> -> memref<10000x128xf32, #tpu.memory_space<hbm>>
    tpu.enqueue_indirect_dma source(%dma_start3A_93 : memref<10000x128xf32, #tpu.memory_space<hbm>>) target(%arg9 : memref<125x128xf32, #tpu.memory_space<vmem>>) offsets(%dma_start3A_90 : memref<125xi32, #tpu.memory_space<vmem>>) semaphore(%arg12 : memref<!tpu.dma_semaphore, #tpu.memory_space<semaphore_mem>>)
    %scan3A_94 = arith.constant 0 : i32
    %scan3A_95 = arith.constant 0 : i32
    %scan3A_96 = arith.constant 20 : i32
    %scan3A_97 = arith.addi %scan3A_95, %scan3A_96 : i32
    %scan3A_98 = arith.constant 1 : i32
    scf.for %scan3A_164 = %scan3A_95 to %scan3A_97 step %scan3A_98  : i32 {
      %mul3A_165 = arith.constant 2 : i32
      %mul3A_166 = arith.muli %mul3A_165, %scan3A_164 : i32
      %gt3A = arith.constant 0 : i32
      %gt3A_167 = arith.cmpi sgt, %scan3A_164, %gt3A : i32
      %convert_element_type3A_168 = arith.extui %gt3A_167 : i1 to i32
      %cond3A_169 = arith.constant 0 : i32
      %cond3A_170 = arith.cmpi ne, %convert_element_type3A_168, %cond3A_169 : i32
      scf.if %cond3A_170 {
        %sub3A = arith.constant 1 : i32
        %sub3A_220 = arith.subi %mul3A_166, %sub3A : i32
        %dma_wait3A_221 = arith.constant 0 : i32
        %dma_wait3A_222 = tpu.memref_slice %arg8[%sub3A_220, %dma_wait3A_221] : memref<40x125xi32, #tpu.memory_space<vmem>> -> memref<1x125xi32, #tpu.memory_space<vmem>>
        %dma_wait3A_223 = tpu.memref_squeeze %dma_wait3A_222 : memref<1x125xi32, #tpu.memory_space<vmem>> -> memref<125xi32, #tpu.memory_space<vmem>>
        %dma_wait3A_224 = arith.constant 0 : i32
        %dma_wait3A_225 = arith.constant 0 : i32
        %dma_wait3A_226 = tpu.memref_slice %arg11[%dma_wait3A_224, %dma_wait3A_225] : memref<10000x128xf32, #tpu.memory_space<vmem_shared>> -> memref<10000x128xf32, #tpu.memory_space<vmem_shared>>
        tpu.wait_indirect_dma semaphore(%arg13 : memref<!tpu.dma_semaphore, #tpu.memory_space<semaphore_mem>>) src(%arg10 : memref<125x128xf32, #tpu.memory_space<vmem>>) dst(%dma_wait3A_226 : memref<10000x128xf32, #tpu.memory_space<vmem_shared>>)
      } else {
      }
      %add3A_171 = arith.constant 1 : i32
      %add3A_172 = arith.addi %mul3A_166, %add3A_171 : i32
      %dma_start3A_173 = arith.constant 0 : i32
      %dma_start3A_174 = tpu.memref_slice %arg7[%add3A_172, %dma_start3A_173] : memref<40x125xi32, #tpu.memory_space<vmem>> -> memref<1x125xi32, #tpu.memory_space<vmem>>
      %dma_start3A_175 = tpu.memref_squeeze %dma_start3A_174 : memref<1x125xi32, #tpu.memory_space<vmem>> -> memref<125xi32, #tpu.memory_space<vmem>>
      %dma_start3A_176 = arith.constant 0 : i32
      %dma_start3A_177 = arith.constant 0 : i32
      %dma_start3A_178 = tpu.memref_slice %arg2[%dma_start3A_176, %dma_start3A_177] : memref<10000x128xf32, #tpu.memory_space<hbm>> -> memref<10000x128xf32, #tpu.memory_space<hbm>>
      tpu.enqueue_indirect_dma source(%dma_start3A_178 : memref<10000x128xf32, #tpu.memory_space<hbm>>) target(%arg10 : memref<125x128xf32, #tpu.memory_space<vmem>>) offsets(%dma_start3A_175 : memref<125xi32, #tpu.memory_space<vmem>>) semaphore(%arg12 : memref<!tpu.dma_semaphore, #tpu.memory_space<semaphore_mem>>)
      %dma_wait3A_179 = arith.constant 0 : i32
      %dma_wait3A_180 = tpu.memref_slice %arg7[%mul3A_166, %dma_wait3A_179] : memref<40x125xi32, #tpu.memory_space<vmem>> -> memref<1x125xi32, #tpu.memory_space<vmem>>
      %dma_wait3A_181 = tpu.memref_squeeze %dma_wait3A_180 : memref<1x125xi32, #tpu.memory_space<vmem>> -> memref<125xi32, #tpu.memory_space<vmem>>
      %dma_wait3A_182 = arith.constant 0 : i32
      %dma_wait3A_183 = arith.constant 0 : i32
      %dma_wait3A_184 = tpu.memref_slice %arg2[%dma_wait3A_182, %dma_wait3A_183] : memref<10000x128xf32, #tpu.memory_space<hbm>> -> memref<10000x128xf32, #tpu.memory_space<hbm>>
      tpu.wait_indirect_dma semaphore(%arg12 : memref<!tpu.dma_semaphore, #tpu.memory_space<semaphore_mem>>) src(%dma_wait3A_184 : memref<10000x128xf32, #tpu.memory_space<hbm>>) dst(%arg9 : memref<125x128xf32, #tpu.memory_space<vmem>>)
      %dma_start3A_185 = arith.constant 0 : i32
      %dma_start3A_186 = tpu.memref_slice %arg8[%mul3A_166, %dma_start3A_185] : memref<40x125xi32, #tpu.memory_space<vmem>> -> memref<1x125xi32, #tpu.memory_space<vmem>>
      %dma_start3A_187 = tpu.memref_squeeze %dma_start3A_186 : memref<1x125xi32, #tpu.memory_space<vmem>> -> memref<125xi32, #tpu.memory_space<vmem>>
      %dma_start3A_188 = arith.constant 0 : i32
      %dma_start3A_189 = arith.constant 0 : i32
      %dma_start3A_190 = tpu.memref_slice %arg11[%dma_start3A_188, %dma_start3A_189] : memref<10000x128xf32, #tpu.memory_space<vmem_shared>> -> memref<10000x128xf32, #tpu.memory_space<vmem_shared>>
      tpu.enqueue_indirect_dma source(%arg9 : memref<125x128xf32, #tpu.memory_space<vmem>>) target(%dma_start3A_190 : memref<10000x128xf32, #tpu.memory_space<vmem_shared>>) offsets(%dma_start3A_187 : memref<125xi32, #tpu.memory_space<vmem>>) semaphore(%arg13 : memref<!tpu.dma_semaphore, #tpu.memory_space<semaphore_mem>>) {add = true}
      %dma_wait3A_191 = arith.constant 0 : i32
      %dma_wait3A_192 = tpu.memref_slice %arg8[%mul3A_166, %dma_wait3A_191] : memref<40x125xi32, #tpu.memory_space<vmem>> -> memref<1x125xi32, #tpu.memory_space<vmem>>
      %dma_wait3A_193 = tpu.memref_squeeze %dma_wait3A_192 : memref<1x125xi32, #tpu.memory_space<vmem>> -> memref<125xi32, #tpu.memory_space<vmem>>
      %dma_wait3A_194 = arith.constant 0 : i32
      %dma_wait3A_195 = arith.constant 0 : i32
      %dma_wait3A_196 = tpu.memref_slice %arg11[%dma_wait3A_194, %dma_wait3A_195] : memref<10000x128xf32, #tpu.memory_space<vmem_shared>> -> memref<10000x128xf32, #tpu.memory_space<vmem_shared>>
      tpu.wait_indirect_dma semaphore(%arg13 : memref<!tpu.dma_semaphore, #tpu.memory_space<semaphore_mem>>) src(%arg9 : memref<125x128xf32, #tpu.memory_space<vmem>>) dst(%dma_wait3A_196 : memref<10000x128xf32, #tpu.memory_space<vmem_shared>>)
      %add3A_197 = arith.constant 2 : i32
      %add3A_198 = arith.addi %mul3A_166, %add3A_197 : i32
      %lt3A_199 = arith.constant 40 : i32
      %lt3A_200 = arith.cmpi slt, %add3A_198, %lt3A_199 : i32
      %convert_element_type3A_201 = arith.extui %lt3A_200 : i1 to i32
      %cond3A_202 = arith.constant 0 : i32
      %cond3A_203 = arith.cmpi ne, %convert_element_type3A_201, %cond3A_202 : i32
      scf.if %cond3A_203 {
        %add3A_220 = arith.constant 2 : i32
        %add3A_221 = arith.addi %mul3A_166, %add3A_220 : i32
        %dma_start3A_222 = arith.constant 0 : i32
        %dma_start3A_223 = tpu.memref_slice %arg7[%add3A_221, %dma_start3A_222] : memref<40x125xi32, #tpu.memory_space<vmem>> -> memref<1x125xi32, #tpu.memory_space<vmem>>
        %dma_start3A_224 = tpu.memref_squeeze %dma_start3A_223 : memref<1x125xi32, #tpu.memory_space<vmem>> -> memref<125xi32, #tpu.memory_space<vmem>>
        %dma_start3A_225 = arith.constant 0 : i32
        %dma_start3A_226 = arith.constant 0 : i32
        %dma_start3A_227 = tpu.memref_slice %arg2[%dma_start3A_225, %dma_start3A_226] : memref<10000x128xf32, #tpu.memory_space<hbm>> -> memref<10000x128xf32, #tpu.memory_space<hbm>>
        tpu.enqueue_indirect_dma source(%dma_start3A_227 : memref<10000x128xf32, #tpu.memory_space<hbm>>) target(%arg9 : memref<125x128xf32, #tpu.memory_space<vmem>>) offsets(%dma_start3A_224 : memref<125xi32, #tpu.memory_space<vmem>>) semaphore(%arg12 : memref<!tpu.dma_semaphore, #tpu.memory_space<semaphore_mem>>)
      } else {
      }
      %add3A_204 = arith.constant 1 : i32
      %add3A_205 = arith.addi %mul3A_166, %add3A_204 : i32
      %dma_wait3A_206 = arith.constant 0 : i32
      %dma_wait3A_207 = tpu.memref_slice %arg7[%add3A_205, %dma_wait3A_206] : memref<40x125xi32, #tpu.memory_space<vmem>> -> memref<1x125xi32, #tpu.memory_space<vmem>>
      %dma_wait3A_208 = tpu.memref_squeeze %dma_wait3A_207 : memref<1x125xi32, #tpu.memory_space<vmem>> -> memref<125xi32, #tpu.memory_space<vmem>>
      %dma_wait3A_209 = arith.constant 0 : i32
      %dma_wait3A_210 = arith.constant 0 : i32
      %dma_wait3A_211 = tpu.memref_slice %arg2[%dma_wait3A_209, %dma_wait3A_210] : memref<10000x128xf32, #tpu.memory_space<hbm>> -> memref<10000x128xf32, #tpu.memory_space<hbm>>
      tpu.wait_indirect_dma semaphore(%arg12 : memref<!tpu.dma_semaphore, #tpu.memory_space<semaphore_mem>>) src(%dma_wait3A_211 : memref<10000x128xf32, #tpu.memory_space<hbm>>) dst(%arg10 : memref<125x128xf32, #tpu.memory_space<vmem>>)
      %add3A_212 = arith.constant 1 : i32
      %add3A_213 = arith.addi %mul3A_166, %add3A_212 : i32
      %dma_start3A_214 = arith.constant 0 : i32
      %dma_start3A_215 = tpu.memref_slice %arg8[%add3A_213, %dma_start3A_214] : memref<40x125xi32, #tpu.memory_space<vmem>> -> memref<1x125xi32, #tpu.memory_space<vmem>>
      %dma_start3A_216 = tpu.memref_squeeze %dma_start3A_215 : memref<1x125xi32, #tpu.memory_space<vmem>> -> memref<125xi32, #tpu.memory_space<vmem>>
      %dma_start3A_217 = arith.constant 0 : i32
      %dma_start3A_218 = arith.constant 0 : i32
      %dma_start3A_219 = tpu.memref_slice %arg11[%dma_start3A_217, %dma_start3A_218] : memref<10000x128xf32, #tpu.memory_space<vmem_shared>> -> memref<10000x128xf32, #tpu.memory_space<vmem_shared>>
      tpu.enqueue_indirect_dma source(%arg10 : memref<125x128xf32, #tpu.memory_space<vmem>>) target(%dma_start3A_219 : memref<10000x128xf32, #tpu.memory_space<vmem_shared>>) offsets(%dma_start3A_216 : memref<125xi32, #tpu.memory_space<vmem>>) semaphore(%arg13 : memref<!tpu.dma_semaphore, #tpu.memory_space<semaphore_mem>>) {add = true}
    }
    %scan3A_99 = arith.constant 20 : i32
    %dma_wait3A_100 = arith.constant 39 : i32
    %dma_wait3A_101 = arith.constant 0 : i32
    %dma_wait3A_102 = tpu.memref_slice %arg8[%dma_wait3A_100, %dma_wait3A_101] : memref<40x125xi32, #tpu.memory_space<vmem>> -> memref<1x125xi32, #tpu.memory_space<vmem>>
    %dma_wait3A_103 = tpu.memref_squeeze %dma_wait3A_102 : memref<1x125xi32, #tpu.memory_space<vmem>> -> memref<125xi32, #tpu.memory_space<vmem>>
    %dma_wait3A_104 = arith.constant 0 : i32
    %dma_wait3A_105 = arith.constant 0 : i32
    %dma_wait3A_106 = tpu.memref_slice %arg11[%dma_wait3A_104, %dma_wait3A_105] : memref<10000x128xf32, #tpu.memory_space<vmem_shared>> -> memref<10000x128xf32, #tpu.memory_space<vmem_shared>>
    tpu.wait_indirect_dma semaphore(%arg13 : memref<!tpu.dma_semaphore, #tpu.memory_space<semaphore_mem>>) src(%arg10 : memref<125x128xf32, #tpu.memory_space<vmem>>) dst(%dma_wait3A_106 : memref<10000x128xf32, #tpu.memory_space<vmem_shared>>)
    %barrier3A_107 = arith.constant 0 : index
    tpu.barrier barrier_id(%barrier3A_107)
    %add3A_108 = arith.constant 0 : i32
    %add3A_109 = arith.addi %arg1, %add3A_108 : i32
    %lt3A_110 = arith.constant 125 : i32
    %lt3A_111 = arith.cmpi slt, %add3A_109, %lt3A_110 : i32
    %convert_element_type3A_112 = arith.extui %lt3A_111 : i1 to i32
    %cond3A_113 = arith.constant 0 : i32
    %cond3A_114 = arith.cmpi ne, %convert_element_type3A_112, %cond3A_113 : i32
    scf.if %cond3A_114 {
      %mul3A_164 = arith.constant 80 : i32
      %mul3A_165 = arith.muli %add3A_109, %mul3A_164 : i32
      "tpu.region"() ({
        %run_scoped3A = tpu.sem_alloc : memref<!tpu.dma_semaphore, #tpu.memory_space<semaphore_mem>>
        %dma_start3A_166 = arith.constant 0 : i32
        %dma_start3A_167 = tpu.memref_slice %arg6[%arg0, %mul3A_165, %dma_start3A_166] : memref<2x10000x128xf32, #tpu.memory_space<hbm>> -> memref<1x80x128xf32, #tpu.memory_space<hbm>>
        %dma_start3A_168 = tpu.memref_squeeze %dma_start3A_167 : memref<1x80x128xf32, #tpu.memory_space<hbm>> -> memref<80x128xf32, #tpu.memory_space<hbm>>
        %dma_start3A_169 = arith.constant 0 : i32
        %dma_start3A_170 = tpu.memref_slice %arg11[%mul3A_165, %dma_start3A_169] : memref<10000x128xf32, #tpu.memory_space<vmem_shared>> -> memref<80x128xf32, #tpu.memory_space<vmem_shared>>
        tpu.enqueue_dma source(%dma_start3A_170 : memref<80x128xf32, #tpu.memory_space<vmem_shared>>) target(%dma_start3A_168 : memref<80x128xf32, #tpu.memory_space<hbm>>) target_semaphore(%run_scoped3A : memref<!tpu.dma_semaphore, #tpu.memory_space<semaphore_mem>>)
        %dma_wait3A_171 = arith.constant 0 : i32
        %dma_wait3A_172 = tpu.memref_slice %arg6[%arg0, %mul3A_165, %dma_wait3A_171] : memref<2x10000x128xf32, #tpu.memory_space<hbm>> -> memref<1x80x128xf32, #tpu.memory_space<hbm>>
        %dma_wait3A_173 = tpu.memref_squeeze %dma_wait3A_172 : memref<1x80x128xf32, #tpu.memory_space<hbm>> -> memref<80x128xf32, #tpu.memory_space<hbm>>
        %dma_wait3A_174 = arith.constant 0 : i32
        %dma_wait3A_175 = tpu.memref_slice %arg11[%mul3A_165, %dma_wait3A_174] : memref<10000x128xf32, #tpu.memory_space<vmem_shared>> -> memref<80x128xf32, #tpu.memory_space<vmem_shared>>
        tpu.wait_dma2 semaphore(%run_scoped3A : memref<!tpu.dma_semaphore, #tpu.memory_space<semaphore_mem>>) src(%dma_wait3A_175 : memref<80x128xf32, #tpu.memory_space<vmem_shared>>) dst(%dma_wait3A_173 : memref<80x128xf32, #tpu.memory_space<hbm>>)
        tpu.yield
      }) : () -> ()
    } else {
    }
    %add3A_115 = arith.constant 16 : i32
    %add3A_116 = arith.addi %arg1, %add3A_115 : i32
    %lt3A_117 = arith.constant 125 : i32
    %lt3A_118 = arith.cmpi slt, %add3A_116, %lt3A_117 : i32
    %convert_element_type3A_119 = arith.extui %lt3A_118 : i1 to i32
    %cond3A_120 = arith.constant 0 : i32
    %cond3A_121 = arith.cmpi ne, %convert_element_type3A_119, %cond3A_120 : i32
    scf.if %cond3A_121 {
      %mul3A_164 = arith.constant 80 : i32
      %mul3A_165 = arith.muli %add3A_116, %mul3A_164 : i32
      "tpu.region"() ({
        %run_scoped3A = tpu.sem_alloc : memref<!tpu.dma_semaphore, #tpu.memory_space<semaphore_mem>>
        %dma_start3A_166 = arith.constant 0 : i32
        %dma_start3A_167 = tpu.memref_slice %arg6[%arg0, %mul3A_165, %dma_start3A_166] : memref<2x10000x128xf32, #tpu.memory_space<hbm>> -> memref<1x80x128xf32, #tpu.memory_space<hbm>>
        %dma_start3A_168 = tpu.memref_squeeze %dma_start3A_167 : memref<1x80x128xf32, #tpu.memory_space<hbm>> -> memref<80x128xf32, #tpu.memory_space<hbm>>
        %dma_start3A_169 = arith.constant 0 : i32
        %dma_start3A_170 = tpu.memref_slice %arg11[%mul3A_165, %dma_start3A_169] : memref<10000x128xf32, #tpu.memory_space<vmem_shared>> -> memref<80x128xf32, #tpu.memory_space<vmem_shared>>
        tpu.enqueue_dma source(%dma_start3A_170 : memref<80x128xf32, #tpu.memory_space<vmem_shared>>) target(%dma_start3A_168 : memref<80x128xf32, #tpu.memory_space<hbm>>) target_semaphore(%run_scoped3A : memref<!tpu.dma_semaphore, #tpu.memory_space<semaphore_mem>>)
        %dma_wait3A_171 = arith.constant 0 : i32
        %dma_wait3A_172 = tpu.memref_slice %arg6[%arg0, %mul3A_165, %dma_wait3A_171] : memref<2x10000x128xf32, #tpu.memory_space<hbm>> -> memref<1x80x128xf32, #tpu.memory_space<hbm>>
        %dma_wait3A_173 = tpu.memref_squeeze %dma_wait3A_172 : memref<1x80x128xf32, #tpu.memory_space<hbm>> -> memref<80x128xf32, #tpu.memory_space<hbm>>
        %dma_wait3A_174 = arith.constant 0 : i32
        %dma_wait3A_175 = tpu.memref_slice %arg11[%mul3A_165, %dma_wait3A_174] : memref<10000x128xf32, #tpu.memory_space<vmem_shared>> -> memref<80x128xf32, #tpu.memory_space<vmem_shared>>
        tpu.wait_dma2 semaphore(%run_scoped3A : memref<!tpu.dma_semaphore, #tpu.memory_space<semaphore_mem>>) src(%dma_wait3A_175 : memref<80x128xf32, #tpu.memory_space<vmem_shared>>) dst(%dma_wait3A_173 : memref<80x128xf32, #tpu.memory_space<hbm>>)
        tpu.yield
      }) : () -> ()
    } else {
    }
    %add3A_122 = arith.constant 32 : i32
    %add3A_123 = arith.addi %arg1, %add3A_122 : i32
    %lt3A_124 = arith.constant 125 : i32
    %lt3A_125 = arith.cmpi slt, %add3A_123, %lt3A_124 : i32
    %convert_element_type3A_126 = arith.extui %lt3A_125 : i1 to i32
    %cond3A_127 = arith.constant 0 : i32
    %cond3A_128 = arith.cmpi ne, %convert_element_type3A_126, %cond3A_127 : i32
    scf.if %cond3A_128 {
      %mul3A_164 = arith.constant 80 : i32
      %mul3A_165 = arith.muli %add3A_123, %mul3A_164 : i32
      "tpu.region"() ({
        %run_scoped3A = tpu.sem_alloc : memref<!tpu.dma_semaphore, #tpu.memory_space<semaphore_mem>>
        %dma_start3A_166 = arith.constant 0 : i32
        %dma_start3A_167 = tpu.memref_slice %arg6[%arg0, %mul3A_165, %dma_start3A_166] : memref<2x10000x128xf32, #tpu.memory_space<hbm>> -> memref<1x80x128xf32, #tpu.memory_space<hbm>>
        %dma_start3A_168 = tpu.memref_squeeze %dma_start3A_167 : memref<1x80x128xf32, #tpu.memory_space<hbm>> -> memref<80x128xf32, #tpu.memory_space<hbm>>
        %dma_start3A_169 = arith.constant 0 : i32
        %dma_start3A_170 = tpu.memref_slice %arg11[%mul3A_165, %dma_start3A_169] : memref<10000x128xf32, #tpu.memory_space<vmem_shared>> -> memref<80x128xf32, #tpu.memory_space<vmem_shared>>
        tpu.enqueue_dma source(%dma_start3A_170 : memref<80x128xf32, #tpu.memory_space<vmem_shared>>) target(%dma_start3A_168 : memref<80x128xf32, #tpu.memory_space<hbm>>) target_semaphore(%run_scoped3A : memref<!tpu.dma_semaphore, #tpu.memory_space<semaphore_mem>>)
        %dma_wait3A_171 = arith.constant 0 : i32
        %dma_wait3A_172 = tpu.memref_slice %arg6[%arg0, %mul3A_165, %dma_wait3A_171] : memref<2x10000x128xf32, #tpu.memory_space<hbm>> -> memref<1x80x128xf32, #tpu.memory_space<hbm>>
        %dma_wait3A_173 = tpu.memref_squeeze %dma_wait3A_172 : memref<1x80x128xf32, #tpu.memory_space<hbm>> -> memref<80x128xf32, #tpu.memory_space<hbm>>
        %dma_wait3A_174 = arith.constant 0 : i32
        %dma_wait3A_175 = tpu.memref_slice %arg11[%mul3A_165, %dma_wait3A_174] : memref<10000x128xf32, #tpu.memory_space<vmem_shared>> -> memref<80x128xf32, #tpu.memory_space<vmem_shared>>
        tpu.wait_dma2 semaphore(%run_scoped3A : memref<!tpu.dma_semaphore, #tpu.memory_space<semaphore_mem>>) src(%dma_wait3A_175 : memref<80x128xf32, #tpu.memory_space<vmem_shared>>) dst(%dma_wait3A_173 : memref<80x128xf32, #tpu.memory_space<hbm>>)
        tpu.yield
      }) : () -> ()
    } else {
    }
    %add3A_129 = arith.constant 48 : i32
    %add3A_130 = arith.addi %arg1, %add3A_129 : i32
    %lt3A_131 = arith.constant 125 : i32
    %lt3A_132 = arith.cmpi slt, %add3A_130, %lt3A_131 : i32
    %convert_element_type3A_133 = arith.extui %lt3A_132 : i1 to i32
    %cond3A_134 = arith.constant 0 : i32
    %cond3A_135 = arith.cmpi ne, %convert_element_type3A_133, %cond3A_134 : i32
    scf.if %cond3A_135 {
      %mul3A_164 = arith.constant 80 : i32
      %mul3A_165 = arith.muli %add3A_130, %mul3A_164 : i32
      "tpu.region"() ({
        %run_scoped3A = tpu.sem_alloc : memref<!tpu.dma_semaphore, #tpu.memory_space<semaphore_mem>>
        %dma_start3A_166 = arith.constant 0 : i32
        %dma_start3A_167 = tpu.memref_slice %arg6[%arg0, %mul3A_165, %dma_start3A_166] : memref<2x10000x128xf32, #tpu.memory_space<hbm>> -> memref<1x80x128xf32, #tpu.memory_space<hbm>>
        %dma_start3A_168 = tpu.memref_squeeze %dma_start3A_167 : memref<1x80x128xf32, #tpu.memory_space<hbm>> -> memref<80x128xf32, #tpu.memory_space<hbm>>
        %dma_start3A_169 = arith.constant 0 : i32
        %dma_start3A_170 = tpu.memref_slice %arg11[%mul3A_165, %dma_start3A_169] : memref<10000x128xf32, #tpu.memory_space<vmem_shared>> -> memref<80x128xf32, #tpu.memory_space<vmem_shared>>
        tpu.enqueue_dma source(%dma_start3A_170 : memref<80x128xf32, #tpu.memory_space<vmem_shared>>) target(%dma_start3A_168 : memref<80x128xf32, #tpu.memory_space<hbm>>) target_semaphore(%run_scoped3A : memref<!tpu.dma_semaphore, #tpu.memory_space<semaphore_mem>>)
        %dma_wait3A_171 = arith.constant 0 : i32
        %dma_wait3A_172 = tpu.memref_slice %arg6[%arg0, %mul3A_165, %dma_wait3A_171] : memref<2x10000x128xf32, #tpu.memory_space<hbm>> -> memref<1x80x128xf32, #tpu.memory_space<hbm>>
        %dma_wait3A_173 = tpu.memref_squeeze %dma_wait3A_172 : memref<1x80x128xf32, #tpu.memory_space<hbm>> -> memref<80x128xf32, #tpu.memory_space<hbm>>
        %dma_wait3A_174 = arith.constant 0 : i32
        %dma_wait3A_175 = tpu.memref_slice %arg11[%mul3A_165, %dma_wait3A_174] : memref<10000x128xf32, #tpu.memory_space<vmem_shared>> -> memref<80x128xf32, #tpu.memory_space<vmem_shared>>
        tpu.wait_dma2 semaphore(%run_scoped3A : memref<!tpu.dma_semaphore, #tpu.memory_space<semaphore_mem>>) src(%dma_wait3A_175 : memref<80x128xf32, #tpu.memory_space<vmem_shared>>) dst(%dma_wait3A_173 : memref<80x128xf32, #tpu.memory_space<hbm>>)
        tpu.yield
      }) : () -> ()
    } else {
    }
    %add3A_136 = arith.constant 64 : i32
    %add3A_137 = arith.addi %arg1, %add3A_136 : i32
    %lt3A_138 = arith.constant 125 : i32
    %lt3A_139 = arith.cmpi slt, %add3A_137, %lt3A_138 : i32
    %convert_element_type3A_140 = arith.extui %lt3A_139 : i1 to i32
    %cond3A_141 = arith.constant 0 : i32
    %cond3A_142 = arith.cmpi ne, %convert_element_type3A_140, %cond3A_141 : i32
    scf.if %cond3A_142 {
      %mul3A_164 = arith.constant 80 : i32
      %mul3A_165 = arith.muli %add3A_137, %mul3A_164 : i32
      "tpu.region"() ({
        %run_scoped3A = tpu.sem_alloc : memref<!tpu.dma_semaphore, #tpu.memory_space<semaphore_mem>>
        %dma_start3A_166 = arith.constant 0 : i32
        %dma_start3A_167 = tpu.memref_slice %arg6[%arg0, %mul3A_165, %dma_start3A_166] : memref<2x10000x128xf32, #tpu.memory_space<hbm>> -> memref<1x80x128xf32, #tpu.memory_space<hbm>>
        %dma_start3A_168 = tpu.memref_squeeze %dma_start3A_167 : memref<1x80x128xf32, #tpu.memory_space<hbm>> -> memref<80x128xf32, #tpu.memory_space<hbm>>
        %dma_start3A_169 = arith.constant 0 : i32
        %dma_start3A_170 = tpu.memref_slice %arg11[%mul3A_165, %dma_start3A_169] : memref<10000x128xf32, #tpu.memory_space<vmem_shared>> -> memref<80x128xf32, #tpu.memory_space<vmem_shared>>
        tpu.enqueue_dma source(%dma_start3A_170 : memref<80x128xf32, #tpu.memory_space<vmem_shared>>) target(%dma_start3A_168 : memref<80x128xf32, #tpu.memory_space<hbm>>) target_semaphore(%run_scoped3A : memref<!tpu.dma_semaphore, #tpu.memory_space<semaphore_mem>>)
        %dma_wait3A_171 = arith.constant 0 : i32
        %dma_wait3A_172 = tpu.memref_slice %arg6[%arg0, %mul3A_165, %dma_wait3A_171] : memref<2x10000x128xf32, #tpu.memory_space<hbm>> -> memref<1x80x128xf32, #tpu.memory_space<hbm>>
        %dma_wait3A_173 = tpu.memref_squeeze %dma_wait3A_172 : memref<1x80x128xf32, #tpu.memory_space<hbm>> -> memref<80x128xf32, #tpu.memory_space<hbm>>
        %dma_wait3A_174 = arith.constant 0 : i32
        %dma_wait3A_175 = tpu.memref_slice %arg11[%mul3A_165, %dma_wait3A_174] : memref<10000x128xf32, #tpu.memory_space<vmem_shared>> -> memref<80x128xf32, #tpu.memory_space<vmem_shared>>
        tpu.wait_dma2 semaphore(%run_scoped3A : memref<!tpu.dma_semaphore, #tpu.memory_space<semaphore_mem>>) src(%dma_wait3A_175 : memref<80x128xf32, #tpu.memory_space<vmem_shared>>) dst(%dma_wait3A_173 : memref<80x128xf32, #tpu.memory_space<hbm>>)
        tpu.yield
      }) : () -> ()
    } else {
    }
    %add3A_143 = arith.constant 80 : i32
    %add3A_144 = arith.addi %arg1, %add3A_143 : i32
    %lt3A_145 = arith.constant 125 : i32
    %lt3A_146 = arith.cmpi slt, %add3A_144, %lt3A_145 : i32
    %convert_element_type3A_147 = arith.extui %lt3A_146 : i1 to i32
    %cond3A_148 = arith.constant 0 : i32
    %cond3A_149 = arith.cmpi ne, %convert_element_type3A_147, %cond3A_148 : i32
    scf.if %cond3A_149 {
      %mul3A_164 = arith.constant 80 : i32
      %mul3A_165 = arith.muli %add3A_144, %mul3A_164 : i32
      "tpu.region"() ({
        %run_scoped3A = tpu.sem_alloc : memref<!tpu.dma_semaphore, #tpu.memory_space<semaphore_mem>>
        %dma_start3A_166 = arith.constant 0 : i32
        %dma_start3A_167 = tpu.memref_slice %arg6[%arg0, %mul3A_165, %dma_start3A_166] : memref<2x10000x128xf32, #tpu.memory_space<hbm>> -> memref<1x80x128xf32, #tpu.memory_space<hbm>>
        %dma_start3A_168 = tpu.memref_squeeze %dma_start3A_167 : memref<1x80x128xf32, #tpu.memory_space<hbm>> -> memref<80x128xf32, #tpu.memory_space<hbm>>
        %dma_start3A_169 = arith.constant 0 : i32
        %dma_start3A_170 = tpu.memref_slice %arg11[%mul3A_165, %dma_start3A_169] : memref<10000x128xf32, #tpu.memory_space<vmem_shared>> -> memref<80x128xf32, #tpu.memory_space<vmem_shared>>
        tpu.enqueue_dma source(%dma_start3A_170 : memref<80x128xf32, #tpu.memory_space<vmem_shared>>) target(%dma_start3A_168 : memref<80x128xf32, #tpu.memory_space<hbm>>) target_semaphore(%run_scoped3A : memref<!tpu.dma_semaphore, #tpu.memory_space<semaphore_mem>>)
        %dma_wait3A_171 = arith.constant 0 : i32
        %dma_wait3A_172 = tpu.memref_slice %arg6[%arg0, %mul3A_165, %dma_wait3A_171] : memref<2x10000x128xf32, #tpu.memory_space<hbm>> -> memref<1x80x128xf32, #tpu.memory_space<hbm>>
        %dma_wait3A_173 = tpu.memref_squeeze %dma_wait3A_172 : memref<1x80x128xf32, #tpu.memory_space<hbm>> -> memref<80x128xf32, #tpu.memory_space<hbm>>
        %dma_wait3A_174 = arith.constant 0 : i32
        %dma_wait3A_175 = tpu.memref_slice %arg11[%mul3A_165, %dma_wait3A_174] : memref<10000x128xf32, #tpu.memory_space<vmem_shared>> -> memref<80x128xf32, #tpu.memory_space<vmem_shared>>
        tpu.wait_dma2 semaphore(%run_scoped3A : memref<!tpu.dma_semaphore, #tpu.memory_space<semaphore_mem>>) src(%dma_wait3A_175 : memref<80x128xf32, #tpu.memory_space<vmem_shared>>) dst(%dma_wait3A_173 : memref<80x128xf32, #tpu.memory_space<hbm>>)
        tpu.yield
      }) : () -> ()
    } else {
    }
    %add3A_150 = arith.constant 96 : i32
    %add3A_151 = arith.addi %arg1, %add3A_150 : i32
    %lt3A_152 = arith.constant 125 : i32
    %lt3A_153 = arith.cmpi slt, %add3A_151, %lt3A_152 : i32
    %convert_element_type3A_154 = arith.extui %lt3A_153 : i1 to i32
    %cond3A_155 = arith.constant 0 : i32
    %cond3A_156 = arith.cmpi ne, %convert_element_type3A_154, %cond3A_155 : i32
    scf.if %cond3A_156 {
      %mul3A_164 = arith.constant 80 : i32
      %mul3A_165 = arith.muli %add3A_151, %mul3A_164 : i32
      "tpu.region"() ({
        %run_scoped3A = tpu.sem_alloc : memref<!tpu.dma_semaphore, #tpu.memory_space<semaphore_mem>>
        %dma_start3A_166 = arith.constant 0 : i32
        %dma_start3A_167 = tpu.memref_slice %arg6[%arg0, %mul3A_165, %dma_start3A_166] : memref<2x10000x128xf32, #tpu.memory_space<hbm>> -> memref<1x80x128xf32, #tpu.memory_space<hbm>>
        %dma_start3A_168 = tpu.memref_squeeze %dma_start3A_167 : memref<1x80x128xf32, #tpu.memory_space<hbm>> -> memref<80x128xf32, #tpu.memory_space<hbm>>
        %dma_start3A_169 = arith.constant 0 : i32
        %dma_start3A_170 = tpu.memref_slice %arg11[%mul3A_165, %dma_start3A_169] : memref<10000x128xf32, #tpu.memory_space<vmem_shared>> -> memref<80x128xf32, #tpu.memory_space<vmem_shared>>
        tpu.enqueue_dma source(%dma_start3A_170 : memref<80x128xf32, #tpu.memory_space<vmem_shared>>) target(%dma_start3A_168 : memref<80x128xf32, #tpu.memory_space<hbm>>) target_semaphore(%run_scoped3A : memref<!tpu.dma_semaphore, #tpu.memory_space<semaphore_mem>>)
        %dma_wait3A_171 = arith.constant 0 : i32
        %dma_wait3A_172 = tpu.memref_slice %arg6[%arg0, %mul3A_165, %dma_wait3A_171] : memref<2x10000x128xf32, #tpu.memory_space<hbm>> -> memref<1x80x128xf32, #tpu.memory_space<hbm>>
        %dma_wait3A_173 = tpu.memref_squeeze %dma_wait3A_172 : memref<1x80x128xf32, #tpu.memory_space<hbm>> -> memref<80x128xf32, #tpu.memory_space<hbm>>
        %dma_wait3A_174 = arith.constant 0 : i32
        %dma_wait3A_175 = tpu.memref_slice %arg11[%mul3A_165, %dma_wait3A_174] : memref<10000x128xf32, #tpu.memory_space<vmem_shared>> -> memref<80x128xf32, #tpu.memory_space<vmem_shared>>
        tpu.wait_dma2 semaphore(%run_scoped3A : memref<!tpu.dma_semaphore, #tpu.memory_space<semaphore_mem>>) src(%dma_wait3A_175 : memref<80x128xf32, #tpu.memory_space<vmem_shared>>) dst(%dma_wait3A_173 : memref<80x128xf32, #tpu.memory_space<hbm>>)
        tpu.yield
      }) : () -> ()
    } else {
    }
    %add3A_157 = arith.constant 112 : i32
    %add3A_158 = arith.addi %arg1, %add3A_157 : i32
    %lt3A_159 = arith.constant 125 : i32
    %lt3A_160 = arith.cmpi slt, %add3A_158, %lt3A_159 : i32
    %convert_element_type3A_161 = arith.extui %lt3A_160 : i1 to i32
    %cond3A_162 = arith.constant 0 : i32
    %cond3A_163 = arith.cmpi ne, %convert_element_type3A_161, %cond3A_162 : i32
    scf.if %cond3A_163 {
      %mul3A_164 = arith.constant 80 : i32
      %mul3A_165 = arith.muli %add3A_158, %mul3A_164 : i32
      "tpu.region"() ({
        %run_scoped3A = tpu.sem_alloc : memref<!tpu.dma_semaphore, #tpu.memory_space<semaphore_mem>>
        %dma_start3A_166 = arith.constant 0 : i32
        %dma_start3A_167 = tpu.memref_slice %arg6[%arg0, %mul3A_165, %dma_start3A_166] : memref<2x10000x128xf32, #tpu.memory_space<hbm>> -> memref<1x80x128xf32, #tpu.memory_space<hbm>>
        %dma_start3A_168 = tpu.memref_squeeze %dma_start3A_167 : memref<1x80x128xf32, #tpu.memory_space<hbm>> -> memref<80x128xf32, #tpu.memory_space<hbm>>
        %dma_start3A_169 = arith.constant 0 : i32
        %dma_start3A_170 = tpu.memref_slice %arg11[%mul3A_165, %dma_start3A_169] : memref<10000x128xf32, #tpu.memory_space<vmem_shared>> -> memref<80x128xf32, #tpu.memory_space<vmem_shared>>
        tpu.enqueue_dma source(%dma_start3A_170 : memref<80x128xf32, #tpu.memory_space<vmem_shared>>) target(%dma_start3A_168 : memref<80x128xf32, #tpu.memory_space<hbm>>) target_semaphore(%run_scoped3A : memref<!tpu.dma_semaphore, #tpu.memory_space<semaphore_mem>>)
        %dma_wait3A_171 = arith.constant 0 : i32
        %dma_wait3A_172 = tpu.memref_slice %arg6[%arg0, %mul3A_165, %dma_wait3A_171] : memref<2x10000x128xf32, #tpu.memory_space<hbm>> -> memref<1x80x128xf32, #tpu.memory_space<hbm>>
        %dma_wait3A_173 = tpu.memref_squeeze %dma_wait3A_172 : memref<1x80x128xf32, #tpu.memory_space<hbm>> -> memref<80x128xf32, #tpu.memory_space<hbm>>
        %dma_wait3A_174 = arith.constant 0 : i32
        %dma_wait3A_175 = tpu.memref_slice %arg11[%mul3A_165, %dma_wait3A_174] : memref<10000x128xf32, #tpu.memory_space<vmem_shared>> -> memref<80x128xf32, #tpu.memory_space<vmem_shared>>
        tpu.wait_dma2 semaphore(%run_scoped3A : memref<!tpu.dma_semaphore, #tpu.memory_space<semaphore_mem>>) src(%dma_wait3A_175 : memref<80x128xf32, #tpu.memory_space<vmem_shared>>) dst(%dma_wait3A_173 : memref<80x128xf32, #tpu.memory_space<hbm>>)
        tpu.yield
      }) : () -> ()
    } else {
    }
    return
  }
}

#map = affine_map<(d0, d1) -> (0, 0)>
#map1 = affine_map<(d0, d1) -> (0, 0, 0)>
module attributes {stable_mosaic.version = 14 : i64} {
  func.func @_msgpass_body(%arg0: i32, %arg1: i32, %arg2: memref<10000x128xf32, #tpu.memory_space<hbm>>, %arg3: memref<2560x125xi32, #tpu.memory_space<hbm>>, %arg4: memref<2560x125xi32, #tpu.memory_space<hbm>>, %arg5: memref<10000x128xf32, #tpu.memory_space<hbm>>, %arg6: memref<2x10000x128xf32, #tpu.memory_space<hbm>>, %arg7: memref<40x125xi32, #tpu.memory_space<vmem>>, %arg8: memref<40x125xi32, #tpu.memory_space<vmem>>, %arg9: memref<125x128xf32, #tpu.memory_space<vmem>>, %arg10: memref<125x128xf32, #tpu.memory_space<vmem>>, %arg11: memref<10000x128xf32, #tpu.memory_space<vmem_shared>>, %arg12: memref<!tpu.dma_semaphore, #tpu.memory_space<semaphore_mem>>, %arg13: memref<!tpu.dma_semaphore, #tpu.memory_space<semaphore_mem>>) attributes {dimension_semantics = [#tpu.dimension_semantics<core_parallel>, #tpu.dimension_semantics<subcore_parallel>], iteration_bounds = array<i64: 2, 16>, scalar_prefetch = 0 : i64, scratch_operands = 7 : i64, tpu.core_type = #tpu.core_type<sc_vector_subcore>, window_params = [{transform_indices = #map}, {transform_indices = #map}, {transform_indices = #map}, {transform_indices = #map}, {transform_indices = #map1}]} {
    %mul3A = arith.constant 16 : i32
    %mul3A_0 = arith.muli %arg0, %mul3A : i32
    %add3A = arith.addi %mul3A_0, %arg1 : i32
    %add3A_1 = arith.constant 0 : i32
    %add3A_2 = arith.addi %arg1, %add3A_1 : i32
    %lt3A = arith.constant 125 : i32
    %lt3A_3 = arith.cmpi slt, %add3A_2, %lt3A : i32
    %convert_element_type3A = arith.extui %lt3A_3 : i1 to i32
    %cond3A = arith.constant 0 : i32
    %cond3A_4 = arith.cmpi ne, %convert_element_type3A, %cond3A : i32
    scf.if %cond3A_4 {
      %mul3A_164 = arith.constant 80 : i32
      %mul3A_165 = arith.muli %add3A_2, %mul3A_164 : i32
      "tpu.region"() ({
        %run_scoped3A = tpu.sem_alloc : memref<!tpu.dma_semaphore, #tpu.memory_space<semaphore_mem>>
        %dma_start3A_166 = arith.constant 0 : i32
        %dma_start3A_167 = tpu.memref_slice %arg11[%mul3A_165, %dma_start3A_166] : memref<10000x128xf32, #tpu.memory_space<vmem_shared>> -> memref<80x128xf32, #tpu.memory_space<vmem_shared>>
        %dma_start3A_168 = arith.constant 0 : i32
        %dma_start3A_169 = tpu.memref_slice %arg5[%mul3A_165, %dma_start3A_168] : memref<10000x128xf32, #tpu.memory_space<hbm>> -> memref<80x128xf32, #tpu.memory_space<hbm>>
        tpu.enqueue_dma source(%dma_start3A_169 : memref<80x128xf32, #tpu.memory_space<hbm>>) target(%dma_start3A_167 : memref<80x128xf32, #tpu.memory_space<vmem_shared>>) target_semaphore(%run_scoped3A : memref<!tpu.dma_semaphore, #tpu.memory_space<semaphore_mem>>)
        %dma_wait3A_170 = arith.constant 0 : i32
        %dma_wait3A_171 = tpu.memref_slice %arg11[%mul3A_165, %dma_wait3A_170] : memref<10000x128xf32, #tpu.memory_space<vmem_shared>> -> memref<80x128xf32, #tpu.memory_space<vmem_shared>>
        %dma_wait3A_172 = arith.constant 0 : i32
        %dma_wait3A_173 = tpu.memref_slice %arg5[%mul3A_165, %dma_wait3A_172] : memref<10000x128xf32, #tpu.memory_space<hbm>> -> memref<80x128xf32, #tpu.memory_space<hbm>>
        tpu.wait_dma2 semaphore(%run_scoped3A : memref<!tpu.dma_semaphore, #tpu.memory_space<semaphore_mem>>) src(%dma_wait3A_173 : memref<80x128xf32, #tpu.memory_space<hbm>>) dst(%dma_wait3A_171 : memref<80x128xf32, #tpu.memory_space<vmem_shared>>)
        tpu.yield
      }) : () -> ()
    } else {
    }
    %add3A_5 = arith.constant 16 : i32
    %add3A_6 = arith.addi %arg1, %add3A_5 : i32
    %lt3A_7 = arith.constant 125 : i32
    %lt3A_8 = arith.cmpi slt, %add3A_6, %lt3A_7 : i32
    %convert_element_type3A_9 = arith.extui %lt3A_8 : i1 to i32
    %cond3A_10 = arith.constant 0 : i32
    %cond3A_11 = arith.cmpi ne, %convert_element_type3A_9, %cond3A_10 : i32
    scf.if %cond3A_11 {
      %mul3A_164 = arith.constant 80 : i32
      %mul3A_165 = arith.muli %add3A_6, %mul3A_164 : i32
      "tpu.region"() ({
        %run_scoped3A = tpu.sem_alloc : memref<!tpu.dma_semaphore, #tpu.memory_space<semaphore_mem>>
        %dma_start3A_166 = arith.constant 0 : i32
        %dma_start3A_167 = tpu.memref_slice %arg11[%mul3A_165, %dma_start3A_166] : memref<10000x128xf32, #tpu.memory_space<vmem_shared>> -> memref<80x128xf32, #tpu.memory_space<vmem_shared>>
        %dma_start3A_168 = arith.constant 0 : i32
        %dma_start3A_169 = tpu.memref_slice %arg5[%mul3A_165, %dma_start3A_168] : memref<10000x128xf32, #tpu.memory_space<hbm>> -> memref<80x128xf32, #tpu.memory_space<hbm>>
        tpu.enqueue_dma source(%dma_start3A_169 : memref<80x128xf32, #tpu.memory_space<hbm>>) target(%dma_start3A_167 : memref<80x128xf32, #tpu.memory_space<vmem_shared>>) target_semaphore(%run_scoped3A : memref<!tpu.dma_semaphore, #tpu.memory_space<semaphore_mem>>)
        %dma_wait3A_170 = arith.constant 0 : i32
        %dma_wait3A_171 = tpu.memref_slice %arg11[%mul3A_165, %dma_wait3A_170] : memref<10000x128xf32, #tpu.memory_space<vmem_shared>> -> memref<80x128xf32, #tpu.memory_space<vmem_shared>>
        %dma_wait3A_172 = arith.constant 0 : i32
        %dma_wait3A_173 = tpu.memref_slice %arg5[%mul3A_165, %dma_wait3A_172] : memref<10000x128xf32, #tpu.memory_space<hbm>> -> memref<80x128xf32, #tpu.memory_space<hbm>>
        tpu.wait_dma2 semaphore(%run_scoped3A : memref<!tpu.dma_semaphore, #tpu.memory_space<semaphore_mem>>) src(%dma_wait3A_173 : memref<80x128xf32, #tpu.memory_space<hbm>>) dst(%dma_wait3A_171 : memref<80x128xf32, #tpu.memory_space<vmem_shared>>)
        tpu.yield
      }) : () -> ()
    } else {
    }
    %add3A_12 = arith.constant 32 : i32
    %add3A_13 = arith.addi %arg1, %add3A_12 : i32
    %lt3A_14 = arith.constant 125 : i32
    %lt3A_15 = arith.cmpi slt, %add3A_13, %lt3A_14 : i32
    %convert_element_type3A_16 = arith.extui %lt3A_15 : i1 to i32
    %cond3A_17 = arith.constant 0 : i32
    %cond3A_18 = arith.cmpi ne, %convert_element_type3A_16, %cond3A_17 : i32
    scf.if %cond3A_18 {
      %mul3A_164 = arith.constant 80 : i32
      %mul3A_165 = arith.muli %add3A_13, %mul3A_164 : i32
      "tpu.region"() ({
        %run_scoped3A = tpu.sem_alloc : memref<!tpu.dma_semaphore, #tpu.memory_space<semaphore_mem>>
        %dma_start3A_166 = arith.constant 0 : i32
        %dma_start3A_167 = tpu.memref_slice %arg11[%mul3A_165, %dma_start3A_166] : memref<10000x128xf32, #tpu.memory_space<vmem_shared>> -> memref<80x128xf32, #tpu.memory_space<vmem_shared>>
        %dma_start3A_168 = arith.constant 0 : i32
        %dma_start3A_169 = tpu.memref_slice %arg5[%mul3A_165, %dma_start3A_168] : memref<10000x128xf32, #tpu.memory_space<hbm>> -> memref<80x128xf32, #tpu.memory_space<hbm>>
        tpu.enqueue_dma source(%dma_start3A_169 : memref<80x128xf32, #tpu.memory_space<hbm>>) target(%dma_start3A_167 : memref<80x128xf32, #tpu.memory_space<vmem_shared>>) target_semaphore(%run_scoped3A : memref<!tpu.dma_semaphore, #tpu.memory_space<semaphore_mem>>)
        %dma_wait3A_170 = arith.constant 0 : i32
        %dma_wait3A_171 = tpu.memref_slice %arg11[%mul3A_165, %dma_wait3A_170] : memref<10000x128xf32, #tpu.memory_space<vmem_shared>> -> memref<80x128xf32, #tpu.memory_space<vmem_shared>>
        %dma_wait3A_172 = arith.constant 0 : i32
        %dma_wait3A_173 = tpu.memref_slice %arg5[%mul3A_165, %dma_wait3A_172] : memref<10000x128xf32, #tpu.memory_space<hbm>> -> memref<80x128xf32, #tpu.memory_space<hbm>>
        tpu.wait_dma2 semaphore(%run_scoped3A : memref<!tpu.dma_semaphore, #tpu.memory_space<semaphore_mem>>) src(%dma_wait3A_173 : memref<80x128xf32, #tpu.memory_space<hbm>>) dst(%dma_wait3A_171 : memref<80x128xf32, #tpu.memory_space<vmem_shared>>)
        tpu.yield
      }) : () -> ()
    } else {
    }
    %add3A_19 = arith.constant 48 : i32
    %add3A_20 = arith.addi %arg1, %add3A_19 : i32
    %lt3A_21 = arith.constant 125 : i32
    %lt3A_22 = arith.cmpi slt, %add3A_20, %lt3A_21 : i32
    %convert_element_type3A_23 = arith.extui %lt3A_22 : i1 to i32
    %cond3A_24 = arith.constant 0 : i32
    %cond3A_25 = arith.cmpi ne, %convert_element_type3A_23, %cond3A_24 : i32
    scf.if %cond3A_25 {
      %mul3A_164 = arith.constant 80 : i32
      %mul3A_165 = arith.muli %add3A_20, %mul3A_164 : i32
      "tpu.region"() ({
        %run_scoped3A = tpu.sem_alloc : memref<!tpu.dma_semaphore, #tpu.memory_space<semaphore_mem>>
        %dma_start3A_166 = arith.constant 0 : i32
        %dma_start3A_167 = tpu.memref_slice %arg11[%mul3A_165, %dma_start3A_166] : memref<10000x128xf32, #tpu.memory_space<vmem_shared>> -> memref<80x128xf32, #tpu.memory_space<vmem_shared>>
        %dma_start3A_168 = arith.constant 0 : i32
        %dma_start3A_169 = tpu.memref_slice %arg5[%mul3A_165, %dma_start3A_168] : memref<10000x128xf32, #tpu.memory_space<hbm>> -> memref<80x128xf32, #tpu.memory_space<hbm>>
        tpu.enqueue_dma source(%dma_start3A_169 : memref<80x128xf32, #tpu.memory_space<hbm>>) target(%dma_start3A_167 : memref<80x128xf32, #tpu.memory_space<vmem_shared>>) target_semaphore(%run_scoped3A : memref<!tpu.dma_semaphore, #tpu.memory_space<semaphore_mem>>)
        %dma_wait3A_170 = arith.constant 0 : i32
        %dma_wait3A_171 = tpu.memref_slice %arg11[%mul3A_165, %dma_wait3A_170] : memref<10000x128xf32, #tpu.memory_space<vmem_shared>> -> memref<80x128xf32, #tpu.memory_space<vmem_shared>>
        %dma_wait3A_172 = arith.constant 0 : i32
        %dma_wait3A_173 = tpu.memref_slice %arg5[%mul3A_165, %dma_wait3A_172] : memref<10000x128xf32, #tpu.memory_space<hbm>> -> memref<80x128xf32, #tpu.memory_space<hbm>>
        tpu.wait_dma2 semaphore(%run_scoped3A : memref<!tpu.dma_semaphore, #tpu.memory_space<semaphore_mem>>) src(%dma_wait3A_173 : memref<80x128xf32, #tpu.memory_space<hbm>>) dst(%dma_wait3A_171 : memref<80x128xf32, #tpu.memory_space<vmem_shared>>)
        tpu.yield
      }) : () -> ()
    } else {
    }
    %add3A_26 = arith.constant 64 : i32
    %add3A_27 = arith.addi %arg1, %add3A_26 : i32
    %lt3A_28 = arith.constant 125 : i32
    %lt3A_29 = arith.cmpi slt, %add3A_27, %lt3A_28 : i32
    %convert_element_type3A_30 = arith.extui %lt3A_29 : i1 to i32
    %cond3A_31 = arith.constant 0 : i32
    %cond3A_32 = arith.cmpi ne, %convert_element_type3A_30, %cond3A_31 : i32
    scf.if %cond3A_32 {
      %mul3A_164 = arith.constant 80 : i32
      %mul3A_165 = arith.muli %add3A_27, %mul3A_164 : i32
      "tpu.region"() ({
        %run_scoped3A = tpu.sem_alloc : memref<!tpu.dma_semaphore, #tpu.memory_space<semaphore_mem>>
        %dma_start3A_166 = arith.constant 0 : i32
        %dma_start3A_167 = tpu.memref_slice %arg11[%mul3A_165, %dma_start3A_166] : memref<10000x128xf32, #tpu.memory_space<vmem_shared>> -> memref<80x128xf32, #tpu.memory_space<vmem_shared>>
        %dma_start3A_168 = arith.constant 0 : i32
        %dma_start3A_169 = tpu.memref_slice %arg5[%mul3A_165, %dma_start3A_168] : memref<10000x128xf32, #tpu.memory_space<hbm>> -> memref<80x128xf32, #tpu.memory_space<hbm>>
        tpu.enqueue_dma source(%dma_start3A_169 : memref<80x128xf32, #tpu.memory_space<hbm>>) target(%dma_start3A_167 : memref<80x128xf32, #tpu.memory_space<vmem_shared>>) target_semaphore(%run_scoped3A : memref<!tpu.dma_semaphore, #tpu.memory_space<semaphore_mem>>)
        %dma_wait3A_170 = arith.constant 0 : i32
        %dma_wait3A_171 = tpu.memref_slice %arg11[%mul3A_165, %dma_wait3A_170] : memref<10000x128xf32, #tpu.memory_space<vmem_shared>> -> memref<80x128xf32, #tpu.memory_space<vmem_shared>>
        %dma_wait3A_172 = arith.constant 0 : i32
        %dma_wait3A_173 = tpu.memref_slice %arg5[%mul3A_165, %dma_wait3A_172] : memref<10000x128xf32, #tpu.memory_space<hbm>> -> memref<80x128xf32, #tpu.memory_space<hbm>>
        tpu.wait_dma2 semaphore(%run_scoped3A : memref<!tpu.dma_semaphore, #tpu.memory_space<semaphore_mem>>) src(%dma_wait3A_173 : memref<80x128xf32, #tpu.memory_space<hbm>>) dst(%dma_wait3A_171 : memref<80x128xf32, #tpu.memory_space<vmem_shared>>)
        tpu.yield
      }) : () -> ()
    } else {
    }
    %add3A_33 = arith.constant 80 : i32
    %add3A_34 = arith.addi %arg1, %add3A_33 : i32
    %lt3A_35 = arith.constant 125 : i32
    %lt3A_36 = arith.cmpi slt, %add3A_34, %lt3A_35 : i32
    %convert_element_type3A_37 = arith.extui %lt3A_36 : i1 to i32
    %cond3A_38 = arith.constant 0 : i32
    %cond3A_39 = arith.cmpi ne, %convert_element_type3A_37, %cond3A_38 : i32
    scf.if %cond3A_39 {
      %mul3A_164 = arith.constant 80 : i32
      %mul3A_165 = arith.muli %add3A_34, %mul3A_164 : i32
      "tpu.region"() ({
        %run_scoped3A = tpu.sem_alloc : memref<!tpu.dma_semaphore, #tpu.memory_space<semaphore_mem>>
        %dma_start3A_166 = arith.constant 0 : i32
        %dma_start3A_167 = tpu.memref_slice %arg11[%mul3A_165, %dma_start3A_166] : memref<10000x128xf32, #tpu.memory_space<vmem_shared>> -> memref<80x128xf32, #tpu.memory_space<vmem_shared>>
        %dma_start3A_168 = arith.constant 0 : i32
        %dma_start3A_169 = tpu.memref_slice %arg5[%mul3A_165, %dma_start3A_168] : memref<10000x128xf32, #tpu.memory_space<hbm>> -> memref<80x128xf32, #tpu.memory_space<hbm>>
        tpu.enqueue_dma source(%dma_start3A_169 : memref<80x128xf32, #tpu.memory_space<hbm>>) target(%dma_start3A_167 : memref<80x128xf32, #tpu.memory_space<vmem_shared>>) target_semaphore(%run_scoped3A : memref<!tpu.dma_semaphore, #tpu.memory_space<semaphore_mem>>)
        %dma_wait3A_170 = arith.constant 0 : i32
        %dma_wait3A_171 = tpu.memref_slice %arg11[%mul3A_165, %dma_wait3A_170] : memref<10000x128xf32, #tpu.memory_space<vmem_shared>> -> memref<80x128xf32, #tpu.memory_space<vmem_shared>>
        %dma_wait3A_172 = arith.constant 0 : i32
        %dma_wait3A_173 = tpu.memref_slice %arg5[%mul3A_165, %dma_wait3A_172] : memref<10000x128xf32, #tpu.memory_space<hbm>> -> memref<80x128xf32, #tpu.memory_space<hbm>>
        tpu.wait_dma2 semaphore(%run_scoped3A : memref<!tpu.dma_semaphore, #tpu.memory_space<semaphore_mem>>) src(%dma_wait3A_173 : memref<80x128xf32, #tpu.memory_space<hbm>>) dst(%dma_wait3A_171 : memref<80x128xf32, #tpu.memory_space<vmem_shared>>)
        tpu.yield
      }) : () -> ()
    } else {
    }
    %add3A_40 = arith.constant 96 : i32
    %add3A_41 = arith.addi %arg1, %add3A_40 : i32
    %lt3A_42 = arith.constant 125 : i32
    %lt3A_43 = arith.cmpi slt, %add3A_41, %lt3A_42 : i32
    %convert_element_type3A_44 = arith.extui %lt3A_43 : i1 to i32
    %cond3A_45 = arith.constant 0 : i32
    %cond3A_46 = arith.cmpi ne, %convert_element_type3A_44, %cond3A_45 : i32
    scf.if %cond3A_46 {
      %mul3A_164 = arith.constant 80 : i32
      %mul3A_165 = arith.muli %add3A_41, %mul3A_164 : i32
      "tpu.region"() ({
        %run_scoped3A = tpu.sem_alloc : memref<!tpu.dma_semaphore, #tpu.memory_space<semaphore_mem>>
        %dma_start3A_166 = arith.constant 0 : i32
        %dma_start3A_167 = tpu.memref_slice %arg11[%mul3A_165, %dma_start3A_166] : memref<10000x128xf32, #tpu.memory_space<vmem_shared>> -> memref<80x128xf32, #tpu.memory_space<vmem_shared>>
        %dma_start3A_168 = arith.constant 0 : i32
        %dma_start3A_169 = tpu.memref_slice %arg5[%mul3A_165, %dma_start3A_168] : memref<10000x128xf32, #tpu.memory_space<hbm>> -> memref<80x128xf32, #tpu.memory_space<hbm>>
        tpu.enqueue_dma source(%dma_start3A_169 : memref<80x128xf32, #tpu.memory_space<hbm>>) target(%dma_start3A_167 : memref<80x128xf32, #tpu.memory_space<vmem_shared>>) target_semaphore(%run_scoped3A : memref<!tpu.dma_semaphore, #tpu.memory_space<semaphore_mem>>)
        %dma_wait3A_170 = arith.constant 0 : i32
        %dma_wait3A_171 = tpu.memref_slice %arg11[%mul3A_165, %dma_wait3A_170] : memref<10000x128xf32, #tpu.memory_space<vmem_shared>> -> memref<80x128xf32, #tpu.memory_space<vmem_shared>>
        %dma_wait3A_172 = arith.constant 0 : i32
        %dma_wait3A_173 = tpu.memref_slice %arg5[%mul3A_165, %dma_wait3A_172] : memref<10000x128xf32, #tpu.memory_space<hbm>> -> memref<80x128xf32, #tpu.memory_space<hbm>>
        tpu.wait_dma2 semaphore(%run_scoped3A : memref<!tpu.dma_semaphore, #tpu.memory_space<semaphore_mem>>) src(%dma_wait3A_173 : memref<80x128xf32, #tpu.memory_space<hbm>>) dst(%dma_wait3A_171 : memref<80x128xf32, #tpu.memory_space<vmem_shared>>)
        tpu.yield
      }) : () -> ()
    } else {
    }
    %add3A_47 = arith.constant 112 : i32
    %add3A_48 = arith.addi %arg1, %add3A_47 : i32
    %lt3A_49 = arith.constant 125 : i32
    %lt3A_50 = arith.cmpi slt, %add3A_48, %lt3A_49 : i32
    %convert_element_type3A_51 = arith.extui %lt3A_50 : i1 to i32
    %cond3A_52 = arith.constant 0 : i32
    %cond3A_53 = arith.cmpi ne, %convert_element_type3A_51, %cond3A_52 : i32
    scf.if %cond3A_53 {
      %mul3A_164 = arith.constant 80 : i32
      %mul3A_165 = arith.muli %add3A_48, %mul3A_164 : i32
      "tpu.region"() ({
        %run_scoped3A = tpu.sem_alloc : memref<!tpu.dma_semaphore, #tpu.memory_space<semaphore_mem>>
        %dma_start3A_166 = arith.constant 0 : i32
        %dma_start3A_167 = tpu.memref_slice %arg11[%mul3A_165, %dma_start3A_166] : memref<10000x128xf32, #tpu.memory_space<vmem_shared>> -> memref<80x128xf32, #tpu.memory_space<vmem_shared>>
        %dma_start3A_168 = arith.constant 0 : i32
        %dma_start3A_169 = tpu.memref_slice %arg5[%mul3A_165, %dma_start3A_168] : memref<10000x128xf32, #tpu.memory_space<hbm>> -> memref<80x128xf32, #tpu.memory_space<hbm>>
        tpu.enqueue_dma source(%dma_start3A_169 : memref<80x128xf32, #tpu.memory_space<hbm>>) target(%dma_start3A_167 : memref<80x128xf32, #tpu.memory_space<vmem_shared>>) target_semaphore(%run_scoped3A : memref<!tpu.dma_semaphore, #tpu.memory_space<semaphore_mem>>)
        %dma_wait3A_170 = arith.constant 0 : i32
        %dma_wait3A_171 = tpu.memref_slice %arg11[%mul3A_165, %dma_wait3A_170] : memref<10000x128xf32, #tpu.memory_space<vmem_shared>> -> memref<80x128xf32, #tpu.memory_space<vmem_shared>>
        %dma_wait3A_172 = arith.constant 0 : i32
        %dma_wait3A_173 = tpu.memref_slice %arg5[%mul3A_165, %dma_wait3A_172] : memref<10000x128xf32, #tpu.memory_space<hbm>> -> memref<80x128xf32, #tpu.memory_space<hbm>>
        tpu.wait_dma2 semaphore(%run_scoped3A : memref<!tpu.dma_semaphore, #tpu.memory_space<semaphore_mem>>) src(%dma_wait3A_173 : memref<80x128xf32, #tpu.memory_space<hbm>>) dst(%dma_wait3A_171 : memref<80x128xf32, #tpu.memory_space<vmem_shared>>)
        tpu.yield
      }) : () -> ()
    } else {
    }
    %barrier3A = arith.constant 0 : index
    tpu.barrier barrier_id(%barrier3A)
    %mul3A_54 = arith.constant 80 : i32
    %mul3A_55 = arith.muli %add3A, %mul3A_54 : i32
    %add3A_56 = arith.constant 0 : i32
    %add3A_57 = arith.addi %mul3A_55, %add3A_56 : i32
    "tpu.region"() ({
      %run_scoped3A = tpu.sem_alloc : memref<!tpu.dma_semaphore, #tpu.memory_space<semaphore_mem>>
      %dma_start3A_164 = arith.constant 0 : i32
      %dma_start3A_165 = tpu.memref_slice %arg3[%add3A_57, %dma_start3A_164] : memref<2560x125xi32, #tpu.memory_space<hbm>> -> memref<40x125xi32, #tpu.memory_space<hbm>>
      %dma_start3A_166 = arith.constant 0 : i32
      %dma_start3A_167 = tpu.memref_slice %arg3[%add3A_57, %dma_start3A_166] : memref<2560x125xi32, #tpu.memory_space<hbm>> -> memref<40x125xi32, #tpu.memory_space<hbm>>
      tpu.enqueue_dma source(%dma_start3A_167 : memref<40x125xi32, #tpu.memory_space<hbm>>) target(%arg7 : memref<40x125xi32, #tpu.memory_space<vmem>>) target_semaphore(%run_scoped3A : memref<!tpu.dma_semaphore, #tpu.memory_space<semaphore_mem>>)
      %dma_wait3A_168 = arith.constant 0 : i32
      %dma_wait3A_169 = tpu.memref_slice %arg3[%add3A_57, %dma_wait3A_168] : memref<2560x125xi32, #tpu.memory_space<hbm>> -> memref<40x125xi32, #tpu.memory_space<hbm>>
      %dma_wait3A_170 = arith.constant 0 : i32
      %dma_wait3A_171 = tpu.memref_slice %arg3[%add3A_57, %dma_wait3A_170] : memref<2560x125xi32, #tpu.memory_space<hbm>> -> memref<40x125xi32, #tpu.memory_space<hbm>>
      tpu.wait_dma2 semaphore(%run_scoped3A : memref<!tpu.dma_semaphore, #tpu.memory_space<semaphore_mem>>) src(%dma_wait3A_171 : memref<40x125xi32, #tpu.memory_space<hbm>>) dst(%arg7 : memref<40x125xi32, #tpu.memory_space<vmem>>)
      tpu.yield
    }) : () -> ()
    %mul3A_58 = arith.constant 80 : i32
    %mul3A_59 = arith.muli %add3A, %mul3A_58 : i32
    %add3A_60 = arith.constant 0 : i32
    %add3A_61 = arith.addi %mul3A_59, %add3A_60 : i32
    "tpu.region"() ({
      %run_scoped3A = tpu.sem_alloc : memref<!tpu.dma_semaphore, #tpu.memory_space<semaphore_mem>>
      %dma_start3A_164 = arith.constant 0 : i32
      %dma_start3A_165 = tpu.memref_slice %arg4[%add3A_61, %dma_start3A_164] : memref<2560x125xi32, #tpu.memory_space<hbm>> -> memref<40x125xi32, #tpu.memory_space<hbm>>
      %dma_start3A_166 = arith.constant 0 : i32
      %dma_start3A_167 = tpu.memref_slice %arg4[%add3A_61, %dma_start3A_166] : memref<2560x125xi32, #tpu.memory_space<hbm>> -> memref<40x125xi32, #tpu.memory_space<hbm>>
      tpu.enqueue_dma source(%dma_start3A_167 : memref<40x125xi32, #tpu.memory_space<hbm>>) target(%arg8 : memref<40x125xi32, #tpu.memory_space<vmem>>) target_semaphore(%run_scoped3A : memref<!tpu.dma_semaphore, #tpu.memory_space<semaphore_mem>>)
      %dma_wait3A_168 = arith.constant 0 : i32
      %dma_wait3A_169 = tpu.memref_slice %arg4[%add3A_61, %dma_wait3A_168] : memref<2560x125xi32, #tpu.memory_space<hbm>> -> memref<40x125xi32, #tpu.memory_space<hbm>>
      %dma_wait3A_170 = arith.constant 0 : i32
      %dma_wait3A_171 = tpu.memref_slice %arg4[%add3A_61, %dma_wait3A_170] : memref<2560x125xi32, #tpu.memory_space<hbm>> -> memref<40x125xi32, #tpu.memory_space<hbm>>
      tpu.wait_dma2 semaphore(%run_scoped3A : memref<!tpu.dma_semaphore, #tpu.memory_space<semaphore_mem>>) src(%dma_wait3A_171 : memref<40x125xi32, #tpu.memory_space<hbm>>) dst(%arg8 : memref<40x125xi32, #tpu.memory_space<vmem>>)
      tpu.yield
    }) : () -> ()
    %dma_start3A = arith.constant 0 : i32
    %dma_start3A_62 = arith.constant 0 : i32
    %dma_start3A_63 = tpu.memref_slice %arg7[%dma_start3A, %dma_start3A_62] : memref<40x125xi32, #tpu.memory_space<vmem>> -> memref<1x125xi32, #tpu.memory_space<vmem>>
    %dma_start3A_64 = tpu.memref_squeeze %dma_start3A_63 : memref<1x125xi32, #tpu.memory_space<vmem>> -> memref<125xi32, #tpu.memory_space<vmem>>
    %dma_start3A_65 = arith.constant 0 : i32
    %dma_start3A_66 = arith.constant 0 : i32
    %dma_start3A_67 = tpu.memref_slice %arg2[%dma_start3A_65, %dma_start3A_66] : memref<10000x128xf32, #tpu.memory_space<hbm>> -> memref<10000x128xf32, #tpu.memory_space<hbm>>
    tpu.enqueue_indirect_dma source(%dma_start3A_67 : memref<10000x128xf32, #tpu.memory_space<hbm>>) target(%arg9 : memref<125x128xf32, #tpu.memory_space<vmem>>) offsets(%dma_start3A_64 : memref<125xi32, #tpu.memory_space<vmem>>) semaphore(%arg12 : memref<!tpu.dma_semaphore, #tpu.memory_space<semaphore_mem>>)
    %scan3A = arith.constant 0 : i32
    %scan3A_68 = arith.constant 0 : i32
    %scan3A_69 = arith.constant 20 : i32
    %scan3A_70 = arith.addi %scan3A_68, %scan3A_69 : i32
    %scan3A_71 = arith.constant 1 : i32
    scf.for %scan3A_164 = %scan3A_68 to %scan3A_70 step %scan3A_71  : i32 {
      %mul3A_165 = arith.constant 2 : i32
      %mul3A_166 = arith.muli %mul3A_165, %scan3A_164 : i32
      %gt3A = arith.constant 0 : i32
      %gt3A_167 = arith.cmpi sgt, %scan3A_164, %gt3A : i32
      %convert_element_type3A_168 = arith.extui %gt3A_167 : i1 to i32
      %cond3A_169 = arith.constant 0 : i32
      %cond3A_170 = arith.cmpi ne, %convert_element_type3A_168, %cond3A_169 : i32
      scf.if %cond3A_170 {
        %sub3A = arith.constant 1 : i32
        %sub3A_220 = arith.subi %mul3A_166, %sub3A : i32
        %dma_wait3A_221 = arith.constant 0 : i32
        %dma_wait3A_222 = tpu.memref_slice %arg8[%sub3A_220, %dma_wait3A_221] : memref<40x125xi32, #tpu.memory_space<vmem>> -> memref<1x125xi32, #tpu.memory_space<vmem>>
        %dma_wait3A_223 = tpu.memref_squeeze %dma_wait3A_222 : memref<1x125xi32, #tpu.memory_space<vmem>> -> memref<125xi32, #tpu.memory_space<vmem>>
        %dma_wait3A_224 = arith.constant 0 : i32
        %dma_wait3A_225 = arith.constant 0 : i32
        %dma_wait3A_226 = tpu.memref_slice %arg11[%dma_wait3A_224, %dma_wait3A_225] : memref<10000x128xf32, #tpu.memory_space<vmem_shared>> -> memref<10000x128xf32, #tpu.memory_space<vmem_shared>>
        tpu.wait_indirect_dma semaphore(%arg13 : memref<!tpu.dma_semaphore, #tpu.memory_space<semaphore_mem>>) src(%arg10 : memref<125x128xf32, #tpu.memory_space<vmem>>) dst(%dma_wait3A_226 : memref<10000x128xf32, #tpu.memory_space<vmem_shared>>)
      } else {
      }
      %add3A_171 = arith.constant 1 : i32
      %add3A_172 = arith.addi %mul3A_166, %add3A_171 : i32
      %dma_start3A_173 = arith.constant 0 : i32
      %dma_start3A_174 = tpu.memref_slice %arg7[%add3A_172, %dma_start3A_173] : memref<40x125xi32, #tpu.memory_space<vmem>> -> memref<1x125xi32, #tpu.memory_space<vmem>>
      %dma_start3A_175 = tpu.memref_squeeze %dma_start3A_174 : memref<1x125xi32, #tpu.memory_space<vmem>> -> memref<125xi32, #tpu.memory_space<vmem>>
      %dma_start3A_176 = arith.constant 0 : i32
      %dma_start3A_177 = arith.constant 0 : i32
      %dma_start3A_178 = tpu.memref_slice %arg2[%dma_start3A_176, %dma_start3A_177] : memref<10000x128xf32, #tpu.memory_space<hbm>> -> memref<10000x128xf32, #tpu.memory_space<hbm>>
      tpu.enqueue_indirect_dma source(%dma_start3A_178 : memref<10000x128xf32, #tpu.memory_space<hbm>>) target(%arg10 : memref<125x128xf32, #tpu.memory_space<vmem>>) offsets(%dma_start3A_175 : memref<125xi32, #tpu.memory_space<vmem>>) semaphore(%arg12 : memref<!tpu.dma_semaphore, #tpu.memory_space<semaphore_mem>>)
      %dma_wait3A_179 = arith.constant 0 : i32
      %dma_wait3A_180 = tpu.memref_slice %arg7[%mul3A_166, %dma_wait3A_179] : memref<40x125xi32, #tpu.memory_space<vmem>> -> memref<1x125xi32, #tpu.memory_space<vmem>>
      %dma_wait3A_181 = tpu.memref_squeeze %dma_wait3A_180 : memref<1x125xi32, #tpu.memory_space<vmem>> -> memref<125xi32, #tpu.memory_space<vmem>>
      %dma_wait3A_182 = arith.constant 0 : i32
      %dma_wait3A_183 = arith.constant 0 : i32
      %dma_wait3A_184 = tpu.memref_slice %arg2[%dma_wait3A_182, %dma_wait3A_183] : memref<10000x128xf32, #tpu.memory_space<hbm>> -> memref<10000x128xf32, #tpu.memory_space<hbm>>
      tpu.wait_indirect_dma semaphore(%arg12 : memref<!tpu.dma_semaphore, #tpu.memory_space<semaphore_mem>>) src(%dma_wait3A_184 : memref<10000x128xf32, #tpu.memory_space<hbm>>) dst(%arg9 : memref<125x128xf32, #tpu.memory_space<vmem>>)
      %dma_start3A_185 = arith.constant 0 : i32
      %dma_start3A_186 = tpu.memref_slice %arg8[%mul3A_166, %dma_start3A_185] : memref<40x125xi32, #tpu.memory_space<vmem>> -> memref<1x125xi32, #tpu.memory_space<vmem>>
      %dma_start3A_187 = tpu.memref_squeeze %dma_start3A_186 : memref<1x125xi32, #tpu.memory_space<vmem>> -> memref<125xi32, #tpu.memory_space<vmem>>
      %dma_start3A_188 = arith.constant 0 : i32
      %dma_start3A_189 = arith.constant 0 : i32
      %dma_start3A_190 = tpu.memref_slice %arg11[%dma_start3A_188, %dma_start3A_189] : memref<10000x128xf32, #tpu.memory_space<vmem_shared>> -> memref<10000x128xf32, #tpu.memory_space<vmem_shared>>
      tpu.enqueue_indirect_dma source(%arg9 : memref<125x128xf32, #tpu.memory_space<vmem>>) target(%dma_start3A_190 : memref<10000x128xf32, #tpu.memory_space<vmem_shared>>) offsets(%dma_start3A_187 : memref<125xi32, #tpu.memory_space<vmem>>) semaphore(%arg13 : memref<!tpu.dma_semaphore, #tpu.memory_space<semaphore_mem>>) {add = true}
      %dma_wait3A_191 = arith.constant 0 : i32
      %dma_wait3A_192 = tpu.memref_slice %arg8[%mul3A_166, %dma_wait3A_191] : memref<40x125xi32, #tpu.memory_space<vmem>> -> memref<1x125xi32, #tpu.memory_space<vmem>>
      %dma_wait3A_193 = tpu.memref_squeeze %dma_wait3A_192 : memref<1x125xi32, #tpu.memory_space<vmem>> -> memref<125xi32, #tpu.memory_space<vmem>>
      %dma_wait3A_194 = arith.constant 0 : i32
      %dma_wait3A_195 = arith.constant 0 : i32
      %dma_wait3A_196 = tpu.memref_slice %arg11[%dma_wait3A_194, %dma_wait3A_195] : memref<10000x128xf32, #tpu.memory_space<vmem_shared>> -> memref<10000x128xf32, #tpu.memory_space<vmem_shared>>
      tpu.wait_indirect_dma semaphore(%arg13 : memref<!tpu.dma_semaphore, #tpu.memory_space<semaphore_mem>>) src(%arg9 : memref<125x128xf32, #tpu.memory_space<vmem>>) dst(%dma_wait3A_196 : memref<10000x128xf32, #tpu.memory_space<vmem_shared>>)
      %add3A_197 = arith.constant 2 : i32
      %add3A_198 = arith.addi %mul3A_166, %add3A_197 : i32
      %lt3A_199 = arith.constant 40 : i32
      %lt3A_200 = arith.cmpi slt, %add3A_198, %lt3A_199 : i32
      %convert_element_type3A_201 = arith.extui %lt3A_200 : i1 to i32
      %cond3A_202 = arith.constant 0 : i32
      %cond3A_203 = arith.cmpi ne, %convert_element_type3A_201, %cond3A_202 : i32
      scf.if %cond3A_203 {
        %add3A_220 = arith.constant 2 : i32
        %add3A_221 = arith.addi %mul3A_166, %add3A_220 : i32
        %dma_start3A_222 = arith.constant 0 : i32
        %dma_start3A_223 = tpu.memref_slice %arg7[%add3A_221, %dma_start3A_222] : memref<40x125xi32, #tpu.memory_space<vmem>> -> memref<1x125xi32, #tpu.memory_space<vmem>>
        %dma_start3A_224 = tpu.memref_squeeze %dma_start3A_223 : memref<1x125xi32, #tpu.memory_space<vmem>> -> memref<125xi32, #tpu.memory_space<vmem>>
        %dma_start3A_225 = arith.constant 0 : i32
        %dma_start3A_226 = arith.constant 0 : i32
        %dma_start3A_227 = tpu.memref_slice %arg2[%dma_start3A_225, %dma_start3A_226] : memref<10000x128xf32, #tpu.memory_space<hbm>> -> memref<10000x128xf32, #tpu.memory_space<hbm>>
        tpu.enqueue_indirect_dma source(%dma_start3A_227 : memref<10000x128xf32, #tpu.memory_space<hbm>>) target(%arg9 : memref<125x128xf32, #tpu.memory_space<vmem>>) offsets(%dma_start3A_224 : memref<125xi32, #tpu.memory_space<vmem>>) semaphore(%arg12 : memref<!tpu.dma_semaphore, #tpu.memory_space<semaphore_mem>>)
      } else {
      }
      %add3A_204 = arith.constant 1 : i32
      %add3A_205 = arith.addi %mul3A_166, %add3A_204 : i32
      %dma_wait3A_206 = arith.constant 0 : i32
      %dma_wait3A_207 = tpu.memref_slice %arg7[%add3A_205, %dma_wait3A_206] : memref<40x125xi32, #tpu.memory_space<vmem>> -> memref<1x125xi32, #tpu.memory_space<vmem>>
      %dma_wait3A_208 = tpu.memref_squeeze %dma_wait3A_207 : memref<1x125xi32, #tpu.memory_space<vmem>> -> memref<125xi32, #tpu.memory_space<vmem>>
      %dma_wait3A_209 = arith.constant 0 : i32
      %dma_wait3A_210 = arith.constant 0 : i32
      %dma_wait3A_211 = tpu.memref_slice %arg2[%dma_wait3A_209, %dma_wait3A_210] : memref<10000x128xf32, #tpu.memory_space<hbm>> -> memref<10000x128xf32, #tpu.memory_space<hbm>>
      tpu.wait_indirect_dma semaphore(%arg12 : memref<!tpu.dma_semaphore, #tpu.memory_space<semaphore_mem>>) src(%dma_wait3A_211 : memref<10000x128xf32, #tpu.memory_space<hbm>>) dst(%arg10 : memref<125x128xf32, #tpu.memory_space<vmem>>)
      %add3A_212 = arith.constant 1 : i32
      %add3A_213 = arith.addi %mul3A_166, %add3A_212 : i32
      %dma_start3A_214 = arith.constant 0 : i32
      %dma_start3A_215 = tpu.memref_slice %arg8[%add3A_213, %dma_start3A_214] : memref<40x125xi32, #tpu.memory_space<vmem>> -> memref<1x125xi32, #tpu.memory_space<vmem>>
      %dma_start3A_216 = tpu.memref_squeeze %dma_start3A_215 : memref<1x125xi32, #tpu.memory_space<vmem>> -> memref<125xi32, #tpu.memory_space<vmem>>
      %dma_start3A_217 = arith.constant 0 : i32
      %dma_start3A_218 = arith.constant 0 : i32
      %dma_start3A_219 = tpu.memref_slice %arg11[%dma_start3A_217, %dma_start3A_218] : memref<10000x128xf32, #tpu.memory_space<vmem_shared>> -> memref<10000x128xf32, #tpu.memory_space<vmem_shared>>
      tpu.enqueue_indirect_dma source(%arg10 : memref<125x128xf32, #tpu.memory_space<vmem>>) target(%dma_start3A_219 : memref<10000x128xf32, #tpu.memory_space<vmem_shared>>) offsets(%dma_start3A_216 : memref<125xi32, #tpu.memory_space<vmem>>) semaphore(%arg13 : memref<!tpu.dma_semaphore, #tpu.memory_space<semaphore_mem>>) {add = true}
    }
    %scan3A_72 = arith.constant 20 : i32
    %dma_wait3A = arith.constant 39 : i32
    %dma_wait3A_73 = arith.constant 0 : i32
    %dma_wait3A_74 = tpu.memref_slice %arg8[%dma_wait3A, %dma_wait3A_73] : memref<40x125xi32, #tpu.memory_space<vmem>> -> memref<1x125xi32, #tpu.memory_space<vmem>>
    %dma_wait3A_75 = tpu.memref_squeeze %dma_wait3A_74 : memref<1x125xi32, #tpu.memory_space<vmem>> -> memref<125xi32, #tpu.memory_space<vmem>>
    %dma_wait3A_76 = arith.constant 0 : i32
    %dma_wait3A_77 = arith.constant 0 : i32
    %dma_wait3A_78 = tpu.memref_slice %arg11[%dma_wait3A_76, %dma_wait3A_77] : memref<10000x128xf32, #tpu.memory_space<vmem_shared>> -> memref<10000x128xf32, #tpu.memory_space<vmem_shared>>
    tpu.wait_indirect_dma semaphore(%arg13 : memref<!tpu.dma_semaphore, #tpu.memory_space<semaphore_mem>>) src(%arg10 : memref<125x128xf32, #tpu.memory_space<vmem>>) dst(%dma_wait3A_78 : memref<10000x128xf32, #tpu.memory_space<vmem_shared>>)
    %mul3A_79 = arith.constant 80 : i32
    %mul3A_80 = arith.muli %add3A, %mul3A_79 : i32
    %add3A_81 = arith.constant 40 : i32
    %add3A_82 = arith.addi %mul3A_80, %add3A_81 : i32
    "tpu.region"() ({
      %run_scoped3A = tpu.sem_alloc : memref<!tpu.dma_semaphore, #tpu.memory_space<semaphore_mem>>
      %dma_start3A_164 = arith.constant 0 : i32
      %dma_start3A_165 = tpu.memref_slice %arg3[%add3A_82, %dma_start3A_164] : memref<2560x125xi32, #tpu.memory_space<hbm>> -> memref<40x125xi32, #tpu.memory_space<hbm>>
      %dma_start3A_166 = arith.constant 0 : i32
      %dma_start3A_167 = tpu.memref_slice %arg3[%add3A_82, %dma_start3A_166] : memref<2560x125xi32, #tpu.memory_space<hbm>> -> memref<40x125xi32, #tpu.memory_space<hbm>>
      tpu.enqueue_dma source(%dma_start3A_167 : memref<40x125xi32, #tpu.memory_space<hbm>>) target(%arg7 : memref<40x125xi32, #tpu.memory_space<vmem>>) target_semaphore(%run_scoped3A : memref<!tpu.dma_semaphore, #tpu.memory_space<semaphore_mem>>)
      %dma_wait3A_168 = arith.constant 0 : i32
      %dma_wait3A_169 = tpu.memref_slice %arg3[%add3A_82, %dma_wait3A_168] : memref<2560x125xi32, #tpu.memory_space<hbm>> -> memref<40x125xi32, #tpu.memory_space<hbm>>
      %dma_wait3A_170 = arith.constant 0 : i32
      %dma_wait3A_171 = tpu.memref_slice %arg3[%add3A_82, %dma_wait3A_170] : memref<2560x125xi32, #tpu.memory_space<hbm>> -> memref<40x125xi32, #tpu.memory_space<hbm>>
      tpu.wait_dma2 semaphore(%run_scoped3A : memref<!tpu.dma_semaphore, #tpu.memory_space<semaphore_mem>>) src(%dma_wait3A_171 : memref<40x125xi32, #tpu.memory_space<hbm>>) dst(%arg7 : memref<40x125xi32, #tpu.memory_space<vmem>>)
      tpu.yield
    }) : () -> ()
    %mul3A_83 = arith.constant 80 : i32
    %mul3A_84 = arith.muli %add3A, %mul3A_83 : i32
    %add3A_85 = arith.constant 40 : i32
    %add3A_86 = arith.addi %mul3A_84, %add3A_85 : i32
    "tpu.region"() ({
      %run_scoped3A = tpu.sem_alloc : memref<!tpu.dma_semaphore, #tpu.memory_space<semaphore_mem>>
      %dma_start3A_164 = arith.constant 0 : i32
      %dma_start3A_165 = tpu.memref_slice %arg4[%add3A_86, %dma_start3A_164] : memref<2560x125xi32, #tpu.memory_space<hbm>> -> memref<40x125xi32, #tpu.memory_space<hbm>>
      %dma_start3A_166 = arith.constant 0 : i32
      %dma_start3A_167 = tpu.memref_slice %arg4[%add3A_86, %dma_start3A_166] : memref<2560x125xi32, #tpu.memory_space<hbm>> -> memref<40x125xi32, #tpu.memory_space<hbm>>
      tpu.enqueue_dma source(%dma_start3A_167 : memref<40x125xi32, #tpu.memory_space<hbm>>) target(%arg8 : memref<40x125xi32, #tpu.memory_space<vmem>>) target_semaphore(%run_scoped3A : memref<!tpu.dma_semaphore, #tpu.memory_space<semaphore_mem>>)
      %dma_wait3A_168 = arith.constant 0 : i32
      %dma_wait3A_169 = tpu.memref_slice %arg4[%add3A_86, %dma_wait3A_168] : memref<2560x125xi32, #tpu.memory_space<hbm>> -> memref<40x125xi32, #tpu.memory_space<hbm>>
      %dma_wait3A_170 = arith.constant 0 : i32
      %dma_wait3A_171 = tpu.memref_slice %arg4[%add3A_86, %dma_wait3A_170] : memref<2560x125xi32, #tpu.memory_space<hbm>> -> memref<40x125xi32, #tpu.memory_space<hbm>>
      tpu.wait_dma2 semaphore(%run_scoped3A : memref<!tpu.dma_semaphore, #tpu.memory_space<semaphore_mem>>) src(%dma_wait3A_171 : memref<40x125xi32, #tpu.memory_space<hbm>>) dst(%arg8 : memref<40x125xi32, #tpu.memory_space<vmem>>)
      tpu.yield
    }) : () -> ()
    %dma_start3A_87 = arith.constant 0 : i32
    %dma_start3A_88 = arith.constant 0 : i32
    %dma_start3A_89 = tpu.memref_slice %arg7[%dma_start3A_87, %dma_start3A_88] : memref<40x125xi32, #tpu.memory_space<vmem>> -> memref<1x125xi32, #tpu.memory_space<vmem>>
    %dma_start3A_90 = tpu.memref_squeeze %dma_start3A_89 : memref<1x125xi32, #tpu.memory_space<vmem>> -> memref<125xi32, #tpu.memory_space<vmem>>
    %dma_start3A_91 = arith.constant 0 : i32
    %dma_start3A_92 = arith.constant 0 : i32
    %dma_start3A_93 = tpu.memref_slice %arg2[%dma_start3A_91, %dma_start3A_92] : memref<10000x128xf32, #tpu.memory_space<hbm>> -> memref<10000x128xf32, #tpu.memory_space<hbm>>
    tpu.enqueue_indirect_dma source(%dma_start3A_93 : memref<10000x128xf32, #tpu.memory_space<hbm>>) target(%arg9 : memref<125x128xf32, #tpu.memory_space<vmem>>) offsets(%dma_start3A_90 : memref<125xi32, #tpu.memory_space<vmem>>) semaphore(%arg12 : memref<!tpu.dma_semaphore, #tpu.memory_space<semaphore_mem>>)
    %scan3A_94 = arith.constant 0 : i32
    %scan3A_95 = arith.constant 0 : i32
    %scan3A_96 = arith.constant 20 : i32
    %scan3A_97 = arith.addi %scan3A_95, %scan3A_96 : i32
    %scan3A_98 = arith.constant 1 : i32
    scf.for %scan3A_164 = %scan3A_95 to %scan3A_97 step %scan3A_98  : i32 {
      %mul3A_165 = arith.constant 2 : i32
      %mul3A_166 = arith.muli %mul3A_165, %scan3A_164 : i32
      %gt3A = arith.constant 0 : i32
      %gt3A_167 = arith.cmpi sgt, %scan3A_164, %gt3A : i32
      %convert_element_type3A_168 = arith.extui %gt3A_167 : i1 to i32
      %cond3A_169 = arith.constant 0 : i32
      %cond3A_170 = arith.cmpi ne, %convert_element_type3A_168, %cond3A_169 : i32
      scf.if %cond3A_170 {
        %sub3A = arith.constant 1 : i32
        %sub3A_220 = arith.subi %mul3A_166, %sub3A : i32
        %dma_wait3A_221 = arith.constant 0 : i32
        %dma_wait3A_222 = tpu.memref_slice %arg8[%sub3A_220, %dma_wait3A_221] : memref<40x125xi32, #tpu.memory_space<vmem>> -> memref<1x125xi32, #tpu.memory_space<vmem>>
        %dma_wait3A_223 = tpu.memref_squeeze %dma_wait3A_222 : memref<1x125xi32, #tpu.memory_space<vmem>> -> memref<125xi32, #tpu.memory_space<vmem>>
        %dma_wait3A_224 = arith.constant 0 : i32
        %dma_wait3A_225 = arith.constant 0 : i32
        %dma_wait3A_226 = tpu.memref_slice %arg11[%dma_wait3A_224, %dma_wait3A_225] : memref<10000x128xf32, #tpu.memory_space<vmem_shared>> -> memref<10000x128xf32, #tpu.memory_space<vmem_shared>>
        tpu.wait_indirect_dma semaphore(%arg13 : memref<!tpu.dma_semaphore, #tpu.memory_space<semaphore_mem>>) src(%arg10 : memref<125x128xf32, #tpu.memory_space<vmem>>) dst(%dma_wait3A_226 : memref<10000x128xf32, #tpu.memory_space<vmem_shared>>)
      } else {
      }
      %add3A_171 = arith.constant 1 : i32
      %add3A_172 = arith.addi %mul3A_166, %add3A_171 : i32
      %dma_start3A_173 = arith.constant 0 : i32
      %dma_start3A_174 = tpu.memref_slice %arg7[%add3A_172, %dma_start3A_173] : memref<40x125xi32, #tpu.memory_space<vmem>> -> memref<1x125xi32, #tpu.memory_space<vmem>>
      %dma_start3A_175 = tpu.memref_squeeze %dma_start3A_174 : memref<1x125xi32, #tpu.memory_space<vmem>> -> memref<125xi32, #tpu.memory_space<vmem>>
      %dma_start3A_176 = arith.constant 0 : i32
      %dma_start3A_177 = arith.constant 0 : i32
      %dma_start3A_178 = tpu.memref_slice %arg2[%dma_start3A_176, %dma_start3A_177] : memref<10000x128xf32, #tpu.memory_space<hbm>> -> memref<10000x128xf32, #tpu.memory_space<hbm>>
      tpu.enqueue_indirect_dma source(%dma_start3A_178 : memref<10000x128xf32, #tpu.memory_space<hbm>>) target(%arg10 : memref<125x128xf32, #tpu.memory_space<vmem>>) offsets(%dma_start3A_175 : memref<125xi32, #tpu.memory_space<vmem>>) semaphore(%arg12 : memref<!tpu.dma_semaphore, #tpu.memory_space<semaphore_mem>>)
      %dma_wait3A_179 = arith.constant 0 : i32
      %dma_wait3A_180 = tpu.memref_slice %arg7[%mul3A_166, %dma_wait3A_179] : memref<40x125xi32, #tpu.memory_space<vmem>> -> memref<1x125xi32, #tpu.memory_space<vmem>>
      %dma_wait3A_181 = tpu.memref_squeeze %dma_wait3A_180 : memref<1x125xi32, #tpu.memory_space<vmem>> -> memref<125xi32, #tpu.memory_space<vmem>>
      %dma_wait3A_182 = arith.constant 0 : i32
      %dma_wait3A_183 = arith.constant 0 : i32
      %dma_wait3A_184 = tpu.memref_slice %arg2[%dma_wait3A_182, %dma_wait3A_183] : memref<10000x128xf32, #tpu.memory_space<hbm>> -> memref<10000x128xf32, #tpu.memory_space<hbm>>
      tpu.wait_indirect_dma semaphore(%arg12 : memref<!tpu.dma_semaphore, #tpu.memory_space<semaphore_mem>>) src(%dma_wait3A_184 : memref<10000x128xf32, #tpu.memory_space<hbm>>) dst(%arg9 : memref<125x128xf32, #tpu.memory_space<vmem>>)
      %dma_start3A_185 = arith.constant 0 : i32
      %dma_start3A_186 = tpu.memref_slice %arg8[%mul3A_166, %dma_start3A_185] : memref<40x125xi32, #tpu.memory_space<vmem>> -> memref<1x125xi32, #tpu.memory_space<vmem>>
      %dma_start3A_187 = tpu.memref_squeeze %dma_start3A_186 : memref<1x125xi32, #tpu.memory_space<vmem>> -> memref<125xi32, #tpu.memory_space<vmem>>
      %dma_start3A_188 = arith.constant 0 : i32
      %dma_start3A_189 = arith.constant 0 : i32
      %dma_start3A_190 = tpu.memref_slice %arg11[%dma_start3A_188, %dma_start3A_189] : memref<10000x128xf32, #tpu.memory_space<vmem_shared>> -> memref<10000x128xf32, #tpu.memory_space<vmem_shared>>
      tpu.enqueue_indirect_dma source(%arg9 : memref<125x128xf32, #tpu.memory_space<vmem>>) target(%dma_start3A_190 : memref<10000x128xf32, #tpu.memory_space<vmem_shared>>) offsets(%dma_start3A_187 : memref<125xi32, #tpu.memory_space<vmem>>) semaphore(%arg13 : memref<!tpu.dma_semaphore, #tpu.memory_space<semaphore_mem>>) {add = true}
      %dma_wait3A_191 = arith.constant 0 : i32
      %dma_wait3A_192 = tpu.memref_slice %arg8[%mul3A_166, %dma_wait3A_191] : memref<40x125xi32, #tpu.memory_space<vmem>> -> memref<1x125xi32, #tpu.memory_space<vmem>>
      %dma_wait3A_193 = tpu.memref_squeeze %dma_wait3A_192 : memref<1x125xi32, #tpu.memory_space<vmem>> -> memref<125xi32, #tpu.memory_space<vmem>>
      %dma_wait3A_194 = arith.constant 0 : i32
      %dma_wait3A_195 = arith.constant 0 : i32
      %dma_wait3A_196 = tpu.memref_slice %arg11[%dma_wait3A_194, %dma_wait3A_195] : memref<10000x128xf32, #tpu.memory_space<vmem_shared>> -> memref<10000x128xf32, #tpu.memory_space<vmem_shared>>
      tpu.wait_indirect_dma semaphore(%arg13 : memref<!tpu.dma_semaphore, #tpu.memory_space<semaphore_mem>>) src(%arg9 : memref<125x128xf32, #tpu.memory_space<vmem>>) dst(%dma_wait3A_196 : memref<10000x128xf32, #tpu.memory_space<vmem_shared>>)
      %add3A_197 = arith.constant 2 : i32
      %add3A_198 = arith.addi %mul3A_166, %add3A_197 : i32
      %lt3A_199 = arith.constant 40 : i32
      %lt3A_200 = arith.cmpi slt, %add3A_198, %lt3A_199 : i32
      %convert_element_type3A_201 = arith.extui %lt3A_200 : i1 to i32
      %cond3A_202 = arith.constant 0 : i32
      %cond3A_203 = arith.cmpi ne, %convert_element_type3A_201, %cond3A_202 : i32
      scf.if %cond3A_203 {
        %add3A_220 = arith.constant 2 : i32
        %add3A_221 = arith.addi %mul3A_166, %add3A_220 : i32
        %dma_start3A_222 = arith.constant 0 : i32
        %dma_start3A_223 = tpu.memref_slice %arg7[%add3A_221, %dma_start3A_222] : memref<40x125xi32, #tpu.memory_space<vmem>> -> memref<1x125xi32, #tpu.memory_space<vmem>>
        %dma_start3A_224 = tpu.memref_squeeze %dma_start3A_223 : memref<1x125xi32, #tpu.memory_space<vmem>> -> memref<125xi32, #tpu.memory_space<vmem>>
        %dma_start3A_225 = arith.constant 0 : i32
        %dma_start3A_226 = arith.constant 0 : i32
        %dma_start3A_227 = tpu.memref_slice %arg2[%dma_start3A_225, %dma_start3A_226] : memref<10000x128xf32, #tpu.memory_space<hbm>> -> memref<10000x128xf32, #tpu.memory_space<hbm>>
        tpu.enqueue_indirect_dma source(%dma_start3A_227 : memref<10000x128xf32, #tpu.memory_space<hbm>>) target(%arg9 : memref<125x128xf32, #tpu.memory_space<vmem>>) offsets(%dma_start3A_224 : memref<125xi32, #tpu.memory_space<vmem>>) semaphore(%arg12 : memref<!tpu.dma_semaphore, #tpu.memory_space<semaphore_mem>>)
      } else {
      }
      %add3A_204 = arith.constant 1 : i32
      %add3A_205 = arith.addi %mul3A_166, %add3A_204 : i32
      %dma_wait3A_206 = arith.constant 0 : i32
      %dma_wait3A_207 = tpu.memref_slice %arg7[%add3A_205, %dma_wait3A_206] : memref<40x125xi32, #tpu.memory_space<vmem>> -> memref<1x125xi32, #tpu.memory_space<vmem>>
      %dma_wait3A_208 = tpu.memref_squeeze %dma_wait3A_207 : memref<1x125xi32, #tpu.memory_space<vmem>> -> memref<125xi32, #tpu.memory_space<vmem>>
      %dma_wait3A_209 = arith.constant 0 : i32
      %dma_wait3A_210 = arith.constant 0 : i32
      %dma_wait3A_211 = tpu.memref_slice %arg2[%dma_wait3A_209, %dma_wait3A_210] : memref<10000x128xf32, #tpu.memory_space<hbm>> -> memref<10000x128xf32, #tpu.memory_space<hbm>>
      tpu.wait_indirect_dma semaphore(%arg12 : memref<!tpu.dma_semaphore, #tpu.memory_space<semaphore_mem>>) src(%dma_wait3A_211 : memref<10000x128xf32, #tpu.memory_space<hbm>>) dst(%arg10 : memref<125x128xf32, #tpu.memory_space<vmem>>)
      %add3A_212 = arith.constant 1 : i32
      %add3A_213 = arith.addi %mul3A_166, %add3A_212 : i32
      %dma_start3A_214 = arith.constant 0 : i32
      %dma_start3A_215 = tpu.memref_slice %arg8[%add3A_213, %dma_start3A_214] : memref<40x125xi32, #tpu.memory_space<vmem>> -> memref<1x125xi32, #tpu.memory_space<vmem>>
      %dma_start3A_216 = tpu.memref_squeeze %dma_start3A_215 : memref<1x125xi32, #tpu.memory_space<vmem>> -> memref<125xi32, #tpu.memory_space<vmem>>
      %dma_start3A_217 = arith.constant 0 : i32
      %dma_start3A_218 = arith.constant 0 : i32
      %dma_start3A_219 = tpu.memref_slice %arg11[%dma_start3A_217, %dma_start3A_218] : memref<10000x128xf32, #tpu.memory_space<vmem_shared>> -> memref<10000x128xf32, #tpu.memory_space<vmem_shared>>
      tpu.enqueue_indirect_dma source(%arg10 : memref<125x128xf32, #tpu.memory_space<vmem>>) target(%dma_start3A_219 : memref<10000x128xf32, #tpu.memory_space<vmem_shared>>) offsets(%dma_start3A_216 : memref<125xi32, #tpu.memory_space<vmem>>) semaphore(%arg13 : memref<!tpu.dma_semaphore, #tpu.memory_space<semaphore_mem>>) {add = true}
    }
    %scan3A_99 = arith.constant 20 : i32
    %dma_wait3A_100 = arith.constant 39 : i32
    %dma_wait3A_101 = arith.constant 0 : i32
    %dma_wait3A_102 = tpu.memref_slice %arg8[%dma_wait3A_100, %dma_wait3A_101] : memref<40x125xi32, #tpu.memory_space<vmem>> -> memref<1x125xi32, #tpu.memory_space<vmem>>
    %dma_wait3A_103 = tpu.memref_squeeze %dma_wait3A_102 : memref<1x125xi32, #tpu.memory_space<vmem>> -> memref<125xi32, #tpu.memory_space<vmem>>
    %dma_wait3A_104 = arith.constant 0 : i32
    %dma_wait3A_105 = arith.constant 0 : i32
    %dma_wait3A_106 = tpu.memref_slice %arg11[%dma_wait3A_104, %dma_wait3A_105] : memref<10000x128xf32, #tpu.memory_space<vmem_shared>> -> memref<10000x128xf32, #tpu.memory_space<vmem_shared>>
    tpu.wait_indirect_dma semaphore(%arg13 : memref<!tpu.dma_semaphore, #tpu.memory_space<semaphore_mem>>) src(%arg10 : memref<125x128xf32, #tpu.memory_space<vmem>>) dst(%dma_wait3A_106 : memref<10000x128xf32, #tpu.memory_space<vmem_shared>>)
    %barrier3A_107 = arith.constant 0 : index
    tpu.barrier barrier_id(%barrier3A_107)
    %add3A_108 = arith.constant 0 : i32
    %add3A_109 = arith.addi %arg1, %add3A_108 : i32
    %lt3A_110 = arith.constant 125 : i32
    %lt3A_111 = arith.cmpi slt, %add3A_109, %lt3A_110 : i32
    %convert_element_type3A_112 = arith.extui %lt3A_111 : i1 to i32
    %cond3A_113 = arith.constant 0 : i32
    %cond3A_114 = arith.cmpi ne, %convert_element_type3A_112, %cond3A_113 : i32
    scf.if %cond3A_114 {
      %mul3A_164 = arith.constant 80 : i32
      %mul3A_165 = arith.muli %add3A_109, %mul3A_164 : i32
      "tpu.region"() ({
        %run_scoped3A = tpu.sem_alloc : memref<!tpu.dma_semaphore, #tpu.memory_space<semaphore_mem>>
        %dma_start3A_166 = arith.constant 0 : i32
        %dma_start3A_167 = tpu.memref_slice %arg6[%arg0, %mul3A_165, %dma_start3A_166] : memref<2x10000x128xf32, #tpu.memory_space<hbm>> -> memref<1x80x128xf32, #tpu.memory_space<hbm>>
        %dma_start3A_168 = tpu.memref_squeeze %dma_start3A_167 : memref<1x80x128xf32, #tpu.memory_space<hbm>> -> memref<80x128xf32, #tpu.memory_space<hbm>>
        %dma_start3A_169 = arith.constant 0 : i32
        %dma_start3A_170 = tpu.memref_slice %arg11[%mul3A_165, %dma_start3A_169] : memref<10000x128xf32, #tpu.memory_space<vmem_shared>> -> memref<80x128xf32, #tpu.memory_space<vmem_shared>>
        tpu.enqueue_dma source(%dma_start3A_170 : memref<80x128xf32, #tpu.memory_space<vmem_shared>>) target(%dma_start3A_168 : memref<80x128xf32, #tpu.memory_space<hbm>>) target_semaphore(%run_scoped3A : memref<!tpu.dma_semaphore, #tpu.memory_space<semaphore_mem>>)
        %dma_wait3A_171 = arith.constant 0 : i32
        %dma_wait3A_172 = tpu.memref_slice %arg6[%arg0, %mul3A_165, %dma_wait3A_171] : memref<2x10000x128xf32, #tpu.memory_space<hbm>> -> memref<1x80x128xf32, #tpu.memory_space<hbm>>
        %dma_wait3A_173 = tpu.memref_squeeze %dma_wait3A_172 : memref<1x80x128xf32, #tpu.memory_space<hbm>> -> memref<80x128xf32, #tpu.memory_space<hbm>>
        %dma_wait3A_174 = arith.constant 0 : i32
        %dma_wait3A_175 = tpu.memref_slice %arg11[%mul3A_165, %dma_wait3A_174] : memref<10000x128xf32, #tpu.memory_space<vmem_shared>> -> memref<80x128xf32, #tpu.memory_space<vmem_shared>>
        tpu.wait_dma2 semaphore(%run_scoped3A : memref<!tpu.dma_semaphore, #tpu.memory_space<semaphore_mem>>) src(%dma_wait3A_175 : memref<80x128xf32, #tpu.memory_space<vmem_shared>>) dst(%dma_wait3A_173 : memref<80x128xf32, #tpu.memory_space<hbm>>)
        tpu.yield
      }) : () -> ()
    } else {
    }
    %add3A_115 = arith.constant 16 : i32
    %add3A_116 = arith.addi %arg1, %add3A_115 : i32
    %lt3A_117 = arith.constant 125 : i32
    %lt3A_118 = arith.cmpi slt, %add3A_116, %lt3A_117 : i32
    %convert_element_type3A_119 = arith.extui %lt3A_118 : i1 to i32
    %cond3A_120 = arith.constant 0 : i32
    %cond3A_121 = arith.cmpi ne, %convert_element_type3A_119, %cond3A_120 : i32
    scf.if %cond3A_121 {
      %mul3A_164 = arith.constant 80 : i32
      %mul3A_165 = arith.muli %add3A_116, %mul3A_164 : i32
      "tpu.region"() ({
        %run_scoped3A = tpu.sem_alloc : memref<!tpu.dma_semaphore, #tpu.memory_space<semaphore_mem>>
        %dma_start3A_166 = arith.constant 0 : i32
        %dma_start3A_167 = tpu.memref_slice %arg6[%arg0, %mul3A_165, %dma_start3A_166] : memref<2x10000x128xf32, #tpu.memory_space<hbm>> -> memref<1x80x128xf32, #tpu.memory_space<hbm>>
        %dma_start3A_168 = tpu.memref_squeeze %dma_start3A_167 : memref<1x80x128xf32, #tpu.memory_space<hbm>> -> memref<80x128xf32, #tpu.memory_space<hbm>>
        %dma_start3A_169 = arith.constant 0 : i32
        %dma_start3A_170 = tpu.memref_slice %arg11[%mul3A_165, %dma_start3A_169] : memref<10000x128xf32, #tpu.memory_space<vmem_shared>> -> memref<80x128xf32, #tpu.memory_space<vmem_shared>>
        tpu.enqueue_dma source(%dma_start3A_170 : memref<80x128xf32, #tpu.memory_space<vmem_shared>>) target(%dma_start3A_168 : memref<80x128xf32, #tpu.memory_space<hbm>>) target_semaphore(%run_scoped3A : memref<!tpu.dma_semaphore, #tpu.memory_space<semaphore_mem>>)
        %dma_wait3A_171 = arith.constant 0 : i32
        %dma_wait3A_172 = tpu.memref_slice %arg6[%arg0, %mul3A_165, %dma_wait3A_171] : memref<2x10000x128xf32, #tpu.memory_space<hbm>> -> memref<1x80x128xf32, #tpu.memory_space<hbm>>
        %dma_wait3A_173 = tpu.memref_squeeze %dma_wait3A_172 : memref<1x80x128xf32, #tpu.memory_space<hbm>> -> memref<80x128xf32, #tpu.memory_space<hbm>>
        %dma_wait3A_174 = arith.constant 0 : i32
        %dma_wait3A_175 = tpu.memref_slice %arg11[%mul3A_165, %dma_wait3A_174] : memref<10000x128xf32, #tpu.memory_space<vmem_shared>> -> memref<80x128xf32, #tpu.memory_space<vmem_shared>>
        tpu.wait_dma2 semaphore(%run_scoped3A : memref<!tpu.dma_semaphore, #tpu.memory_space<semaphore_mem>>) src(%dma_wait3A_175 : memref<80x128xf32, #tpu.memory_space<vmem_shared>>) dst(%dma_wait3A_173 : memref<80x128xf32, #tpu.memory_space<hbm>>)
        tpu.yield
      }) : () -> ()
    } else {
    }
    %add3A_122 = arith.constant 32 : i32
    %add3A_123 = arith.addi %arg1, %add3A_122 : i32
    %lt3A_124 = arith.constant 125 : i32
    %lt3A_125 = arith.cmpi slt, %add3A_123, %lt3A_124 : i32
    %convert_element_type3A_126 = arith.extui %lt3A_125 : i1 to i32
    %cond3A_127 = arith.constant 0 : i32
    %cond3A_128 = arith.cmpi ne, %convert_element_type3A_126, %cond3A_127 : i32
    scf.if %cond3A_128 {
      %mul3A_164 = arith.constant 80 : i32
      %mul3A_165 = arith.muli %add3A_123, %mul3A_164 : i32
      "tpu.region"() ({
        %run_scoped3A = tpu.sem_alloc : memref<!tpu.dma_semaphore, #tpu.memory_space<semaphore_mem>>
        %dma_start3A_166 = arith.constant 0 : i32
        %dma_start3A_167 = tpu.memref_slice %arg6[%arg0, %mul3A_165, %dma_start3A_166] : memref<2x10000x128xf32, #tpu.memory_space<hbm>> -> memref<1x80x128xf32, #tpu.memory_space<hbm>>
        %dma_start3A_168 = tpu.memref_squeeze %dma_start3A_167 : memref<1x80x128xf32, #tpu.memory_space<hbm>> -> memref<80x128xf32, #tpu.memory_space<hbm>>
        %dma_start3A_169 = arith.constant 0 : i32
        %dma_start3A_170 = tpu.memref_slice %arg11[%mul3A_165, %dma_start3A_169] : memref<10000x128xf32, #tpu.memory_space<vmem_shared>> -> memref<80x128xf32, #tpu.memory_space<vmem_shared>>
        tpu.enqueue_dma source(%dma_start3A_170 : memref<80x128xf32, #tpu.memory_space<vmem_shared>>) target(%dma_start3A_168 : memref<80x128xf32, #tpu.memory_space<hbm>>) target_semaphore(%run_scoped3A : memref<!tpu.dma_semaphore, #tpu.memory_space<semaphore_mem>>)
        %dma_wait3A_171 = arith.constant 0 : i32
        %dma_wait3A_172 = tpu.memref_slice %arg6[%arg0, %mul3A_165, %dma_wait3A_171] : memref<2x10000x128xf32, #tpu.memory_space<hbm>> -> memref<1x80x128xf32, #tpu.memory_space<hbm>>
        %dma_wait3A_173 = tpu.memref_squeeze %dma_wait3A_172 : memref<1x80x128xf32, #tpu.memory_space<hbm>> -> memref<80x128xf32, #tpu.memory_space<hbm>>
        %dma_wait3A_174 = arith.constant 0 : i32
        %dma_wait3A_175 = tpu.memref_slice %arg11[%mul3A_165, %dma_wait3A_174] : memref<10000x128xf32, #tpu.memory_space<vmem_shared>> -> memref<80x128xf32, #tpu.memory_space<vmem_shared>>
        tpu.wait_dma2 semaphore(%run_scoped3A : memref<!tpu.dma_semaphore, #tpu.memory_space<semaphore_mem>>) src(%dma_wait3A_175 : memref<80x128xf32, #tpu.memory_space<vmem_shared>>) dst(%dma_wait3A_173 : memref<80x128xf32, #tpu.memory_space<hbm>>)
        tpu.yield
      }) : () -> ()
    } else {
    }
    %add3A_129 = arith.constant 48 : i32
    %add3A_130 = arith.addi %arg1, %add3A_129 : i32
    %lt3A_131 = arith.constant 125 : i32
    %lt3A_132 = arith.cmpi slt, %add3A_130, %lt3A_131 : i32
    %convert_element_type3A_133 = arith.extui %lt3A_132 : i1 to i32
    %cond3A_134 = arith.constant 0 : i32
    %cond3A_135 = arith.cmpi ne, %convert_element_type3A_133, %cond3A_134 : i32
    scf.if %cond3A_135 {
      %mul3A_164 = arith.constant 80 : i32
      %mul3A_165 = arith.muli %add3A_130, %mul3A_164 : i32
      "tpu.region"() ({
        %run_scoped3A = tpu.sem_alloc : memref<!tpu.dma_semaphore, #tpu.memory_space<semaphore_mem>>
        %dma_start3A_166 = arith.constant 0 : i32
        %dma_start3A_167 = tpu.memref_slice %arg6[%arg0, %mul3A_165, %dma_start3A_166] : memref<2x10000x128xf32, #tpu.memory_space<hbm>> -> memref<1x80x128xf32, #tpu.memory_space<hbm>>
        %dma_start3A_168 = tpu.memref_squeeze %dma_start3A_167 : memref<1x80x128xf32, #tpu.memory_space<hbm>> -> memref<80x128xf32, #tpu.memory_space<hbm>>
        %dma_start3A_169 = arith.constant 0 : i32
        %dma_start3A_170 = tpu.memref_slice %arg11[%mul3A_165, %dma_start3A_169] : memref<10000x128xf32, #tpu.memory_space<vmem_shared>> -> memref<80x128xf32, #tpu.memory_space<vmem_shared>>
        tpu.enqueue_dma source(%dma_start3A_170 : memref<80x128xf32, #tpu.memory_space<vmem_shared>>) target(%dma_start3A_168 : memref<80x128xf32, #tpu.memory_space<hbm>>) target_semaphore(%run_scoped3A : memref<!tpu.dma_semaphore, #tpu.memory_space<semaphore_mem>>)
        %dma_wait3A_171 = arith.constant 0 : i32
        %dma_wait3A_172 = tpu.memref_slice %arg6[%arg0, %mul3A_165, %dma_wait3A_171] : memref<2x10000x128xf32, #tpu.memory_space<hbm>> -> memref<1x80x128xf32, #tpu.memory_space<hbm>>
        %dma_wait3A_173 = tpu.memref_squeeze %dma_wait3A_172 : memref<1x80x128xf32, #tpu.memory_space<hbm>> -> memref<80x128xf32, #tpu.memory_space<hbm>>
        %dma_wait3A_174 = arith.constant 0 : i32
        %dma_wait3A_175 = tpu.memref_slice %arg11[%mul3A_165, %dma_wait3A_174] : memref<10000x128xf32, #tpu.memory_space<vmem_shared>> -> memref<80x128xf32, #tpu.memory_space<vmem_shared>>
        tpu.wait_dma2 semaphore(%run_scoped3A : memref<!tpu.dma_semaphore, #tpu.memory_space<semaphore_mem>>) src(%dma_wait3A_175 : memref<80x128xf32, #tpu.memory_space<vmem_shared>>) dst(%dma_wait3A_173 : memref<80x128xf32, #tpu.memory_space<hbm>>)
        tpu.yield
      }) : () -> ()
    } else {
    }
    %add3A_136 = arith.constant 64 : i32
    %add3A_137 = arith.addi %arg1, %add3A_136 : i32
    %lt3A_138 = arith.constant 125 : i32
    %lt3A_139 = arith.cmpi slt, %add3A_137, %lt3A_138 : i32
    %convert_element_type3A_140 = arith.extui %lt3A_139 : i1 to i32
    %cond3A_141 = arith.constant 0 : i32
    %cond3A_142 = arith.cmpi ne, %convert_element_type3A_140, %cond3A_141 : i32
    scf.if %cond3A_142 {
      %mul3A_164 = arith.constant 80 : i32
      %mul3A_165 = arith.muli %add3A_137, %mul3A_164 : i32
      "tpu.region"() ({
        %run_scoped3A = tpu.sem_alloc : memref<!tpu.dma_semaphore, #tpu.memory_space<semaphore_mem>>
        %dma_start3A_166 = arith.constant 0 : i32
        %dma_start3A_167 = tpu.memref_slice %arg6[%arg0, %mul3A_165, %dma_start3A_166] : memref<2x10000x128xf32, #tpu.memory_space<hbm>> -> memref<1x80x128xf32, #tpu.memory_space<hbm>>
        %dma_start3A_168 = tpu.memref_squeeze %dma_start3A_167 : memref<1x80x128xf32, #tpu.memory_space<hbm>> -> memref<80x128xf32, #tpu.memory_space<hbm>>
        %dma_start3A_169 = arith.constant 0 : i32
        %dma_start3A_170 = tpu.memref_slice %arg11[%mul3A_165, %dma_start3A_169] : memref<10000x128xf32, #tpu.memory_space<vmem_shared>> -> memref<80x128xf32, #tpu.memory_space<vmem_shared>>
        tpu.enqueue_dma source(%dma_start3A_170 : memref<80x128xf32, #tpu.memory_space<vmem_shared>>) target(%dma_start3A_168 : memref<80x128xf32, #tpu.memory_space<hbm>>) target_semaphore(%run_scoped3A : memref<!tpu.dma_semaphore, #tpu.memory_space<semaphore_mem>>)
        %dma_wait3A_171 = arith.constant 0 : i32
        %dma_wait3A_172 = tpu.memref_slice %arg6[%arg0, %mul3A_165, %dma_wait3A_171] : memref<2x10000x128xf32, #tpu.memory_space<hbm>> -> memref<1x80x128xf32, #tpu.memory_space<hbm>>
        %dma_wait3A_173 = tpu.memref_squeeze %dma_wait3A_172 : memref<1x80x128xf32, #tpu.memory_space<hbm>> -> memref<80x128xf32, #tpu.memory_space<hbm>>
        %dma_wait3A_174 = arith.constant 0 : i32
        %dma_wait3A_175 = tpu.memref_slice %arg11[%mul3A_165, %dma_wait3A_174] : memref<10000x128xf32, #tpu.memory_space<vmem_shared>> -> memref<80x128xf32, #tpu.memory_space<vmem_shared>>
        tpu.wait_dma2 semaphore(%run_scoped3A : memref<!tpu.dma_semaphore, #tpu.memory_space<semaphore_mem>>) src(%dma_wait3A_175 : memref<80x128xf32, #tpu.memory_space<vmem_shared>>) dst(%dma_wait3A_173 : memref<80x128xf32, #tpu.memory_space<hbm>>)
        tpu.yield
      }) : () -> ()
    } else {
    }
    %add3A_143 = arith.constant 80 : i32
    %add3A_144 = arith.addi %arg1, %add3A_143 : i32
    %lt3A_145 = arith.constant 125 : i32
    %lt3A_146 = arith.cmpi slt, %add3A_144, %lt3A_145 : i32
    %convert_element_type3A_147 = arith.extui %lt3A_146 : i1 to i32
    %cond3A_148 = arith.constant 0 : i32
    %cond3A_149 = arith.cmpi ne, %convert_element_type3A_147, %cond3A_148 : i32
    scf.if %cond3A_149 {
      %mul3A_164 = arith.constant 80 : i32
      %mul3A_165 = arith.muli %add3A_144, %mul3A_164 : i32
      "tpu.region"() ({
        %run_scoped3A = tpu.sem_alloc : memref<!tpu.dma_semaphore, #tpu.memory_space<semaphore_mem>>
        %dma_start3A_166 = arith.constant 0 : i32
        %dma_start3A_167 = tpu.memref_slice %arg6[%arg0, %mul3A_165, %dma_start3A_166] : memref<2x10000x128xf32, #tpu.memory_space<hbm>> -> memref<1x80x128xf32, #tpu.memory_space<hbm>>
        %dma_start3A_168 = tpu.memref_squeeze %dma_start3A_167 : memref<1x80x128xf32, #tpu.memory_space<hbm>> -> memref<80x128xf32, #tpu.memory_space<hbm>>
        %dma_start3A_169 = arith.constant 0 : i32
        %dma_start3A_170 = tpu.memref_slice %arg11[%mul3A_165, %dma_start3A_169] : memref<10000x128xf32, #tpu.memory_space<vmem_shared>> -> memref<80x128xf32, #tpu.memory_space<vmem_shared>>
        tpu.enqueue_dma source(%dma_start3A_170 : memref<80x128xf32, #tpu.memory_space<vmem_shared>>) target(%dma_start3A_168 : memref<80x128xf32, #tpu.memory_space<hbm>>) target_semaphore(%run_scoped3A : memref<!tpu.dma_semaphore, #tpu.memory_space<semaphore_mem>>)
        %dma_wait3A_171 = arith.constant 0 : i32
        %dma_wait3A_172 = tpu.memref_slice %arg6[%arg0, %mul3A_165, %dma_wait3A_171] : memref<2x10000x128xf32, #tpu.memory_space<hbm>> -> memref<1x80x128xf32, #tpu.memory_space<hbm>>
        %dma_wait3A_173 = tpu.memref_squeeze %dma_wait3A_172 : memref<1x80x128xf32, #tpu.memory_space<hbm>> -> memref<80x128xf32, #tpu.memory_space<hbm>>
        %dma_wait3A_174 = arith.constant 0 : i32
        %dma_wait3A_175 = tpu.memref_slice %arg11[%mul3A_165, %dma_wait3A_174] : memref<10000x128xf32, #tpu.memory_space<vmem_shared>> -> memref<80x128xf32, #tpu.memory_space<vmem_shared>>
        tpu.wait_dma2 semaphore(%run_scoped3A : memref<!tpu.dma_semaphore, #tpu.memory_space<semaphore_mem>>) src(%dma_wait3A_175 : memref<80x128xf32, #tpu.memory_space<vmem_shared>>) dst(%dma_wait3A_173 : memref<80x128xf32, #tpu.memory_space<hbm>>)
        tpu.yield
      }) : () -> ()
    } else {
    }
    %add3A_150 = arith.constant 96 : i32
    %add3A_151 = arith.addi %arg1, %add3A_150 : i32
    %lt3A_152 = arith.constant 125 : i32
    %lt3A_153 = arith.cmpi slt, %add3A_151, %lt3A_152 : i32
    %convert_element_type3A_154 = arith.extui %lt3A_153 : i1 to i32
    %cond3A_155 = arith.constant 0 : i32
    %cond3A_156 = arith.cmpi ne, %convert_element_type3A_154, %cond3A_155 : i32
    scf.if %cond3A_156 {
      %mul3A_164 = arith.constant 80 : i32
      %mul3A_165 = arith.muli %add3A_151, %mul3A_164 : i32
      "tpu.region"() ({
        %run_scoped3A = tpu.sem_alloc : memref<!tpu.dma_semaphore, #tpu.memory_space<semaphore_mem>>
        %dma_start3A_166 = arith.constant 0 : i32
        %dma_start3A_167 = tpu.memref_slice %arg6[%arg0, %mul3A_165, %dma_start3A_166] : memref<2x10000x128xf32, #tpu.memory_space<hbm>> -> memref<1x80x128xf32, #tpu.memory_space<hbm>>
        %dma_start3A_168 = tpu.memref_squeeze %dma_start3A_167 : memref<1x80x128xf32, #tpu.memory_space<hbm>> -> memref<80x128xf32, #tpu.memory_space<hbm>>
        %dma_start3A_169 = arith.constant 0 : i32
        %dma_start3A_170 = tpu.memref_slice %arg11[%mul3A_165, %dma_start3A_169] : memref<10000x128xf32, #tpu.memory_space<vmem_shared>> -> memref<80x128xf32, #tpu.memory_space<vmem_shared>>
        tpu.enqueue_dma source(%dma_start3A_170 : memref<80x128xf32, #tpu.memory_space<vmem_shared>>) target(%dma_start3A_168 : memref<80x128xf32, #tpu.memory_space<hbm>>) target_semaphore(%run_scoped3A : memref<!tpu.dma_semaphore, #tpu.memory_space<semaphore_mem>>)
        %dma_wait3A_171 = arith.constant 0 : i32
        %dma_wait3A_172 = tpu.memref_slice %arg6[%arg0, %mul3A_165, %dma_wait3A_171] : memref<2x10000x128xf32, #tpu.memory_space<hbm>> -> memref<1x80x128xf32, #tpu.memory_space<hbm>>
        %dma_wait3A_173 = tpu.memref_squeeze %dma_wait3A_172 : memref<1x80x128xf32, #tpu.memory_space<hbm>> -> memref<80x128xf32, #tpu.memory_space<hbm>>
        %dma_wait3A_174 = arith.constant 0 : i32
        %dma_wait3A_175 = tpu.memref_slice %arg11[%mul3A_165, %dma_wait3A_174] : memref<10000x128xf32, #tpu.memory_space<vmem_shared>> -> memref<80x128xf32, #tpu.memory_space<vmem_shared>>
        tpu.wait_dma2 semaphore(%run_scoped3A : memref<!tpu.dma_semaphore, #tpu.memory_space<semaphore_mem>>) src(%dma_wait3A_175 : memref<80x128xf32, #tpu.memory_space<vmem_shared>>) dst(%dma_wait3A_173 : memref<80x128xf32, #tpu.memory_space<hbm>>)
        tpu.yield
      }) : () -> ()
    } else {
    }
    %add3A_157 = arith.constant 112 : i32
    %add3A_158 = arith.addi %arg1, %add3A_157 : i32
    %lt3A_159 = arith.constant 125 : i32
    %lt3A_160 = arith.cmpi slt, %add3A_158, %lt3A_159 : i32
    %convert_element_type3A_161 = arith.extui %lt3A_160 : i1 to i32
    %cond3A_162 = arith.constant 0 : i32
    %cond3A_163 = arith.cmpi ne, %convert_element_type3A_161, %cond3A_162 : i32
    scf.if %cond3A_163 {
      %mul3A_164 = arith.constant 80 : i32
      %mul3A_165 = arith.muli %add3A_158, %mul3A_164 : i32
      "tpu.region"() ({
        %run_scoped3A = tpu.sem_alloc : memref<!tpu.dma_semaphore, #tpu.memory_space<semaphore_mem>>
        %dma_start3A_166 = arith.constant 0 : i32
        %dma_start3A_167 = tpu.memref_slice %arg6[%arg0, %mul3A_165, %dma_start3A_166] : memref<2x10000x128xf32, #tpu.memory_space<hbm>> -> memref<1x80x128xf32, #tpu.memory_space<hbm>>
        %dma_start3A_168 = tpu.memref_squeeze %dma_start3A_167 : memref<1x80x128xf32, #tpu.memory_space<hbm>> -> memref<80x128xf32, #tpu.memory_space<hbm>>
        %dma_start3A_169 = arith.constant 0 : i32
        %dma_start3A_170 = tpu.memref_slice %arg11[%mul3A_165, %dma_start3A_169] : memref<10000x128xf32, #tpu.memory_space<vmem_shared>> -> memref<80x128xf32, #tpu.memory_space<vmem_shared>>
        tpu.enqueue_dma source(%dma_start3A_170 : memref<80x128xf32, #tpu.memory_space<vmem_shared>>) target(%dma_start3A_168 : memref<80x128xf32, #tpu.memory_space<hbm>>) target_semaphore(%run_scoped3A : memref<!tpu.dma_semaphore, #tpu.memory_space<semaphore_mem>>)
        %dma_wait3A_171 = arith.constant 0 : i32
        %dma_wait3A_172 = tpu.memref_slice %arg6[%arg0, %mul3A_165, %dma_wait3A_171] : memref<2x10000x128xf32, #tpu.memory_space<hbm>> -> memref<1x80x128xf32, #tpu.memory_space<hbm>>
        %dma_wait3A_173 = tpu.memref_squeeze %dma_wait3A_172 : memref<1x80x128xf32, #tpu.memory_space<hbm>> -> memref<80x128xf32, #tpu.memory_space<hbm>>
        %dma_wait3A_174 = arith.constant 0 : i32
        %dma_wait3A_175 = tpu.memref_slice %arg11[%mul3A_165, %dma_wait3A_174] : memref<10000x128xf32, #tpu.memory_space<vmem_shared>> -> memref<80x128xf32, #tpu.memory_space<vmem_shared>>
        tpu.wait_dma2 semaphore(%run_scoped3A : memref<!tpu.dma_semaphore, #tpu.memory_space<semaphore_mem>>) src(%dma_wait3A_175 : memref<80x128xf32, #tpu.memory_space<vmem_shared>>) dst(%dma_wait3A_173 : memref<80x128xf32, #tpu.memory_space<hbm>>)
        tpu.yield
      }) : () -> ()
    } else {
    }
    return
  }
}

module attributes {stable_mosaic.version = 14 : i64} {
  func.func @_fused_body(%arg0: i32, %arg1: i32, %arg2: memref<1000x128xf32, #tpu.memory_space<vmem>>, %arg3: memref<2x1000x128xf32, #tpu.memory_space<vmem>>, %arg4: memref<1x128xf32, #tpu.memory_space<vmem>>, %arg5: memref<1x128xf32, #tpu.memory_space<vmem>>, %arg6: memref<1x128xf32, #tpu.memory_space<vmem>>, %arg7: memref<1x128xf32, #tpu.memory_space<vmem>>, %arg8: memref<128x128xf32, #tpu.memory_space<vmem>>, %arg9: memref<1000x128xf32, #tpu.memory_space<vmem>>, %arg10: memref<10000x128xf32, #tpu.memory_space<vmem>>, %arg11: memref<1x128xf32, #tpu.memory_space<vmem>>, %arg12: memref<1x128xf32, #tpu.memory_space<vmem>>) attributes {dimension_semantics = [#tpu.dimension_semantics<arbitrary>, #tpu.dimension_semantics<arbitrary>], iteration_bounds = array<i64: 2, 10>, scalar_prefetch = 0 : i64, scratch_operands = 3 : i64, tpu.core_type = #tpu.core_type<tc>, window_params = [{transform_indices = @transform_0, window_bounds = array<i64: 1000, 128>}, {transform_indices = @transform_1, window_bounds = array<i64: 2, 1000, 128>}, {pipeline_mode = #tpu.pipeline_mode<synchronous>, transform_indices = @transform_2, window_bounds = array<i64: 1, 128>}, {pipeline_mode = #tpu.pipeline_mode<synchronous>, transform_indices = @transform_3, window_bounds = array<i64: 1, 128>}, {pipeline_mode = #tpu.pipeline_mode<synchronous>, transform_indices = @transform_4, window_bounds = array<i64: 1, 128>}, {pipeline_mode = #tpu.pipeline_mode<synchronous>, transform_indices = @transform_5, window_bounds = array<i64: 1, 128>}, {pipeline_mode = #tpu.pipeline_mode<synchronous>, transform_indices = @transform_6, window_bounds = array<i64: 128, 128>}, {transform_indices = @transform_7, window_bounds = array<i64: 1000, 128>}]} {
    %eq3A = arith.constant 0 : i32
    %eq3A_0 = arith.cmpi eq, %arg0, %eq3A : i32
    %convert_element_type3A = arith.extui %eq3A_0 : i1 to i32
    %cond3A = arith.constant 0 : i32
    %cond3A_1 = arith.cmpi ne, %convert_element_type3A, %cond3A : i32
    scf.if %cond3A_1 {
      %get3A = arith.constant 0 : index
      %get3A_7 = arith.constant 0 : index
      %get3A_8 = vector.load %arg4[%get3A, %get3A_7] : memref<1x128xf32, #tpu.memory_space<vmem>>, vector<1x128xf32>
      %get3A_9 = arith.constant 0 : index
      %get3A_10 = arith.constant 0 : index
      %get3A_11 = vector.load %arg2[%get3A_9, %get3A_10] : memref<1000x128xf32, #tpu.memory_space<vmem>>, vector<1000x128xf32>
      %mul3A = vector.broadcast %get3A_8 : vector<1x128xf32> to vector<1000x128xf32>
      %mul3A_12 = arith.mulf %mul3A, %get3A_11 : vector<1000x128xf32>
      %get3A_13 = arith.constant 0 : index
      %get3A_14 = arith.constant 0 : index
      %get3A_15 = arith.constant 0 : index
      %get3A_16 = vector.load %arg3[%get3A_13, %get3A_14, %get3A_15] : memref<2x1000x128xf32, #tpu.memory_space<vmem>>, vector<1x1000x128xf32>
      %get3A_17 = vector.shape_cast %get3A_16 : vector<1x1000x128xf32> to vector<1000x128xf32>
      %add3A = arith.addf %mul3A_12, %get3A_17 : vector<1000x128xf32>
      %get3A_18 = arith.constant 1 : index
      %get3A_19 = arith.constant 0 : index
      %get3A_20 = arith.constant 0 : index
      %get3A_21 = vector.load %arg3[%get3A_18, %get3A_19, %get3A_20] : memref<2x1000x128xf32, #tpu.memory_space<vmem>>, vector<1x1000x128xf32>
      %get3A_22 = vector.shape_cast %get3A_21 : vector<1x1000x128xf32> to vector<1000x128xf32>
      %add3A_23 = arith.addf %add3A, %get3A_22 : vector<1000x128xf32>
      %get3A_24 = arith.constant 0 : index
      %get3A_25 = arith.constant 0 : index
      %get3A_26 = vector.load %arg5[%get3A_24, %get3A_25] : memref<1x128xf32, #tpu.memory_space<vmem>>, vector<1x128xf32>
      %add3A_27 = vector.broadcast %get3A_26 : vector<1x128xf32> to vector<1000x128xf32>
      %add3A_28 = arith.addf %add3A_23, %add3A_27 : vector<1000x128xf32>
      %mul3A_29 = arith.constant 1000 : i32
      %mul3A_30 = arith.muli %arg1, %mul3A_29 : i32
      %swap3A = arith.index_cast %mul3A_30 : i32 to index
      %swap3A_31 = arith.constant 0 : index
      %swap3A_32 = vector.load %arg10[%swap3A, %swap3A_31] : memref<10000x128xf32, #tpu.memory_space<vmem>>, vector<1000x128xf32>
      tpu.vector_store %arg10[%swap3A, %swap3A_31], %add3A_28 {strides = array<i32>} : memref<10000x128xf32, #tpu.memory_space<vmem>>, vector<1000x128xf32>,
      %reduce_sum3A = arith.constant dense<0.000000e+00> : vector<128xf32>
      %reduce_sum3A_33 = vector.multi_reduction <add>, %add3A_28, %reduce_sum3A [0] : vector<1000x128xf32> to vector<128xf32>
      %broadcast_in_dim3A = vector.shape_cast %reduce_sum3A_33 : vector<128xf32> to vector<1x128xf32>
      %mul3A_34 = arith.mulf %add3A_28, %add3A_28 : vector<1000x128xf32>
      %reduce_sum3A_35 = arith.constant dense<0.000000e+00> : vector<128xf32>
      %reduce_sum3A_36 = vector.multi_reduction <add>, %mul3A_34, %reduce_sum3A_35 [0] : vector<1000x128xf32> to vector<128xf32>
      %broadcast_in_dim3A_37 = vector.shape_cast %reduce_sum3A_36 : vector<128xf32> to vector<1x128xf32>
      %eq3A_38 = arith.constant 0 : i32
      %eq3A_39 = arith.cmpi eq, %arg1, %eq3A_38 : i32
      %convert_element_type3A_40 = arith.extui %eq3A_39 : i1 to i32
      %cond3A_41 = arith.constant 0 : i32
      %cond3A_42 = arith.cmpi ne, %convert_element_type3A_40, %cond3A_41 : i32
      scf.if %cond3A_42 {
        %swap3A_47 = arith.constant 0 : index
        %swap3A_48 = arith.constant 0 : index
        %swap3A_49 = vector.load %arg11[%swap3A_47, %swap3A_48] : memref<1x128xf32, #tpu.memory_space<vmem>>, vector<1x128xf32>
        tpu.vector_store %arg11[%swap3A_47, %swap3A_48], %broadcast_in_dim3A {strides = array<i32>} : memref<1x128xf32, #tpu.memory_space<vmem>>, vector<1x128xf32>,
        %swap3A_50 = arith.constant 0 : index
        %swap3A_51 = arith.constant 0 : index
        %swap3A_52 = vector.load %arg12[%swap3A_50, %swap3A_51] : memref<1x128xf32, #tpu.memory_space<vmem>>, vector<1x128xf32>
        tpu.vector_store %arg12[%swap3A_50, %swap3A_51], %broadcast_in_dim3A_37 {strides = array<i32>} : memref<1x128xf32, #tpu.memory_space<vmem>>, vector<1x128xf32>,
      } else {
      }
      %gt3A = arith.constant 0 : i32
      %gt3A_43 = arith.cmpi sgt, %arg1, %gt3A : i32
      %convert_element_type3A_44 = arith.extui %gt3A_43 : i1 to i32
      %cond3A_45 = arith.constant 0 : i32
      %cond3A_46 = arith.cmpi ne, %convert_element_type3A_44, %cond3A_45 : i32
      scf.if %cond3A_46 {
        %get3A_47 = arith.constant 0 : index
        %get3A_48 = arith.constant 0 : index
        %get3A_49 = vector.load %arg11[%get3A_47, %get3A_48] : memref<1x128xf32, #tpu.memory_space<vmem>>, vector<1x128xf32>
        %add3A_50 = arith.addf %get3A_49, %broadcast_in_dim3A : vector<1x128xf32>
        %swap3A_51 = arith.constant 0 : index
        %swap3A_52 = arith.constant 0 : index
        %swap3A_53 = vector.load %arg11[%swap3A_51, %swap3A_52] : memref<1x128xf32, #tpu.memory_space<vmem>>, vector<1x128xf32>
        tpu.vector_store %arg11[%swap3A_51, %swap3A_52], %add3A_50 {strides = array<i32>} : memref<1x128xf32, #tpu.memory_space<vmem>>, vector<1x128xf32>,
        %get3A_54 = arith.constant 0 : index
        %get3A_55 = arith.constant 0 : index
        %get3A_56 = vector.load %arg12[%get3A_54, %get3A_55] : memref<1x128xf32, #tpu.memory_space<vmem>>, vector<1x128xf32>
        %add3A_57 = arith.addf %get3A_56, %broadcast_in_dim3A_37 : vector<1x128xf32>
        %swap3A_58 = arith.constant 0 : index
        %swap3A_59 = arith.constant 0 : index
        %swap3A_60 = vector.load %arg12[%swap3A_58, %swap3A_59] : memref<1x128xf32, #tpu.memory_space<vmem>>, vector<1x128xf32>
        tpu.vector_store %arg12[%swap3A_58, %swap3A_59], %add3A_57 {strides = array<i32>} : memref<1x128xf32, #tpu.memory_space<vmem>>, vector<1x128xf32>,
      } else {
      }
    } else {
    }
    %eq3A_2 = arith.constant 1 : i32
    %eq3A_3 = arith.cmpi eq, %arg0, %eq3A_2 : i32
    %convert_element_type3A_4 = arith.extui %eq3A_3 : i1 to i32
    %cond3A_5 = arith.constant 0 : i32
    %cond3A_6 = arith.cmpi ne, %convert_element_type3A_4, %cond3A_5 : i32
    scf.if %cond3A_6 {
      %get3A = arith.constant 0 : index
      %get3A_7 = arith.constant 0 : index
      %get3A_8 = vector.load %arg11[%get3A, %get3A_7] : memref<1x128xf32, #tpu.memory_space<vmem>>, vector<1x128xf32>
      %mul3A = arith.constant 9.99999974E-5 : f32
      %mul3A_9 = vector.broadcast %mul3A : f32 to vector<1x128xf32>
      %mul3A_10 = arith.mulf %get3A_8, %mul3A_9 : vector<1x128xf32>
      %get3A_11 = arith.constant 0 : index
      %get3A_12 = arith.constant 0 : index
      %get3A_13 = vector.load %arg12[%get3A_11, %get3A_12] : memref<1x128xf32, #tpu.memory_space<vmem>>, vector<1x128xf32>
      %mul3A_14 = arith.constant 9.99999974E-5 : f32
      %mul3A_15 = vector.broadcast %mul3A_14 : f32 to vector<1x128xf32>
      %mul3A_16 = arith.mulf %get3A_13, %mul3A_15 : vector<1x128xf32>
      %mul3A_17 = arith.mulf %mul3A_10, %mul3A_10 : vector<1x128xf32>
      %sub3A = arith.subf %mul3A_16, %mul3A_17 : vector<1x128xf32>
      %max3A = arith.constant 0.000000e+00 : f32
      %max3A_18 = vector.broadcast %max3A : f32 to vector<1x128xf32>
      %max3A_19 = arith.maximumf %sub3A, %max3A_18 : vector<1x128xf32>
      %add3A = arith.constant 9.99999974E-6 : f32
      %add3A_20 = vector.broadcast %add3A : f32 to vector<1x128xf32>
      %add3A_21 = arith.addf %max3A_19, %add3A_20 : vector<1x128xf32>
      %rsqrt3A = math.rsqrt %add3A_21 : vector<1x128xf32>
      %mul3A_22 = arith.constant 1000 : i32
      %mul3A_23 = arith.muli %arg1, %mul3A_22 : i32
      %get3A_24 = arith.index_cast %mul3A_23 : i32 to index
      %get3A_25 = arith.constant 0 : index
      %get3A_26 = vector.load %arg10[%get3A_24, %get3A_25] : memref<10000x128xf32, #tpu.memory_space<vmem>>, vector<1000x128xf32>
      %sub3A_27 = vector.broadcast %mul3A_10 : vector<1x128xf32> to vector<1000x128xf32>
      %sub3A_28 = arith.subf %get3A_26, %sub3A_27 : vector<1000x128xf32>
      %get3A_29 = arith.constant 0 : index
      %get3A_30 = arith.constant 0 : index
      %get3A_31 = vector.load %arg6[%get3A_29, %get3A_30] : memref<1x128xf32, #tpu.memory_space<vmem>>, vector<1x128xf32>
      %mul3A_32 = arith.mulf %rsqrt3A, %get3A_31 : vector<1x128xf32>
      %mul3A_33 = vector.broadcast %mul3A_32 : vector<1x128xf32> to vector<1000x128xf32>
      %mul3A_34 = arith.mulf %sub3A_28, %mul3A_33 : vector<1000x128xf32>
      %get3A_35 = arith.constant 0 : index
      %get3A_36 = arith.constant 0 : index
      %get3A_37 = vector.load %arg7[%get3A_35, %get3A_36] : memref<1x128xf32, #tpu.memory_space<vmem>>, vector<1x128xf32>
      %add3A_38 = vector.broadcast %get3A_37 : vector<1x128xf32> to vector<1000x128xf32>
      %add3A_39 = arith.addf %mul3A_34, %add3A_38 : vector<1000x128xf32>
      %ge3A = arith.constant 0.000000e+00 : f32
      %ge3A_40 = vector.broadcast %ge3A : f32 to vector<1000x128xf32>
      %ge3A_41 = arith.cmpf oge, %add3A_39, %ge3A_40 : vector<1000x128xf32>
      %mul3A_42 = arith.constant 0.00999999977 : f32
      %mul3A_43 = vector.broadcast %mul3A_42 : f32 to vector<1000x128xf32>
      %mul3A_44 = arith.mulf %mul3A_43, %add3A_39 : vector<1000x128xf32>
      %select_n3A = arith.select %ge3A_41, %add3A_39, %mul3A_44 : vector<1000x128xi1>, vector<1000x128xf32>
      %get3A_45 = arith.constant 0 : index
      %get3A_46 = arith.constant 0 : index
      %get3A_47 = vector.load %arg8[%get3A_45, %get3A_46] : memref<128x128xf32, #tpu.memory_space<vmem>>, vector<128x128xf32>
      %dot_general3A = arith.constant dense<0.000000e+00> : vector<1000x128xf32>
      %dot_general3A_48 = tpu.matmul %select_n3A, %get3A_47, %dot_general3A {dimension_numbers = #tpu.dot_dimension_numbers<[1], [0], [0], [1], [0, 0, 1, 1], [], []>, transpose_lhs_hint = false} : vector<1000x128xf32>, vector<128x128xf32>, vector<1000x128xf32> -> vector<1000x128xf32>
      %swap3A = arith.constant 0 : index
      %swap3A_49 = arith.constant 0 : index
      %swap3A_50 = vector.load %arg9[%swap3A, %swap3A_49] : memref<1000x128xf32, #tpu.memory_space<vmem>>, vector<1000x128xf32>
      tpu.vector_store %arg9[%swap3A, %swap3A_49], %dot_general3A_48 {strides = array<i32>} : memref<1000x128xf32, #tpu.memory_space<vmem>>, vector<1000x128xf32>,
    } else {
    }
    return
  }
  func.func @transform_0(%arg0: i32, %arg1: i32) -> (i32, i32) {
    %c0_i32 = arith.constant 0 : i32
    %c0_i32_0 = arith.constant 0 : i32
    return %arg1, %c0_i32 : i32, i32
  }
  func.func @transform_1(%arg0: i32, %arg1: i32) -> (i32, i32, i32) {
    %sub3A = arith.constant 1 : i32
    %sub3A_0 = arith.subi %sub3A, %arg0 : i32
    %mul3A = arith.muli %arg1, %sub3A_0 : i32
    %c0_i32 = arith.constant 0 : i32
    %c0_i32_1 = arith.constant 0 : i32
    %c0_i32_2 = arith.constant 0 : i32
    return %c0_i32, %mul3A, %c0_i32_1 : i32, i32, i32
  }
  func.func @transform_2(%arg0: i32, %arg1: i32) -> (i32, i32) {
    %c0_i32 = arith.constant 0 : i32
    %c0_i32_0 = arith.constant 0 : i32
    %c0_i32_1 = arith.constant 0 : i32
    return %c0_i32, %c0_i32_0 : i32, i32
  }
  func.func @transform_3(%arg0: i32, %arg1: i32) -> (i32, i32) {
    %c0_i32 = arith.constant 0 : i32
    %c0_i32_0 = arith.constant 0 : i32
    %c0_i32_1 = arith.constant 0 : i32
    return %c0_i32, %c0_i32_0 : i32, i32
  }
  func.func @transform_4(%arg0: i32, %arg1: i32) -> (i32, i32) {
    %c0_i32 = arith.constant 0 : i32
    %c0_i32_0 = arith.constant 0 : i32
    %c0_i32_1 = arith.constant 0 : i32
    return %c0_i32, %c0_i32_0 : i32, i32
  }
  func.func @transform_5(%arg0: i32, %arg1: i32) -> (i32, i32) {
    %c0_i32 = arith.constant 0 : i32
    %c0_i32_0 = arith.constant 0 : i32
    %c0_i32_1 = arith.constant 0 : i32
    return %c0_i32, %c0_i32_0 : i32, i32
  }
  func.func @transform_6(%arg0: i32, %arg1: i32) -> (i32, i32) {
    %c0_i32 = arith.constant 0 : i32
    %c0_i32_0 = arith.constant 0 : i32
    %c0_i32_1 = arith.constant 0 : i32
    return %c0_i32, %c0_i32_0 : i32, i32
  }
  func.func @transform_7(%arg0: i32, %arg1: i32) -> (i32, i32) {
    %c0_i32 = arith.constant 0 : i32
    %c0_i32_0 = arith.constant 0 : i32
    return %arg1, %c0_i32 : i32, i32
  }
}

module attributes {stable_mosaic.version = 14 : i64} {
  func.func @_fused_body(%arg0: i32, %arg1: i32, %arg2: memref<1000x128xf32, #tpu.memory_space<vmem>>, %arg3: memref<2x1000x128xf32, #tpu.memory_space<vmem>>, %arg4: memref<1x128xf32, #tpu.memory_space<vmem>>, %arg5: memref<1x128xf32, #tpu.memory_space<vmem>>, %arg6: memref<1x128xf32, #tpu.memory_space<vmem>>, %arg7: memref<1x128xf32, #tpu.memory_space<vmem>>, %arg8: memref<1000x128xf32, #tpu.memory_space<vmem>>, %arg9: memref<10000x128xf32, #tpu.memory_space<vmem>>, %arg10: memref<1x128xf32, #tpu.memory_space<vmem>>, %arg11: memref<1x128xf32, #tpu.memory_space<vmem>>) attributes {dimension_semantics = [#tpu.dimension_semantics<arbitrary>, #tpu.dimension_semantics<arbitrary>], iteration_bounds = array<i64: 2, 10>, scalar_prefetch = 0 : i64, scratch_operands = 3 : i64, tpu.core_type = #tpu.core_type<tc>, window_params = [{transform_indices = @transform_0, window_bounds = array<i64: 1000, 128>}, {transform_indices = @transform_1, window_bounds = array<i64: 2, 1000, 128>}, {pipeline_mode = #tpu.pipeline_mode<synchronous>, transform_indices = @transform_2, window_bounds = array<i64: 1, 128>}, {pipeline_mode = #tpu.pipeline_mode<synchronous>, transform_indices = @transform_3, window_bounds = array<i64: 1, 128>}, {pipeline_mode = #tpu.pipeline_mode<synchronous>, transform_indices = @transform_4, window_bounds = array<i64: 1, 128>}, {pipeline_mode = #tpu.pipeline_mode<synchronous>, transform_indices = @transform_5, window_bounds = array<i64: 1, 128>}, {transform_indices = @transform_6, window_bounds = array<i64: 1000, 128>}]} {
    %eq3A = arith.constant 0 : i32
    %eq3A_0 = arith.cmpi eq, %arg0, %eq3A : i32
    %convert_element_type3A = arith.extui %eq3A_0 : i1 to i32
    %cond3A = arith.constant 0 : i32
    %cond3A_1 = arith.cmpi ne, %convert_element_type3A, %cond3A : i32
    scf.if %cond3A_1 {
      %get3A = arith.constant 0 : index
      %get3A_7 = arith.constant 0 : index
      %get3A_8 = vector.load %arg4[%get3A, %get3A_7] : memref<1x128xf32, #tpu.memory_space<vmem>>, vector<1x128xf32>
      %get3A_9 = arith.constant 0 : index
      %get3A_10 = arith.constant 0 : index
      %get3A_11 = vector.load %arg2[%get3A_9, %get3A_10] : memref<1000x128xf32, #tpu.memory_space<vmem>>, vector<1000x128xf32>
      %mul3A = vector.broadcast %get3A_8 : vector<1x128xf32> to vector<1000x128xf32>
      %mul3A_12 = arith.mulf %mul3A, %get3A_11 : vector<1000x128xf32>
      %get3A_13 = arith.constant 0 : index
      %get3A_14 = arith.constant 0 : index
      %get3A_15 = arith.constant 0 : index
      %get3A_16 = vector.load %arg3[%get3A_13, %get3A_14, %get3A_15] : memref<2x1000x128xf32, #tpu.memory_space<vmem>>, vector<1x1000x128xf32>
      %get3A_17 = vector.shape_cast %get3A_16 : vector<1x1000x128xf32> to vector<1000x128xf32>
      %add3A = arith.addf %mul3A_12, %get3A_17 : vector<1000x128xf32>
      %get3A_18 = arith.constant 1 : index
      %get3A_19 = arith.constant 0 : index
      %get3A_20 = arith.constant 0 : index
      %get3A_21 = vector.load %arg3[%get3A_18, %get3A_19, %get3A_20] : memref<2x1000x128xf32, #tpu.memory_space<vmem>>, vector<1x1000x128xf32>
      %get3A_22 = vector.shape_cast %get3A_21 : vector<1x1000x128xf32> to vector<1000x128xf32>
      %add3A_23 = arith.addf %add3A, %get3A_22 : vector<1000x128xf32>
      %get3A_24 = arith.constant 0 : index
      %get3A_25 = arith.constant 0 : index
      %get3A_26 = vector.load %arg5[%get3A_24, %get3A_25] : memref<1x128xf32, #tpu.memory_space<vmem>>, vector<1x128xf32>
      %add3A_27 = vector.broadcast %get3A_26 : vector<1x128xf32> to vector<1000x128xf32>
      %add3A_28 = arith.addf %add3A_23, %add3A_27 : vector<1000x128xf32>
      %mul3A_29 = arith.constant 1000 : i32
      %mul3A_30 = arith.muli %arg1, %mul3A_29 : i32
      %swap3A = arith.index_cast %mul3A_30 : i32 to index
      %swap3A_31 = arith.constant 0 : index
      %swap3A_32 = vector.load %arg9[%swap3A, %swap3A_31] : memref<10000x128xf32, #tpu.memory_space<vmem>>, vector<1000x128xf32>
      tpu.vector_store %arg9[%swap3A, %swap3A_31], %add3A_28 {strides = array<i32>} : memref<10000x128xf32, #tpu.memory_space<vmem>>, vector<1000x128xf32>,
      %reduce_sum3A = arith.constant dense<0.000000e+00> : vector<128xf32>
      %reduce_sum3A_33 = vector.multi_reduction <add>, %add3A_28, %reduce_sum3A [0] : vector<1000x128xf32> to vector<128xf32>
      %broadcast_in_dim3A = vector.shape_cast %reduce_sum3A_33 : vector<128xf32> to vector<1x128xf32>
      %mul3A_34 = arith.mulf %add3A_28, %add3A_28 : vector<1000x128xf32>
      %reduce_sum3A_35 = arith.constant dense<0.000000e+00> : vector<128xf32>
      %reduce_sum3A_36 = vector.multi_reduction <add>, %mul3A_34, %reduce_sum3A_35 [0] : vector<1000x128xf32> to vector<128xf32>
      %broadcast_in_dim3A_37 = vector.shape_cast %reduce_sum3A_36 : vector<128xf32> to vector<1x128xf32>
      %eq3A_38 = arith.constant 0 : i32
      %eq3A_39 = arith.cmpi eq, %arg1, %eq3A_38 : i32
      %convert_element_type3A_40 = arith.extui %eq3A_39 : i1 to i32
      %cond3A_41 = arith.constant 0 : i32
      %cond3A_42 = arith.cmpi ne, %convert_element_type3A_40, %cond3A_41 : i32
      scf.if %cond3A_42 {
        %swap3A_47 = arith.constant 0 : index
        %swap3A_48 = arith.constant 0 : index
        %swap3A_49 = vector.load %arg10[%swap3A_47, %swap3A_48] : memref<1x128xf32, #tpu.memory_space<vmem>>, vector<1x128xf32>
        tpu.vector_store %arg10[%swap3A_47, %swap3A_48], %broadcast_in_dim3A {strides = array<i32>} : memref<1x128xf32, #tpu.memory_space<vmem>>, vector<1x128xf32>,
        %swap3A_50 = arith.constant 0 : index
        %swap3A_51 = arith.constant 0 : index
        %swap3A_52 = vector.load %arg11[%swap3A_50, %swap3A_51] : memref<1x128xf32, #tpu.memory_space<vmem>>, vector<1x128xf32>
        tpu.vector_store %arg11[%swap3A_50, %swap3A_51], %broadcast_in_dim3A_37 {strides = array<i32>} : memref<1x128xf32, #tpu.memory_space<vmem>>, vector<1x128xf32>,
      } else {
      }
      %gt3A = arith.constant 0 : i32
      %gt3A_43 = arith.cmpi sgt, %arg1, %gt3A : i32
      %convert_element_type3A_44 = arith.extui %gt3A_43 : i1 to i32
      %cond3A_45 = arith.constant 0 : i32
      %cond3A_46 = arith.cmpi ne, %convert_element_type3A_44, %cond3A_45 : i32
      scf.if %cond3A_46 {
        %get3A_47 = arith.constant 0 : index
        %get3A_48 = arith.constant 0 : index
        %get3A_49 = vector.load %arg10[%get3A_47, %get3A_48] : memref<1x128xf32, #tpu.memory_space<vmem>>, vector<1x128xf32>
        %add3A_50 = arith.addf %get3A_49, %broadcast_in_dim3A : vector<1x128xf32>
        %swap3A_51 = arith.constant 0 : index
        %swap3A_52 = arith.constant 0 : index
        %swap3A_53 = vector.load %arg10[%swap3A_51, %swap3A_52] : memref<1x128xf32, #tpu.memory_space<vmem>>, vector<1x128xf32>
        tpu.vector_store %arg10[%swap3A_51, %swap3A_52], %add3A_50 {strides = array<i32>} : memref<1x128xf32, #tpu.memory_space<vmem>>, vector<1x128xf32>,
        %get3A_54 = arith.constant 0 : index
        %get3A_55 = arith.constant 0 : index
        %get3A_56 = vector.load %arg11[%get3A_54, %get3A_55] : memref<1x128xf32, #tpu.memory_space<vmem>>, vector<1x128xf32>
        %add3A_57 = arith.addf %get3A_56, %broadcast_in_dim3A_37 : vector<1x128xf32>
        %swap3A_58 = arith.constant 0 : index
        %swap3A_59 = arith.constant 0 : index
        %swap3A_60 = vector.load %arg11[%swap3A_58, %swap3A_59] : memref<1x128xf32, #tpu.memory_space<vmem>>, vector<1x128xf32>
        tpu.vector_store %arg11[%swap3A_58, %swap3A_59], %add3A_57 {strides = array<i32>} : memref<1x128xf32, #tpu.memory_space<vmem>>, vector<1x128xf32>,
      } else {
      }
    } else {
    }
    %eq3A_2 = arith.constant 1 : i32
    %eq3A_3 = arith.cmpi eq, %arg0, %eq3A_2 : i32
    %convert_element_type3A_4 = arith.extui %eq3A_3 : i1 to i32
    %cond3A_5 = arith.constant 0 : i32
    %cond3A_6 = arith.cmpi ne, %convert_element_type3A_4, %cond3A_5 : i32
    scf.if %cond3A_6 {
      %get3A = arith.constant 0 : index
      %get3A_7 = arith.constant 0 : index
      %get3A_8 = vector.load %arg10[%get3A, %get3A_7] : memref<1x128xf32, #tpu.memory_space<vmem>>, vector<1x128xf32>
      %mul3A = arith.constant 9.99999974E-5 : f32
      %mul3A_9 = vector.broadcast %mul3A : f32 to vector<1x128xf32>
      %mul3A_10 = arith.mulf %get3A_8, %mul3A_9 : vector<1x128xf32>
      %get3A_11 = arith.constant 0 : index
      %get3A_12 = arith.constant 0 : index
      %get3A_13 = vector.load %arg11[%get3A_11, %get3A_12] : memref<1x128xf32, #tpu.memory_space<vmem>>, vector<1x128xf32>
      %mul3A_14 = arith.constant 9.99999974E-5 : f32
      %mul3A_15 = vector.broadcast %mul3A_14 : f32 to vector<1x128xf32>
      %mul3A_16 = arith.mulf %get3A_13, %mul3A_15 : vector<1x128xf32>
      %mul3A_17 = arith.mulf %mul3A_10, %mul3A_10 : vector<1x128xf32>
      %sub3A = arith.subf %mul3A_16, %mul3A_17 : vector<1x128xf32>
      %max3A = arith.constant 0.000000e+00 : f32
      %max3A_18 = vector.broadcast %max3A : f32 to vector<1x128xf32>
      %max3A_19 = arith.maximumf %sub3A, %max3A_18 : vector<1x128xf32>
      %add3A = arith.constant 9.99999974E-6 : f32
      %add3A_20 = vector.broadcast %add3A : f32 to vector<1x128xf32>
      %add3A_21 = arith.addf %max3A_19, %add3A_20 : vector<1x128xf32>
      %rsqrt3A = math.rsqrt %add3A_21 : vector<1x128xf32>
      %mul3A_22 = arith.constant 1000 : i32
      %mul3A_23 = arith.muli %arg1, %mul3A_22 : i32
      %get3A_24 = arith.index_cast %mul3A_23 : i32 to index
      %get3A_25 = arith.constant 0 : index
      %get3A_26 = vector.load %arg9[%get3A_24, %get3A_25] : memref<10000x128xf32, #tpu.memory_space<vmem>>, vector<1000x128xf32>
      %sub3A_27 = vector.broadcast %mul3A_10 : vector<1x128xf32> to vector<1000x128xf32>
      %sub3A_28 = arith.subf %get3A_26, %sub3A_27 : vector<1000x128xf32>
      %get3A_29 = arith.constant 0 : index
      %get3A_30 = arith.constant 0 : index
      %get3A_31 = vector.load %arg6[%get3A_29, %get3A_30] : memref<1x128xf32, #tpu.memory_space<vmem>>, vector<1x128xf32>
      %mul3A_32 = arith.mulf %rsqrt3A, %get3A_31 : vector<1x128xf32>
      %mul3A_33 = vector.broadcast %mul3A_32 : vector<1x128xf32> to vector<1000x128xf32>
      %mul3A_34 = arith.mulf %sub3A_28, %mul3A_33 : vector<1000x128xf32>
      %get3A_35 = arith.constant 0 : index
      %get3A_36 = arith.constant 0 : index
      %get3A_37 = vector.load %arg7[%get3A_35, %get3A_36] : memref<1x128xf32, #tpu.memory_space<vmem>>, vector<1x128xf32>
      %add3A_38 = vector.broadcast %get3A_37 : vector<1x128xf32> to vector<1000x128xf32>
      %add3A_39 = arith.addf %mul3A_34, %add3A_38 : vector<1000x128xf32>
      %ge3A = arith.constant 0.000000e+00 : f32
      %ge3A_40 = vector.broadcast %ge3A : f32 to vector<1000x128xf32>
      %ge3A_41 = arith.cmpf oge, %add3A_39, %ge3A_40 : vector<1000x128xf32>
      %mul3A_42 = arith.constant 0.00999999977 : f32
      %mul3A_43 = vector.broadcast %mul3A_42 : f32 to vector<1000x128xf32>
      %mul3A_44 = arith.mulf %mul3A_43, %add3A_39 : vector<1000x128xf32>
      %select_n3A = arith.select %ge3A_41, %add3A_39, %mul3A_44 : vector<1000x128xi1>, vector<1000x128xf32>
      %swap3A = arith.constant 0 : index
      %swap3A_45 = arith.constant 0 : index
      %swap3A_46 = vector.load %arg8[%swap3A, %swap3A_45] : memref<1000x128xf32, #tpu.memory_space<vmem>>, vector<1000x128xf32>
      tpu.vector_store %arg8[%swap3A, %swap3A_45], %select_n3A {strides = array<i32>} : memref<1000x128xf32, #tpu.memory_space<vmem>>, vector<1000x128xf32>,
    } else {
    }
    return
  }
  func.func @transform_0(%arg0: i32, %arg1: i32) -> (i32, i32) {
    %c0_i32 = arith.constant 0 : i32
    %c0_i32_0 = arith.constant 0 : i32
    return %arg1, %c0_i32 : i32, i32
  }
  func.func @transform_1(%arg0: i32, %arg1: i32) -> (i32, i32, i32) {
    %sub3A = arith.constant 1 : i32
    %sub3A_0 = arith.subi %sub3A, %arg0 : i32
    %mul3A = arith.muli %arg1, %sub3A_0 : i32
    %c0_i32 = arith.constant 0 : i32
    %c0_i32_1 = arith.constant 0 : i32
    %c0_i32_2 = arith.constant 0 : i32
    return %c0_i32, %mul3A, %c0_i32_1 : i32, i32, i32
  }
  func.func @transform_2(%arg0: i32, %arg1: i32) -> (i32, i32) {
    %c0_i32 = arith.constant 0 : i32
    %c0_i32_0 = arith.constant 0 : i32
    %c0_i32_1 = arith.constant 0 : i32
    return %c0_i32, %c0_i32_0 : i32, i32
  }
  func.func @transform_3(%arg0: i32, %arg1: i32) -> (i32, i32) {
    %c0_i32 = arith.constant 0 : i32
    %c0_i32_0 = arith.constant 0 : i32
    %c0_i32_1 = arith.constant 0 : i32
    return %c0_i32, %c0_i32_0 : i32, i32
  }
  func.func @transform_4(%arg0: i32, %arg1: i32) -> (i32, i32) {
    %c0_i32 = arith.constant 0 : i32
    %c0_i32_0 = arith.constant 0 : i32
    %c0_i32_1 = arith.constant 0 : i32
    return %c0_i32, %c0_i32_0 : i32, i32
  }
  func.func @transform_5(%arg0: i32, %arg1: i32) -> (i32, i32) {
    %c0_i32 = arith.constant 0 : i32
    %c0_i32_0 = arith.constant 0 : i32
    %c0_i32_1 = arith.constant 0 : i32
    return %c0_i32, %c0_i32_0 : i32, i32
  }
  func.func @transform_6(%arg0: i32, %arg1: i32) -> (i32, i32) {
    %c0_i32 = arith.constant 0 : i32
    %c0_i32_0 = arith.constant 0 : i32
    return %arg1, %c0_i32 : i32, i32
  }
}

module attributes {stable_mosaic.version = 14 : i64} {
  func.func @_pool_head_body(%arg0: i32, %arg1: memref<1000x128xf32, #tpu.memory_space<vmem>>, %arg2: memref<1x1x1000xi32, #tpu.memory_space<vmem>>, %arg3: memref<64x64xf32, #tpu.memory_space<vmem>>, %arg4: memref<64x128xf32, #tpu.memory_space<vmem>>, %arg5: memref<1x128xf32, #tpu.memory_space<vmem>>, %arg6: memref<256x128xf32, #tpu.memory_space<vmem>>, %arg7: memref<1x128xf32, #tpu.memory_space<vmem>>, %arg8: memref<128x10xf32, #tpu.memory_space<vmem>>, %arg9: memref<1x10xf32, #tpu.memory_space<vmem>>, %arg10: memref<64x10xf32, #tpu.memory_space<vmem>>, %arg11: memref<64x128xf32, #tpu.memory_space<vmem>>) attributes {dimension_semantics = [#tpu.dimension_semantics<arbitrary>], iteration_bounds = array<i64: 10>, scalar_prefetch = 0 : i64, scratch_operands = 1 : i64, tpu.core_type = #tpu.core_type<tc>, window_params = [{transform_indices = @transform_0, window_bounds = array<i64: 1000, 128>}, {transform_indices = @transform_1, window_bounds = array<i64: 1, 1, 1000>}, {pipeline_mode = #tpu.pipeline_mode<synchronous>, transform_indices = @transform_2, window_bounds = array<i64: 64, 64>}, {pipeline_mode = #tpu.pipeline_mode<synchronous>, transform_indices = @transform_3, window_bounds = array<i64: 64, 128>}, {pipeline_mode = #tpu.pipeline_mode<synchronous>, transform_indices = @transform_4, window_bounds = array<i64: 1, 128>}, {pipeline_mode = #tpu.pipeline_mode<synchronous>, transform_indices = @transform_5, window_bounds = array<i64: 256, 128>}, {pipeline_mode = #tpu.pipeline_mode<synchronous>, transform_indices = @transform_6, window_bounds = array<i64: 1, 128>}, {pipeline_mode = #tpu.pipeline_mode<synchronous>, transform_indices = @transform_7, window_bounds = array<i64: 128, 10>}, {pipeline_mode = #tpu.pipeline_mode<synchronous>, transform_indices = @transform_8, window_bounds = array<i64: 1, 10>}, {pipeline_mode = #tpu.pipeline_mode<synchronous>, transform_indices = @transform_9, window_bounds = array<i64: 64, 10>}]} {
    %get3A = arith.constant 0 : index
    %get3A_0 = arith.constant 0 : index
    %get3A_1 = arith.constant 0 : index
    %get3A_2 = vector.load %arg2[%get3A, %get3A_0, %get3A_1] : memref<1x1x1000xi32, #tpu.memory_space<vmem>>, vector<1x1x1000xi32>
    %reshape3A = vector.shape_cast %get3A_2 : vector<1x1x1000xi32> to vector<1x1000xi32>
    %iota3A = tpu.iota {dimensions = array<i32: 0>} : vector<64x1000xi32>
    %eq3A = vector.broadcast %reshape3A : vector<1x1000xi32> to vector<64x1000xi32>
    %eq3A_3 = arith.cmpi eq, %iota3A, %eq3A : vector<64x1000xi32>
    %convert_element_type3A = arith.extui %eq3A_3 : vector<64x1000xi1> to vector<64x1000xi32>
    %convert_element_type3A_4 = arith.sitofp %convert_element_type3A : vector<64x1000xi32> to vector<64x1000xf32>
    %get3A_5 = arith.constant 0 : index
    %get3A_6 = arith.constant 0 : index
    %get3A_7 = vector.load %arg1[%get3A_5, %get3A_6] : memref<1000x128xf32, #tpu.memory_space<vmem>>, vector<1000x128xf32>
    %dot_general3A = arith.constant dense<0.000000e+00> : vector<64x128xf32>
    %dot_general3A_8 = tpu.matmul %convert_element_type3A_4, %get3A_7, %dot_general3A {dimension_numbers = #tpu.dot_dimension_numbers<[1], [0], [0], [1], [0, 0, 1, 1], [], []>, transpose_lhs_hint = false} : vector<64x1000xf32>, vector<1000x128xf32>, vector<64x128xf32> -> vector<64x128xf32>
    %eq3A_9 = arith.constant 0 : i32
    %eq3A_10 = arith.cmpi eq, %arg0, %eq3A_9 : i32
    %convert_element_type3A_11 = arith.extui %eq3A_10 : i1 to i32
    %cond3A = arith.constant 0 : i32
    %cond3A_12 = arith.cmpi ne, %convert_element_type3A_11, %cond3A : i32
    scf.if %cond3A_12 {
      %swap3A = arith.constant 0 : index
      %swap3A_22 = arith.constant 0 : index
      %swap3A_23 = vector.load %arg11[%swap3A, %swap3A_22] : memref<64x128xf32, #tpu.memory_space<vmem>>, vector<64x128xf32>
      tpu.vector_store %arg11[%swap3A, %swap3A_22], %dot_general3A_8 {strides = array<i32>} : memref<64x128xf32, #tpu.memory_space<vmem>>, vector<64x128xf32>,
    } else {
    }
    %gt3A = arith.constant 0 : i32
    %gt3A_13 = arith.cmpi sgt, %arg0, %gt3A : i32
    %convert_element_type3A_14 = arith.extui %gt3A_13 : i1 to i32
    %cond3A_15 = arith.constant 0 : i32
    %cond3A_16 = arith.cmpi ne, %convert_element_type3A_14, %cond3A_15 : i32
    scf.if %cond3A_16 {
      %get3A_22 = arith.constant 0 : index
      %get3A_23 = arith.constant 0 : index
      %get3A_24 = vector.load %arg11[%get3A_22, %get3A_23] : memref<64x128xf32, #tpu.memory_space<vmem>>, vector<64x128xf32>
      %add3A = arith.addf %get3A_24, %dot_general3A_8 : vector<64x128xf32>
      %swap3A = arith.constant 0 : index
      %swap3A_25 = arith.constant 0 : index
      %swap3A_26 = vector.load %arg11[%swap3A, %swap3A_25] : memref<64x128xf32, #tpu.memory_space<vmem>>, vector<64x128xf32>
      tpu.vector_store %arg11[%swap3A, %swap3A_25], %add3A {strides = array<i32>} : memref<64x128xf32, #tpu.memory_space<vmem>>, vector<64x128xf32>,
    } else {
    }
    %eq3A_17 = arith.constant 9 : i32
    %eq3A_18 = arith.cmpi eq, %arg0, %eq3A_17 : i32
    %convert_element_type3A_19 = arith.extui %eq3A_18 : i1 to i32
    %cond3A_20 = arith.constant 0 : i32
    %cond3A_21 = arith.cmpi ne, %convert_element_type3A_19, %cond3A_20 : i32
    scf.if %cond3A_21 {
      %get3A_22 = arith.constant 0 : index
      %get3A_23 = arith.constant 0 : index
      %get3A_24 = vector.load %arg11[%get3A_22, %get3A_23] : memref<64x128xf32, #tpu.memory_space<vmem>>, vector<64x128xf32>
      %get3A_25 = arith.constant 0 : index
      %get3A_26 = arith.constant 0 : index
      %get3A_27 = vector.load %arg3[%get3A_25, %get3A_26] : memref<64x64xf32, #tpu.memory_space<vmem>>, vector<64x64xf32>
      %get3A_28 = arith.constant 0 : index
      %get3A_29 = arith.constant 0 : index
      %get3A_30 = vector.load %arg4[%get3A_28, %get3A_29] : memref<64x128xf32, #tpu.memory_space<vmem>>, vector<64x128xf32>
      %dot_general3A_31 = arith.constant dense<0.000000e+00> : vector<64x128xf32>
      %dot_general3A_32 = tpu.matmul %get3A_27, %get3A_30, %dot_general3A_31 {dimension_numbers = #tpu.dot_dimension_numbers<[1], [0], [0], [1], [0, 0, 1, 1], [], []>, transpose_lhs_hint = false} : vector<64x64xf32>, vector<64x128xf32>, vector<64x128xf32> -> vector<64x128xf32>
      %get3A_33 = arith.constant 0 : index
      %get3A_34 = arith.constant 0 : index
      %get3A_35 = vector.load %arg5[%get3A_33, %get3A_34] : memref<1x128xf32, #tpu.memory_space<vmem>>, vector<1x128xf32>
      %add3A = vector.broadcast %get3A_35 : vector<1x128xf32> to vector<64x128xf32>
      %add3A_36 = arith.addf %dot_general3A_32, %add3A : vector<64x128xf32>
      %get3A_37 = arith.constant 0 : index
      %get3A_38 = arith.constant 0 : index
      %get3A_39 = vector.load %arg6[%get3A_37, %get3A_38] : memref<256x128xf32, #tpu.memory_space<vmem>>, vector<256x128xf32>
      %slice3A = vector.extract_strided_slice %get3A_39 {offsets = [0, 0], sizes = [128, 128], strides = [1, 1]} : vector<256x128xf32> to vector<128x128xf32>
      %dot_general3A_40 = arith.constant dense<0.000000e+00> : vector<64x128xf32>
      %dot_general3A_41 = tpu.matmul %get3A_24, %slice3A, %dot_general3A_40 {dimension_numbers = #tpu.dot_dimension_numbers<[1], [0], [0], [1], [0, 0, 1, 1], [], []>, transpose_lhs_hint = false} : vector<64x128xf32>, vector<128x128xf32>, vector<64x128xf32> -> vector<64x128xf32>
      %slice3A_42 = vector.extract_strided_slice %get3A_39 {offsets = [128, 0], sizes = [128, 128], strides = [1, 1]} : vector<256x128xf32> to vector<128x128xf32>
      %dot_general3A_43 = arith.constant dense<0.000000e+00> : vector<64x128xf32>
      %dot_general3A_44 = tpu.matmul %add3A_36, %slice3A_42, %dot_general3A_43 {dimension_numbers = #tpu.dot_dimension_numbers<[1], [0], [0], [1], [0, 0, 1, 1], [], []>, transpose_lhs_hint = false} : vector<64x128xf32>, vector<128x128xf32>, vector<64x128xf32> -> vector<64x128xf32>
      %add3A_45 = arith.addf %dot_general3A_41, %dot_general3A_44 : vector<64x128xf32>
      %get3A_46 = arith.constant 0 : index
      %get3A_47 = arith.constant 0 : index
      %get3A_48 = vector.load %arg7[%get3A_46, %get3A_47] : memref<1x128xf32, #tpu.memory_space<vmem>>, vector<1x128xf32>
      %add3A_49 = vector.broadcast %get3A_48 : vector<1x128xf32> to vector<64x128xf32>
      %add3A_50 = arith.addf %add3A_45, %add3A_49 : vector<64x128xf32>
      %ge3A = arith.constant 0.000000e+00 : f32
      %ge3A_51 = vector.broadcast %ge3A : f32 to vector<64x128xf32>
      %ge3A_52 = arith.cmpf oge, %add3A_50, %ge3A_51 : vector<64x128xf32>
      %mul3A = arith.constant 0.00999999977 : f32
      %mul3A_53 = vector.broadcast %mul3A : f32 to vector<64x128xf32>
      %mul3A_54 = arith.mulf %mul3A_53, %add3A_50 : vector<64x128xf32>
      %select_n3A = arith.select %ge3A_52, %add3A_50, %mul3A_54 : vector<64x128xi1>, vector<64x128xf32>
      %get3A_55 = arith.constant 0 : index
      %get3A_56 = arith.constant 0 : index
      %get3A_57 = vector.load %arg8[%get3A_55, %get3A_56] : memref<128x10xf32, #tpu.memory_space<vmem>>, vector<128x10xf32>
      %dot_general3A_58 = arith.constant dense<0.000000e+00> : vector<64x10xf32>
      %dot_general3A_59 = tpu.matmul %select_n3A, %get3A_57, %dot_general3A_58 {dimension_numbers = #tpu.dot_dimension_numbers<[1], [0], [0], [1], [0, 0, 1, 1], [], []>, transpose_lhs_hint = false} : vector<64x128xf32>, vector<128x10xf32>, vector<64x10xf32> -> vector<64x10xf32>
      %get3A_60 = arith.constant 0 : index
      %get3A_61 = arith.constant 0 : index
      %get3A_62 = vector.load %arg9[%get3A_60, %get3A_61] : memref<1x10xf32, #tpu.memory_space<vmem>>, vector<1x10xf32>
      %add3A_63 = vector.broadcast %get3A_62 : vector<1x10xf32> to vector<64x10xf32>
      %add3A_64 = arith.addf %dot_general3A_59, %add3A_63 : vector<64x10xf32>
      %swap3A = arith.constant 0 : index
      %swap3A_65 = arith.constant 0 : index
      %swap3A_66 = vector.load %arg10[%swap3A, %swap3A_65] : memref<64x10xf32, #tpu.memory_space<vmem>>, vector<64x10xf32>
      tpu.vector_store %arg10[%swap3A, %swap3A_65], %add3A_64 {strides = array<i32>} : memref<64x10xf32, #tpu.memory_space<vmem>>, vector<64x10xf32>,
    } else {
    }
    return
  }
  func.func @transform_0(%arg0: i32) -> (i32, i32) {
    %c0_i32 = arith.constant 0 : i32
    %c0_i32_0 = arith.constant 0 : i32
    return %arg0, %c0_i32 : i32, i32
  }
  func.func @transform_1(%arg0: i32) -> (i32, i32, i32) {
    %c0_i32 = arith.constant 0 : i32
    %c0_i32_0 = arith.constant 0 : i32
    %c0_i32_1 = arith.constant 0 : i32
    return %arg0, %c0_i32, %c0_i32_0 : i32, i32, i32
  }
  func.func @transform_2(%arg0: i32) -> (i32, i32) {
    %c0_i32 = arith.constant 0 : i32
    %c0_i32_0 = arith.constant 0 : i32
    %c0_i32_1 = arith.constant 0 : i32
    return %c0_i32, %c0_i32_0 : i32, i32
  }
  func.func @transform_3(%arg0: i32) -> (i32, i32) {
    %c0_i32 = arith.constant 0 : i32
    %c0_i32_0 = arith.constant 0 : i32
    %c0_i32_1 = arith.constant 0 : i32
    return %c0_i32, %c0_i32_0 : i32, i32
  }
  func.func @transform_4(%arg0: i32) -> (i32, i32) {
    %c0_i32 = arith.constant 0 : i32
    %c0_i32_0 = arith.constant 0 : i32
    %c0_i32_1 = arith.constant 0 : i32
    return %c0_i32, %c0_i32_0 : i32, i32
  }
  func.func @transform_5(%arg0: i32) -> (i32, i32) {
    %c0_i32 = arith.constant 0 : i32
    %c0_i32_0 = arith.constant 0 : i32
    %c0_i32_1 = arith.constant 0 : i32
    return %c0_i32, %c0_i32_0 : i32, i32
  }
  func.func @transform_6(%arg0: i32) -> (i32, i32) {
    %c0_i32 = arith.constant 0 : i32
    %c0_i32_0 = arith.constant 0 : i32
    %c0_i32_1 = arith.constant 0 : i32
    return %c0_i32, %c0_i32_0 : i32, i32
  }
  func.func @transform_7(%arg0: i32) -> (i32, i32) {
    %c0_i32 = arith.constant 0 : i32
    %c0_i32_0 = arith.constant 0 : i32
    %c0_i32_1 = arith.constant 0 : i32
    return %c0_i32, %c0_i32_0 : i32, i32
  }
  func.func @transform_8(%arg0: i32) -> (i32, i32) {
    %c0_i32 = arith.constant 0 : i32
    %c0_i32_0 = arith.constant 0 : i32
    %c0_i32_1 = arith.constant 0 : i32
    return %c0_i32, %c0_i32_0 : i32, i32
  }
  func.func @transform_9(%arg0: i32) -> (i32, i32) {
    %c0_i32 = arith.constant 0 : i32
    %c0_i32_0 = arith.constant 0 : i32
    %c0_i32_1 = arith.constant 0 : i32
    return %c0_i32, %c0_i32_0 : i32, i32
  }
}

</mosaic_0001>

<sc_bundles>
// kernel: kernel.10.cloned.1.call-start
scs
__scs_entry_jumppad:
0x0: {  	(pc) =	sbr.rel $0x88, $3  }
0x1: {  	(tag) =	ssettag $0x0;
	lr =	simm.s32 $0x1  }
0x2: {  	[smem:$0x3F92] =	sst lr;
	_ =	strace $0xD0000000  }
0x3: {  	_ = 	snop  }
0x4: {  	_ = 	snop  }
0x5: {  	_ = 	snop  }
0x6: {  	_ = 	snop  }
0x7: {  	_ = 	snop  }
__scs_overlays_trampoline_lowered:
0x8: {  	[smem:$0x3FA1] =	sst s0  }
0x9: {  	[smem:$0x3FA2] =	sst s1  }
0xa: {  	[smem:$0x3FA3] =	sst s2  }
0xb: {  	[smem:$0x3FA4] =	sst s3  }
0xc: {  	[smem:$0x3FA5] =	sst s4  }
0xd: {  	[smem:$0x3FA6] =	sst s5  }
0xe: {  	[smem:$0x3FA7] =	sst s6  }
0xf: {  	[smem:$0x3FA8] =	sst s7  }
0x10: {  	[smem:$0x3FA9] =	sst s8  }
0x11: {  	[smem:$0x3FAA] =	sst s9;
	s0 =	simm.s32 @!p0 $0x0  }
0x12: {  	s1 =	sld [smem:$0x3F90];
	s0 =	simm.s32 @p0 $0x1  }
0x13: {  	[smem:$0x3FAB] =	sst s0;
	s0 =	simm.s32 @!p1 $0x0  }
0x14: {  	s2 =	sld [smem:$0x3F8F];
	s0 =	simm.s32 @p1 $0x1  }
0x15: {  	[smem:$0x3FAC] =	sst s0;
	s0 =	simm.s32 @!p2 $0x0  }
0x16: {  	s3 =	sld [smem:$0x3FDB];
	s0 =	simm.s32 @p2 $0x1  }
0x17: {  	s4 =	simm.s32 $0x1BF5;
	[smem:$0x3FAE] =	sst s0  }
0x18: {  	s0 =	sld [smem:$0x3F91];
	_ =	swait.ge [sflag:s4], $0x0  }
0x19: {  	s7 =	sld [smem:$0x3F92]  }
0x1a: {  	s8 =	sadd.s32 $0xFFFFE003, lr  }
0x1b: {  	s9 =	sadd.s32 $0xFFFFFEF7, lr;
	s5 =	simm.s32 $0xFFFFFFFF;
	p2 =	slt.u32 s8, $0xFFFFF086  }
0x1c: {  	p1 =	slt.u32 s9, $0xF7A;
	s5 =	simm.s32 @!p2 $0x0  }
0x1d: {  	s5 =	simm.s32 @p1 $0x1;
	p0 =	seq.s32 s7, s2  }
0x1e: {  	s7 =	smul.u32 @!p0 $0xF7A, s2;
	p2 =	seq.s32 @!p0 s5, $0x0  }
0x1f: {  	s9 =	smul.u32 $0xF7A, s1;
	s8 =	simm.s32 @!p0 $0x1BF5;
	p2 =	por !p2, p0  }
0x20: {  	[sflag:s8] =	ssyncset.s32 @!p0 $0xFFFFF086;
	s6 =	sadd.s32 @!p0 s3, s7;
	s7 =	simm.s32 @!p0 $0x108  }
0x21: {  	s3 =	sadd.s32 s3, s9;
	s6 =	sadd.s32 @!p0 $0x88, s6;
	s7 =	simm.s32 @p2 $0x1082  }
0x22: {  	[simem:s7], [sflag:s8] =	dma.local @!p0 [hbm:s6], $0xF7A  }
0x23: {  	s9 =	sor.u32 $0xD0000000, s2;
	s6 =	simm.s32 $0x108;
	_ =	swait.ge @!p0 [sflag:s8], $0x0  }
0x24: {  	s3 =	sadd.s32 $0x88, s3;
	s6 =	simm.s32 @!p1 $0x1082;
	[sflag:s4] =	ssyncset.s32 $0xFFFFF086  }
0x25: {  	[simem:s6], [sflag:s4] =	dma.local [hbm:s3], $0xF7A  }
0x26: {  	[smem:$0x3F92] =	sst s1;
	(tag) =	ssettag s2;
	_ =	strace s9  }
0x27: {  	s1 =	sld [smem:$0x3FA2]  }
0x28: {  	s2 =	sld [smem:$0x3FA3]  }
0x29: {  	s4 =	sld [smem:$0x3FA5]  }
0x2a: {  	p0 =	seq.s32 s5, $0x0;
	s5 =	sld [smem:$0x3FA6]  }
0x2b: {  	s6 =	sld [smem:$0x3FA7]  }
0x2c: {  	s7 =	sld [smem:$0x3FA8]  }
0x2d: {  	s3 =	simm.s32 $0x108;
	s8 =	sld [smem:$0x3FA9]  }
0x2e: {  	s3 =	simm.s32 @!p0 $0x1082;
	s9 =	sld [smem:$0x3FAA]  }
0x2f: {  	lr =	sadd.s32 s0, s3;
	s0 =	sld [smem:$0x3FA1]  }
0x30: {  	s3 =	sld [smem:$0x3FA4]  }
0x31: {  	[smem:$0x3FAD] =	sst s10  }
0x32: {  	s10 =	sld [smem:$0x3FAB];
	_ =	sdelay $0x3  }
0x33: {  	p0 =	seq.s32 s10, $0x1;
	s10 =	sld [smem:$0x3FAD];
	_ =	sdelay $0x3  }
0x34: {  	[smem:$0x3FAD] =	sst s10  }
0x35: {  	s10 =	sld [smem:$0x3FAC];
	_ =	sdelay $0x3  }
0x36: {  	p1 =	seq.s32 s10, $0x1;
	s10 =	sld [smem:$0x3FAD];
	_ =	sdelay $0x3  }
0x37: {  	[smem:$0x3FAD] =	sst s10  }
0x38: {  	s10 =	sld [smem:$0x3FAE]  }
0x39: {  	_ = 	snop;
	(pc) =	sbr.ind lr, $3  }
0x3a: {  	_ = 	snop  }
0x3b: {  	_ = 	snop  }
0x3c: {  	p2 =	seq.s32 s10, $0x1;
	s10 =	sld [smem:$0x3FAD]  }
0x3d: {  	_ =	shalt  }
0x3e: {  	_ =	shalt  }
0x3f: {  	_ =	shalt  }
0x40: {  	_ =	shalt  }
0x41: {  	_ =	shalt  }
0x42: {  	_ =	shalt  }
0x43: {  	_ =	shalt  }
0x44: {  	_ =	shalt  }
0x45: {  	_ =	shalt  }
0x46: {  	_ =	shalt  }
0x47: {  	_ =	shalt  }
0x48: {  	_ =	shalt  }
0x49: {  	_ =	shalt  }
0x4a: {  	_ =	shalt  }
0x4b: {  	_ =	shalt  }
0x4c: {  	_ =	shalt  }
0x4d: {  	_ =	shalt  }
0x4e: {  	_ =	shalt  }
0x4f: {  	_ =	shalt  }
0x50: {  	_ =	shalt  }
0x51: {  	_ =	shalt  }
0x52: {  	_ =	shalt  }
0x53: {  	_ =	shalt  }
0x54: {  	_ =	shalt  }
0x55: {  	_ =	shalt  }
0x56: {  	_ =	shalt  }
0x57: {  	_ =	shalt  }
0x58: {  	_ =	shalt  }
0x59: {  	_ =	shalt  }
0x5a: {  	_ =	shalt  }
0x5b: {  	_ =	shalt  }
0x5c: {  	_ =	shalt  }
0x5d: {  	_ =	shalt  }
0x5e: {  	_ =	shalt  }
0x5f: {  	_ =	shalt  }
0x60: {  	_ =	shalt  }
0x61: {  	_ =	shalt  }
0x62: {  	_ =	shalt  }
0x63: {  	_ =	shalt  }
0x64: {  	_ =	shalt  }
0x65: {  	_ =	shalt  }
0x66: {  	_ =	shalt  }
0x67: {  	_ =	shalt  }
0x68: {  	_ =	shalt  }
0x69: {  	_ =	shalt  }
0x6a: {  	_ =	shalt  }
0x6b: {  	_ =	shalt  }
0x6c: {  	_ =	shalt  }
0x6d: {  	_ =	shalt  }
0x6e: {  	_ =	shalt  }
0x6f: {  	_ =	shalt  }
0x70: {  	_ =	shalt  }
0x71: {  	_ =	shalt  }
0x72: {  	_ =	shalt  }
0x73: {  	_ =	shalt  }
0x74: {  	_ =	shalt  }
0x75: {  	_ =	shalt  }
0x76: {  	_ =	shalt  }
0x77: {  	_ =	shalt  }
0x78: {  	_ =	shalt  }
0x79: {  	_ =	shalt  }
0x7a: {  	_ =	shalt  }
0x7b: {  	_ =	shalt  }
0x7c: {  	_ =	shalt  }
0x7d: {  	_ =	shalt  }
0x7e: {  	_ =	shalt  }
0x7f: {  	_ =	shalt  }
0x80: {  	_ =	shalt  }
0x81: {  	_ =	shalt  }
0x82: {  	_ =	shalt  }
0x83: {  	_ =	shalt  }
0x84: {  	_ =	shalt  }
0x85: {  	_ =	shalt  }
0x86: {  	_ =	shalt  }
0x87: {  	_ =	shalt  }
.Lfunc_end0:
.L_simem_size_0:
called_computation_lowered:
.L_overlay_start_0:
0x88: {  	s2 =	sld [smem:$0x3FD9]  }
0x89: {  	s3 =	sld [smem:$0x3FFE];
	_ =	sdelay $0x1  }
0x8a: {  	s1 =	srdreg.scid  }
0x8b: {  	s0 =	sand.u32 $0x1, s1  }
0x8c: {  	s17 =	sshll.u32 s0, $0xA;
	s2 =	sadd.s32 s3, s2  }
0x8d: {  	s2 =	sadd.s32 s2, s17  }
0x8e: {  	[smem:$0x3FB9] =	sst s2  }
0x8f: {  	_ = 	snop  }
0x90: {  	s2 =	sld [smem:$0x3FC9];
	(tm) =	ssettm $0x1  }
0x91: {  	s18 =	sld [smem:$0x3FFB];
	_ =	sdelay $0x3  }
0x92: {  	_ =	strace s18  }
0x93: {  	s3 =	sld [smem:$0x3FFC];
	_ =	sdelay $0x3  }
0x94: {  	_ =	strace s3  }
0x95: {  	s3 =	sld [smem:$0x3FFD];
	_ =	sdelay $0x3  }
0x96: {  	_ =	strace s3  }
0x97: {  	_ =	strace $0x8FFFFFFF  }
0x98: {  	s19 =	sld [smem:$0x3FDB];
	_ =	sdelay $0x1  }
0x99: {  	s4 =	simm.s32 $_scs_section_size  }
0x9a: {  	s5 =	simm.s32 $_size__tile_overlayer_lowered;
	s6 =	simm.s32 $_tile_overlayer_lowered  }
0x9b: {  	s22 =	simm.s32 $0x1BFF;
	s21 =	sshll.u32 s6, $0x1;
	s3 =	sadd.s32 s4, s19  }
0x9c: {  	s7 =	simm.s32 $0x0;
	s20 =	sshll.u32 s5, $0x1;
	s5 =	sadd.s32 s21, s3  }
0x9d: {  	[timem:s7], [sflag:s22] =	dma.local [hbm:s5], s20  }
0x9e: {  	_ =	swait.ge [sflag:s22], s20  }
0x9f: {  	s4 =	ssub.s32 $0x0, s20;
	[sflag:s22] =	ssyncset.done $0x0  }
0xa0: {  	[sflag:s22] =	ssyncadd.s32 s4;
	_ =	sdelay $0x1  }
0xa1: {  	s23 =	simm.s32 $0x1B8B  }
0xa2: {  	_ =	swait.ge [sflag:s23], $0x1  }
0xa3: {  	[sflag:s23] =	ssyncset.done $0x0  }
0xa4: {  	s25 =	simm.s32 $0x1B8E;
	s24 =	sld [smem:$0x3FFE];
	[sflag:s23] =	ssyncadd.s32 $0xFFFFFFFF  }
0xa5: {  	s26 =	simm.s32 $execute0_lowered;
	[smem:$0x3FD2] =	sst s25  }
0xa6: {  	s5 =	sshll.u32 s26, $0x1;
	_ =	strace $0x80000046;
	[dreg:$0x1] =	wrdreg $0xFFFFFFFF  }
0xa7: {  	s28 =	simm.s32 $_size_execute0_lowered;
	s3 =	sadd.s32 s3, s5;
	[dreg:$0x0] =	wrdreg $0x0  }
0xa8: {  	s5 =	sshll.u32 s28, $0x1;
	[dreg:$0x2] =	wrdreg s3  }
0xa9: {  	[dreg:$0x3] =	wrdreg s5  }
0xaa: {  	[dreg:$0x4] =	wrdreg $0xC0  }
0xab: {  	_ =	task [dreg:s7], $0x5FFFF  }
0xac: {  	[dreg:$0x1] =	wrdreg $0xFFFFFFFF  }
0xad: {  	[dreg:$0x0] =	wrdreg $0x60  }
0xae: {  	[dreg:$0x2] =	wrdreg s2  }
0xaf: {  	[dreg:$0x3] =	wrdreg s24  }
0xb0: {  	[dreg:$0x4] =	wrdreg $0x9  }
0xb1: {  	_ =	task.clear_ibuf [dreg:s7], $0x5FFFF;
	_ =	strace $0x90000046  }
0xb2: {  	s29 =	simm.s32 $0x9;
	_ =	strace $0x80000048  }
0xb3: {  	_ =	swait.ge [sflag:s29], $0x1  }
0xb4: {  	[sflag:s29] =	ssyncadd.s32 $0xFFFFFFFF  }
0xb5: {  	_ =	strace $0x90000048  }
0xb6: {  	_ =	sfence  }
0xb7: {  	s30 =	sld [smem:$0x0];
	_ =	sdelay $0x2  }
0xb8: {  	s31 =	sshll.u32 s1, $0xD;
	s1 =	sshrl.u32 s1, $0x2  }
0xb9: {  	s3 =	sand.u32 $0x4000, s31;
	s1 =	sadd.s32 s1, s30  }
0xba: {  	s0 =	sor.u32 s3, s0;
	s1 =	sshll.u32 s1, $0x11  }
0xbb: {  	s0 =	sor.u32 s1, s0  }
0xbc: {  	s0 =	sadd.s32 $0x8F2B, s0  }
0xbd: {  	[sflag:s0] =	ssyncadd.remote.s32 $0x1  }
0xbe: {  	_ =	sfence.sel $0xFFFF  }
0xbf: {  	[dreg:$0x0] =	wrdreg $0xFFFFFFFF;
	(pc) =	sbr.abs _section_cstart, $3  }
0xc0: {  	[dreg:$0x1] =	wrdreg $0xFFFFFFFF  }
0xc1: {  	_ =	task.clear_ibuf [dreg:s7], $0x2FFFF;
	_ =	strace $0x9FFFFFFF  }
0xc2: {  	(tm) =	ssettm $0x7FFFFFFF  }
0xc3: {  	_ =	shalt  }
tec
execute0_lowered:
.L_overlay_start_1:
0x0: {  	(tag) =	ssettag $0x1  }
0x1: {  	s0 =	srdreg.scid  }
0x2: {  	s17 =	sand.u32 $0x1, s0  }
0x3: {  	s0 =	stileid.u32;
	s1 =	sshll.u32 s17, $0x4  }
0x4: {  	s14 =	rddreg [dreg:$0x0];
	s15 =	sor.u32 s0, s1  }
0x5: {  	s9 =	rddreg [dreg:$0x1];
	s2 =	simm.s32 $0x0;
	s3 =	smul.u32 $0xA, s15  }
0x6: {  	s4 =	simm.s32 $0x2;
	[smem:$0x7FF] =	sst s2  }
0x7: {  	s1 =	rddreg [dreg:$0x2];
	_ =	strace $0x80000047;
	s3 =	sadd.s32 s14, s3  }
0x8: {  	[tilespmem:s2], [sflag:$0x2] =	stream.linear.gather [hbm4b:s3+s2], $0x50, $0x38;
	[tilespmem:$0x2880] =	vst v63  }
0x9: {  	_ =	swait.ge [sflag:s4], $0x50  }
0xa: {  	s6 =	simm.s32 $0x50;
	s7 =	simm.s32 $0x80;
	[sflag:s4] =	ssyncset.done $0x0  }
0xb: {  	s8 =	simm.s32 $0x1;
	s5 =	sadd.s32 $0x4000, s9;
	[sflag:s4] =	ssyncadd.s32 $0xFFFFFFB0  }
0xc: {  	[tilespmem:s7], [sflag:$0x1] =	stream.indirect.gather [hbm4b:s5+s6], $0x80, s2, s6, $0xb8;
	[tilespmem:$0x2880] =	vst v63  }
0xd: {  	s10 =	smul.u32 $0x500, s15;
	_ =	swait.ge [sflag:s8], $0x2800  }
0xe: {  	s20 =	sadd.s32 $0x4800, s9;
	[sflag:s8] =	ssyncset.done $0x0  }
0xf: {  	s11 =	sor.u32 $0x20, s15;
	s9 =	sadd.s32 s20, s10;
	[sflag:s8] =	ssyncadd.s32 $0xFFFFD800  }
0x10: {  	[hbm4b:s9+s2] =	stream.linear.scatter [tilespmem:s7], [sflag:$0x2], $0x2800, $0x38;
	[tilespmem:$0x2880] =	vst v63  }
0x11: {  	s31 =	smul.u32 $0xA, s11;
	_ =	swait.ge [sflag:s4], $0x2800  }
0x12: {  	[sflag:s4] =	ssyncset.done $0x0  }
0x13: {  	s10 =	sadd.s32 s14, s31;
	[sflag:s4] =	ssyncadd.s32 $0xFFFFD800  }
0x14: {  	[tilespmem:s2], [sflag:$0x2] =	stream.linear.gather [hbm4b:s10+s2], $0x50, $0x38;
	[tilespmem:$0x2880] =	vst v63  }
0x15: {  	_ =	swait.ge [sflag:s4], $0x50  }
0x16: {  	[sflag:s4] =	ssyncset.done $0x0  }
0x17: {  	[sflag:s4] =	ssyncadd.s32 $0xFFFFFFB0  }
0x18: {  	[tilespmem:s7], [sflag:$0x1] =	stream.indirect.gather [hbm4b:s5+s6], $0x80, s2, s6, $0xb8;
	[tilespmem:$0x2880] =	vst v63  }
0x19: {  	s11 =	smul.u32 $0x500, s11;
	_ =	swait.ge [sflag:s8], $0x2800  }
0x1a: {  	[sflag:s8] =	ssyncset.done $0x0  }
0x1b: {  	s13 =	sor.u32 $0x40, s15;
	s11 =	sadd.s32 s20, s11;
	[sflag:s8] =	ssyncadd.s32 $0xFFFFD800  }
0x1c: {  	[hbm4b:s11+s2] =	stream.linear.scatter [tilespmem:s7], [sflag:$0x2], $0x2800, $0x38;
	[tilespmem:$0x2880] =	vst v63  }
0x1d: {  	s12 =	smul.u32 $0xA, s13;
	_ =	swait.ge [sflag:s4], $0x2800  }
0x1e: {  	[sflag:s4] =	ssyncset.done $0x0  }
0x1f: {  	s12 =	sadd.s32 s14, s12;
	[sflag:s4] =	ssyncadd.s32 $0xFFFFD800  }
0x20: {  	[tilespmem:s2], [sflag:$0x2] =	stream.linear.gather [hbm4b:s12+s2], $0x50, $0x38;
	[tilespmem:$0x2880] =	vst v63  }
0x21: {  	_ =	swait.ge [sflag:s4], $0x50  }
0x22: {  	[sflag:s4] =	ssyncset.done $0x0  }
0x23: {  	[sflag:s4] =	ssyncadd.s32 $0xFFFFFFB0  }
0x24: {  	[tilespmem:s7], [sflag:$0x1] =	stream.indirect.gather [hbm4b:s5+s6], $0x80, s2, s6, $0xb8;
	[tilespmem:$0x2880] =	vst v63  }
0x25: {  	s22 =	ssub.s32 $0x2, s17;
	s13 =	smul.u32 $0x500, s13;
	_ =	swait.ge [sflag:s8], $0x2800  }
0x26: {  	s23 =	sshrl.u32 s22, $0x1;
	s21 =	sor.u32 $0x60, s15;
	[sflag:s8] =	ssyncset.done $0x0  }
0x27: {  	p0 =	sgt.u32 s15, $0x1C;
	s13 =	sadd.s32 s20, s13;
	[sflag:s8] =	ssyncadd.s32 $0xFFFFD800  }
0x28: {  	[hbm4b:s13+s2] =	stream.linear.scatter [tilespmem:s7], [sflag:$0x2], $0x2800, $0x38;
	[tilespmem:$0x2880] =	vst v63  }
0x29: {  	s22 =	ssub.s32 s22, s23;
	s16 =	smul.u32 $0xA, s21;
	_ =	swait.ge [sflag:s4], $0x2800  }
0x2a: {  	s15 =	simm.s32 @!p0 $0x2;
	s17 =	simm.s32 @!p0 $0x1;
	[sflag:s4] =	ssyncset.done $0x0  }
0x2b: {  	s14 =	sadd.s32 s14, s16;
	s16 =	simm.s32 @!p0 $0x0;
	[sflag:s4] =	ssyncadd.s32 $0xFFFFD800  }
0x2c: {  	[tilespmem:s16], [sflag:$0x2] =	stream.linear.gather @!p0 [hbm4b:s14+s16], $0x50, $0x38;
	[tilespmem:$0x2880] =	vst v63  }
0x2d: {  	s18 =	simm.s32 @!p0 $0x50;
	s21 =	smul.u32 $0x500, s21;
	_ =	swait.ge @!p0 [sflag:s15], $0x50  }
0x2e: {  	s19 =	simm.s32 @!p0 $0x80;
	s22 =	smax.u32 s22, $0x1;
	[sflag:s15] =	ssyncset.done @!p0 $0x0  }
0x2f: {  	s20 =	sadd.s32 s20, s21;
	s21 =	sadd.s32 $0xFFFFFFFF, s22;
	[sflag:s15] =	ssyncadd.s32 @!p0 $0xFFFFFFB0  }
0x30: {  	[tilespmem:s19], [sflag:$0x1] =	stream.indirect.gather @!p0 [hbm4b:s5+s18], $0x80, s16, s18, $0xb8;
	[tilespmem:$0x2880] =	vst v63  }
0x31: {  	p1 =	sne.s32 s21, $0x0;
	_ =	swait.ge @!p0 [sflag:s17], $0x2800  }
.Ltmp0:
0x32: {  	[sflag:s17] =	ssyncset.done @!p0 $0x0;
	(pc) =	sbr.rel @!p1 .LBB2_2-.Ltmp0, $4  }
0x33: {  	[sflag:s17] =	ssyncadd.s32 @!p0 $0xFFFFD800  }
0x34: {  	[hbm4b:s20+s16] =	stream.linear.scatter @!p0 [tilespmem:s19], [sflag:$0x2], $0x2800, $0x38;
	[tilespmem:$0x2880] =	vst v63  }
0x35: {  	_ =	swait.ge @!p0 [sflag:s15], $0x2800  }
0x36: {  	[sflag:s15] =	ssyncset.done @!p0 $0x0  }
.LBB2_1:
0x37: {  	s21 =	sadd.s32 $0xFFFFFFFF, s21;
	[sflag:s15] =	ssyncadd.s32 @!p0 $0xFFFFD800  }
0x38: {  	[tilespmem:s2], [sflag:$0x2] =	stream.linear.gather [hbm4b:s3+s2], $0x50, $0x38;
	[tilespmem:$0x2880] =	vst v63  }
0x39: {  	p1 =	sne.s32 s21, $0x0;
	_ =	swait.ge [sflag:s4], $0x50  }
0x3a: {  	[sflag:s4] =	ssyncset.done $0x0  }
0x3b: {  	[sflag:s4] =	ssyncadd.s32 $0xFFFFFFB0  }
0x3c: {  	[tilespmem:s7], [sflag:$0x1] =	stream.indirect.gather [hbm4b:s5+s6], $0x80, s2, s6, $0xb8;
	[tilespmem:$0x2880] =	vst v63  }
0x3d: {  	_ =	swait.ge [sflag:s8], $0x2800  }
0x3e: {  	[sflag:s8] =	ssyncset.done $0x0  }
0x3f: {  	[sflag:s8] =	ssyncadd.s32 $0xFFFFD800  }
0x40: {  	[hbm4b:s9+s2] =	stream.linear.scatter [tilespmem:s7], [sflag:$0x2], $0x2800, $0x38;
	[tilespmem:$0x2880] =	vst v63  }
0x41: {  	_ =	swait.ge [sflag:s4], $0x2800  }
0x42: {  	[sflag:s4] =	ssyncset.done $0x0  }
0x43: {  	[sflag:s4] =	ssyncadd.s32 $0xFFFFD800  }
0x44: {  	[tilespmem:s2], [sflag:$0x2] =	stream.linear.gather [hbm4b:s10+s2], $0x50, $0x38;
	[tilespmem:$0x2880] =	vst v63  }
0x45: {  	_ =	swait.ge [sflag:s4], $0x50  }
0x46: {  	[sflag:s4] =	ssyncset.done $0x0  }
0x47: {  	[sflag:s4] =	ssyncadd.s32 $0xFFFFFFB0  }
0x48: {  	[tilespmem:s7], [sflag:$0x1] =	stream.indirect.gather [hbm4b:s5+s6], $0x80, s2, s6, $0xb8;
	[tilespmem:$0x2880] =	vst v63  }
0x49: {  	_ =	swait.ge [sflag:s8], $0x2800  }
0x4a: {  	[sflag:s8] =	ssyncset.done $0x0  }
0x4b: {  	[sflag:s8] =	ssyncadd.s32 $0xFFFFD800  }
0x4c: {  	[hbm4b:s11+s2] =	stream.linear.scatter [tilespmem:s7], [sflag:$0x2], $0x2800, $0x38;
	[tilespmem:$0x2880] =	vst v63  }
0x4d: {  	_ =	swait.ge [sflag:s4], $0x2800  }
0x4e: {  	[sflag:s4] =	ssyncset.done $0x0  }
0x4f: {  	[sflag:s4] =	ssyncadd.s32 $0xFFFFD800  }
0x50: {  	[tilespmem:s2], [sflag:$0x2] =	stream.linear.gather [hbm4b:s12+s2], $0x50, $0x38;
	[tilespmem:$0x2880] =	vst v63  }
0x51: {  	_ =	swait.ge [sflag:s4], $0x50  }
0x52: {  	[sflag:s4] =	ssyncset.done $0x0  }
0x53: {  	[sflag:s4] =	ssyncadd.s32 $0xFFFFFFB0  }
0x54: {  	[tilespmem:s7], [sflag:$0x1] =	stream.indirect.gather [hbm4b:s5+s6], $0x80, s2, s6, $0xb8;
	[tilespmem:$0x2880] =	vst v63  }
0x55: {  	_ =	swait.ge [sflag:s8], $0x2800  }
0x56: {  	[sflag:s8] =	ssyncset.done $0x0  }
0x57: {  	[sflag:s8] =	ssyncadd.s32 $0xFFFFD800  }
0x58: {  	[hbm4b:s13+s2] =	stream.linear.scatter [tilespmem:s7], [sflag:$0x2], $0x2800, $0x38;
	[tilespmem:$0x2880] =	vst v63  }
0x59: {  	_ =	swait.ge [sflag:s4], $0x2800  }
0x5a: {  	[sflag:s4] =	ssyncset.done $0x0  }
0x5b: {  	[sflag:s4] =	ssyncadd.s32 $0xFFFFD800  }
0x5c: {  	[tilespmem:s16], [sflag:$0x2] =	stream.linear.gather @!p0 [hbm4b:s14+s16], $0x50, $0x38;
	[tilespmem:$0x2880] =	vst v63  }
0x5d: {  	_ =	swait.ge @!p0 [sflag:s15], $0x50  }
0x5e: {  	[sflag:s15] =	ssyncset.done @!p0 $0x0  }
0x5f: {  	[sflag:s15] =	ssyncadd.s32 @!p0 $0xFFFFFFB0  }
0x60: {  	[tilespmem:s19], [sflag:$0x1] =	stream.indirect.gather @!p0 [hbm4b:s5+s18], $0x80, s16, s18, $0xb8;
	[tilespmem:$0x2880] =	vst v63  }
0x61: {  	_ =	swait.ge @!p0 [sflag:s17], $0x2800  }
.Ltmp1:
0x62: {  	[sflag:s17] =	ssyncset.done @!p0 $0x0;
	(pc) =	sbr.rel @p1 .LBB2_1-.Ltmp1, $4  }
0x63: {  	[sflag:s17] =	ssyncadd.s32 @!p0 $0xFFFFD800  }
0x64: {  	[hbm4b:s20+s16] =	stream.linear.scatter @!p0 [tilespmem:s19], [sflag:$0x2], $0x2800, $0x38;
	[tilespmem:$0x2880] =	vst v63  }
0x65: {  	_ =	swait.ge @!p0 [sflag:s15], $0x2800  }
0x66: {  	[sflag:s15] =	ssyncset.done @!p0 $0x0  }
.LBB2_2:
0x67: {  	[sflag:s15] =	ssyncadd.s32 @!p0 $0xFFFFD800  }
0x68: {  	_ =	sfence.sel $0x180000  }
0x69: {  	[bflag:$0x0] =	sbarrier.arrive $0xFFFF  }
0x6a: {  	p0 =	sne.s32 s0, $0x0;
	_ =	strace $0x90000047  }
0x6b: {  	s0 =	sadd.s32 @!p0 $0x100000, s1;
	[bflag:$0x2] =	sbarrier.arrive $0xFFFF  }
0x6c: {  	[sflag:s0] =	ssyncadd.tile.s32 @!p0 $0x1;
	_ =	shalt  }
.Lfunc_end2:
_tile_overlayer_lowered:
.L_overlay_start_2:
0x6d: {  	(tag) =	ssettag $0x2  }
0x6e: {  	s0 =	rddreg [dreg:$0x0];
	s2 =	stileid.u32  }
0x6f: {  	s1 =	rddreg [dreg:$0x1];
	p0 =	sne.s32 s2, $0x0  }
0x70: {  	s3 =	rddreg [dreg:$0x2];
	[bflag:$0x3] =	sbarrier.arrive $0xFFFF;
	s2 =	simm.s32 @!p0 $0x1C02  }
0x71: {  	[timem:s3], [sflag:s2] =	dma.local @!p0 [hbm:s0], s1  }
0x72: {  	s0 =	simm.s32 @!p0 $0x2  }
0x73: {  	_ =	swait.ge @!p0 [sflag:s0], s1  }
0x74: {  	s1 =	ssub.s32 @!p0 $0x0, s1;
	[sflag:s0] =	ssyncset.done @!p0 $0x0  }
0x75: {  	[sflag:s0] =	ssyncadd.s32 @!p0 s1  }
0x76: {  	[bflag:$0x3] =	sbarrier.arrive $0xFFFF  }
0x77: {  	_ =	shalt  }

// kernel: kernel.13.cloned.1.call-start
scs
__scs_entry_jumppad:
0x0: {  	(pc) =	sbr.rel $0x88, $3  }
0x1: {  	(tag) =	ssettag $0x0;
	lr =	simm.s32 $0x1  }
0x2: {  	[smem:$0x3F92] =	sst lr;
	_ =	strace $0xD0000000  }
0x3: {  	_ = 	snop  }
0x4: {  	_ = 	snop  }
0x5: {  	_ = 	snop  }
0x6: {  	_ = 	snop  }
0x7: {  	_ = 	snop  }
__scs_overlays_trampoline_lowered:
0x8: {  	[smem:$0x3FA1] =	sst s0  }
0x9: {  	[smem:$0x3FA2] =	sst s1  }
0xa: {  	[smem:$0x3FA3] =	sst s2  }
0xb: {  	[smem:$0x3FA4] =	sst s3  }
0xc: {  	[smem:$0x3FA5] =	sst s4  }
0xd: {  	[smem:$0x3FA6] =	sst s5  }
0xe: {  	[smem:$0x3FA7] =	sst s6  }
0xf: {  	[smem:$0x3FA8] =	sst s7  }
0x10: {  	[smem:$0x3FA9] =	sst s8  }
0x11: {  	[smem:$0x3FAA] =	sst s9;
	s0 =	simm.s32 @!p0 $0x0  }
0x12: {  	s1 =	sld [smem:$0x3F90];
	s0 =	simm.s32 @p0 $0x1  }
0x13: {  	[smem:$0x3FAB] =	sst s0;
	s0 =	simm.s32 @!p1 $0x0  }
0x14: {  	s2 =	sld [smem:$0x3F8F];
	s0 =	simm.s32 @p1 $0x1  }
0x15: {  	[smem:$0x3FAC] =	sst s0;
	s0 =	simm.s32 @!p2 $0x0  }
0x16: {  	s3 =	sld [smem:$0x3FDB];
	s0 =	simm.s32 @p2 $0x1  }
0x17: {  	s4 =	simm.s32 $0x1BF5;
	[smem:$0x3FAE] =	sst s0  }
0x18: {  	s0 =	sld [smem:$0x3F91];
	_ =	swait.ge [sflag:s4], $0x0  }
0x19: {  	s7 =	sld [smem:$0x3F92]  }
0x1a: {  	s8 =	sadd.s32 $0xFFFFE003, lr  }
0x1b: {  	s9 =	sadd.s32 $0xFFFFFEF7, lr;
	s5 =	simm.s32 $0xFFFFFFFF;
	p2 =	slt.u32 s8, $0xFFFFF086  }
0x1c: {  	p1 =	slt.u32 s9, $0xF7A;
	s5 =	simm.s32 @!p2 $0x0  }
0x1d: {  	s5 =	simm.s32 @p1 $0x1;
	p0 =	seq.s32 s7, s2  }
0x1e: {  	s7 =	smul.u32 @!p0 $0xF7A, s2;
	p2 =	seq.s32 @!p0 s5, $0x0  }
0x1f: {  	s9 =	smul.u32 $0xF7A, s1;
	s8 =	simm.s32 @!p0 $0x1BF5;
	p2 =	por !p2, p0  }
0x20: {  	[sflag:s8] =	ssyncset.s32 @!p0 $0xFFFFF086;
	s6 =	sadd.s32 @!p0 s3, s7;
	s7 =	simm.s32 @!p0 $0x108  }
0x21: {  	s3 =	sadd.s32 s3, s9;
	s6 =	sadd.s32 @!p0 $0x88, s6;
	s7 =	simm.s32 @p2 $0x1082  }
0x22: {  	[simem:s7], [sflag:s8] =	dma.local @!p0 [hbm:s6], $0xF7A  }
0x23: {  	s9 =	sor.u32 $0xD0000000, s2;
	s6 =	simm.s32 $0x108;
	_ =	swait.ge @!p0 [sflag:s8], $0x0  }
0x24: {  	s3 =	sadd.s32 $0x88, s3;
	s6 =	simm.s32 @!p1 $0x1082;
	[sflag:s4] =	ssyncset.s32 $0xFFFFF086  }
0x25: {  	[simem:s6], [sflag:s4] =	dma.local [hbm:s3], $0xF7A  }
0x26: {  	[smem:$0x3F92] =	sst s1;
	(tag) =	ssettag s2;
	_ =	strace s9  }
0x27: {  	s1 =	sld [smem:$0x3FA2]  }
0x28: {  	s2 =	sld [smem:$0x3FA3]  }
0x29: {  	s4 =	sld [smem:$0x3FA5]  }
0x2a: {  	p0 =	seq.s32 s5, $0x0;
	s5 =	sld [smem:$0x3FA6]  }
0x2b: {  	s6 =	sld [smem:$0x3FA7]  }
0x2c: {  	s7 =	sld [smem:$0x3FA8]  }
0x2d: {  	s3 =	simm.s32 $0x108;
	s8 =	sld [smem:$0x3FA9]  }
0x2e: {  	s3 =	simm.s32 @!p0 $0x1082;
	s9 =	sld [smem:$0x3FAA]  }
0x2f: {  	lr =	sadd.s32 s0, s3;
	s0 =	sld [smem:$0x3FA1]  }
0x30: {  	s3 =	sld [smem:$0x3FA4]  }
0x31: {  	[smem:$0x3FAD] =	sst s10  }
0x32: {  	s10 =	sld [smem:$0x3FAB];
	_ =	sdelay $0x3  }
0x33: {  	p0 =	seq.s32 s10, $0x1;
	s10 =	sld [smem:$0x3FAD];
	_ =	sdelay $0x3  }
0x34: {  	[smem:$0x3FAD] =	sst s10  }
0x35: {  	s10 =	sld [smem:$0x3FAC];
	_ =	sdelay $0x3  }
0x36: {  	p1 =	seq.s32 s10, $0x1;
	s10 =	sld [smem:$0x3FAD];
	_ =	sdelay $0x3  }
0x37: {  	[smem:$0x3FAD] =	sst s10  }
0x38: {  	s10 =	sld [smem:$0x3FAE]  }
0x39: {  	_ = 	snop;
	(pc) =	sbr.ind lr, $3  }
0x3a: {  	_ = 	snop  }
0x3b: {  	_ = 	snop  }
0x3c: {  	p2 =	seq.s32 s10, $0x1;
	s10 =	sld [smem:$0x3FAD]  }
0x3d: {  	_ =	shalt  }
0x3e: {  	_ =	shalt  }
0x3f: {  	_ =	shalt  }
0x40: {  	_ =	shalt  }
0x41: {  	_ =	shalt  }
0x42: {  	_ =	shalt  }
0x43: {  	_ =	shalt  }
0x44: {  	_ =	shalt  }
0x45: {  	_ =	shalt  }
0x46: {  	_ =	shalt  }
0x47: {  	_ =	shalt  }
0x48: {  	_ =	shalt  }
0x49: {  	_ =	shalt  }
0x4a: {  	_ =	shalt  }
0x4b: {  	_ =	shalt  }
0x4c: {  	_ =	shalt  }
0x4d: {  	_ =	shalt  }
0x4e: {  	_ =	shalt  }
0x4f: {  	_ =	shalt  }
0x50: {  	_ =	shalt  }
0x51: {  	_ =	shalt  }
0x52: {  	_ =	shalt  }
0x53: {  	_ =	shalt  }
0x54: {  	_ =	shalt  }
0x55: {  	_ =	shalt  }
0x56: {  	_ =	shalt  }
0x57: {  	_ =	shalt  }
0x58: {  	_ =	shalt  }
0x59: {  	_ =	shalt  }
0x5a: {  	_ =	shalt  }
0x5b: {  	_ =	shalt  }
0x5c: {  	_ =	shalt  }
0x5d: {  	_ =	shalt  }
0x5e: {  	_ =	shalt  }
0x5f: {  	_ =	shalt  }
0x60: {  	_ =	shalt  }
0x61: {  	_ =	shalt  }
0x62: {  	_ =	shalt  }
0x63: {  	_ =	shalt  }
0x64: {  	_ =	shalt  }
0x65: {  	_ =	shalt  }
0x66: {  	_ =	shalt  }
0x67: {  	_ =	shalt  }
0x68: {  	_ =	shalt  }
0x69: {  	_ =	shalt  }
0x6a: {  	_ =	shalt  }
0x6b: {  	_ =	shalt  }
0x6c: {  	_ =	shalt  }
0x6d: {  	_ =	shalt  }
0x6e: {  	_ =	shalt  }
0x6f: {  	_ =	shalt  }
0x70: {  	_ =	shalt  }
0x71: {  	_ =	shalt  }
0x72: {  	_ =	shalt  }
0x73: {  	_ =	shalt  }
0x74: {  	_ =	shalt  }
0x75: {  	_ =	shalt  }
0x76: {  	_ =	shalt  }
0x77: {  	_ =	shalt  }
0x78: {  	_ =	shalt  }
0x79: {  	_ =	shalt  }
0x7a: {  	_ =	shalt  }
0x7b: {  	_ =	shalt  }
0x7c: {  	_ =	shalt  }
0x7d: {  	_ =	shalt  }
0x7e: {  	_ =	shalt  }
0x7f: {  	_ =	shalt  }
0x80: {  	_ =	shalt  }
0x81: {  	_ =	shalt  }
0x82: {  	_ =	shalt  }
0x83: {  	_ =	shalt  }
0x84: {  	_ =	shalt  }
0x85: {  	_ =	shalt  }
0x86: {  	_ =	shalt  }
0x87: {  	_ =	shalt  }
.Lfunc_end0:
.L_simem_size_0:
called_computation.1_lowered:
.L_overlay_start_0:
0x88: {  	s2 =	sld [smem:$0x3FD9]  }
0x89: {  	s3 =	sld [smem:$0x3FFE];
	_ =	sdelay $0x1  }
0x8a: {  	s1 =	srdreg.scid  }
0x8b: {  	s0 =	sand.u32 $0x1, s1  }
0x8c: {  	s16 =	sshll.u32 s0, $0xA;
	s2 =	sadd.s32 s3, s2  }
0x8d: {  	s2 =	sadd.s32 s2, s16  }
0x8e: {  	[smem:$0x3FB9] =	sst s2  }
0x8f: {  	_ = 	snop  }
0x90: {  	(tm) =	ssettm $0x1  }
0x91: {  	s17 =	sld [smem:$0x3FFB];
	_ =	sdelay $0x3  }
0x92: {  	_ =	strace s17  }
0x93: {  	s2 =	sld [smem:$0x3FFC];
	_ =	sdelay $0x3  }
0x94: {  	_ =	strace s2  }
0x95: {  	s2 =	sld [smem:$0x3FFD];
	_ =	sdelay $0x3  }
0x96: {  	_ =	strace s2  }
0x97: {  	_ =	strace $0x8FFFFFFF  }
0x98: {  	s18 =	sld [smem:$0x3FDB];
	_ =	sdelay $0x1  }
0x99: {  	s19 =	simm.s32 $_scs_section_size  }
0x9a: {  	s4 =	simm.s32 $_size__tile_overlayer_lowered;
	s5 =	simm.s32 $_tile_overlayer_lowered  }
0x9b: {  	s22 =	simm.s32 $0x1BFF;
	s21 =	sshll.u32 s5, $0x1;
	s2 =	sadd.s32 s19, s18  }
0x9c: {  	s6 =	simm.s32 $0x0;
	s20 =	sshll.u32 s4, $0x1;
	s4 =	sadd.s32 s21, s2  }
0x9d: {  	[timem:s6], [sflag:s22] =	dma.local [hbm:s4], s20  }
0x9e: {  	_ =	swait.ge [sflag:s22], s20  }
0x9f: {  	s3 =	ssub.s32 $0x0, s20;
	[sflag:s22] =	ssyncset.done $0x0  }
0xa0: {  	[sflag:s22] =	ssyncadd.s32 s3;
	_ =	sdelay $0x1  }
0xa1: {  	s23 =	simm.s32 $0x1B8B  }
0xa2: {  	_ =	swait.ge [sflag:s23], $0x1  }
0xa3: {  	[sflag:s23] =	ssyncset.done $0x0  }
0xa4: {  	s25 =	simm.s32 $0x1B8E;
	s24 =	sld [smem:$0x3FFE];
	[sflag:s23] =	ssyncadd.s32 $0xFFFFFFFF  }
0xa5: {  	s26 =	simm.s32 $execute0_lowered;
	[smem:$0x3FD2] =	sst s25  }
0xa6: {  	s4 =	sshll.u32 s26, $0x1;
	_ =	strace $0x80000049;
	[dreg:$0x1] =	wrdreg $0xFFFFFFFF  }
0xa7: {  	s28 =	simm.s32 $_size_execute0_lowered;
	s2 =	sadd.s32 s2, s4;
	[dreg:$0x0] =	wrdreg $0x0  }
0xa8: {  	s4 =	sshll.u32 s28, $0x1;
	[dreg:$0x2] =	wrdreg s2  }
0xa9: {  	[dreg:$0x3] =	wrdreg s4  }
0xaa: {  	[dreg:$0x4] =	wrdreg $0xC0  }
0xab: {  	_ =	task [dreg:s6], $0x5FFFF  }
0xac: {  	[dreg:$0x1] =	wrdreg $0xFFFFFFFF  }
0xad: {  	[dreg:$0x0] =	wrdreg $0x60  }
0xae: {  	[dreg:$0x2] =	wrdreg s24  }
0xaf: {  	[dreg:$0x3] =	wrdreg $0xA8000  }
0xb0: {  	[dreg:$0x4] =	wrdreg $0x9  }
0xb1: {  	_ =	task.clear_ibuf [dreg:s6], $0x5FFFF;
	_ =	strace $0x90000049  }
0xb2: {  	s29 =	simm.s32 $0x9;
	_ =	strace $0x8000004B  }
0xb3: {  	_ =	swait.ge [sflag:s29], $0x1  }
0xb4: {  	[sflag:s29] =	ssyncadd.s32 $0xFFFFFFFF  }
0xb5: {  	_ =	strace $0x9000004B  }
0xb6: {  	_ =	sfence  }
0xb7: {  	s30 =	sld [smem:$0x0];
	_ =	sdelay $0x2  }
0xb8: {  	s31 =	sshll.u32 s1, $0xD;
	s1 =	sshrl.u32 s1, $0x2  }
0xb9: {  	s3 =	sand.u32 $0x4000, s31;
	s1 =	sadd.s32 s1, s30  }
0xba: {  	s0 =	sor.u32 s3, s0;
	s1 =	sshll.u32 s1, $0x11  }
0xbb: {  	s0 =	sor.u32 s1, s0  }
0xbc: {  	s0 =	sadd.s32 $0x8F2B, s0  }
0xbd: {  	[sflag:s0] =	ssyncadd.remote.s32 $0x1  }
0xbe: {  	_ =	sfence.sel $0xFFFF  }
0xbf: {  	[dreg:$0x0] =	wrdreg $0xFFFFFFFF;
	(pc) =	sbr.abs _section_cstart, $3  }
0xc0: {  	[dreg:$0x1] =	wrdreg $0xFFFFFFFF  }
0xc1: {  	_ =	task.clear_ibuf [dreg:s6], $0x2FFFF;
	_ =	strace $0x9FFFFFFF  }
0xc2: {  	(tm) =	ssettm $0x7FFFFFFF  }
0xc3: {  	_ =	shalt  }
tec
execute0_lowered:
.L_overlay_start_1:
0x0: {  	(tag) =	ssettag $0x1  }
0x1: {  	s25 =	stileid.u32  }
0x2: {  	s8 =	smul.u32 $0x500, s25;
	s9 =	sor.u32 $0x10, s25  }
0x3: {  	s0 =	sor.u32 $0x20, s25;
	s10 =	smul.u32 $0x500, s9  }
0x4: {  	s6 =	sor.u32 $0x30, s25;
	s11 =	smul.u32 $0x500, s0  }
0x5: {  	s1 =	sor.u32 $0x40, s25;
	s13 =	smul.u32 $0x500, s6  }
0x6: {  	s3 =	sor.u32 $0x50, s25;
	s14 =	smul.u32 $0x500, s1  }
0x7: {  	s4 =	sor.u32 $0x60, s25;
	s16 =	smul.u32 $0x500, s3  }
0x8: {  	s2 =	srdreg.scid;
	s5 =	sor.u32 $0x70, s25;
	s17 =	smul.u32 $0x500, s4  }
0x9: {  	s7 =	rddreg [dreg:$0x0];
	s15 =	sand.u32 $0x1, s2;
	s20 =	smul.u32 $0x500, s5  }
0xa: {  	s12 =	sadd.s32 $0x2BA00, s7;
	s2 =	sshll.u32 s15, $0x4;
	s26 =	smul.u32 $0x2800, s9  }
0xb: {  	s21 =	sadd.s32 $0x35A00, s7;
	s9 =	smul.u32 $0xA000, s9;
	s19 =	sor.u32 s25, s2  }
0xc: {  	s23 =	sadd.s32 $0x3FA00, s7;
	s18 =	ssub.s32 $0x2, s15;
	s22 =	smul.u32 $0x500, s19  }
0xd: {  	s30 =	sshrl.u32 s18, $0x1;
	s8 =	sadd.s32 s23, s8;
	s31 =	smul.u32 $0x2800, s19  }
0xe: {  	s2 =	ssub.s32 s18, s30;
	[dreg:$0x3] =	wrdreg s8;
	s8 =	smul.u32 $0x138800, s15  }
0xf: {  	s10 =	sadd.s32 s23, s10;
	s11 =	sadd.s32 s23, s11;
	s30 =	smul.u32 $0x2800, s0  }
0x10: {  	s28 =	sadd.s32 s23, s17;
	s17 =	smul.u32 $0x2800, s6;
	[dreg:$0x4] =	wrdreg s10  }
0x11: {  	s15 =	sadd.s32 s23, s13;
	s0 =	smul.u32 $0xA000, s0;
	[dreg:$0x5] =	wrdreg s11  }
0x12: {  	s19 =	sadd.s32 s23, s14;
	s6 =	smul.u32 $0xA000, s6;
	[dreg:$0x6] =	wrdreg s15  }
0x13: {  	s24 =	sadd.s32 s23, s16;
	s10 =	smul.u32 $0x2800, s25;
	[dreg:$0x7] =	wrdreg s19  }
0x14: {  	p0 =	sgt.u32 s25, $0xC;
	[dreg:$0x8] =	wrdreg s24;
	s19 =	smul.u32 $0x2800, s1  }
0x15: {  	s29 =	sadd.s32 s23, s20;
	[dreg:$0x9] =	wrdreg s28;
	s24 =	smul.u32 $0x2800, s5  }
0x16: {  	s13 =	simm.s32 $0x0;
	[dreg:$0xa] =	wrdreg s29;
	s1 =	smul.u32 $0xA000, s1  }
0x17: {  	[smem:$0x7FF] =	sst s13;
	s5 =	smul.u32 $0xA000, s5;
	s2 =	smax.u32 s2, $0x1  }
0x18: {  	s31 =	sshrl.u32 s31, $0x3;
	s16 =	sadd.s32 s12, s22;
	s18 =	sadd.s32 s21, s22  }
0x19: {  	s11 =	sadd.s32 s8, s26;
	s22 =	smul.u32 $0x2800, s4;
	s23 =	sadd.s32 s8, s30  }
0x1a: {  	s15 =	sadd.s32 s8, s17;
	s26 =	sadd.s32 $0x66C00, s7;
	[dreg:$0xb] =	wrdreg s16  }
0x1b: {  	s0 =	sshrl.u32 s0, $0x2;
	[dreg:$0xc] =	wrdreg s18;
	s14 =	sadd.s32 $0x280, s31  }
0x1c: {  	s10 =	sadd.s32 s10, s8;
	s16 =	sadd.s32 s8, s19;
	s28 =	sshrl.u32 s11, $0x3  }
0x1d: {  	s29 =	sshrl.u32 s23, $0x3;
	s31 =	sshrl.u32 s15, $0x3;
	s19 =	smul.u32 $0xA000, s25  }
0x1e: {  	s23 =	sshrl.u32 s9, $0x2;
	s1 =	sshrl.u32 s1, $0x2;
	s9 =	simm.s32 $0x1  }
0x1f: {  	s12 =	sadd.s32 s12, s14;
	s20 =	sadd.s32 s21, s14;
	s21 =	smul.u32 $0x2800, s3  }
0x20: {  	s14 =	sadd.s32 s8, s22;
	s10 =	sshrl.u32 s10, $0x3;
	s22 =	rddreg [dreg:$0x1]  }
0x21: {  	s30 =	sadd.s32 s26, s29;
	s11 =	sshrl.u32 s16, $0x3;
	[dreg:$0xd] =	wrdreg s12  }
0x22: {  	s3 =	smul.u32 $0xA000, s3;
	s29 =	sshrl.u32 s6, $0x2;
	[dreg:$0xe] =	wrdreg s20  }
0x23: {  	s6 =	simm.s32 $0x2800;
	s10 =	sadd.s32 s26, s10;
	[dreg:$0x11] =	wrdreg s30  }
0x24: {  	s17 =	sshrl.u32 s14, $0x3;
	s20 =	sshrl.u32 s19, $0x2;
	s0 =	sadd.s32 s0, s22  }
0x25: {  	s1 =	sadd.s32 s1, s22;
	s14 =	simm.s32 $0x1380;
	s12 =	sadd.s32 s8, s21  }
0x26: {  	s8 =	sadd.s32 s8, s24;
	[dreg:$0xf] =	wrdreg s10;
	s10 =	sadd.s32 s26, s28  }
0x27: {  	s24 =	sadd.s32 $0x4800, s7;
	s21 =	sshll.u32 s25, $0x6;
	s7 =	sadd.s32 s20, s22  }
0x28: {  	s28 =	smul.u32 $0xA000, s4;
	s4 =	sadd.s32 s29, s22;
	s30 =	sshrl.u32 s3, $0x2  }
0x29: {  	s3 =	simm.s32 $0x3;
	[dreg:$0x10] =	wrdreg s10;
	s10 =	sadd.s32 s26, s31  }
0x2a: {  	s15 =	sshrl.u32 s12, $0x3;
	[dreg:$0x12] =	wrdreg s10;
	s10 =	sadd.s32 s26, s11  }
0x2b: {  	s8 =	sshrl.u32 s8, $0x3;
	s16 =	sadd.s32 s26, s15;
	[dreg:$0x13] =	wrdreg s10  }
0x2c: {  	s31 =	sshrl.u32 s5, $0x2;
	s8 =	sadd.s32 s26, s8;
	[dreg:$0x14] =	wrdreg s16  }
0x2d: {  	s5 =	simm.s32 $0x7D;
	s10 =	sadd.s32 s26, s17;
	[dreg:$0x16] =	wrdreg s8  }
0x2e: {  	s12 =	simm.s32 $0x1480;
	s11 =	simm.s32 $0x100;
	[dreg:$0x15] =	wrdreg s10  }
0x2f: {  	s15 =	simm.s32 $0x2700;
	_ =	strace $0x8000004A;
	[dreg:$0x17] =	wrdreg s7  }
0x30: {  	s26 =	sor.u32 $0x1C03, s21;
	s8 =	simm.s32 $0x6800;
	[dreg:$0x19] =	wrdreg s0  }
0x31: {  	s16 =	simm.s32 $0x2780;
	s17 =	simm.s32 $0x0;
	[dreg:$0x1a] =	wrdreg s4  }
0x32: {  	s10 =	simm.s32 $0x2;
	s7 =	sadd.s32 s23, s22;
	[dreg:$0x1b] =	wrdreg s1  }
0x33: {  	s1 =	sadd.s32 s30, s22;
	s0 =	sshrl.u32 s28, $0x2;
	[dreg:$0x18] =	wrdreg s7  }
0x34: {  	s4 =	simm.s32 $0x1400;
	[dreg:$0x1c] =	wrdreg s1;
	s0 =	sadd.s32 s0, s22  }
0x35: {  	s1 =	sadd.s32 s31, s22;
	s7 =	simm.s32 $0x80;
	[dreg:$0x1d] =	wrdreg s0  }
.LBB2_1:
0x36: {  	s0 =	rddreg [dreg:$0x17]  }
0x37: {  	s23 =	rddreg [dreg:$0x3];
	s18 =	sshrl.u32 s0, $0x3  }
0x38: {  	[spmem:s18], [sflag:s26] =	dma.local [hbm:s23], $0x500  }
0x39: {  	_ =	swait.ge [sflag:s3], $0x500  }
0x3a: {  	[sflag:s3] =	ssyncset.done $0x0;
	s25 =	rddreg [dreg:$0x18]  }
0x3b: {  	s19 =	rddreg [dreg:$0x4];
	[sflag:s3] =	ssyncadd.s32 $0xFFFFFB00;
	s20 =	sshrl.u32 s25, $0x3  }
0x3c: {  	[spmem:s20], [sflag:s26] =	dma.local [hbm:s19], $0x500  }
0x3d: {  	_ =	swait.ge [sflag:s3], $0x500  }
0x3e: {  	[sflag:s3] =	ssyncset.done $0x0;
	s21 =	rddreg [dreg:$0x19]  }
0x3f: {  	s23 =	rddreg [dreg:$0x5];
	[sflag:s3] =	ssyncadd.s32 $0xFFFFFB00;
	s21 =	sshrl.u32 s21, $0x3  }
0x40: {  	[spmem:s21], [sflag:s26] =	dma.local [hbm:s23], $0x500  }
0x41: {  	_ =	swait.ge [sflag:s3], $0x500  }
0x42: {  	[sflag:s3] =	ssyncset.done $0x0;
	s25 =	rddreg [dreg:$0x1a]  }
0x43: {  	s19 =	rddreg [dreg:$0x6];
	[sflag:s3] =	ssyncadd.s32 $0xFFFFFB00;
	s23 =	sshrl.u32 s25, $0x3  }
0x44: {  	[spmem:s23], [sflag:s26] =	dma.local [hbm:s19], $0x500  }
0x45: {  	_ =	swait.ge [sflag:s3], $0x500  }
0x46: {  	[sflag:s3] =	ssyncset.done $0x0;
	s25 =	rddreg [dreg:$0x1b]  }
0x47: {  	s19 =	rddreg [dreg:$0x7];
	[sflag:s3] =	ssyncadd.s32 $0xFFFFFB00;
	s25 =	sshrl.u32 s25, $0x3  }
0x48: {  	[spmem:s25], [sflag:s26] =	dma.local [hbm:s19], $0x500  }
0x49: {  	_ =	swait.ge [sflag:s3], $0x500  }
0x4a: {  	[sflag:s3] =	ssyncset.done $0x0;
	s19 =	rddreg [dreg:$0x1c]  }
0x4b: {  	[sflag:s3] =	ssyncadd.s32 $0xFFFFFB00;
	s28 =	sshrl.u32 s19, $0x3;
	s19 =	rddreg [dreg:$0x8]  }
0x4c: {  	[spmem:s28], [sflag:s26] =	dma.local [hbm:s19], $0x500  }
0x4d: {  	_ =	swait.ge [sflag:s3], $0x500  }
0x4e: {  	[sflag:s3] =	ssyncset.done $0x0;
	s19 =	rddreg [dreg:$0x1d]  }
0x4f: {  	[sflag:s3] =	ssyncadd.s32 $0xFFFFFB00;
	s29 =	sshrl.u32 s19, $0x3;
	s19 =	rddreg [dreg:$0x9]  }
0x50: {  	[spmem:s29], [sflag:s26] =	dma.local [hbm:s19], $0x500  }
0x51: {  	_ =	swait.ge [sflag:s3], $0x500  }
0x52: {  	s30 =	sshrl.u32 @!p0 s1, $0x3;
	[sflag:s3] =	ssyncset.done $0x0  }
0x53: {  	s19 =	simm.s32 @!p0 $0x3;
	s0 =	rddreg [dreg:$0xa];
	[sflag:s3] =	ssyncadd.s32 $0xFFFFFB00  }
0x54: {  	[spmem:s30], [sflag:s26] =	dma.local @!p0 [hbm:s0], $0x500  }
0x55: {  	_ =	swait.ge @!p0 [sflag:s19], $0x500  }
0x56: {  	[sflag:s19] =	ssyncset.done @!p0 $0x0  }
0x57: {  	[sflag:s19] =	ssyncadd.s32 @!p0 $0xFFFFFB00  }
0x58: {  	[bflag:$0x0] =	sbarrier.arrive $0xFFFF  }
0x59: {  	s19 =	rddreg [dreg:$0xb]  }
0x5a: {  	[tilespmem:s13], [sflag:$0x3] =	stream.linear.gather [hbm4b:s19+s13], $0x1400, $0x38;
	[tilespmem:$0x1E080] =	vst v63  }
0x5b: {  	_ =	swait.ge [sflag:s3], $0x1400  }
0x5c: {  	[sflag:s3] =	ssyncset.done $0x0  }
0x5d: {  	s19 =	rddreg [dreg:$0xc];
	[sflag:s3] =	ssyncadd.s32 $0xFFFFEC00  }
0x5e: {  	[tilespmem:s4], [sflag:$0x3] =	stream.linear.gather [hbm4b:s19+s13], $0x1400, $0x38;
	[tilespmem:$0x1E080] =	vst v63  }
0x5f: {  	_ =	swait.ge [sflag:s3], $0x1400  }
0x60: {  	[sflag:s3] =	ssyncset.done $0x0  }
0x61: {  	[sflag:s3] =	ssyncadd.s32 $0xFFFFEC00  }
0x62: {  	[tilespmem:s6], [sflag:$0x1] =	stream.indirect.gather [hbm4b:s24+s5], $0x80, s13, s5, $0xb8;
	[tilespmem:$0x1E080] =	vst v63  }
0x63: {  	_ = 	snop  }
0x64: {  	[tilespmem:s8], [sflag:$0x1] =	stream.indirect.gather [hbm4b:s24+s5], $0x80, s7, s5, $0xb8;
	[tilespmem:$0x1E080] =	vst v63  }
0x65: {  	_ =	swait.ge [sflag:s9], $0x3E80  }
0x66: {  	[sflag:s9] =	ssyncset.done $0x0  }
0x67: {  	[sflag:s9] =	ssyncadd.s32 $0xFFFFC180  }
0x68: {  	[spmem:s22] =	stream.indirect.scatter.add.f32 [tilespmem:s6], [sflag:$0x2], $0x80, s4, s5, $0xb8;
	[tilespmem:$0x1E080] =	vst v63  }
0x69: {  	_ =	swait.ge [sflag:s10], $0x3E80  }
0x6a: {  	[sflag:s10] =	ssyncset.done $0x0  }
0x6b: {  	[sflag:s10] =	ssyncadd.s32 $0xFFFFC180  }
0x6c: {  	[tilespmem:s6], [sflag:$0x1] =	stream.indirect.gather [hbm4b:s24+s5], $0x80, s11, s5, $0xb8;
	[tilespmem:$0x1E080] =	vst v63  }
0x6d: {  	_ =	swait.ge [sflag:s9], $0x3E80  }
0x6e: {  	[sflag:s9] =	ssyncset.done $0x0  }
0x6f: {  	[sflag:s9] =	ssyncadd.s32 $0xFFFFC180  }
0x70: {  	[spmem:s22] =	stream.indirect.scatter.add.f32 [tilespmem:s8], [sflag:$0x2], $0x80, s12, s5, $0xb8;
	[tilespmem:$0x1E080] =	vst v63  }
0x71: {  	_ =	swait.ge [sflag:s10], $0x3E80  }
0x72: {  	[sflag:s10] =	ssyncset.done $0x0  }
0x73: {  	s0 =	simm.s32 $0x180;
	[sflag:s10] =	ssyncadd.s32 $0xFFFFC180  }
0x74: {  	[tilespmem:s8], [sflag:$0x1] =	stream.indirect.gather [hbm4b:s24+s5], $0x80, s0, s5, $0xb8;
	[tilespmem:$0x1E080] =	vst v63  }
0x75: {  	_ =	swait.ge [sflag:s9], $0x3E80  }
0x76: {  	[sflag:s9] =	ssyncset.done $0x0  }
0x77: {  	s0 =	simm.s32 $0x1500;
	[sflag:s9] =	ssyncadd.s32 $0xFFFFC180  }
0x78: {  	[spmem:s22] =	stream.indirect.scatter.add.f32 [tilespmem:s6], [sflag:$0x2], $0x80, s0, s5, $0xb8;
	[tilespmem:$0x1E080] =	vst v63  }
0x79: {  	_ =	swait.ge [sflag:s10], $0x3E80  }
0x7a: {  	[sflag:s10] =	ssyncset.done $0x0  }
0x7b: {  	s0 =	simm.s32 $0x200;
	[sflag:s10] =	ssyncadd.s32 $0xFFFFC180  }
0x7c: {  	[tilespmem:s6], [sflag:$0x1] =	stream.indirect.gather [hbm4b:s24+s5], $0x80, s0, s5, $0xb8;
	[tilespmem:$0x1E080] =	vst v63  }
0x7d: {  	_ =	swait.ge [sflag:s9], $0x3E80  }
0x7e: {  	[sflag:s9] =	ssyncset.done $0x0  }
0x7f: {  	s31 =	simm.s32 $0xFFFFBC00;
	s19 =	simm.s32 $0x1580;
	[sflag:s9] =	ssyncadd.s32 $0xFFFFC180  }
.LBB2_2:
0x80: {  	[spmem:s22] =	stream.indirect.scatter.add.f32 [tilespmem:s8], [sflag:$0x2], $0x80, s19, s5, $0xb8;
	[tilespmem:$0x1E080] =	vst v63  }
0x81: {  	s19 =	smov.u32 s31  }
0x82: {  	p1 =	sne.s32 s31, $0xFFFFFC00;
	s31 =	sadd.s32 $0x400, s31;
	_ =	swait.ge [sflag:s10], $0x3E80  }
0x83: {  	s19 =	sshra.s32 s19, $0x2;
	[sflag:s10] =	ssyncset.done $0x0  }
0x84: {  	s0 =	sadd.s32 $0x1380, s19;
	[sflag:s10] =	ssyncadd.s32 $0xFFFFC180  }
0x85: {  	[tilespmem:s8], [sflag:$0x1] =	stream.indirect.gather [hbm4b:s24+s5], $0x80, s0, s5, $0xb8;
	[tilespmem:$0x1E080] =	vst v63  }
0x86: {  	_ =	swait.ge [sflag:s9], $0x3E80  }
0x87: {  	[sflag:s9] =	ssyncset.done $0x0  }
0x88: {  	s0 =	sadd.s32 $0x2700, s19;
	[sflag:s9] =	ssyncadd.s32 $0xFFFFC180  }
0x89: {  	[spmem:s22] =	stream.indirect.scatter.add.f32 [tilespmem:s6], [sflag:$0x2], $0x80, s0, s5, $0xb8;
	[tilespmem:$0x1E080] =	vst v63  }
0x8a: {  	_ =	swait.ge [sflag:s10], $0x3E80  }
0x8b: {  	[sflag:s10] =	ssyncset.done $0x0  }
.Ltmp0:
0x8c: {  	s0 =	sadd.s32 $0x1400, s19;
	[sflag:s10] =	ssyncadd.s32 $0xFFFFC180;
	(pc) =	sbr.rel @p1 .LBB2_2-.Ltmp0, $4  }
0x8d: {  	[tilespmem:s6], [sflag:$0x1] =	stream.indirect.gather [hbm4b:s24+s5], $0x80, s0, s5, $0xb8;
	[tilespmem:$0x1E080] =	vst v63  }
0x8e: {  	_ =	swait.ge [sflag:s9], $0x3E80  }
0x8f: {  	[sflag:s9] =	ssyncset.done $0x0  }
0x90: {  	s19 =	sadd.s32 $0x2780, s19;
	[sflag:s9] =	ssyncadd.s32 $0xFFFFC180  }
0x91: {  	[spmem:s22] =	stream.indirect.scatter.add.f32 [tilespmem:s8], [sflag:$0x2], $0x80, s19, s5, $0xb8;
	[tilespmem:$0x1E080] =	vst v63  }
0x92: {  	_ =	swait.ge [sflag:s10], $0x3E80  }
0x93: {  	[sflag:s10] =	ssyncset.done $0x0  }
0x94: {  	[sflag:s10] =	ssyncadd.s32 $0xFFFFC180  }
0x95: {  	[tilespmem:s8], [sflag:$0x1] =	stream.indirect.gather [hbm4b:s24+s5], $0x80, s14, s5, $0xb8;
	[tilespmem:$0x1E080] =	vst v63  }
0x96: {  	_ =	swait.ge [sflag:s9], $0x3E80  }
0x97: {  	[sflag:s9] =	ssyncset.done $0x0  }
0x98: {  	[sflag:s9] =	ssyncadd.s32 $0xFFFFC180  }
0x99: {  	[spmem:s22] =	stream.indirect.scatter.add.f32 [tilespmem:s6], [sflag:$0x2], $0x80, s15, s5, $0xb8;
	[tilespmem:$0x1E080] =	vst v63  }
0x9a: {  	_ =	swait.ge [sflag:s10], $0x3E80  }
0x9b: {  	[sflag:s10] =	ssyncset.done $0x0  }
0x9c: {  	[sflag:s10] =	ssyncadd.s32 $0xFFFFC180  }
0x9d: {  	_ =	swait.ge [sflag:s9], $0x3E80  }
0x9e: {  	[sflag:s9] =	ssyncset.done $0x0  }
0x9f: {  	[sflag:s9] =	ssyncadd.s32 $0xFFFFC180  }
0xa0: {  	[spmem:s22] =	stream.indirect.scatter.add.f32 [tilespmem:s8], [sflag:$0x2], $0x80, s16, s5, $0xb8;
	[tilespmem:$0x1E080] =	vst v63  }
0xa1: {  	_ =	swait.ge [sflag:s10], $0x3E80  }
0xa2: {  	[sflag:s10] =	ssyncset.done $0x0  }
0xa3: {  	s0 =	rddreg [dreg:$0xd];
	[sflag:s10] =	ssyncadd.s32 $0xFFFFC180  }
0xa4: {  	[tilespmem:s13], [sflag:$0x3] =	stream.linear.gather [hbm4b:s0+s13], $0x1400, $0x38;
	[tilespmem:$0x1E080] =	vst v63  }
0xa5: {  	_ =	swait.ge [sflag:s3], $0x1400  }
0xa6: {  	[sflag:s3] =	ssyncset.done $0x0  }
0xa7: {  	s19 =	rddreg [dreg:$0xe];
	[sflag:s3] =	ssyncadd.s32 $0xFFFFEC00  }
0xa8: {  	[tilespmem:s4], [sflag:$0x3] =	stream.linear.gather [hbm4b:s19+s13], $0x1400, $0x38;
	[tilespmem:$0x1E080] =	vst v63  }
0xa9: {  	_ =	swait.ge [sflag:s3], $0x1400  }
0xaa: {  	[sflag:s3] =	ssyncset.done $0x0  }
0xab: {  	[sflag:s3] =	ssyncadd.s32 $0xFFFFEC00  }
0xac: {  	[tilespmem:s6], [sflag:$0x1] =	stream.indirect.gather [hbm4b:s24+s5], $0x80, s13, s5, $0xb8;
	[tilespmem:$0x1E080] =	vst v63  }
0xad: {  	_ = 	snop  }
0xae: {  	[tilespmem:s8], [sflag:$0x1] =	stream.indirect.gather [hbm4b:s24+s5], $0x80, s7, s5, $0xb8;
	[tilespmem:$0x1E080] =	vst v63  }
0xaf: {  	_ =	swait.ge [sflag:s9], $0x3E80  }
0xb0: {  	[sflag:s9] =	ssyncset.done $0x0  }
0xb1: {  	[sflag:s9] =	ssyncadd.s32 $0xFFFFC180  }
0xb2: {  	[spmem:s22] =	stream.indirect.scatter.add.f32 [tilespmem:s6], [sflag:$0x2], $0x80, s4, s5, $0xb8;
	[tilespmem:$0x1E080] =	vst v63  }
0xb3: {  	_ =	swait.ge [sflag:s10], $0x3E80  }
0xb4: {  	[sflag:s10] =	ssyncset.done $0x0  }
0xb5: {  	[sflag:s10] =	ssyncadd.s32 $0xFFFFC180  }
0xb6: {  	[tilespmem:s6], [sflag:$0x1] =	stream.indirect.gather [hbm4b:s24+s5], $0x80, s11, s5, $0xb8;
	[tilespmem:$0x1E080] =	vst v63  }
0xb7: {  	_ =	swait.ge [sflag:s9], $0x3E80  }
0xb8: {  	[sflag:s9] =	ssyncset.done $0x0  }
0xb9: {  	[sflag:s9] =	ssyncadd.s32 $0xFFFFC180  }
0xba: {  	[spmem:s22] =	stream.indirect.scatter.add.f32 [tilespmem:s8], [sflag:$0x2], $0x80, s12, s5, $0xb8;
	[tilespmem:$0x1E080] =	vst v63  }
0xbb: {  	_ =	swait.ge [sflag:s10], $0x3E80  }
0xbc: {  	[sflag:s10] =	ssyncset.done $0x0  }
0xbd: {  	s19 =	simm.s32 $0x180;
	[sflag:s10] =	ssyncadd.s32 $0xFFFFC180  }
0xbe: {  	[tilespmem:s8], [sflag:$0x1] =	stream.indirect.gather [hbm4b:s24+s5], $0x80, s19, s5, $0xb8;
	[tilespmem:$0x1E080] =	vst v63  }
0xbf: {  	_ =	swait.ge [sflag:s9], $0x3E80  }
0xc0: {  	[sflag:s9] =	ssyncset.done $0x0  }
0xc1: {  	s19 =	simm.s32 $0x1500;
	[sflag:s9] =	ssyncadd.s32 $0xFFFFC180  }
0xc2: {  	[spmem:s22] =	stream.indirect.scatter.add.f32 [tilespmem:s6], [sflag:$0x2], $0x80, s19, s5, $0xb8;
	[tilespmem:$0x1E080] =	vst v63  }
0xc3: {  	_ =	swait.ge [sflag:s10], $0x3E80  }
0xc4: {  	[sflag:s10] =	ssyncset.done $0x0  }
0xc5: {  	s19 =	simm.s32 $0x200;
	[sflag:s10] =	ssyncadd.s32 $0xFFFFC180  }
0xc6: {  	[tilespmem:s6], [sflag:$0x1] =	stream.indirect.gather [hbm4b:s24+s5], $0x80, s19, s5, $0xb8;
	[tilespmem:$0x1E080] =	vst v63  }
0xc7: {  	_ =	swait.ge [sflag:s9], $0x3E80  }
0xc8: {  	[sflag:s9] =	ssyncset.done $0x0  }
0xc9: {  	s31 =	simm.s32 $0xFFFFBC00;
	s19 =	simm.s32 $0x1580;
	[sflag:s9] =	ssyncadd.s32 $0xFFFFC180  }
.LBB2_4:
0xca: {  	[spmem:s22] =	stream.indirect.scatter.add.f32 [tilespmem:s8], [sflag:$0x2], $0x80, s19, s5, $0xb8;
	[tilespmem:$0x1E080] =	vst v63  }
0xcb: {  	s0 =	smov.u32 s31  }
0xcc: {  	p1 =	sne.s32 s31, $0xFFFFFC00;
	s31 =	sadd.s32 $0x400, s31;
	_ =	swait.ge [sflag:s10], $0x3E80  }
0xcd: {  	s0 =	sshra.s32 s0, $0x2;
	[sflag:s10] =	ssyncset.done $0x0  }
0xce: {  	s19 =	sadd.s32 $0x1380, s0;
	[sflag:s10] =	ssyncadd.s32 $0xFFFFC180  }
0xcf: {  	[tilespmem:s8], [sflag:$0x1] =	stream.indirect.gather [hbm4b:s24+s5], $0x80, s19, s5, $0xb8;
	[tilespmem:$0x1E080] =	vst v63  }
0xd0: {  	_ =	swait.ge [sflag:s9], $0x3E80  }
0xd1: {  	[sflag:s9] =	ssyncset.done $0x0  }
0xd2: {  	s19 =	sadd.s32 $0x2700, s0;
	[sflag:s9] =	ssyncadd.s32 $0xFFFFC180  }
0xd3: {  	[spmem:s22] =	stream.indirect.scatter.add.f32 [tilespmem:s6], [sflag:$0x2], $0x80, s19, s5, $0xb8;
	[tilespmem:$0x1E080] =	vst v63  }
0xd4: {  	_ =	swait.ge [sflag:s10], $0x3E80  }
0xd5: {  	[sflag:s10] =	ssyncset.done $0x0  }
.Ltmp1:
0xd6: {  	s19 =	sadd.s32 $0x1400, s0;
	[sflag:s10] =	ssyncadd.s32 $0xFFFFC180;
	(pc) =	sbr.rel @p1 .LBB2_4-.Ltmp1, $4  }
0xd7: {  	[tilespmem:s6], [sflag:$0x1] =	stream.indirect.gather [hbm4b:s24+s5], $0x80, s19, s5, $0xb8;
	[tilespmem:$0x1E080] =	vst v63  }
0xd8: {  	_ =	swait.ge [sflag:s9], $0x3E80  }
0xd9: {  	[sflag:s9] =	ssyncset.done $0x0  }
0xda: {  	s19 =	sadd.s32 $0x2780, s0;
	[sflag:s9] =	ssyncadd.s32 $0xFFFFC180  }
0xdb: {  	[spmem:s22] =	stream.indirect.scatter.add.f32 [tilespmem:s8], [sflag:$0x2], $0x80, s19, s5, $0xb8;
	[tilespmem:$0x1E080] =	vst v63  }
0xdc: {  	_ =	swait.ge [sflag:s10], $0x3E80  }
0xdd: {  	[sflag:s10] =	ssyncset.done $0x0  }
0xde: {  	[sflag:s10] =	ssyncadd.s32 $0xFFFFC180  }
0xdf: {  	[tilespmem:s8], [sflag:$0x1] =	stream.indirect.gather [hbm4b:s24+s5], $0x80, s14, s5, $0xb8;
	[tilespmem:$0x1E080] =	vst v63  }
0xe0: {  	_ =	swait.ge [sflag:s9], $0x3E80  }
0xe1: {  	[sflag:s9] =	ssyncset.done $0x0  }
0xe2: {  	[sflag:s9] =	ssyncadd.s32 $0xFFFFC180  }
0xe3: {  	[spmem:s22] =	stream.indirect.scatter.add.f32 [tilespmem:s6], [sflag:$0x2], $0x80, s15, s5, $0xb8;
	[tilespmem:$0x1E080] =	vst v63  }
0xe4: {  	_ =	swait.ge [sflag:s10], $0x3E80  }
0xe5: {  	[sflag:s10] =	ssyncset.done $0x0  }
0xe6: {  	[sflag:s10] =	ssyncadd.s32 $0xFFFFC180  }
0xe7: {  	_ =	swait.ge [sflag:s9], $0x3E80  }
0xe8: {  	[sflag:s9] =	ssyncset.done $0x0  }
0xe9: {  	[sflag:s9] =	ssyncadd.s32 $0xFFFFC180  }
0xea: {  	[spmem:s22] =	stream.indirect.scatter.add.f32 [tilespmem:s8], [sflag:$0x2], $0x80, s16, s5, $0xb8;
	[tilespmem:$0x1E080] =	vst v63  }
0xeb: {  	_ =	swait.ge [sflag:s10], $0x3E80  }
0xec: {  	[sflag:s10] =	ssyncset.done $0x0  }
0xed: {  	[sflag:s10] =	ssyncadd.s32 $0xFFFFC180  }
0xee: {  	[bflag:$0x0] =	sbarrier.arrive $0xFFFF  }
0xef: {  	s0 =	rddreg [dreg:$0xf]  }
0xf0: {  	[hbm:s0], [sflag:s26] =	dma.local [spmem:s18], $0x500  }
0xf1: {  	_ =	swait.ge [sflag:s3], $0x500  }
0xf2: {  	[sflag:s3] =	ssyncset.done $0x0  }
0xf3: {  	s19 =	rddreg [dreg:$0x10];
	[sflag:s3] =	ssyncadd.s32 $0xFFFFFB00  }
0xf4: {  	[hbm:s19], [sflag:s26] =	dma.local [spmem:s20], $0x500  }
0xf5: {  	_ =	swait.ge [sflag:s3], $0x500  }
0xf6: {  	[sflag:s3] =	ssyncset.done $0x0  }
0xf7: {  	s20 =	rddreg [dreg:$0x11];
	[sflag:s3] =	ssyncadd.s32 $0xFFFFFB00  }
0xf8: {  	[hbm:s20], [sflag:s26] =	dma.local [spmem:s21], $0x500  }
0xf9: {  	_ =	swait.ge [sflag:s3], $0x500  }
0xfa: {  	[sflag:s3] =	ssyncset.done $0x0  }
0xfb: {  	s21 =	rddreg [dreg:$0x12];
	[sflag:s3] =	ssyncadd.s32 $0xFFFFFB00  }
0xfc: {  	[hbm:s21], [sflag:s26] =	dma.local [spmem:s23], $0x500  }
0xfd: {  	_ =	swait.ge [sflag:s3], $0x500  }
0xfe: {  	[sflag:s3] =	ssyncset.done $0x0  }
0xff: {  	s23 =	rddreg [dreg:$0x13];
	[sflag:s3] =	ssyncadd.s32 $0xFFFFFB00  }
0x100: {  	[hbm:s23], [sflag:s26] =	dma.local [spmem:s25], $0x500  }
0x101: {  	_ =	swait.ge [sflag:s3], $0x500  }
0x102: {  	[sflag:s3] =	ssyncset.done $0x0  }
0x103: {  	s25 =	rddreg [dreg:$0x14];
	[sflag:s3] =	ssyncadd.s32 $0xFFFFFB00  }
0x104: {  	[hbm:s25], [sflag:s26] =	dma.local [spmem:s28], $0x500  }
0x105: {  	_ =	swait.ge [sflag:s3], $0x500  }
0x106: {  	[sflag:s3] =	ssyncset.done $0x0  }
0x107: {  	s31 =	rddreg [dreg:$0x15];
	[sflag:s3] =	ssyncadd.s32 $0xFFFFFB00  }
0x108: {  	[hbm:s31], [sflag:s26] =	dma.local [spmem:s29], $0x500  }
0x109: {  	_ =	swait.ge [sflag:s3], $0x500  }
0x10a: {  	s17 =	sadd.s32 $0x1, s17;
	[sflag:s3] =	ssyncset.done $0x0  }
0x10b: {  	p1 =	sne.s32 s17, s2;
	s0 =	rddreg [dreg:$0x16];
	[sflag:s3] =	ssyncadd.s32 $0xFFFFFB00  }
0x10c: {  	[hbm:s0], [sflag:s26] =	dma.local @!p0 [spmem:s30], $0x500  }
.Ltmp2:
0x10d: {  	_ = 	snop;
	(pc) =	sbr.rel @p1 .LBB2_1-.Ltmp2, $4  }
0x10e: {  	s0 =	simm.s32 @!p0 $0x3  }
0x10f: {  	_ =	swait.ge @!p0 [sflag:s0], $0x500  }
0x110: {  	[sflag:s0] =	ssyncset.done @!p0 $0x0  }
0x111: {  	[sflag:s0] =	ssyncadd.s32 @!p0 $0xFFFFFB00  }
0x112: {  	_ =	sfence.sel $0x180000  }
0x113: {  	[bflag:$0x0] =	sbarrier.arrive $0xFFFF  }
0x114: {  	_ =	strace $0x9000004A  }
0x115: {  	s0 =	stileid.u32;
	[bflag:$0x2] =	sbarrier.arrive $0xFFFF  }
0x116: {  	p0 =	sne.s32 s0, $0x0;
	s0 =	rddreg [dreg:$0x2]  }
0x117: {  	s0 =	sadd.s32 @!p0 $0x100000, s0  }
0x118: {  	[sflag:s0] =	ssyncadd.tile.s32 @!p0 $0x1;
	_ =	shalt  }
.Lfunc_end2:
_tile_overlayer_lowered:
.L_overlay_start_2:
0x119: {  	(tag) =	ssettag $0x2  }
0x11a: {  	s0 =	rddreg [dreg:$0x0];
	s2 =	stileid.u32  }
0x11b: {  	s1 =	rddreg [dreg:$0x1];
	p0 =	sne.s32 s2, $0x0  }
0x11c: {  	s3 =	rddreg [dreg:$0x2];
	[bflag:$0x3] =	sbarrier.arrive $0xFFFF;
	s2 =	simm.s32 @!p0 $0x1C03  }
0x11d: {  	[timem:s3], [sflag:s2] =	dma.local @!p0 [hbm:s0], s1  }
0x11e: {  	s0 =	simm.s32 @!p0 $0x3  }
0x11f: {  	_ =	swait.ge @!p0 [sflag:s0], s1  }
0x120: {  	s1 =	ssub.s32 @!p0 $0x0, s1;
	[sflag:s0] =	ssyncset.done @!p0 $0x0  }
0x121: {  	[sflag:s0] =	ssyncadd.s32 @!p0 s1  }
0x122: {  	[bflag:$0x3] =	sbarrier.arrive $0xFFFF  }
0x123: {  	_ =	shalt  }

// kernel: kernel.16.cloned.1.call-start
scs
__scs_entry_jumppad:
0x0: {  	(pc) =	sbr.rel $0x88, $3  }
0x1: {  	(tag) =	ssettag $0x0;
	lr =	simm.s32 $0x1  }
0x2: {  	[smem:$0x3F92] =	sst lr;
	_ =	strace $0xD0000000  }
0x3: {  	_ = 	snop  }
0x4: {  	_ = 	snop  }
0x5: {  	_ = 	snop  }
0x6: {  	_ = 	snop  }
0x7: {  	_ = 	snop  }
__scs_overlays_trampoline_lowered:
0x8: {  	[smem:$0x3FA1] =	sst s0  }
0x9: {  	[smem:$0x3FA2] =	sst s1  }
0xa: {  	[smem:$0x3FA3] =	sst s2  }
0xb: {  	[smem:$0x3FA4] =	sst s3  }
0xc: {  	[smem:$0x3FA5] =	sst s4  }
0xd: {  	[smem:$0x3FA6] =	sst s5  }
0xe: {  	[smem:$0x3FA7] =	sst s6  }
0xf: {  	[smem:$0x3FA8] =	sst s7  }
0x10: {  	[smem:$0x3FA9] =	sst s8  }
0x11: {  	[smem:$0x3FAA] =	sst s9;
	s0 =	simm.s32 @!p0 $0x0  }
0x12: {  	s1 =	sld [smem:$0x3F90];
	s0 =	simm.s32 @p0 $0x1  }
0x13: {  	[smem:$0x3FAB] =	sst s0;
	s0 =	simm.s32 @!p1 $0x0  }
0x14: {  	s2 =	sld [smem:$0x3F8F];
	s0 =	simm.s32 @p1 $0x1  }
0x15: {  	[smem:$0x3FAC] =	sst s0;
	s0 =	simm.s32 @!p2 $0x0  }
0x16: {  	s3 =	sld [smem:$0x3FDB];
	s0 =	simm.s32 @p2 $0x1  }
0x17: {  	s4 =	simm.s32 $0x1BF5;
	[smem:$0x3FAE] =	sst s0  }
0x18: {  	s0 =	sld [smem:$0x3F91];
	_ =	swait.ge [sflag:s4], $0x0  }
0x19: {  	s7 =	sld [smem:$0x3F92]  }
0x1a: {  	s8 =	sadd.s32 $0xFFFFE003, lr  }
0x1b: {  	s9 =	sadd.s32 $0xFFFFFEF7, lr;
	s5 =	simm.s32 $0xFFFFFFFF;
	p2 =	slt.u32 s8, $0xFFFFF086  }
0x1c: {  	p1 =	slt.u32 s9, $0xF7A;
	s5 =	simm.s32 @!p2 $0x0  }
0x1d: {  	s5 =	simm.s32 @p1 $0x1;
	p0 =	seq.s32 s7, s2  }
0x1e: {  	s7 =	smul.u32 @!p0 $0xF7A, s2;
	p2 =	seq.s32 @!p0 s5, $0x0  }
0x1f: {  	s9 =	smul.u32 $0xF7A, s1;
	s8 =	simm.s32 @!p0 $0x1BF5;
	p2 =	por !p2, p0  }
0x20: {  	[sflag:s8] =	ssyncset.s32 @!p0 $0xFFFFF086;
	s6 =	sadd.s32 @!p0 s3, s7;
	s7 =	simm.s32 @!p0 $0x108  }
0x21: {  	s3 =	sadd.s32 s3, s9;
	s6 =	sadd.s32 @!p0 $0x88, s6;
	s7 =	simm.s32 @p2 $0x1082  }
0x22: {  	[simem:s7], [sflag:s8] =	dma.local @!p0 [hbm:s6], $0xF7A  }
0x23: {  	s9 =	sor.u32 $0xD0000000, s2;
	s6 =	simm.s32 $0x108;
	_ =	swait.ge @!p0 [sflag:s8], $0x0  }
0x24: {  	s3 =	sadd.s32 $0x88, s3;
	s6 =	simm.s32 @!p1 $0x1082;
	[sflag:s4] =	ssyncset.s32 $0xFFFFF086  }
0x25: {  	[simem:s6], [sflag:s4] =	dma.local [hbm:s3], $0xF7A  }
0x26: {  	[smem:$0x3F92] =	sst s1;
	(tag) =	ssettag s2;
	_ =	strace s9  }
0x27: {  	s1 =	sld [smem:$0x3FA2]  }
0x28: {  	s2 =	sld [smem:$0x3FA3]  }
0x29: {  	s4 =	sld [smem:$0x3FA5]  }
0x2a: {  	p0 =	seq.s32 s5, $0x0;
	s5 =	sld [smem:$0x3FA6]  }
0x2b: {  	s6 =	sld [smem:$0x3FA7]  }
0x2c: {  	s7 =	sld [smem:$0x3FA8]  }
0x2d: {  	s3 =	simm.s32 $0x108;
	s8 =	sld [smem:$0x3FA9]  }
0x2e: {  	s3 =	simm.s32 @!p0 $0x1082;
	s9 =	sld [smem:$0x3FAA]  }
0x2f: {  	lr =	sadd.s32 s0, s3;
	s0 =	sld [smem:$0x3FA1]  }
0x30: {  	s3 =	sld [smem:$0x3FA4]  }
0x31: {  	[smem:$0x3FAD] =	sst s10  }
0x32: {  	s10 =	sld [smem:$0x3FAB];
	_ =	sdelay $0x3  }
0x33: {  	p0 =	seq.s32 s10, $0x1;
	s10 =	sld [smem:$0x3FAD];
	_ =	sdelay $0x3  }
0x34: {  	[smem:$0x3FAD] =	sst s10  }
0x35: {  	s10 =	sld [smem:$0x3FAC];
	_ =	sdelay $0x3  }
0x36: {  	p1 =	seq.s32 s10, $0x1;
	s10 =	sld [smem:$0x3FAD];
	_ =	sdelay $0x3  }
0x37: {  	[smem:$0x3FAD] =	sst s10  }
0x38: {  	s10 =	sld [smem:$0x3FAE]  }
0x39: {  	_ = 	snop;
	(pc) =	sbr.ind lr, $3  }
0x3a: {  	_ = 	snop  }
0x3b: {  	_ = 	snop  }
0x3c: {  	p2 =	seq.s32 s10, $0x1;
	s10 =	sld [smem:$0x3FAD]  }
0x3d: {  	_ =	shalt  }
0x3e: {  	_ =	shalt  }
0x3f: {  	_ =	shalt  }
0x40: {  	_ =	shalt  }
0x41: {  	_ =	shalt  }
0x42: {  	_ =	shalt  }
0x43: {  	_ =	shalt  }
0x44: {  	_ =	shalt  }
0x45: {  	_ =	shalt  }
0x46: {  	_ =	shalt  }
0x47: {  	_ =	shalt  }
0x48: {  	_ =	shalt  }
0x49: {  	_ =	shalt  }
0x4a: {  	_ =	shalt  }
0x4b: {  	_ =	shalt  }
0x4c: {  	_ =	shalt  }
0x4d: {  	_ =	shalt  }
0x4e: {  	_ =	shalt  }
0x4f: {  	_ =	shalt  }
0x50: {  	_ =	shalt  }
0x51: {  	_ =	shalt  }
0x52: {  	_ =	shalt  }
0x53: {  	_ =	shalt  }
0x54: {  	_ =	shalt  }
0x55: {  	_ =	shalt  }
0x56: {  	_ =	shalt  }
0x57: {  	_ =	shalt  }
0x58: {  	_ =	shalt  }
0x59: {  	_ =	shalt  }
0x5a: {  	_ =	shalt  }
0x5b: {  	_ =	shalt  }
0x5c: {  	_ =	shalt  }
0x5d: {  	_ =	shalt  }
0x5e: {  	_ =	shalt  }
0x5f: {  	_ =	shalt  }
0x60: {  	_ =	shalt  }
0x61: {  	_ =	shalt  }
0x62: {  	_ =	shalt  }
0x63: {  	_ =	shalt  }
0x64: {  	_ =	shalt  }
0x65: {  	_ =	shalt  }
0x66: {  	_ =	shalt  }
0x67: {  	_ =	shalt  }
0x68: {  	_ =	shalt  }
0x69: {  	_ =	shalt  }
0x6a: {  	_ =	shalt  }
0x6b: {  	_ =	shalt  }
0x6c: {  	_ =	shalt  }
0x6d: {  	_ =	shalt  }
0x6e: {  	_ =	shalt  }
0x6f: {  	_ =	shalt  }
0x70: {  	_ =	shalt  }
0x71: {  	_ =	shalt  }
0x72: {  	_ =	shalt  }
0x73: {  	_ =	shalt  }
0x74: {  	_ =	shalt  }
0x75: {  	_ =	shalt  }
0x76: {  	_ =	shalt  }
0x77: {  	_ =	shalt  }
0x78: {  	_ =	shalt  }
0x79: {  	_ =	shalt  }
0x7a: {  	_ =	shalt  }
0x7b: {  	_ =	shalt  }
0x7c: {  	_ =	shalt  }
0x7d: {  	_ =	shalt  }
0x7e: {  	_ =	shalt  }
0x7f: {  	_ =	shalt  }
0x80: {  	_ =	shalt  }
0x81: {  	_ =	shalt  }
0x82: {  	_ =	shalt  }
0x83: {  	_ =	shalt  }
0x84: {  	_ =	shalt  }
0x85: {  	_ =	shalt  }
0x86: {  	_ =	shalt  }
0x87: {  	_ =	shalt  }
.Lfunc_end0:
.L_simem_size_0:
called_computation.2_lowered:
.L_overlay_start_0:
0x88: {  	s2 =	sld [smem:$0x3FD9]  }
0x89: {  	s3 =	sld [smem:$0x3FFE];
	_ =	sdelay $0x1  }
0x8a: {  	s1 =	srdreg.scid  }
0x8b: {  	s0 =	sand.u32 $0x1, s1  }
0x8c: {  	s16 =	sshll.u32 s0, $0xA;
	s2 =	sadd.s32 s3, s2  }
0x8d: {  	s2 =	sadd.s32 s2, s16  }
0x8e: {  	[smem:$0x3FB9] =	sst s2  }
0x8f: {  	_ = 	snop  }
0x90: {  	(tm) =	ssettm $0x1  }
0x91: {  	s17 =	sld [smem:$0x3FFB];
	_ =	sdelay $0x3  }
0x92: {  	_ =	strace s17  }
0x93: {  	s2 =	sld [smem:$0x3FFC];
	_ =	sdelay $0x3  }
0x94: {  	_ =	strace s2  }
0x95: {  	s2 =	sld [smem:$0x3FFD];
	_ =	sdelay $0x3  }
0x96: {  	_ =	strace s2  }
0x97: {  	_ =	strace $0x8FFFFFFF  }
0x98: {  	s18 =	sld [smem:$0x3FDB];
	_ =	sdelay $0x1  }
0x99: {  	s19 =	simm.s32 $_scs_section_size  }
0x9a: {  	s4 =	simm.s32 $_size__tile_overlayer_lowered;
	s5 =	simm.s32 $_tile_overlayer_lowered  }
0x9b: {  	s22 =	simm.s32 $0x1BFF;
	s21 =	sshll.u32 s5, $0x1;
	s2 =	sadd.s32 s19, s18  }
0x9c: {  	s6 =	simm.s32 $0x0;
	s20 =	sshll.u32 s4, $0x1;
	s4 =	sadd.s32 s21, s2  }
0x9d: {  	[timem:s6], [sflag:s22] =	dma.local [hbm:s4], s20  }
0x9e: {  	_ =	swait.ge [sflag:s22], s20  }
0x9f: {  	s3 =	ssub.s32 $0x0, s20;
	[sflag:s22] =	ssyncset.done $0x0  }
0xa0: {  	[sflag:s22] =	ssyncadd.s32 s3;
	_ =	sdelay $0x1  }
0xa1: {  	s23 =	simm.s32 $0x1B8B  }
0xa2: {  	_ =	swait.ge [sflag:s23], $0x1  }
0xa3: {  	[sflag:s23] =	ssyncset.done $0x0  }
0xa4: {  	s25 =	simm.s32 $0x1B8E;
	s24 =	sld [smem:$0x3FFE];
	[sflag:s23] =	ssyncadd.s32 $0xFFFFFFFF  }
0xa5: {  	s26 =	simm.s32 $execute0_lowered;
	[smem:$0x3FD2] =	sst s25  }
0xa6: {  	s4 =	sshll.u32 s26, $0x1;
	_ =	strace $0x8000004C;
	[dreg:$0x1] =	wrdreg $0xFFFFFFFF  }
0xa7: {  	s28 =	simm.s32 $_size_execute0_lowered;
	s2 =	sadd.s32 s2, s4;
	[dreg:$0x0] =	wrdreg $0x0  }
0xa8: {  	s4 =	sshll.u32 s28, $0x1;
	[dreg:$0x2] =	wrdreg s2  }
0xa9: {  	[dreg:$0x3] =	wrdreg s4  }
0xaa: {  	[dreg:$0x4] =	wrdreg $0xC0  }
0xab: {  	_ =	task [dreg:s6], $0x5FFFF  }
0xac: {  	[dreg:$0x1] =	wrdreg $0xFFFFFFFF  }
0xad: {  	[dreg:$0x0] =	wrdreg $0x60  }
0xae: {  	[dreg:$0x2] =	wrdreg s24  }
0xaf: {  	[dreg:$0x3] =	wrdreg $0xA8000  }
0xb0: {  	[dreg:$0x4] =	wrdreg $0x9  }
0xb1: {  	_ =	task.clear_ibuf [dreg:s6], $0x5FFFF;
	_ =	strace $0x9000004C  }
0xb2: {  	s29 =	simm.s32 $0x9;
	_ =	strace $0x8000004E  }
0xb3: {  	_ =	swait.ge [sflag:s29], $0x1  }
0xb4: {  	[sflag:s29] =	ssyncadd.s32 $0xFFFFFFFF  }
0xb5: {  	_ =	strace $0x9000004E  }
0xb6: {  	_ =	sfence  }
0xb7: {  	s30 =	sld [smem:$0x0];
	_ =	sdelay $0x2  }
0xb8: {  	s31 =	sshll.u32 s1, $0xD;
	s1 =	sshrl.u32 s1, $0x2  }
0xb9: {  	s3 =	sand.u32 $0x4000, s31;
	s1 =	sadd.s32 s1, s30  }
0xba: {  	s0 =	sor.u32 s3, s0;
	s1 =	sshll.u32 s1, $0x11  }
0xbb: {  	s0 =	sor.u32 s1, s0  }
0xbc: {  	s0 =	sadd.s32 $0x8F2B, s0  }
0xbd: {  	[sflag:s0] =	ssyncadd.remote.s32 $0x1  }
0xbe: {  	_ =	sfence.sel $0xFFFF  }
0xbf: {  	[dreg:$0x0] =	wrdreg $0xFFFFFFFF;
	(pc) =	sbr.abs _section_cstart, $3  }
0xc0: {  	[dreg:$0x1] =	wrdreg $0xFFFFFFFF  }
0xc1: {  	_ =	task.clear_ibuf [dreg:s6], $0x2FFFF;
	_ =	strace $0x9FFFFFFF  }
0xc2: {  	(tm) =	ssettm $0x7FFFFFFF  }
0xc3: {  	_ =	shalt  }
tec
execute0_lowered:
.L_overlay_start_1:
0x0: {  	(tag) =	ssettag $0x1  }
0x1: {  	s25 =	stileid.u32  }
0x2: {  	s8 =	smul.u32 $0x500, s25;
	s9 =	sor.u32 $0x10, s25  }
0x3: {  	s0 =	sor.u32 $0x20, s25;
	s10 =	smul.u32 $0x500, s9  }
0x4: {  	s6 =	sor.u32 $0x30, s25;
	s11 =	smul.u32 $0x500, s0  }
0x5: {  	s1 =	sor.u32 $0x40, s25;
	s13 =	smul.u32 $0x500, s6  }
0x6: {  	s3 =	sor.u32 $0x50, s25;
	s14 =	smul.u32 $0x500, s1  }
0x7: {  	s4 =	sor.u32 $0x60, s25;
	s16 =	smul.u32 $0x500, s3  }
0x8: {  	s2 =	srdreg.scid;
	s5 =	sor.u32 $0x70, s25;
	s17 =	smul.u32 $0x500, s4  }
0x9: {  	s7 =	rddreg [dreg:$0x0];
	s15 =	sand.u32 $0x1, s2;
	s20 =	smul.u32 $0x500, s5  }
0xa: {  	s12 =	sadd.s32 $0x2BA00, s7;
	s2 =	sshll.u32 s15, $0x4;
	s26 =	smul.u32 $0x2800, s9  }
0xb: {  	s21 =	sadd.s32 $0x35A00, s7;
	s9 =	smul.u32 $0xA000, s9;
	s19 =	sor.u32 s25, s2  }
0xc: {  	s23 =	sadd.s32 $0x3FA00, s7;
	s18 =	ssub.s32 $0x2, s15;
	s22 =	smul.u32 $0x500, s19  }
0xd: {  	s30 =	sshrl.u32 s18, $0x1;
	s8 =	sadd.s32 s23, s8;
	s31 =	smul.u32 $0x2800, s19  }
0xe: {  	s2 =	ssub.s32 s18, s30;
	[dreg:$0x3] =	wrdreg s8;
	s8 =	smul.u32 $0x138800, s15  }
0xf: {  	s10 =	sadd.s32 s23, s10;
	s11 =	sadd.s32 s23, s11;
	s30 =	smul.u32 $0x2800, s0  }
0x10: {  	s28 =	sadd.s32 s23, s17;
	s17 =	smul.u32 $0x2800, s6;
	[dreg:$0x4] =	wrdreg s10  }
0x11: {  	s15 =	sadd.s32 s23, s13;
	s0 =	smul.u32 $0xA000, s0;
	[dreg:$0x5] =	wrdreg s11  }
0x12: {  	s19 =	sadd.s32 s23, s14;
	s6 =	smul.u32 $0xA000, s6;
	[dreg:$0x6] =	wrdreg s15  }
0x13: {  	s24 =	sadd.s32 s23, s16;
	s10 =	smul.u32 $0x2800, s25;
	[dreg:$0x7] =	wrdreg s19  }
0x14: {  	p0 =	sgt.u32 s25, $0xC;
	[dreg:$0x8] =	wrdreg s24;
	s19 =	smul.u32 $0x2800, s1  }
0x15: {  	s29 =	sadd.s32 s23, s20;
	[dreg:$0x9] =	wrdreg s28;
	s24 =	smul.u32 $0x2800, s5  }
0x16: {  	s13 =	simm.s32 $0x0;
	[dreg:$0xa] =	wrdreg s29;
	s1 =	smul.u32 $0xA000, s1  }
0x17: {  	[smem:$0x7FF] =	sst s13;
	s5 =	smul.u32 $0xA000, s5;
	s2 =	smax.u32 s2, $0x1  }
0x18: {  	s31 =	sshrl.u32 s31, $0x3;
	s16 =	sadd.s32 s12, s22;
	s18 =	sadd.s32 s21, s22  }
0x19: {  	s11 =	sadd.s32 s8, s26;
	s22 =	smul.u32 $0x2800, s4;
	s23 =	sadd.s32 s8, s30  }
0x1a: {  	s15 =	sadd.s32 s8, s17;
	s26 =	sadd.s32 $0x66C00, s7;
	[dreg:$0xb] =	wrdreg s16  }
0x1b: {  	s0 =	sshrl.u32 s0, $0x2;
	[dreg:$0xc] =	wrdreg s18;
	s14 =	sadd.s32 $0x280, s31  }
0x1c: {  	s10 =	sadd.s32 s10, s8;
	s16 =	sadd.s32 s8, s19;
	s28 =	sshrl.u32 s11, $0x3  }
0x1d: {  	s29 =	sshrl.u32 s23, $0x3;
	s31 =	sshrl.u32 s15, $0x3;
	s19 =	smul.u32 $0xA000, s25  }
0x1e: {  	s23 =	sshrl.u32 s9, $0x2;
	s1 =	sshrl.u32 s1, $0x2;
	s9 =	simm.s32 $0x1  }
0x1f: {  	s12 =	sadd.s32 s12, s14;
	s20 =	sadd.s32 s21, s14;
	s21 =	smul.u32 $0x2800, s3  }
0x20: {  	s14 =	sadd.s32 s8, s22;
	s10 =	sshrl.u32 s10, $0x3;
	s22 =	rddreg [dreg:$0x1]  }
0x21: {  	s30 =	sadd.s32 s26, s29;
	s11 =	sshrl.u32 s16, $0x3;
	[dreg:$0xd] =	wrdreg s12  }
0x22: {  	s3 =	smul.u32 $0xA000, s3;
	s29 =	sshrl.u32 s6, $0x2;
	[dreg:$0xe] =	wrdreg s20  }
0x23: {  	s6 =	simm.s32 $0x2800;
	s10 =	sadd.s32 s26, s10;
	[dreg:$0x11] =	wrdreg s30  }
0x24: {  	s17 =	sshrl.u32 s14, $0x3;
	s20 =	sshrl.u32 s19, $0x2;
	s0 =	sadd.s32 s0, s22  }
0x25: {  	s1 =	sadd.s32 s1, s22;
	s14 =	simm.s32 $0x1380;
	s12 =	sadd.s32 s8, s21  }
0x26: {  	s8 =	sadd.s32 s8, s24;
	[dreg:$0xf] =	wrdreg s10;
	s10 =	sadd.s32 s26, s28  }
0x27: {  	s24 =	sadd.s32 $0x4400, s7;
	s21 =	sshll.u32 s25, $0x6;
	s7 =	sadd.s32 s20, s22  }
0x28: {  	s28 =	smul.u32 $0xA000, s4;
	s4 =	sadd.s32 s29, s22;
	s30 =	sshrl.u32 s3, $0x2  }
0x29: {  	s3 =	simm.s32 $0x3;
	[dreg:$0x10] =	wrdreg s10;
	s10 =	sadd.s32 s26, s31  }
0x2a: {  	s15 =	sshrl.u32 s12, $0x3;
	[dreg:$0x12] =	wrdreg s10;
	s10 =	sadd.s32 s26, s11  }
0x2b: {  	s8 =	sshrl.u32 s8, $0x3;
	s16 =	sadd.s32 s26, s15;
	[dreg:$0x13] =	wrdreg s10  }
0x2c: {  	s31 =	sshrl.u32 s5, $0x2;
	s8 =	sadd.s32 s26, s8;
	[dreg:$0x14] =	wrdreg s16  }
0x2d: {  	s5 =	simm.s32 $0x7D;
	s10 =	sadd.s32 s26, s17;
	[dreg:$0x16] =	wrdreg s8  }
0x2e: {  	s12 =	simm.s32 $0x1480;
	s11 =	simm.s32 $0x100;
	[dreg:$0x15] =	wrdreg s10  }
0x2f: {  	s15 =	simm.s32 $0x2700;
	_ =	strace $0x8000004D;
	[dreg:$0x17] =	wrdreg s7  }
0x30: {  	s26 =	sor.u32 $0x1C03, s21;
	s8 =	simm.s32 $0x6800;
	[dreg:$0x19] =	wrdreg s0  }
0x31: {  	s16 =	simm.s32 $0x2780;
	s17 =	simm.s32 $0x0;
	[dreg:$0x1a] =	wrdreg s4  }
0x32: {  	s10 =	simm.s32 $0x2;
	s7 =	sadd.s32 s23, s22;
	[dreg:$0x1b] =	wrdreg s1  }
0x33: {  	s1 =	sadd.s32 s30, s22;
	s0 =	sshrl.u32 s28, $0x2;
	[dreg:$0x18] =	wrdreg s7  }
0x34: {  	s4 =	simm.s32 $0x1400;
	[dreg:$0x1c] =	wrdreg s1;
	s0 =	sadd.s32 s0, s22  }
0x35: {  	s1 =	sadd.s32 s31, s22;
	s7 =	simm.s32 $0x80;
	[dreg:$0x1d] =	wrdreg s0  }
.LBB2_1:
0x36: {  	s0 =	rddreg [dreg:$0x17]  }
0x37: {  	s23 =	rddreg [dreg:$0x3];
	s18 =	sshrl.u32 s0, $0x3  }
0x38: {  	[spmem:s18], [sflag:s26] =	dma.local [hbm:s23], $0x500  }
0x39: {  	_ =	swait.ge [sflag:s3], $0x500  }
0x3a: {  	[sflag:s3] =	ssyncset.done $0x0;
	s25 =	rddreg [dreg:$0x18]  }
0x3b: {  	s19 =	rddreg [dreg:$0x4];
	[sflag:s3] =	ssyncadd.s32 $0xFFFFFB00;
	s20 =	sshrl.u32 s25, $0x3  }
0x3c: {  	[spmem:s20], [sflag:s26] =	dma.local [hbm:s19], $0x500  }
0x3d: {  	_ =	swait.ge [sflag:s3], $0x500  }
0x3e: {  	[sflag:s3] =	ssyncset.done $0x0;
	s21 =	rddreg [dreg:$0x19]  }
0x3f: {  	s23 =	rddreg [dreg:$0x5];
	[sflag:s3] =	ssyncadd.s32 $0xFFFFFB00;
	s21 =	sshrl.u32 s21, $0x3  }
0x40: {  	[spmem:s21], [sflag:s26] =	dma.local [hbm:s23], $0x500  }
0x41: {  	_ =	swait.ge [sflag:s3], $0x500  }
0x42: {  	[sflag:s3] =	ssyncset.done $0x0;
	s25 =	rddreg [dreg:$0x1a]  }
0x43: {  	s19 =	rddreg [dreg:$0x6];
	[sflag:s3] =	ssyncadd.s32 $0xFFFFFB00;
	s23 =	sshrl.u32 s25, $0x3  }
0x44: {  	[spmem:s23], [sflag:s26] =	dma.local [hbm:s19], $0x500  }
0x45: {  	_ =	swait.ge [sflag:s3], $0x500  }
0x46: {  	[sflag:s3] =	ssyncset.done $0x0;
	s25 =	rddreg [dreg:$0x1b]  }
0x47: {  	s19 =	rddreg [dreg:$0x7];
	[sflag:s3] =	ssyncadd.s32 $0xFFFFFB00;
	s25 =	sshrl.u32 s25, $0x3  }
0x48: {  	[spmem:s25], [sflag:s26] =	dma.local [hbm:s19], $0x500  }
0x49: {  	_ =	swait.ge [sflag:s3], $0x500  }
0x4a: {  	[sflag:s3] =	ssyncset.done $0x0;
	s19 =	rddreg [dreg:$0x1c]  }
0x4b: {  	[sflag:s3] =	ssyncadd.s32 $0xFFFFFB00;
	s28 =	sshrl.u32 s19, $0x3;
	s19 =	rddreg [dreg:$0x8]  }
0x4c: {  	[spmem:s28], [sflag:s26] =	dma.local [hbm:s19], $0x500  }
0x4d: {  	_ =	swait.ge [sflag:s3], $0x500  }
0x4e: {  	[sflag:s3] =	ssyncset.done $0x0;
	s19 =	rddreg [dreg:$0x1d]  }
0x4f: {  	[sflag:s3] =	ssyncadd.s32 $0xFFFFFB00;
	s29 =	sshrl.u32 s19, $0x3;
	s19 =	rddreg [dreg:$0x9]  }
0x50: {  	[spmem:s29], [sflag:s26] =	dma.local [hbm:s19], $0x500  }
0x51: {  	_ =	swait.ge [sflag:s3], $0x500  }
0x52: {  	s30 =	sshrl.u32 @!p0 s1, $0x3;
	[sflag:s3] =	ssyncset.done $0x0  }
0x53: {  	s19 =	simm.s32 @!p0 $0x3;
	s0 =	rddreg [dreg:$0xa];
	[sflag:s3] =	ssyncadd.s32 $0xFFFFFB00  }
0x54: {  	[spmem:s30], [sflag:s26] =	dma.local @!p0 [hbm:s0], $0x500  }
0x55: {  	_ =	swait.ge @!p0 [sflag:s19], $0x500  }
0x56: {  	[sflag:s19] =	ssyncset.done @!p0 $0x0  }
0x57: {  	[sflag:s19] =	ssyncadd.s32 @!p0 $0xFFFFFB00  }
0x58: {  	[bflag:$0x0] =	sbarrier.arrive $0xFFFF  }
0x59: {  	s19 =	rddreg [dreg:$0xb]  }
0x5a: {  	[tilespmem:s13], [sflag:$0x3] =	stream.linear.gather [hbm4b:s19+s13], $0x1400, $0x38;
	[tilespmem:$0x1E080] =	vst v63  }
0x5b: {  	_ =	swait.ge [sflag:s3], $0x1400  }
0x5c: {  	[sflag:s3] =	ssyncset.done $0x0  }
0x5d: {  	s19 =	rddreg [dreg:$0xc];
	[sflag:s3] =	ssyncadd.s32 $0xFFFFEC00  }
0x5e: {  	[tilespmem:s4], [sflag:$0x3] =	stream.linear.gather [hbm4b:s19+s13], $0x1400, $0x38;
	[tilespmem:$0x1E080] =	vst v63  }
0x5f: {  	_ =	swait.ge [sflag:s3], $0x1400  }
0x60: {  	[sflag:s3] =	ssyncset.done $0x0  }
0x61: {  	[sflag:s3] =	ssyncadd.s32 $0xFFFFEC00  }
0x62: {  	[tilespmem:s6], [sflag:$0x1] =	stream.indirect.gather [hbm4b:s24+s5], $0x80, s13, s5, $0xb8;
	[tilespmem:$0x1E080] =	vst v63  }
0x63: {  	_ = 	snop  }
0x64: {  	[tilespmem:s8], [sflag:$0x1] =	stream.indirect.gather [hbm4b:s24+s5], $0x80, s7, s5, $0xb8;
	[tilespmem:$0x1E080] =	vst v63  }
0x65: {  	_ =	swait.ge [sflag:s9], $0x3E80  }
0x66: {  	[sflag:s9] =	ssyncset.done $0x0  }
0x67: {  	[sflag:s9] =	ssyncadd.s32 $0xFFFFC180  }
0x68: {  	[spmem:s22] =	stream.indirect.scatter.add.f32 [tilespmem:s6], [sflag:$0x2], $0x80, s4, s5, $0xb8;
	[tilespmem:$0x1E080] =	vst v63  }
0x69: {  	_ =	swait.ge [sflag:s10], $0x3E80  }
0x6a: {  	[sflag:s10] =	ssyncset.done $0x0  }
0x6b: {  	[sflag:s10] =	ssyncadd.s32 $0xFFFFC180  }
0x6c: {  	[tilespmem:s6], [sflag:$0x1] =	stream.indirect.gather [hbm4b:s24+s5], $0x80, s11, s5, $0xb8;
	[tilespmem:$0x1E080] =	vst v63  }
0x6d: {  	_ =	swait.ge [sflag:s9], $0x3E80  }
0x6e: {  	[sflag:s9] =	ssyncset.done $0x0  }
0x6f: {  	[sflag:s9] =	ssyncadd.s32 $0xFFFFC180  }
0x70: {  	[spmem:s22] =	stream.indirect.scatter.add.f32 [tilespmem:s8], [sflag:$0x2], $0x80, s12, s5, $0xb8;
	[tilespmem:$0x1E080] =	vst v63  }
0x71: {  	_ =	swait.ge [sflag:s10], $0x3E80  }
0x72: {  	[sflag:s10] =	ssyncset.done $0x0  }
0x73: {  	s0 =	simm.s32 $0x180;
	[sflag:s10] =	ssyncadd.s32 $0xFFFFC180  }
0x74: {  	[tilespmem:s8], [sflag:$0x1] =	stream.indirect.gather [hbm4b:s24+s5], $0x80, s0, s5, $0xb8;
	[tilespmem:$0x1E080] =	vst v63  }
0x75: {  	_ =	swait.ge [sflag:s9], $0x3E80  }
0x76: {  	[sflag:s9] =	ssyncset.done $0x0  }
0x77: {  	s0 =	simm.s32 $0x1500;
	[sflag:s9] =	ssyncadd.s32 $0xFFFFC180  }
0x78: {  	[spmem:s22] =	stream.indirect.scatter.add.f32 [tilespmem:s6], [sflag:$0x2], $0x80, s0, s5, $0xb8;
	[tilespmem:$0x1E080] =	vst v63  }
0x79: {  	_ =	swait.ge [sflag:s10], $0x3E80  }
0x7a: {  	[sflag:s10] =	ssyncset.done $0x0  }
0x7b: {  	s0 =	simm.s32 $0x200;
	[sflag:s10] =	ssyncadd.s32 $0xFFFFC180  }
0x7c: {  	[tilespmem:s6], [sflag:$0x1] =	stream.indirect.gather [hbm4b:s24+s5], $0x80, s0, s5, $0xb8;
	[tilespmem:$0x1E080] =	vst v63  }
0x7d: {  	_ =	swait.ge [sflag:s9], $0x3E80  }
0x7e: {  	[sflag:s9] =	ssyncset.done $0x0  }
0x7f: {  	s31 =	simm.s32 $0xFFFFBC00;
	s19 =	simm.s32 $0x1580;
	[sflag:s9] =	ssyncadd.s32 $0xFFFFC180  }
.LBB2_2:
0x80: {  	[spmem:s22] =	stream.indirect.scatter.add.f32 [tilespmem:s8], [sflag:$0x2], $0x80, s19, s5, $0xb8;
	[tilespmem:$0x1E080] =	vst v63  }
0x81: {  	s19 =	smov.u32 s31  }
0x82: {  	p1 =	sne.s32 s31, $0xFFFFFC00;
	s31 =	sadd.s32 $0x400, s31;
	_ =	swait.ge [sflag:s10], $0x3E80  }
0x83: {  	s19 =	sshra.s32 s19, $0x2;
	[sflag:s10] =	ssyncset.done $0x0  }
0x84: {  	s0 =	sadd.s32 $0x1380, s19;
	[sflag:s10] =	ssyncadd.s32 $0xFFFFC180  }
0x85: {  	[tilespmem:s8], [sflag:$0x1] =	stream.indirect.gather [hbm4b:s24+s5], $0x80, s0, s5, $0xb8;
	[tilespmem:$0x1E080] =	vst v63  }
0x86: {  	_ =	swait.ge [sflag:s9], $0x3E80  }
0x87: {  	[sflag:s9] =	ssyncset.done $0x0  }
0x88: {  	s0 =	sadd.s32 $0x2700, s19;
	[sflag:s9] =	ssyncadd.s32 $0xFFFFC180  }
0x89: {  	[spmem:s22] =	stream.indirect.scatter.add.f32 [tilespmem:s6], [sflag:$0x2], $0x80, s0, s5, $0xb8;
	[tilespmem:$0x1E080] =	vst v63  }
0x8a: {  	_ =	swait.ge [sflag:s10], $0x3E80  }
0x8b: {  	[sflag:s10] =	ssyncset.done $0x0  }
.Ltmp0:
0x8c: {  	s0 =	sadd.s32 $0x1400, s19;
	[sflag:s10] =	ssyncadd.s32 $0xFFFFC180;
	(pc) =	sbr.rel @p1 .LBB2_2-.Ltmp0, $4  }
0x8d: {  	[tilespmem:s6], [sflag:$0x1] =	stream.indirect.gather [hbm4b:s24+s5], $0x80, s0, s5, $0xb8;
	[tilespmem:$0x1E080] =	vst v63  }
0x8e: {  	_ =	swait.ge [sflag:s9], $0x3E80  }
0x8f: {  	[sflag:s9] =	ssyncset.done $0x0  }
0x90: {  	s19 =	sadd.s32 $0x2780, s19;
	[sflag:s9] =	ssyncadd.s32 $0xFFFFC180  }
0x91: {  	[spmem:s22] =	stream.indirect.scatter.add.f32 [tilespmem:s8], [sflag:$0x2], $0x80, s19, s5, $0xb8;
	[tilespmem:$0x1E080] =	vst v63  }
0x92: {  	_ =	swait.ge [sflag:s10], $0x3E80  }
0x93: {  	[sflag:s10] =	ssyncset.done $0x0  }
0x94: {  	[sflag:s10] =	ssyncadd.s32 $0xFFFFC180  }
0x95: {  	[tilespmem:s8], [sflag:$0x1] =	stream.indirect.gather [hbm4b:s24+s5], $0x80, s14, s5, $0xb8;
	[tilespmem:$0x1E080] =	vst v63  }
0x96: {  	_ =	swait.ge [sflag:s9], $0x3E80  }
0x97: {  	[sflag:s9] =	ssyncset.done $0x0  }
0x98: {  	[sflag:s9] =	ssyncadd.s32 $0xFFFFC180  }
0x99: {  	[spmem:s22] =	stream.indirect.scatter.add.f32 [tilespmem:s6], [sflag:$0x2], $0x80, s15, s5, $0xb8;
	[tilespmem:$0x1E080] =	vst v63  }
0x9a: {  	_ =	swait.ge [sflag:s10], $0x3E80  }
0x9b: {  	[sflag:s10] =	ssyncset.done $0x0  }
0x9c: {  	[sflag:s10] =	ssyncadd.s32 $0xFFFFC180  }
0x9d: {  	_ =	swait.ge [sflag:s9], $0x3E80  }
0x9e: {  	[sflag:s9] =	ssyncset.done $0x0  }
0x9f: {  	[sflag:s9] =	ssyncadd.s32 $0xFFFFC180  }
0xa0: {  	[spmem:s22] =	stream.indirect.scatter.add.f32 [tilespmem:s8], [sflag:$0x2], $0x80, s16, s5, $0xb8;
	[tilespmem:$0x1E080] =	vst v63  }
0xa1: {  	_ =	swait.ge [sflag:s10], $0x3E80  }
0xa2: {  	[sflag:s10] =	ssyncset.done $0x0  }
0xa3: {  	s0 =	rddreg [dreg:$0xd];
	[sflag:s10] =	ssyncadd.s32 $0xFFFFC180  }
0xa4: {  	[tilespmem:s13], [sflag:$0x3] =	stream.linear.gather [hbm4b:s0+s13], $0x1400, $0x38;
	[tilespmem:$0x1E080] =	vst v63  }
0xa5: {  	_ =	swait.ge [sflag:s3], $0x1400  }
0xa6: {  	[sflag:s3] =	ssyncset.done $0x0  }
0xa7: {  	s19 =	rddreg [dreg:$0xe];
	[sflag:s3] =	ssyncadd.s32 $0xFFFFEC00  }
0xa8: {  	[tilespmem:s4], [sflag:$0x3] =	stream.linear.gather [hbm4b:s19+s13], $0x1400, $0x38;
	[tilespmem:$0x1E080] =	vst v63  }
0xa9: {  	_ =	swait.ge [sflag:s3], $0x1400  }
0xaa: {  	[sflag:s3] =	ssyncset.done $0x0  }
0xab: {  	[sflag:s3] =	ssyncadd.s32 $0xFFFFEC00  }
0xac: {  	[tilespmem:s6], [sflag:$0x1] =	stream.indirect.gather [hbm4b:s24+s5], $0x80, s13, s5, $0xb8;
	[tilespmem:$0x1E080] =	vst v63  }
0xad: {  	_ = 	snop  }
0xae: {  	[tilespmem:s8], [sflag:$0x1] =	stream.indirect.gather [hbm4b:s24+s5], $0x80, s7, s5, $0xb8;
	[tilespmem:$0x1E080] =	vst v63  }
0xaf: {  	_ =	swait.ge [sflag:s9], $0x3E80  }
0xb0: {  	[sflag:s9] =	ssyncset.done $0x0  }
0xb1: {  	[sflag:s9] =	ssyncadd.s32 $0xFFFFC180  }
0xb2: {  	[spmem:s22] =	stream.indirect.scatter.add.f32 [tilespmem:s6], [sflag:$0x2], $0x80, s4, s5, $0xb8;
	[tilespmem:$0x1E080] =	vst v63  }
0xb3: {  	_ =	swait.ge [sflag:s10], $0x3E80  }
0xb4: {  	[sflag:s10] =	ssyncset.done $0x0  }
0xb5: {  	[sflag:s10] =	ssyncadd.s32 $0xFFFFC180  }
0xb6: {  	[tilespmem:s6], [sflag:$0x1] =	stream.indirect.gather [hbm4b:s24+s5], $0x80, s11, s5, $0xb8;
	[tilespmem:$0x1E080] =	vst v63  }
0xb7: {  	_ =	swait.ge [sflag:s9], $0x3E80  }
0xb8: {  	[sflag:s9] =	ssyncset.done $0x0  }
0xb9: {  	[sflag:s9] =	ssyncadd.s32 $0xFFFFC180  }
0xba: {  	[spmem:s22] =	stream.indirect.scatter.add.f32 [tilespmem:s8], [sflag:$0x2], $0x80, s12, s5, $0xb8;
	[tilespmem:$0x1E080] =	vst v63  }
0xbb: {  	_ =	swait.ge [sflag:s10], $0x3E80  }
0xbc: {  	[sflag:s10] =	ssyncset.done $0x0  }
0xbd: {  	s19 =	simm.s32 $0x180;
	[sflag:s10] =	ssyncadd.s32 $0xFFFFC180  }
0xbe: {  	[tilespmem:s8], [sflag:$0x1] =	stream.indirect.gather [hbm4b:s24+s5], $0x80, s19, s5, $0xb8;
	[tilespmem:$0x1E080] =	vst v63  }
0xbf: {  	_ =	swait.ge [sflag:s9], $0x3E80  }
0xc0: {  	[sflag:s9] =	ssyncset.done $0x0  }
0xc1: {  	s19 =	simm.s32 $0x1500;
	[sflag:s9] =	ssyncadd.s32 $0xFFFFC180  }
0xc2: {  	[spmem:s22] =	stream.indirect.scatter.add.f32 [tilespmem:s6], [sflag:$0x2], $0x80, s19, s5, $0xb8;
	[tilespmem:$0x1E080] =	vst v63  }
0xc3: {  	_ =	swait.ge [sflag:s10], $0x3E80  }
0xc4: {  	[sflag:s10] =	ssyncset.done $0x0  }
0xc5: {  	s19 =	simm.s32 $0x200;
	[sflag:s10] =	ssyncadd.s32 $0xFFFFC180  }
0xc6: {  	[tilespmem:s6], [sflag:$0x1] =	stream.indirect.gather [hbm4b:s24+s5], $0x80, s19, s5, $0xb8;
	[tilespmem:$0x1E080] =	vst v63  }
0xc7: {  	_ =	swait.ge [sflag:s9], $0x3E80  }
0xc8: {  	[sflag:s9] =	ssyncset.done $0x0  }
0xc9: {  	s31 =	simm.s32 $0xFFFFBC00;
	s19 =	simm.s32 $0x1580;
	[sflag:s9] =	ssyncadd.s32 $0xFFFFC180  }
.LBB2_4:
0xca: {  	[spmem:s22] =	stream.indirect.scatter.add.f32 [tilespmem:s8], [sflag:$0x2], $0x80, s19, s5, $0xb8;
	[tilespmem:$0x1E080] =	vst v63  }
0xcb: {  	s0 =	smov.u32 s31  }
0xcc: {  	p1 =	sne.s32 s31, $0xFFFFFC00;
	s31 =	sadd.s32 $0x400, s31;
	_ =	swait.ge [sflag:s10], $0x3E80  }
0xcd: {  	s0 =	sshra.s32 s0, $0x2;
	[sflag:s10] =	ssyncset.done $0x0  }
0xce: {  	s19 =	sadd.s32 $0x1380, s0;
	[sflag:s10] =	ssyncadd.s32 $0xFFFFC180  }
0xcf: {  	[tilespmem:s8], [sflag:$0x1] =	stream.indirect.gather [hbm4b:s24+s5], $0x80, s19, s5, $0xb8;
	[tilespmem:$0x1E080] =	vst v63  }
0xd0: {  	_ =	swait.ge [sflag:s9], $0x3E80  }
0xd1: {  	[sflag:s9] =	ssyncset.done $0x0  }
0xd2: {  	s19 =	sadd.s32 $0x2700, s0;
	[sflag:s9] =	ssyncadd.s32 $0xFFFFC180  }
0xd3: {  	[spmem:s22] =	stream.indirect.scatter.add.f32 [tilespmem:s6], [sflag:$0x2], $0x80, s19, s5, $0xb8;
	[tilespmem:$0x1E080] =	vst v63  }
0xd4: {  	_ =	swait.ge [sflag:s10], $0x3E80  }
0xd5: {  	[sflag:s10] =	ssyncset.done $0x0  }
.Ltmp1:
0xd6: {  	s19 =	sadd.s32 $0x1400, s0;
	[sflag:s10] =	ssyncadd.s32 $0xFFFFC180;
	(pc) =	sbr.rel @p1 .LBB2_4-.Ltmp1, $4  }
0xd7: {  	[tilespmem:s6], [sflag:$0x1] =	stream.indirect.gather [hbm4b:s24+s5], $0x80, s19, s5, $0xb8;
	[tilespmem:$0x1E080] =	vst v63  }
0xd8: {  	_ =	swait.ge [sflag:s9], $0x3E80  }
0xd9: {  	[sflag:s9] =	ssyncset.done $0x0  }
0xda: {  	s19 =	sadd.s32 $0x2780, s0;
	[sflag:s9] =	ssyncadd.s32 $0xFFFFC180  }
0xdb: {  	[spmem:s22] =	stream.indirect.scatter.add.f32 [tilespmem:s8], [sflag:$0x2], $0x80, s19, s5, $0xb8;
	[tilespmem:$0x1E080] =	vst v63  }
0xdc: {  	_ =	swait.ge [sflag:s10], $0x3E80  }
0xdd: {  	[sflag:s10] =	ssyncset.done $0x0  }
0xde: {  	[sflag:s10] =	ssyncadd.s32 $0xFFFFC180  }
0xdf: {  	[tilespmem:s8], [sflag:$0x1] =	stream.indirect.gather [hbm4b:s24+s5], $0x80, s14, s5, $0xb8;
	[tilespmem:$0x1E080] =	vst v63  }
0xe0: {  	_ =	swait.ge [sflag:s9], $0x3E80  }
0xe1: {  	[sflag:s9] =	ssyncset.done $0x0  }
0xe2: {  	[sflag:s9] =	ssyncadd.s32 $0xFFFFC180  }
0xe3: {  	[spmem:s22] =	stream.indirect.scatter.add.f32 [tilespmem:s6], [sflag:$0x2], $0x80, s15, s5, $0xb8;
	[tilespmem:$0x1E080] =	vst v63  }
0xe4: {  	_ =	swait.ge [sflag:s10], $0x3E80  }
0xe5: {  	[sflag:s10] =	ssyncset.done $0x0  }
0xe6: {  	[sflag:s10] =	ssyncadd.s32 $0xFFFFC180  }
0xe7: {  	_ =	swait.ge [sflag:s9], $0x3E80  }
0xe8: {  	[sflag:s9] =	ssyncset.done $0x0  }
0xe9: {  	[sflag:s9] =	ssyncadd.s32 $0xFFFFC180  }
0xea: {  	[spmem:s22] =	stream.indirect.scatter.add.f32 [tilespmem:s8], [sflag:$0x2], $0x80, s16, s5, $0xb8;
	[tilespmem:$0x1E080] =	vst v63  }
0xeb: {  	_ =	swait.ge [sflag:s10], $0x3E80  }
0xec: {  	[sflag:s10] =	ssyncset.done $0x0  }
0xed: {  	[sflag:s10] =	ssyncadd.s32 $0xFFFFC180  }
0xee: {  	[bflag:$0x0] =	sbarrier.arrive $0xFFFF  }
0xef: {  	s0 =	rddreg [dreg:$0xf]  }
0xf0: {  	[hbm:s0], [sflag:s26] =	dma.local [spmem:s18], $0x500  }
0xf1: {  	_ =	swait.ge [sflag:s3], $0x500  }
0xf2: {  	[sflag:s3] =	ssyncset.done $0x0  }
0xf3: {  	s19 =	rddreg [dreg:$0x10];
	[sflag:s3] =	ssyncadd.s32 $0xFFFFFB00  }
0xf4: {  	[hbm:s19], [sflag:s26] =	dma.local [spmem:s20], $0x500  }
0xf5: {  	_ =	swait.ge [sflag:s3], $0x500  }
0xf6: {  	[sflag:s3] =	ssyncset.done $0x0  }
0xf7: {  	s20 =	rddreg [dreg:$0x11];
	[sflag:s3] =	ssyncadd.s32 $0xFFFFFB00  }
0xf8: {  	[hbm:s20], [sflag:s26] =	dma.local [spmem:s21], $0x500  }
0xf9: {  	_ =	swait.ge [sflag:s3], $0x500  }
0xfa: {  	[sflag:s3] =	ssyncset.done $0x0  }
0xfb: {  	s21 =	rddreg [dreg:$0x12];
	[sflag:s3] =	ssyncadd.s32 $0xFFFFFB00  }
0xfc: {  	[hbm:s21], [sflag:s26] =	dma.local [spmem:s23], $0x500  }
0xfd: {  	_ =	swait.ge [sflag:s3], $0x500  }
0xfe: {  	[sflag:s3] =	ssyncset.done $0x0  }
0xff: {  	s23 =	rddreg [dreg:$0x13];
	[sflag:s3] =	ssyncadd.s32 $0xFFFFFB00  }
0x100: {  	[hbm:s23], [sflag:s26] =	dma.local [spmem:s25], $0x500  }
0x101: {  	_ =	swait.ge [sflag:s3], $0x500  }
0x102: {  	[sflag:s3] =	ssyncset.done $0x0  }
0x103: {  	s25 =	rddreg [dreg:$0x14];
	[sflag:s3] =	ssyncadd.s32 $0xFFFFFB00  }
0x104: {  	[hbm:s25], [sflag:s26] =	dma.local [spmem:s28], $0x500  }
0x105: {  	_ =	swait.ge [sflag:s3], $0x500  }
0x106: {  	[sflag:s3] =	ssyncset.done $0x0  }
0x107: {  	s31 =	rddreg [dreg:$0x15];
	[sflag:s3] =	ssyncadd.s32 $0xFFFFFB00  }
0x108: {  	[hbm:s31], [sflag:s26] =	dma.local [spmem:s29], $0x500  }
0x109: {  	_ =	swait.ge [sflag:s3], $0x500  }
0x10a: {  	s17 =	sadd.s32 $0x1, s17;
	[sflag:s3] =	ssyncset.done $0x0  }
0x10b: {  	p1 =	sne.s32 s17, s2;
	s0 =	rddreg [dreg:$0x16];
	[sflag:s3] =	ssyncadd.s32 $0xFFFFFB00  }
0x10c: {  	[hbm:s0], [sflag:s26] =	dma.local @!p0 [spmem:s30], $0x500  }
.Ltmp2:
0x10d: {  	_ = 	snop;
	(pc) =	sbr.rel @p1 .LBB2_1-.Ltmp2, $4  }
0x10e: {  	s0 =	simm.s32 @!p0 $0x3  }
0x10f: {  	_ =	swait.ge @!p0 [sflag:s0], $0x500  }
0x110: {  	[sflag:s0] =	ssyncset.done @!p0 $0x0  }
0x111: {  	[sflag:s0] =	ssyncadd.s32 @!p0 $0xFFFFFB00  }
0x112: {  	_ =	sfence.sel $0x180000  }
0x113: {  	[bflag:$0x0] =	sbarrier.arrive $0xFFFF  }
0x114: {  	_ =	strace $0x9000004D  }
0x115: {  	s0 =	stileid.u32;
	[bflag:$0x2] =	sbarrier.arrive $0xFFFF  }
0x116: {  	p0 =	sne.s32 s0, $0x0;
	s0 =	rddreg [dreg:$0x2]  }
0x117: {  	s0 =	sadd.s32 @!p0 $0x100000, s0  }
0x118: {  	[sflag:s0] =	ssyncadd.tile.s32 @!p0 $0x1;
	_ =	shalt  }
.Lfunc_end2:
_tile_overlayer_lowered:
.L_overlay_start_2:
0x119: {  	(tag) =	ssettag $0x2  }
0x11a: {  	s0 =	rddreg [dreg:$0x0];
	s2 =	stileid.u32  }
0x11b: {  	s1 =	rddreg [dreg:$0x1];
	p0 =	sne.s32 s2, $0x0  }
0x11c: {  	s3 =	rddreg [dreg:$0x2];
	[bflag:$0x3] =	sbarrier.arrive $0xFFFF;
	s2 =	simm.s32 @!p0 $0x1C03  }
0x11d: {  	[timem:s3], [sflag:s2] =	dma.local @!p0 [hbm:s0], s1  }
0x11e: {  	s0 =	simm.s32 @!p0 $0x3  }
0x11f: {  	_ =	swait.ge @!p0 [sflag:s0], s1  }
0x120: {  	s1 =	ssub.s32 @!p0 $0x0, s1;
	[sflag:s0] =	ssyncset.done @!p0 $0x0  }
0x121: {  	[sflag:s0] =	ssyncadd.s32 @!p0 s1  }
0x122: {  	[bflag:$0x3] =	sbarrier.arrive $0xFFFF  }
0x123: {  	_ =	shalt  }

// kernel: kernel.19.cloned.1.call-start
scs
__scs_entry_jumppad:
0x0: {  	(pc) =	sbr.rel $0x88, $3  }
0x1: {  	(tag) =	ssettag $0x0;
	lr =	simm.s32 $0x1  }
0x2: {  	[smem:$0x3F92] =	sst lr;
	_ =	strace $0xD0000000  }
0x3: {  	_ = 	snop  }
0x4: {  	_ = 	snop  }
0x5: {  	_ = 	snop  }
0x6: {  	_ = 	snop  }
0x7: {  	_ = 	snop  }
__scs_overlays_trampoline_lowered:
0x8: {  	[smem:$0x3FA1] =	sst s0  }
0x9: {  	[smem:$0x3FA2] =	sst s1  }
0xa: {  	[smem:$0x3FA3] =	sst s2  }
0xb: {  	[smem:$0x3FA4] =	sst s3  }
0xc: {  	[smem:$0x3FA5] =	sst s4  }
0xd: {  	[smem:$0x3FA6] =	sst s5  }
0xe: {  	[smem:$0x3FA7] =	sst s6  }
0xf: {  	[smem:$0x3FA8] =	sst s7  }
0x10: {  	[smem:$0x3FA9] =	sst s8  }
0x11: {  	[smem:$0x3FAA] =	sst s9;
	s0 =	simm.s32 @!p0 $0x0  }
0x12: {  	s1 =	sld [smem:$0x3F90];
	s0 =	simm.s32 @p0 $0x1  }
0x13: {  	[smem:$0x3FAB] =	sst s0;
	s0 =	simm.s32 @!p1 $0x0  }
0x14: {  	s2 =	sld [smem:$0x3F8F];
	s0 =	simm.s32 @p1 $0x1  }
0x15: {  	[smem:$0x3FAC] =	sst s0;
	s0 =	simm.s32 @!p2 $0x0  }
0x16: {  	s3 =	sld [smem:$0x3FDB];
	s0 =	simm.s32 @p2 $0x1  }
0x17: {  	s4 =	simm.s32 $0x1BF5;
	[smem:$0x3FAE] =	sst s0  }
0x18: {  	s0 =	sld [smem:$0x3F91];
	_ =	swait.ge [sflag:s4], $0x0  }
0x19: {  	s7 =	sld [smem:$0x3F92]  }
0x1a: {  	s8 =	sadd.s32 $0xFFFFE003, lr  }
0x1b: {  	s9 =	sadd.s32 $0xFFFFFEF7, lr;
	s5 =	simm.s32 $0xFFFFFFFF;
	p2 =	slt.u32 s8, $0xFFFFF086  }
0x1c: {  	p1 =	slt.u32 s9, $0xF7A;
	s5 =	simm.s32 @!p2 $0x0  }
0x1d: {  	s5 =	simm.s32 @p1 $0x1;
	p0 =	seq.s32 s7, s2  }
0x1e: {  	s7 =	smul.u32 @!p0 $0xF7A, s2;
	p2 =	seq.s32 @!p0 s5, $0x0  }
0x1f: {  	s9 =	smul.u32 $0xF7A, s1;
	s8 =	simm.s32 @!p0 $0x1BF5;
	p2 =	por !p2, p0  }
0x20: {  	[sflag:s8] =	ssyncset.s32 @!p0 $0xFFFFF086;
	s6 =	sadd.s32 @!p0 s3, s7;
	s7 =	simm.s32 @!p0 $0x108  }
0x21: {  	s3 =	sadd.s32 s3, s9;
	s6 =	sadd.s32 @!p0 $0x88, s6;
	s7 =	simm.s32 @p2 $0x1082  }
0x22: {  	[simem:s7], [sflag:s8] =	dma.local @!p0 [hbm:s6], $0xF7A  }
0x23: {  	s9 =	sor.u32 $0xD0000000, s2;
	s6 =	simm.s32 $0x108;
	_ =	swait.ge @!p0 [sflag:s8], $0x0  }
0x24: {  	s3 =	sadd.s32 $0x88, s3;
	s6 =	simm.s32 @!p1 $0x1082;
	[sflag:s4] =	ssyncset.s32 $0xFFFFF086  }
0x25: {  	[simem:s6], [sflag:s4] =	dma.local [hbm:s3], $0xF7A  }
0x26: {  	[smem:$0x3F92] =	sst s1;
	(tag) =	ssettag s2;
	_ =	strace s9  }
0x27: {  	s1 =	sld [smem:$0x3FA2]  }
0x28: {  	s2 =	sld [smem:$0x3FA3]  }
0x29: {  	s4 =	sld [smem:$0x3FA5]  }
0x2a: {  	p0 =	seq.s32 s5, $0x0;
	s5 =	sld [smem:$0x3FA6]  }
0x2b: {  	s6 =	sld [smem:$0x3FA7]  }
0x2c: {  	s7 =	sld [smem:$0x3FA8]  }
0x2d: {  	s3 =	simm.s32 $0x108;
	s8 =	sld [smem:$0x3FA9]  }
0x2e: {  	s3 =	simm.s32 @!p0 $0x1082;
	s9 =	sld [smem:$0x3FAA]  }
0x2f: {  	lr =	sadd.s32 s0, s3;
	s0 =	sld [smem:$0x3FA1]  }
0x30: {  	s3 =	sld [smem:$0x3FA4]  }
0x31: {  	[smem:$0x3FAD] =	sst s10  }
0x32: {  	s10 =	sld [smem:$0x3FAB];
	_ =	sdelay $0x3  }
0x33: {  	p0 =	seq.s32 s10, $0x1;
	s10 =	sld [smem:$0x3FAD];
	_ =	sdelay $0x3  }
0x34: {  	[smem:$0x3FAD] =	sst s10  }
0x35: {  	s10 =	sld [smem:$0x3FAC];
	_ =	sdelay $0x3  }
0x36: {  	p1 =	seq.s32 s10, $0x1;
	s10 =	sld [smem:$0x3FAD];
	_ =	sdelay $0x3  }
0x37: {  	[smem:$0x3FAD] =	sst s10  }
0x38: {  	s10 =	sld [smem:$0x3FAE]  }
0x39: {  	_ = 	snop;
	(pc) =	sbr.ind lr, $3  }
0x3a: {  	_ = 	snop  }
0x3b: {  	_ = 	snop  }
0x3c: {  	p2 =	seq.s32 s10, $0x1;
	s10 =	sld [smem:$0x3FAD]  }
0x3d: {  	_ =	shalt  }
0x3e: {  	_ =	shalt  }
0x3f: {  	_ =	shalt  }
0x40: {  	_ =	shalt  }
0x41: {  	_ =	shalt  }
0x42: {  	_ =	shalt  }
0x43: {  	_ =	shalt  }
0x44: {  	_ =	shalt  }
0x45: {  	_ =	shalt  }
0x46: {  	_ =	shalt  }
0x47: {  	_ =	shalt  }
0x48: {  	_ =	shalt  }
0x49: {  	_ =	shalt  }
0x4a: {  	_ =	shalt  }
0x4b: {  	_ =	shalt  }
0x4c: {  	_ =	shalt  }
0x4d: {  	_ =	shalt  }
0x4e: {  	_ =	shalt  }
0x4f: {  	_ =	shalt  }
0x50: {  	_ =	shalt  }
0x51: {  	_ =	shalt  }
0x52: {  	_ =	shalt  }
0x53: {  	_ =	shalt  }
0x54: {  	_ =	shalt  }
0x55: {  	_ =	shalt  }
0x56: {  	_ =	shalt  }
0x57: {  	_ =	shalt  }
0x58: {  	_ =	shalt  }
0x59: {  	_ =	shalt  }
0x5a: {  	_ =	shalt  }
0x5b: {  	_ =	shalt  }
0x5c: {  	_ =	shalt  }
0x5d: {  	_ =	shalt  }
0x5e: {  	_ =	shalt  }
0x5f: {  	_ =	shalt  }
0x60: {  	_ =	shalt  }
0x61: {  	_ =	shalt  }
0x62: {  	_ =	shalt  }
0x63: {  	_ =	shalt  }
0x64: {  	_ =	shalt  }
0x65: {  	_ =	shalt  }
0x66: {  	_ =	shalt  }
0x67: {  	_ =	shalt  }
0x68: {  	_ =	shalt  }
0x69: {  	_ =	shalt  }
0x6a: {  	_ =	shalt  }
0x6b: {  	_ =	shalt  }
0x6c: {  	_ =	shalt  }
0x6d: {  	_ =	shalt  }
0x6e: {  	_ =	shalt  }
0x6f: {  	_ =	shalt  }
0x70: {  	_ =	shalt  }
0x71: {  	_ =	shalt  }
0x72: {  	_ =	shalt  }
0x73: {  	_ =	shalt  }
0x74: {  	_ =	shalt  }
0x75: {  	_ =	shalt  }
0x76: {  	_ =	shalt  }
0x77: {  	_ =	shalt  }
0x78: {  	_ =	shalt  }
0x79: {  	_ =	shalt  }
0x7a: {  	_ =	shalt  }
0x7b: {  	_ =	shalt  }
0x7c: {  	_ =	shalt  }
0x7d: {  	_ =	shalt  }
0x7e: {  	_ =	shalt  }
0x7f: {  	_ =	shalt  }
0x80: {  	_ =	shalt  }
0x81: {  	_ =	shalt  }
0x82: {  	_ =	shalt  }
0x83: {  	_ =	shalt  }
0x84: {  	_ =	shalt  }
0x85: {  	_ =	shalt  }
0x86: {  	_ =	shalt  }
0x87: {  	_ =	shalt  }
.Lfunc_end0:
.L_simem_size_0:
called_computation.3_lowered:
.L_overlay_start_0:
0x88: {  	s2 =	sld [smem:$0x3FD9]  }
0x89: {  	s3 =	sld [smem:$0x3FFE];
	_ =	sdelay $0x1  }
0x8a: {  	s1 =	srdreg.scid  }
0x8b: {  	s0 =	sand.u32 $0x1, s1  }
0x8c: {  	s16 =	sshll.u32 s0, $0xA;
	s2 =	sadd.s32 s3, s2  }
0x8d: {  	s2 =	sadd.s32 s2, s16  }
0x8e: {  	[smem:$0x3FB9] =	sst s2  }
0x8f: {  	_ = 	snop  }
0x90: {  	(tm) =	ssettm $0x1  }
0x91: {  	s17 =	sld [smem:$0x3FFB];
	_ =	sdelay $0x3  }
0x92: {  	_ =	strace s17  }
0x93: {  	s2 =	sld [smem:$0x3FFC];
	_ =	sdelay $0x3  }
0x94: {  	_ =	strace s2  }
0x95: {  	s2 =	sld [smem:$0x3FFD];
	_ =	sdelay $0x3  }
0x96: {  	_ =	strace s2  }
0x97: {  	_ =	strace $0x8FFFFFFF  }
0x98: {  	s18 =	sld [smem:$0x3FDB];
	_ =	sdelay $0x1  }
0x99: {  	s19 =	simm.s32 $_scs_section_size  }
0x9a: {  	s4 =	simm.s32 $_size__tile_overlayer_lowered;
	s5 =	simm.s32 $_tile_overlayer_lowered  }
0x9b: {  	s22 =	simm.s32 $0x1BFF;
	s21 =	sshll.u32 s5, $0x1;
	s2 =	sadd.s32 s19, s18  }
0x9c: {  	s6 =	simm.s32 $0x0;
	s20 =	sshll.u32 s4, $0x1;
	s4 =	sadd.s32 s21, s2  }
0x9d: {  	[timem:s6], [sflag:s22] =	dma.local [hbm:s4], s20  }
0x9e: {  	_ =	swait.ge [sflag:s22], s20  }
0x9f: {  	s3 =	ssub.s32 $0x0, s20;
	[sflag:s22] =	ssyncset.done $0x0  }
0xa0: {  	[sflag:s22] =	ssyncadd.s32 s3;
	_ =	sdelay $0x1  }
0xa1: {  	s23 =	simm.s32 $0x1B8B  }
0xa2: {  	_ =	swait.ge [sflag:s23], $0x1  }
0xa3: {  	[sflag:s23] =	ssyncset.done $0x0  }
0xa4: {  	s25 =	simm.s32 $0x1B8E;
	s24 =	sld [smem:$0x3FFE];
	[sflag:s23] =	ssyncadd.s32 $0xFFFFFFFF  }
0xa5: {  	s26 =	simm.s32 $execute0_lowered;
	[smem:$0x3FD2] =	sst s25  }
0xa6: {  	s4 =	sshll.u32 s26, $0x1;
	_ =	strace $0x8000004F;
	[dreg:$0x1] =	wrdreg $0xFFFFFFFF  }
0xa7: {  	s28 =	simm.s32 $_size_execute0_lowered;
	s2 =	sadd.s32 s2, s4;
	[dreg:$0x0] =	wrdreg $0x0  }
0xa8: {  	s4 =	sshll.u32 s28, $0x1;
	[dreg:$0x2] =	wrdreg s2  }
0xa9: {  	[dreg:$0x3] =	wrdreg s4  }
0xaa: {  	[dreg:$0x4] =	wrdreg $0xC0  }
0xab: {  	_ =	task [dreg:s6], $0x5FFFF  }
0xac: {  	[dreg:$0x1] =	wrdreg $0xFFFFFFFF  }
0xad: {  	[dreg:$0x0] =	wrdreg $0x60  }
0xae: {  	[dreg:$0x2] =	wrdreg s24  }
0xaf: {  	[dreg:$0x3] =	wrdreg $0xA8000  }
0xb0: {  	[dreg:$0x4] =	wrdreg $0x9  }
0xb1: {  	_ =	task.clear_ibuf [dreg:s6], $0x5FFFF;
	_ =	strace $0x9000004F  }
0xb2: {  	s29 =	simm.s32 $0x9;
	_ =	strace $0x80000051  }
0xb3: {  	_ =	swait.ge [sflag:s29], $0x1  }
0xb4: {  	[sflag:s29] =	ssyncadd.s32 $0xFFFFFFFF  }
0xb5: {  	_ =	strace $0x90000051  }
0xb6: {  	_ =	sfence  }
0xb7: {  	s30 =	sld [smem:$0x0];
	_ =	sdelay $0x2  }
0xb8: {  	s31 =	sshll.u32 s1, $0xD;
	s1 =	sshrl.u32 s1, $0x2  }
0xb9: {  	s3 =	sand.u32 $0x4000, s31;
	s1 =	sadd.s32 s1, s30  }
0xba: {  	s0 =	sor.u32 s3, s0;
	s1 =	sshll.u32 s1, $0x11  }
0xbb: {  	s0 =	sor.u32 s1, s0  }
0xbc: {  	s0 =	sadd.s32 $0x8F2B, s0  }
0xbd: {  	[sflag:s0] =	ssyncadd.remote.s32 $0x1  }
0xbe: {  	_ =	sfence.sel $0xFFFF  }
0xbf: {  	[dreg:$0x0] =	wrdreg $0xFFFFFFFF;
	(pc) =	sbr.abs _section_cstart, $3  }
0xc0: {  	[dreg:$0x1] =	wrdreg $0xFFFFFFFF  }
0xc1: {  	_ =	task.clear_ibuf [dreg:s6], $0x2FFFF;
	_ =	strace $0x9FFFFFFF  }
0xc2: {  	(tm) =	ssettm $0x7FFFFFFF  }
0xc3: {  	_ =	shalt  }
tec
execute0_lowered:
.L_overlay_start_1:
0x0: {  	(tag) =	ssettag $0x1  }
0x1: {  	s25 =	stileid.u32  }
0x2: {  	s8 =	smul.u32 $0x500, s25;
	s9 =	sor.u32 $0x10, s25  }
0x3: {  	s0 =	sor.u32 $0x20, s25;
	s10 =	smul.u32 $0x500, s9  }
0x4: {  	s6 =	sor.u32 $0x30, s25;
	s11 =	smul.u32 $0x500, s0  }
0x5: {  	s1 =	sor.u32 $0x40, s25;
	s13 =	smul.u32 $0x500, s6  }
0x6: {  	s3 =	sor.u32 $0x50, s25;
	s14 =	smul.u32 $0x500, s1  }
0x7: {  	s4 =	sor.u32 $0x60, s25;
	s16 =	smul.u32 $0x500, s3  }
0x8: {  	s2 =	srdreg.scid;
	s5 =	sor.u32 $0x70, s25;
	s17 =	smul.u32 $0x500, s4  }
0x9: {  	s7 =	rddreg [dreg:$0x0];
	s15 =	sand.u32 $0x1, s2;
	s20 =	smul.u32 $0x500, s5  }
0xa: {  	s12 =	sadd.s32 $0x2BA00, s7;
	s2 =	sshll.u32 s15, $0x4;
	s26 =	smul.u32 $0x2800, s9  }
0xb: {  	s21 =	sadd.s32 $0x35A00, s7;
	s9 =	smul.u32 $0xA000, s9;
	s19 =	sor.u32 s25, s2  }
0xc: {  	s23 =	sadd.s32 $0x3FA00, s7;
	s18 =	ssub.s32 $0x2, s15;
	s22 =	smul.u32 $0x500, s19  }
0xd: {  	s30 =	sshrl.u32 s18, $0x1;
	s8 =	sadd.s32 s23, s8;
	s31 =	smul.u32 $0x2800, s19  }
0xe: {  	s2 =	ssub.s32 s18, s30;
	[dreg:$0x3] =	wrdreg s8;
	s8 =	smul.u32 $0x138800, s15  }
0xf: {  	s10 =	sadd.s32 s23, s10;
	s11 =	sadd.s32 s23, s11;
	s30 =	smul.u32 $0x2800, s0  }
0x10: {  	s28 =	sadd.s32 s23, s17;
	s17 =	smul.u32 $0x2800, s6;
	[dreg:$0x4] =	wrdreg s10  }
0x11: {  	s15 =	sadd.s32 s23, s13;
	s0 =	smul.u32 $0xA000, s0;
	[dreg:$0x5] =	wrdreg s11  }
0x12: {  	s19 =	sadd.s32 s23, s14;
	s6 =	smul.u32 $0xA000, s6;
	[dreg:$0x6] =	wrdreg s15  }
0x13: {  	s24 =	sadd.s32 s23, s16;
	s10 =	smul.u32 $0x2800, s25;
	[dreg:$0x7] =	wrdreg s19  }
0x14: {  	p0 =	sgt.u32 s25, $0xC;
	[dreg:$0x8] =	wrdreg s24;
	s19 =	smul.u32 $0x2800, s1  }
0x15: {  	s29 =	sadd.s32 s23, s20;
	[dreg:$0x9] =	wrdreg s28;
	s24 =	smul.u32 $0x2800, s5  }
0x16: {  	s13 =	simm.s32 $0x0;
	[dreg:$0xa] =	wrdreg s29;
	s1 =	smul.u32 $0xA000, s1  }
0x17: {  	[smem:$0x7FF] =	sst s13;
	s5 =	smul.u32 $0xA000, s5;
	s2 =	smax.u32 s2, $0x1  }
0x18: {  	s31 =	sshrl.u32 s31, $0x3;
	s16 =	sadd.s32 s12, s22;
	s18 =	sadd.s32 s21, s22  }
0x19: {  	s11 =	sadd.s32 s8, s26;
	s22 =	smul.u32 $0x2800, s4;
	s23 =	sadd.s32 s8, s30  }
0x1a: {  	s15 =	sadd.s32 s8, s17;
	s26 =	sadd.s32 $0x66C00, s7;
	[dreg:$0xb] =	wrdreg s16  }
0x1b: {  	s0 =	sshrl.u32 s0, $0x2;
	[dreg:$0xc] =	wrdreg s18;
	s14 =	sadd.s32 $0x280, s31  }
0x1c: {  	s10 =	sadd.s32 s10, s8;
	s16 =	sadd.s32 s8, s19;
	s28 =	sshrl.u32 s11, $0x3  }
0x1d: {  	s29 =	sshrl.u32 s23, $0x3;
	s31 =	sshrl.u32 s15, $0x3;
	s19 =	smul.u32 $0xA000, s25  }
0x1e: {  	s23 =	sshrl.u32 s9, $0x2;
	s1 =	sshrl.u32 s1, $0x2;
	s9 =	simm.s32 $0x1  }
0x1f: {  	s12 =	sadd.s32 s12, s14;
	s20 =	sadd.s32 s21, s14;
	s21 =	smul.u32 $0x2800, s3  }
0x20: {  	s14 =	sadd.s32 s8, s22;
	s10 =	sshrl.u32 s10, $0x3;
	s22 =	rddreg [dreg:$0x1]  }
0x21: {  	s30 =	sadd.s32 s26, s29;
	s11 =	sshrl.u32 s16, $0x3;
	[dreg:$0xd] =	wrdreg s12  }
0x22: {  	s3 =	smul.u32 $0xA000, s3;
	s29 =	sshrl.u32 s6, $0x2;
	[dreg:$0xe] =	wrdreg s20  }
0x23: {  	s6 =	simm.s32 $0x2800;
	s10 =	sadd.s32 s26, s10;
	[dreg:$0x11] =	wrdreg s30  }
0x24: {  	s17 =	sshrl.u32 s14, $0x3;
	s20 =	sshrl.u32 s19, $0x2;
	s0 =	sadd.s32 s0, s22  }
0x25: {  	s1 =	sadd.s32 s1, s22;
	s14 =	simm.s32 $0x1380;
	s12 =	sadd.s32 s8, s21  }
0x26: {  	s8 =	sadd.s32 s8, s24;
	[dreg:$0xf] =	wrdreg s10;
	s10 =	sadd.s32 s26, s28  }
0x27: {  	s24 =	sadd.s32 $0x4000, s7;
	s21 =	sshll.u32 s25, $0x6;
	s7 =	sadd.s32 s20, s22  }
0x28: {  	s28 =	smul.u32 $0xA000, s4;
	s4 =	sadd.s32 s29, s22;
	s30 =	sshrl.u32 s3, $0x2  }
0x29: {  	s3 =	simm.s32 $0x3;
	[dreg:$0x10] =	wrdreg s10;
	s10 =	sadd.s32 s26, s31  }
0x2a: {  	s15 =	sshrl.u32 s12, $0x3;
	[dreg:$0x12] =	wrdreg s10;
	s10 =	sadd.s32 s26, s11  }
0x2b: {  	s8 =	sshrl.u32 s8, $0x3;
	s16 =	sadd.s32 s26, s15;
	[dreg:$0x13] =	wrdreg s10  }
0x2c: {  	s31 =	sshrl.u32 s5, $0x2;
	s8 =	sadd.s32 s26, s8;
	[dreg:$0x14] =	wrdreg s16  }
0x2d: {  	s5 =	simm.s32 $0x7D;
	s10 =	sadd.s32 s26, s17;
	[dreg:$0x16] =	wrdreg s8  }
0x2e: {  	s12 =	simm.s32 $0x1480;
	s11 =	simm.s32 $0x100;
	[dreg:$0x15] =	wrdreg s10  }
0x2f: {  	s15 =	simm.s32 $0x2700;
	_ =	strace $0x80000050;
	[dreg:$0x17] =	wrdreg s7  }
0x30: {  	s26 =	sor.u32 $0x1C03, s21;
	s8 =	simm.s32 $0x6800;
	[dreg:$0x19] =	wrdreg s0  }
0x31: {  	s16 =	simm.s32 $0x2780;
	s17 =	simm.s32 $0x0;
	[dreg:$0x1a] =	wrdreg s4  }
0x32: {  	s10 =	simm.s32 $0x2;
	s7 =	sadd.s32 s23, s22;
	[dreg:$0x1b] =	wrdreg s1  }
0x33: {  	s1 =	sadd.s32 s30, s22;
	s0 =	sshrl.u32 s28, $0x2;
	[dreg:$0x18] =	wrdreg s7  }
0x34: {  	s4 =	simm.s32 $0x1400;
	[dreg:$0x1c] =	wrdreg s1;
	s0 =	sadd.s32 s0, s22  }
0x35: {  	s1 =	sadd.s32 s31, s22;
	s7 =	simm.s32 $0x80;
	[dreg:$0x1d] =	wrdreg s0  }
.LBB2_1:
0x36: {  	s0 =	rddreg [dreg:$0x17]  }
0x37: {  	s23 =	rddreg [dreg:$0x3];
	s18 =	sshrl.u32 s0, $0x3  }
0x38: {  	[spmem:s18], [sflag:s26] =	dma.local [hbm:s23], $0x500  }
0x39: {  	_ =	swait.ge [sflag:s3], $0x500  }
0x3a: {  	[sflag:s3] =	ssyncset.done $0x0;
	s25 =	rddreg [dreg:$0x18]  }
0x3b: {  	s19 =	rddreg [dreg:$0x4];
	[sflag:s3] =	ssyncadd.s32 $0xFFFFFB00;
	s20 =	sshrl.u32 s25, $0x3  }
0x3c: {  	[spmem:s20], [sflag:s26] =	dma.local [hbm:s19], $0x500  }
0x3d: {  	_ =	swait.ge [sflag:s3], $0x500  }
0x3e: {  	[sflag:s3] =	ssyncset.done $0x0;
	s21 =	rddreg [dreg:$0x19]  }
0x3f: {  	s23 =	rddreg [dreg:$0x5];
	[sflag:s3] =	ssyncadd.s32 $0xFFFFFB00;
	s21 =	sshrl.u32 s21, $0x3  }
0x40: {  	[spmem:s21], [sflag:s26] =	dma.local [hbm:s23], $0x500  }
0x41: {  	_ =	swait.ge [sflag:s3], $0x500  }
0x42: {  	[sflag:s3] =	ssyncset.done $0x0;
	s25 =	rddreg [dreg:$0x1a]  }
0x43: {  	s19 =	rddreg [dreg:$0x6];
	[sflag:s3] =	ssyncadd.s32 $0xFFFFFB00;
	s23 =	sshrl.u32 s25, $0x3  }
0x44: {  	[spmem:s23], [sflag:s26] =	dma.local [hbm:s19], $0x500  }
0x45: {  	_ =	swait.ge [sflag:s3], $0x500  }
0x46: {  	[sflag:s3] =	ssyncset.done $0x0;
	s25 =	rddreg [dreg:$0x1b]  }
0x47: {  	s19 =	rddreg [dreg:$0x7];
	[sflag:s3] =	ssyncadd.s32 $0xFFFFFB00;
	s25 =	sshrl.u32 s25, $0x3  }
0x48: {  	[spmem:s25], [sflag:s26] =	dma.local [hbm:s19], $0x500  }
0x49: {  	_ =	swait.ge [sflag:s3], $0x500  }
0x4a: {  	[sflag:s3] =	ssyncset.done $0x0;
	s19 =	rddreg [dreg:$0x1c]  }
0x4b: {  	[sflag:s3] =	ssyncadd.s32 $0xFFFFFB00;
	s28 =	sshrl.u32 s19, $0x3;
	s19 =	rddreg [dreg:$0x8]  }
0x4c: {  	[spmem:s28], [sflag:s26] =	dma.local [hbm:s19], $0x500  }
0x4d: {  	_ =	swait.ge [sflag:s3], $0x500  }
0x4e: {  	[sflag:s3] =	ssyncset.done $0x0;
	s19 =	rddreg [dreg:$0x1d]  }
0x4f: {  	[sflag:s3] =	ssyncadd.s32 $0xFFFFFB00;
	s29 =	sshrl.u32 s19, $0x3;
	s19 =	rddreg [dreg:$0x9]  }
0x50: {  	[spmem:s29], [sflag:s26] =	dma.local [hbm:s19], $0x500  }
0x51: {  	_ =	swait.ge [sflag:s3], $0x500  }
0x52: {  	s30 =	sshrl.u32 @!p0 s1, $0x3;
	[sflag:s3] =	ssyncset.done $0x0  }
0x53: {  	s19 =	simm.s32 @!p0 $0x3;
	s0 =	rddreg [dreg:$0xa];
	[sflag:s3] =	ssyncadd.s32 $0xFFFFFB00  }
0x54: {  	[spmem:s30], [sflag:s26] =	dma.local @!p0 [hbm:s0], $0x500  }
0x55: {  	_ =	swait.ge @!p0 [sflag:s19], $0x500  }
0x56: {  	[sflag:s19] =	ssyncset.done @!p0 $0x0  }
0x57: {  	[sflag:s19] =	ssyncadd.s32 @!p0 $0xFFFFFB00  }
0x58: {  	[bflag:$0x0] =	sbarrier.arrive $0xFFFF  }
0x59: {  	s19 =	rddreg [dreg:$0xb]  }
0x5a: {  	[tilespmem:s13], [sflag:$0x3] =	stream.linear.gather [hbm4b:s19+s13], $0x1400, $0x38;
	[tilespmem:$0x1E080] =	vst v63  }
0x5b: {  	_ =	swait.ge [sflag:s3], $0x1400  }
0x5c: {  	[sflag:s3] =	ssyncset.done $0x0  }
0x5d: {  	s19 =	rddreg [dreg:$0xc];
	[sflag:s3] =	ssyncadd.s32 $0xFFFFEC00  }
0x5e: {  	[tilespmem:s4], [sflag:$0x3] =	stream.linear.gather [hbm4b:s19+s13], $0x1400, $0x38;
	[tilespmem:$0x1E080] =	vst v63  }
0x5f: {  	_ =	swait.ge [sflag:s3], $0x1400  }
0x60: {  	[sflag:s3] =	ssyncset.done $0x0  }
0x61: {  	[sflag:s3] =	ssyncadd.s32 $0xFFFFEC00  }
0x62: {  	[tilespmem:s6], [sflag:$0x1] =	stream.indirect.gather [hbm4b:s24+s5], $0x80, s13, s5, $0xb8;
	[tilespmem:$0x1E080] =	vst v63  }
0x63: {  	_ = 	snop  }
0x64: {  	[tilespmem:s8], [sflag:$0x1] =	stream.indirect.gather [hbm4b:s24+s5], $0x80, s7, s5, $0xb8;
	[tilespmem:$0x1E080] =	vst v63  }
0x65: {  	_ =	swait.ge [sflag:s9], $0x3E80  }
0x66: {  	[sflag:s9] =	ssyncset.done $0x0  }
0x67: {  	[sflag:s9] =	ssyncadd.s32 $0xFFFFC180  }
0x68: {  	[spmem:s22] =	stream.indirect.scatter.add.f32 [tilespmem:s6], [sflag:$0x2], $0x80, s4, s5, $0xb8;
	[tilespmem:$0x1E080] =	vst v63  }
0x69: {  	_ =	swait.ge [sflag:s10], $0x3E80  }
0x6a: {  	[sflag:s10] =	ssyncset.done $0x0  }
0x6b: {  	[sflag:s10] =	ssyncadd.s32 $0xFFFFC180  }
0x6c: {  	[tilespmem:s6], [sflag:$0x1] =	stream.indirect.gather [hbm4b:s24+s5], $0x80, s11, s5, $0xb8;
	[tilespmem:$0x1E080] =	vst v63  }
0x6d: {  	_ =	swait.ge [sflag:s9], $0x3E80  }
0x6e: {  	[sflag:s9] =	ssyncset.done $0x0  }
0x6f: {  	[sflag:s9] =	ssyncadd.s32 $0xFFFFC180  }
0x70: {  	[spmem:s22] =	stream.indirect.scatter.add.f32 [tilespmem:s8], [sflag:$0x2], $0x80, s12, s5, $0xb8;
	[tilespmem:$0x1E080] =	vst v63  }
0x71: {  	_ =	swait.ge [sflag:s10], $0x3E80  }
0x72: {  	[sflag:s10] =	ssyncset.done $0x0  }
0x73: {  	s0 =	simm.s32 $0x180;
	[sflag:s10] =	ssyncadd.s32 $0xFFFFC180  }
0x74: {  	[tilespmem:s8], [sflag:$0x1] =	stream.indirect.gather [hbm4b:s24+s5], $0x80, s0, s5, $0xb8;
	[tilespmem:$0x1E080] =	vst v63  }
0x75: {  	_ =	swait.ge [sflag:s9], $0x3E80  }
0x76: {  	[sflag:s9] =	ssyncset.done $0x0  }
0x77: {  	s0 =	simm.s32 $0x1500;
	[sflag:s9] =	ssyncadd.s32 $0xFFFFC180  }
0x78: {  	[spmem:s22] =	stream.indirect.scatter.add.f32 [tilespmem:s6], [sflag:$0x2], $0x80, s0, s5, $0xb8;
	[tilespmem:$0x1E080] =	vst v63  }
0x79: {  	_ =	swait.ge [sflag:s10], $0x3E80  }
0x7a: {  	[sflag:s10] =	ssyncset.done $0x0  }
0x7b: {  	s0 =	simm.s32 $0x200;
	[sflag:s10] =	ssyncadd.s32 $0xFFFFC180  }
0x7c: {  	[tilespmem:s6], [sflag:$0x1] =	stream.indirect.gather [hbm4b:s24+s5], $0x80, s0, s5, $0xb8;
	[tilespmem:$0x1E080] =	vst v63  }
0x7d: {  	_ =	swait.ge [sflag:s9], $0x3E80  }
0x7e: {  	[sflag:s9] =	ssyncset.done $0x0  }
0x7f: {  	s31 =	simm.s32 $0xFFFFBC00;
	s19 =	simm.s32 $0x1580;
	[sflag:s9] =	ssyncadd.s32 $0xFFFFC180  }
.LBB2_2:
0x80: {  	[spmem:s22] =	stream.indirect.scatter.add.f32 [tilespmem:s8], [sflag:$0x2], $0x80, s19, s5, $0xb8;
	[tilespmem:$0x1E080] =	vst v63  }
0x81: {  	s19 =	smov.u32 s31  }
0x82: {  	p1 =	sne.s32 s31, $0xFFFFFC00;
	s31 =	sadd.s32 $0x400, s31;
	_ =	swait.ge [sflag:s10], $0x3E80  }
0x83: {  	s19 =	sshra.s32 s19, $0x2;
	[sflag:s10] =	ssyncset.done $0x0  }
0x84: {  	s0 =	sadd.s32 $0x1380, s19;
	[sflag:s10] =	ssyncadd.s32 $0xFFFFC180  }
0x85: {  	[tilespmem:s8], [sflag:$0x1] =	stream.indirect.gather [hbm4b:s24+s5], $0x80, s0, s5, $0xb8;
	[tilespmem:$0x1E080] =	vst v63  }
0x86: {  	_ =	swait.ge [sflag:s9], $0x3E80  }
0x87: {  	[sflag:s9] =	ssyncset.done $0x0  }
0x88: {  	s0 =	sadd.s32 $0x2700, s19;
	[sflag:s9] =	ssyncadd.s32 $0xFFFFC180  }
0x89: {  	[spmem:s22] =	stream.indirect.scatter.add.f32 [tilespmem:s6], [sflag:$0x2], $0x80, s0, s5, $0xb8;
	[tilespmem:$0x1E080] =	vst v63  }
0x8a: {  	_ =	swait.ge [sflag:s10], $0x3E80  }
0x8b: {  	[sflag:s10] =	ssyncset.done $0x0  }
.Ltmp0:
0x8c: {  	s0 =	sadd.s32 $0x1400, s19;
	[sflag:s10] =	ssyncadd.s32 $0xFFFFC180;
	(pc) =	sbr.rel @p1 .LBB2_2-.Ltmp0, $4  }
0x8d: {  	[tilespmem:s6], [sflag:$0x1] =	stream.indirect.gather [hbm4b:s24+s5], $0x80, s0, s5, $0xb8;
	[tilespmem:$0x1E080] =	vst v63  }
0x8e: {  	_ =	swait.ge [sflag:s9], $0x3E80  }
0x8f: {  	[sflag:s9] =	ssyncset.done $0x0  }
0x90: {  	s19 =	sadd.s32 $0x2780, s19;
	[sflag:s9] =	ssyncadd.s32 $0xFFFFC180  }
0x91: {  	[spmem:s22] =	stream.indirect.scatter.add.f32 [tilespmem:s8], [sflag:$0x2], $0x80, s19, s5, $0xb8;
	[tilespmem:$0x1E080] =	vst v63  }
0x92: {  	_ =	swait.ge [sflag:s10], $0x3E80  }
0x93: {  	[sflag:s10] =	ssyncset.done $0x0  }
0x94: {  	[sflag:s10] =	ssyncadd.s32 $0xFFFFC180  }
0x95: {  	[tilespmem:s8], [sflag:$0x1] =	stream.indirect.gather [hbm4b:s24+s5], $0x80, s14, s5, $0xb8;
	[tilespmem:$0x1E080] =	vst v63  }
0x96: {  	_ =	swait.ge [sflag:s9], $0x3E80  }
0x97: {  	[sflag:s9] =	ssyncset.done $0x0  }
0x98: {  	[sflag:s9] =	ssyncadd.s32 $0xFFFFC180  }
0x99: {  	[spmem:s22] =	stream.indirect.scatter.add.f32 [tilespmem:s6], [sflag:$0x2], $0x80, s15, s5, $0xb8;
	[tilespmem:$0x1E080] =	vst v63  }
0x9a: {  	_ =	swait.ge [sflag:s10], $0x3E80  }
0x9b: {  	[sflag:s10] =	ssyncset.done $0x0  }
0x9c: {  	[sflag:s10] =	ssyncadd.s32 $0xFFFFC180  }
0x9d: {  	_ =	swait.ge [sflag:s9], $0x3E80  }
0x9e: {  	[sflag:s9] =	ssyncset.done $0x0  }
0x9f: {  	[sflag:s9] =	ssyncadd.s32 $0xFFFFC180  }
0xa0: {  	[spmem:s22] =	stream.indirect.scatter.add.f32 [tilespmem:s8], [sflag:$0x2], $0x80, s16, s5, $0xb8;
	[tilespmem:$0x1E080] =	vst v63  }
0xa1: {  	_ =	swait.ge [sflag:s10], $0x3E80  }
0xa2: {  	[sflag:s10] =	ssyncset.done $0x0  }
0xa3: {  	s0 =	rddreg [dreg:$0xd];
	[sflag:s10] =	ssyncadd.s32 $0xFFFFC180  }
0xa4: {  	[tilespmem:s13], [sflag:$0x3] =	stream.linear.gather [hbm4b:s0+s13], $0x1400, $0x38;
	[tilespmem:$0x1E080] =	vst v63  }
0xa5: {  	_ =	swait.ge [sflag:s3], $0x1400  }
0xa6: {  	[sflag:s3] =	ssyncset.done $0x0  }
0xa7: {  	s19 =	rddreg [dreg:$0xe];
	[sflag:s3] =	ssyncadd.s32 $0xFFFFEC00  }
0xa8: {  	[tilespmem:s4], [sflag:$0x3] =	stream.linear.gather [hbm4b:s19+s13], $0x1400, $0x38;
	[tilespmem:$0x1E080] =	vst v63  }
0xa9: {  	_ =	swait.ge [sflag:s3], $0x1400  }
0xaa: {  	[sflag:s3] =	ssyncset.done $0x0  }
0xab: {  	[sflag:s3] =	ssyncadd.s32 $0xFFFFEC00  }
0xac: {  	[tilespmem:s6], [sflag:$0x1] =	stream.indirect.gather [hbm4b:s24+s5], $0x80, s13, s5, $0xb8;
	[tilespmem:$0x1E080] =	vst v63  }
0xad: {  	_ = 	snop  }
0xae: {  	[tilespmem:s8], [sflag:$0x1] =	stream.indirect.gather [hbm4b:s24+s5], $0x80, s7, s5, $0xb8;
	[tilespmem:$0x1E080] =	vst v63  }
0xaf: {  	_ =	swait.ge [sflag:s9], $0x3E80  }
0xb0: {  	[sflag:s9] =	ssyncset.done $0x0  }
0xb1: {  	[sflag:s9] =	ssyncadd.s32 $0xFFFFC180  }
0xb2: {  	[spmem:s22] =	stream.indirect.scatter.add.f32 [tilespmem:s6], [sflag:$0x2], $0x80, s4, s5, $0xb8;
	[tilespmem:$0x1E080] =	vst v63  }
0xb3: {  	_ =	swait.ge [sflag:s10], $0x3E80  }
0xb4: {  	[sflag:s10] =	ssyncset.done $0x0  }
0xb5: {  	[sflag:s10] =	ssyncadd.s32 $0xFFFFC180  }
0xb6: {  	[tilespmem:s6], [sflag:$0x1] =	stream.indirect.gather [hbm4b:s24+s5], $0x80, s11, s5, $0xb8;
	[tilespmem:$0x1E080] =	vst v63  }
0xb7: {  	_ =	swait.ge [sflag:s9], $0x3E80  }
0xb8: {  	[sflag:s9] =	ssyncset.done $0x0  }
0xb9: {  	[sflag:s9] =	ssyncadd.s32 $0xFFFFC180  }
0xba: {  	[spmem:s22] =	stream.indirect.scatter.add.f32 [tilespmem:s8], [sflag:$0x2], $0x80, s12, s5, $0xb8;
	[tilespmem:$0x1E080] =	vst v63  }
0xbb: {  	_ =	swait.ge [sflag:s10], $0x3E80  }
0xbc: {  	[sflag:s10] =	ssyncset.done $0x0  }
0xbd: {  	s19 =	simm.s32 $0x180;
	[sflag:s10] =	ssyncadd.s32 $0xFFFFC180  }
0xbe: {  	[tilespmem:s8], [sflag:$0x1] =	stream.indirect.gather [hbm4b:s24+s5], $0x80, s19, s5, $0xb8;
	[tilespmem:$0x1E080] =	vst v63  }
0xbf: {  	_ =	swait.ge [sflag:s9], $0x3E80  }
0xc0: {  	[sflag:s9] =	ssyncset.done $0x0  }
0xc1: {  	s19 =	simm.s32 $0x1500;
	[sflag:s9] =	ssyncadd.s32 $0xFFFFC180  }
0xc2: {  	[spmem:s22] =	stream.indirect.scatter.add.f32 [tilespmem:s6], [sflag:$0x2], $0x80, s19, s5, $0xb8;
	[tilespmem:$0x1E080] =	vst v63  }
0xc3: {  	_ =	swait.ge [sflag:s10], $0x3E80  }
0xc4: {  	[sflag:s10] =	ssyncset.done $0x0  }
0xc5: {  	s19 =	simm.s32 $0x200;
	[sflag:s10] =	ssyncadd.s32 $0xFFFFC180  }
0xc6: {  	[tilespmem:s6], [sflag:$0x1] =	stream.indirect.gather [hbm4b:s24+s5], $0x80, s19, s5, $0xb8;
	[tilespmem:$0x1E080] =	vst v63  }
0xc7: {  	_ =	swait.ge [sflag:s9], $0x3E80  }
0xc8: {  	[sflag:s9] =	ssyncset.done $0x0  }
0xc9: {  	s31 =	simm.s32 $0xFFFFBC00;
	s19 =	simm.s32 $0x1580;
	[sflag:s9] =	ssyncadd.s32 $0xFFFFC180  }
.LBB2_4:
0xca: {  	[spmem:s22] =	stream.indirect.scatter.add.f32 [tilespmem:s8], [sflag:$0x2], $0x80, s19, s5, $0xb8;
	[tilespmem:$0x1E080] =	vst v63  }
0xcb: {  	s0 =	smov.u32 s31  }
0xcc: {  	p1 =	sne.s32 s31, $0xFFFFFC00;
	s31 =	sadd.s32 $0x400, s31;
	_ =	swait.ge [sflag:s10], $0x3E80  }
0xcd: {  	s0 =	sshra.s32 s0, $0x2;
	[sflag:s10] =	ssyncset.done $0x0  }
0xce: {  	s19 =	sadd.s32 $0x1380, s0;
	[sflag:s10] =	ssyncadd.s32 $0xFFFFC180  }
0xcf: {  	[tilespmem:s8], [sflag:$0x1] =	stream.indirect.gather [hbm4b:s24+s5], $0x80, s19, s5, $0xb8;
	[tilespmem:$0x1E080] =	vst v63  }
0xd0: {  	_ =	swait.ge [sflag:s9], $0x3E80  }
0xd1: {  	[sflag:s9] =	ssyncset.done $0x0  }
0xd2: {  	s19 =	sadd.s32 $0x2700, s0;
	[sflag:s9] =	ssyncadd.s32 $0xFFFFC180  }
0xd3: {  	[spmem:s22] =	stream.indirect.scatter.add.f32 [tilespmem:s6], [sflag:$0x2], $0x80, s19, s5, $0xb8;
	[tilespmem:$0x1E080] =	vst v63  }
0xd4: {  	_ =	swait.ge [sflag:s10], $0x3E80  }
0xd5: {  	[sflag:s10] =	ssyncset.done $0x0  }
.Ltmp1:
0xd6: {  	s19 =	sadd.s32 $0x1400, s0;
	[sflag:s10] =	ssyncadd.s32 $0xFFFFC180;
	(pc) =	sbr.rel @p1 .LBB2_4-.Ltmp1, $4  }
0xd7: {  	[tilespmem:s6], [sflag:$0x1] =	stream.indirect.gather [hbm4b:s24+s5], $0x80, s19, s5, $0xb8;
	[tilespmem:$0x1E080] =	vst v63  }
0xd8: {  	_ =	swait.ge [sflag:s9], $0x3E80  }
0xd9: {  	[sflag:s9] =	ssyncset.done $0x0  }
0xda: {  	s19 =	sadd.s32 $0x2780, s0;
	[sflag:s9] =	ssyncadd.s32 $0xFFFFC180  }
0xdb: {  	[spmem:s22] =	stream.indirect.scatter.add.f32 [tilespmem:s8], [sflag:$0x2], $0x80, s19, s5, $0xb8;
	[tilespmem:$0x1E080] =	vst v63  }
0xdc: {  	_ =	swait.ge [sflag:s10], $0x3E80  }
0xdd: {  	[sflag:s10] =	ssyncset.done $0x0  }
0xde: {  	[sflag:s10] =	ssyncadd.s32 $0xFFFFC180  }
0xdf: {  	[tilespmem:s8], [sflag:$0x1] =	stream.indirect.gather [hbm4b:s24+s5], $0x80, s14, s5, $0xb8;
	[tilespmem:$0x1E080] =	vst v63  }
0xe0: {  	_ =	swait.ge [sflag:s9], $0x3E80  }
0xe1: {  	[sflag:s9] =	ssyncset.done $0x0  }
0xe2: {  	[sflag:s9] =	ssyncadd.s32 $0xFFFFC180  }
0xe3: {  	[spmem:s22] =	stream.indirect.scatter.add.f32 [tilespmem:s6], [sflag:$0x2], $0x80, s15, s5, $0xb8;
	[tilespmem:$0x1E080] =	vst v63  }
0xe4: {  	_ =	swait.ge [sflag:s10], $0x3E80  }
0xe5: {  	[sflag:s10] =	ssyncset.done $0x0  }
0xe6: {  	[sflag:s10] =	ssyncadd.s32 $0xFFFFC180  }
0xe7: {  	_ =	swait.ge [sflag:s9], $0x3E80  }
0xe8: {  	[sflag:s9] =	ssyncset.done $0x0  }
0xe9: {  	[sflag:s9] =	ssyncadd.s32 $0xFFFFC180  }
0xea: {  	[spmem:s22] =	stream.indirect.scatter.add.f32 [tilespmem:s8], [sflag:$0x2], $0x80, s16, s5, $0xb8;
	[tilespmem:$0x1E080] =	vst v63  }
0xeb: {  	_ =	swait.ge [sflag:s10], $0x3E80  }
0xec: {  	[sflag:s10] =	ssyncset.done $0x0  }
0xed: {  	[sflag:s10] =	ssyncadd.s32 $0xFFFFC180  }
0xee: {  	[bflag:$0x0] =	sbarrier.arrive $0xFFFF  }
0xef: {  	s0 =	rddreg [dreg:$0xf]  }
0xf0: {  	[hbm:s0], [sflag:s26] =	dma.local [spmem:s18], $0x500  }
0xf1: {  	_ =	swait.ge [sflag:s3], $0x500  }
0xf2: {  	[sflag:s3] =	ssyncset.done $0x0  }
0xf3: {  	s19 =	rddreg [dreg:$0x10];
	[sflag:s3] =	ssyncadd.s32 $0xFFFFFB00  }
0xf4: {  	[hbm:s19], [sflag:s26] =	dma.local [spmem:s20], $0x500  }
0xf5: {  	_ =	swait.ge [sflag:s3], $0x500  }
0xf6: {  	[sflag:s3] =	ssyncset.done $0x0  }
0xf7: {  	s20 =	rddreg [dreg:$0x11];
	[sflag:s3] =	ssyncadd.s32 $0xFFFFFB00  }
0xf8: {  	[hbm:s20], [sflag:s26] =	dma.local [spmem:s21], $0x500  }
0xf9: {  	_ =	swait.ge [sflag:s3], $0x500  }
0xfa: {  	[sflag:s3] =	ssyncset.done $0x0  }
0xfb: {  	s21 =	rddreg [dreg:$0x12];
	[sflag:s3] =	ssyncadd.s32 $0xFFFFFB00  }
0xfc: {  	[hbm:s21], [sflag:s26] =	dma.local [spmem:s23], $0x500  }
0xfd: {  	_ =	swait.ge [sflag:s3], $0x500  }
0xfe: {  	[sflag:s3] =	ssyncset.done $0x0  }
0xff: {  	s23 =	rddreg [dreg:$0x13];
	[sflag:s3] =	ssyncadd.s32 $0xFFFFFB00  }
0x100: {  	[hbm:s23], [sflag:s26] =	dma.local [spmem:s25], $0x500  }
0x101: {  	_ =	swait.ge [sflag:s3], $0x500  }
0x102: {  	[sflag:s3] =	ssyncset.done $0x0  }
0x103: {  	s25 =	rddreg [dreg:$0x14];
	[sflag:s3] =	ssyncadd.s32 $0xFFFFFB00  }
0x104: {  	[hbm:s25], [sflag:s26] =	dma.local [spmem:s28], $0x500  }
0x105: {  	_ =	swait.ge [sflag:s3], $0x500  }
0x106: {  	[sflag:s3] =	ssyncset.done $0x0  }
0x107: {  	s31 =	rddreg [dreg:$0x15];
	[sflag:s3] =	ssyncadd.s32 $0xFFFFFB00  }
0x108: {  	[hbm:s31], [sflag:s26] =	dma.local [spmem:s29], $0x500  }
0x109: {  	_ =	swait.ge [sflag:s3], $0x500  }
0x10a: {  	s17 =	sadd.s32 $0x1, s17;
	[sflag:s3] =	ssyncset.done $0x0  }
0x10b: {  	p1 =	sne.s32 s17, s2;
	s0 =	rddreg [dreg:$0x16];
	[sflag:s3] =	ssyncadd.s32 $0xFFFFFB00  }
0x10c: {  	[hbm:s0], [sflag:s26] =	dma.local @!p0 [spmem:s30], $0x500  }
.Ltmp2:
0x10d: {  	_ = 	snop;
	(pc) =	sbr.rel @p1 .LBB2_1-.Ltmp2, $4  }
0x10e: {  	s0 =	simm.s32 @!p0 $0x3  }
0x10f: {  	_ =	swait.ge @!p0 [sflag:s0], $0x500  }
0x110: {  	[sflag:s0] =	ssyncset.done @!p0 $0x0  }
0x111: {  	[sflag:s0] =	ssyncadd.s32 @!p0 $0xFFFFFB00  }
0x112: {  	_ =	sfence.sel $0x180000  }
0x113: {  	[bflag:$0x0] =	sbarrier.arrive $0xFFFF  }
0x114: {  	_ =	strace $0x90000050  }
0x115: {  	s0 =	stileid.u32;
	[bflag:$0x2] =	sbarrier.arrive $0xFFFF  }
0x116: {  	p0 =	sne.s32 s0, $0x0;
	s0 =	rddreg [dreg:$0x2]  }
0x117: {  	s0 =	sadd.s32 @!p0 $0x100000, s0  }
0x118: {  	[sflag:s0] =	ssyncadd.tile.s32 @!p0 $0x1;
	_ =	shalt  }
.Lfunc_end2:
_tile_overlayer_lowered:
.L_overlay_start_2:
0x119: {  	(tag) =	ssettag $0x2  }
0x11a: {  	s0 =	rddreg [dreg:$0x0];
	s2 =	stileid.u32  }
0x11b: {  	s1 =	rddreg [dreg:$0x1];
	p0 =	sne.s32 s2, $0x0  }
0x11c: {  	s3 =	rddreg [dreg:$0x2];
	[bflag:$0x3] =	sbarrier.arrive $0xFFFF;
	s2 =	simm.s32 @!p0 $0x1C03  }
0x11d: {  	[timem:s3], [sflag:s2] =	dma.local @!p0 [hbm:s0], s1  }
0x11e: {  	s0 =	simm.s32 @!p0 $0x3  }
0x11f: {  	_ =	swait.ge @!p0 [sflag:s0], s1  }
0x120: {  	s1 =	ssub.s32 @!p0 $0x0, s1;
	[sflag:s0] =	ssyncset.done @!p0 $0x0  }
0x121: {  	[sflag:s0] =	ssyncadd.s32 @!p0 s1  }
0x122: {  	[bflag:$0x3] =	sbarrier.arrive $0xFFFF  }
0x123: {  	_ =	shalt  }

</sc_bundles>
